<compile_context>
chip_gen: v7x
topology: tpu7x:2x2x1
jax: 0.10.2.dev20260603
libtpu: 0.0.44.dev20260713+nightly
codegen_flags: <defaults>
</compile_context>

<pallas_src>
import functools

import jax
import jax.numpy as jnp
from jax import lax
import jax.experimental.pallas as pl
from jax.experimental.pallas import tpu as pltpu
from jax.experimental.pallas import tpu_sc as plsc

BATCH = 128
IN_F = 4096
R = 64
OUT_F = 4096
E = 64

EB = 8
JB = 512

_WORKERS = 32
_CH = 16


def _copy_rows(src, dst, row0, nrows, buf, sem_l, sem_s):
    nch = nrows // _CH

    def load(k, slot):
        return pltpu.make_async_copy(
            src.at[pl.ds(row0 + k * _CH, _CH)], buf.at[slot],
            sem_l.at[slot])

    def store(k, slot):
        return pltpu.make_async_copy(
            buf.at[slot], dst.at[pl.ds(row0 + k * _CH, _CH)],
            sem_s.at[slot])

    load(0, 0).start()
    load(1, 1).start()
    for k in range(nch):
        slot = k % 3
        if k + 2 < nch:
            if k >= 1:
                store(k - 1, (k + 2) % 3).wait()
            load(k + 2, (k + 2) % 3).start()
        load(k, slot).wait()
        store(k, slot).start()
    for t in range(max(0, nch - 3), nch):
        store(t, t % 3).wait()


def _sc_ingest_one(t_ref, o_ref, buf, sem_l, sem_s):
    c = lax.axis_index("c")
    s = lax.axis_index("s")
    idx = c * lax.axis_size("s") + s
    rows = t_ref.shape[0] // _WORKERS
    _copy_rows(t_ref.bitcast(jnp.int16), o_ref, idx * rows, rows,
               buf, sem_l, sem_s)


def _sc_ingest_two(m_ref, b_ref, om_ref, ob_ref, buf, sem_l, sem_s):
    c = lax.axis_index("c")
    s = lax.axis_index("s")
    idx = c * lax.axis_size("s") + s
    rm = m_ref.shape[0] // _WORKERS
    _copy_rows(m_ref.bitcast(jnp.int16), om_ref, idx * rm, rm,
               buf, sem_l, sem_s)
    rb = b_ref.shape[0] // _WORKERS
    _copy_rows(b_ref.bitcast(jnp.int16), ob_ref, idx * rb, rb,
               buf, sem_l, sem_s)


def _decode_words(w):
    t = ((w + 0x00040004) >> 3) & 0x0FFF0FFF
    return (t + 0x38003800) | (w & jnp.int32(-2147450880))


def _decode16(h16):
    w = pltpu.bitcast(h16, jnp.int32)
    return pltpu.bitcast(_decode_words(w), jnp.bfloat16)


def _stage1(wids_ref, x_ref, a_ref, u_ref):
    g = pl.program_id(0)
    x = x_ref[...]
    wids = wids_ref[...]
    at = jnp.concatenate([_decode16(a_ref[e]) for e in range(EB)], axis=0)
    u = jax.lax.dot_general(x, at, (((1,), (1,)), ((), ())),
                            preferred_element_type=jnp.float32)
    col_adapter = g * EB + jax.lax.broadcasted_iota(
        jnp.int32, (BATCH, EB * R), 1) // R
    u_ref[...] = jnp.where(wids == col_adapter, u, 0.0).astype(jnp.bfloat16)


def _stage2(x_ref, u_ref, m_ref, b_ref, o_ref):
    m = _decode16(m_ref[...])
    b = _decode16(b_ref[...])
    acc = jnp.dot(x_ref[...], m, preferred_element_type=jnp.float32)
    acc += 2.0 * jnp.dot(u_ref[...], b, preferred_element_type=jnp.float32)
    o_ref[...] = acc


def kernel(x, wids, lora_A, lora_B, M):
    x2 = x.reshape(BATCH, IN_F).astype(jnp.bfloat16)
    wids2 = wids.reshape(BATCH, 1)
    a_t = jnp.transpose(lora_A, (0, 2, 1)).reshape(E * R, IN_F)
    b_flat = lora_B.reshape(E * R, OUT_F)

    sc_one = functools.partial(
        pl.kernel,
        out_type=jax.ShapeDtypeStruct((E * R, IN_F), jnp.int16),
        mesh=plsc.VectorSubcoreMesh(core_axis_name="c", subcore_axis_name="s"),
        scratch_types=[
            pltpu.VMEM((3, _CH, IN_F), jnp.int16),
            pltpu.SemaphoreType.DMA((3,)),
            pltpu.SemaphoreType.DMA((3,)),
        ],
    )(_sc_ingest_one)
    sc_two = functools.partial(
        pl.kernel,
        out_type=(
            jax.ShapeDtypeStruct((IN_F, OUT_F), jnp.int16),
            jax.ShapeDtypeStruct((E * R, OUT_F), jnp.int16),
        ),
        mesh=plsc.VectorSubcoreMesh(core_axis_name="c", subcore_axis_name="s"),
        scratch_types=[
            pltpu.VMEM((3, _CH, OUT_F), jnp.int16),
            pltpu.SemaphoreType.DMA((3,)),
            pltpu.SemaphoreType.DMA((3,)),
        ],
    )(_sc_ingest_two)

    a_i16 = sc_one(a_t).reshape(E, R, IN_F)
    m_i16, b_i16 = sc_two(M, b_flat)

    u = pl.pallas_call(
        _stage1,
        grid=(E // EB,),
        in_specs=[
            pl.BlockSpec((BATCH, 1), lambda g: (0, 0)),
            pl.BlockSpec((BATCH, IN_F), lambda g: (0, 0)),
            pl.BlockSpec((EB, R, IN_F), lambda g: (g, 0, 0)),
        ],
        out_specs=pl.BlockSpec((BATCH, EB * R), lambda g: (0, g)),
        out_shape=jax.ShapeDtypeStruct((BATCH, E * R), jnp.bfloat16),
    )(wids2, x2, a_i16)

    y = pl.pallas_call(
        _stage2,
        grid=(OUT_F // JB,),
        in_specs=[
            pl.BlockSpec((BATCH, IN_F), lambda j: (0, 0)),
            pl.BlockSpec((BATCH, E * R), lambda j: (0, 0)),
            pl.BlockSpec((IN_F, JB), lambda j: (0, j)),
            pl.BlockSpec((E * R, JB), lambda j: (0, j)),
        ],
        out_specs=pl.BlockSpec((BATCH, JB), lambda j: (0, j)),
        out_shape=jax.ShapeDtypeStruct((BATCH, OUT_F), jnp.float32),
    )(x2, u, m_i16, b_i16)

    return y.reshape(BATCH, 1, OUT_F).astype(jnp.float16)

# --- scband reference (transcript-rebuilt; emitter-appended) ---
"""Pipeline reference for scband-lora-gather-bmm-59459527246490 (READ-ONLY COPY).

The authoritative reference and input builder live on the scoring server;
editing this copy changes nothing except your own understanding.
"""

import jax, jax.numpy as jnp
import numpy as np

BATCH = 128
IN_FEATURES = 4096
LORA_R = 64
OUT_FEATURES = 4096
NUM_ADAPTERS = 64


def setup_inputs(seed: int = 0) -> dict:
    key = jax.random.key(seed)
    k_x, k_w, k_A, k_B, k_M = (jax.random.fold_in(key, i) for i in range(5))
    x = jax.random.normal(k_x, (BATCH, 1, IN_FEATURES), dtype=jnp.float16)
    wids = jax.random.randint(k_w, (BATCH,), 0, NUM_ADAPTERS, dtype=jnp.int32)
    lora_A = (jax.random.normal(k_A, (NUM_ADAPTERS, IN_FEATURES, LORA_R), dtype=jnp.float32) * 0.02).astype(jnp.float16)
    lora_B = (jax.random.normal(k_B, (NUM_ADAPTERS, LORA_R, OUT_FEATURES), dtype=jnp.float32) * 0.02).astype(jnp.float16)
    M = (jax.random.normal(k_M, (IN_FEATURES, OUT_FEATURES), dtype=jnp.float32) * 0.02).astype(jnp.float16)
    return {"x": x, "wids": wids, "lora_A": lora_A, "lora_B": lora_B, "M": M}


def reference(x, wids, lora_A, lora_B, M):
    # gather per-token adapter weights (SparseCore gather)
    A = jnp.take(lora_A, wids, axis=0)  # [B, in_features, lora_r]
    B = jnp.take(lora_B, wids, axis=0)  # [B, lora_r, out_features]
    # batched matmuls: [B,1,in] @ [B,in,r] -> [B,1,r]; then @ [B,r,out] -> [B,1,out]
    y = jnp.matmul(jnp.matmul(x, A), B) * jnp.float16(2.0)
    # base model dense path
    y = y + jnp.matmul(x, M)
    return y

if __name__ == "__main__":
    import jax
    _d = setup_inputs()
    print(jax.jit(kernel)(*tuple(_d.values())))

</pallas_src>

<mosaic_0001>
#map = affine_map<(d0, d1) -> (0, 0)>
module attributes {stable_mosaic.version = 14 : i64} {
  func.func @_sc_ingest_one(%arg0: i32, %arg1: i32, %arg2: memref<4096x4096xf16, #tpu.memory_space<hbm>>, %arg3: memref<4096x4096xi16, #tpu.memory_space<hbm>>, %arg4: memref<3x16x4096xi16, #tpu.memory_space<vmem>>, %arg5: memref<3x!tpu.dma_semaphore, #tpu.memory_space<semaphore_mem>>, %arg6: memref<3x!tpu.dma_semaphore, #tpu.memory_space<semaphore_mem>>) attributes {dimension_semantics = [#tpu.dimension_semantics<core_parallel>, #tpu.dimension_semantics<subcore_parallel>], iteration_bounds = array<i64: 2, 16>, scalar_prefetch = 0 : i64, scratch_operands = 3 : i64, tpu.core_type = #tpu.core_type<sc_vector_subcore>, window_params = [{transform_indices = #map}, {transform_indices = #map}]} {
    %mul3A = arith.constant 16 : i32
    %mul3A_0 = arith.muli %arg0, %mul3A : i32
    %add3A = arith.addi %mul3A_0, %arg1 : i32
    %mul3A_1 = arith.constant 128 : i32
    %mul3A_2 = arith.muli %add3A, %mul3A_1 : i32
    %add3A_3 = arith.constant 0 : i32
    %add3A_4 = arith.addi %mul3A_2, %add3A_3 : i32
    %dma_start3A = arith.constant 0 : i32
    %dma_start3A_5 = arith.constant 0 : i32
    %dma_start3A_6 = arith.constant 0 : i32
    %dma_start3A_7 = arith.constant 0 : i32
    %dma_start3A_8 = tpu.memref_slice %arg4[%dma_start3A, %dma_start3A_6, %dma_start3A_7] : memref<3x16x4096xi16, #tpu.memory_space<vmem>> -> memref<1x16x4096xi16, #tpu.memory_space<vmem>>
    %dma_start3A_9 = tpu.memref_squeeze %dma_start3A_8 : memref<1x16x4096xi16, #tpu.memory_space<vmem>> -> memref<16x4096xi16, #tpu.memory_space<vmem>>
    %dma_start3A_10 = tpu.memref_bitcast %arg2 : memref<4096x4096xf16, #tpu.memory_space<hbm>> -> memref<4096x4096xi16, #tpu.memory_space<hbm>>
    %dma_start3A_11 = arith.constant 0 : i32
    %dma_start3A_12 = tpu.memref_slice %dma_start3A_10[%add3A_4, %dma_start3A_11] : memref<4096x4096xi16, #tpu.memory_space<hbm>> -> memref<16x4096xi16, #tpu.memory_space<hbm>>
    %dma_start3A_13 = tpu.memref_slice %arg5[%dma_start3A_5] : memref<3x!tpu.dma_semaphore, #tpu.memory_space<semaphore_mem>> -> memref<1x!tpu.dma_semaphore, #tpu.memory_space<semaphore_mem>>
    %dma_start3A_14 = tpu.memref_squeeze %dma_start3A_13 : memref<1x!tpu.dma_semaphore, #tpu.memory_space<semaphore_mem>> -> memref<!tpu.dma_semaphore, #tpu.memory_space<semaphore_mem>>
    %dma_start3A_15 = arith.constant 0 : i32
    %dma_start3A_16 = arith.constant 0 : i32
    %dma_start3A_17 = tpu.memref_slice %arg4[%dma_start3A, %dma_start3A_15, %dma_start3A_16] : memref<3x16x4096xi16, #tpu.memory_space<vmem>> -> memref<1x16x4096xi16, #tpu.memory_space<vmem>>
    %dma_start3A_18 = tpu.memref_squeeze %dma_start3A_17 : memref<1x16x4096xi16, #tpu.memory_space<vmem>> -> memref<16x4096xi16, #tpu.memory_space<vmem>>
    %dma_start3A_19 = tpu.memref_bitcast %arg2 : memref<4096x4096xf16, #tpu.memory_space<hbm>> -> memref<4096x4096xi16, #tpu.memory_space<hbm>>
    %dma_start3A_20 = arith.constant 0 : i32
    %dma_start3A_21 = tpu.memref_slice %dma_start3A_19[%add3A_4, %dma_start3A_20] : memref<4096x4096xi16, #tpu.memory_space<hbm>> -> memref<16x4096xi16, #tpu.memory_space<hbm>>
    tpu.enqueue_dma source(%dma_start3A_21 : memref<16x4096xi16, #tpu.memory_space<hbm>>) target(%dma_start3A_18 : memref<16x4096xi16, #tpu.memory_space<vmem>>) target_semaphore(%dma_start3A_14 : memref<!tpu.dma_semaphore, #tpu.memory_space<semaphore_mem>>)
    %add3A_22 = arith.constant 16 : i32
    %add3A_23 = arith.addi %mul3A_2, %add3A_22 : i32
    %dma_start3A_24 = arith.constant 1 : i32
    %dma_start3A_25 = arith.constant 1 : i32
    %dma_start3A_26 = arith.constant 0 : i32
    %dma_start3A_27 = arith.constant 0 : i32
    %dma_start3A_28 = tpu.memref_slice %arg4[%dma_start3A_24, %dma_start3A_26, %dma_start3A_27] : memref<3x16x4096xi16, #tpu.memory_space<vmem>> -> memref<1x16x4096xi16, #tpu.memory_space<vmem>>
    %dma_start3A_29 = tpu.memref_squeeze %dma_start3A_28 : memref<1x16x4096xi16, #tpu.memory_space<vmem>> -> memref<16x4096xi16, #tpu.memory_space<vmem>>
    %dma_start3A_30 = tpu.memref_bitcast %arg2 : memref<4096x4096xf16, #tpu.memory_space<hbm>> -> memref<4096x4096xi16, #tpu.memory_space<hbm>>
    %dma_start3A_31 = arith.constant 0 : i32
    %dma_start3A_32 = tpu.memref_slice %dma_start3A_30[%add3A_23, %dma_start3A_31] : memref<4096x4096xi16, #tpu.memory_space<hbm>> -> memref<16x4096xi16, #tpu.memory_space<hbm>>
    %dma_start3A_33 = tpu.memref_slice %arg5[%dma_start3A_25] : memref<3x!tpu.dma_semaphore, #tpu.memory_space<semaphore_mem>> -> memref<1x!tpu.dma_semaphore, #tpu.memory_space<semaphore_mem>>
    %dma_start3A_34 = tpu.memref_squeeze %dma_start3A_33 : memref<1x!tpu.dma_semaphore, #tpu.memory_space<semaphore_mem>> -> memref<!tpu.dma_semaphore, #tpu.memory_space<semaphore_mem>>
    %dma_start3A_35 = arith.constant 0 : i32
    %dma_start3A_36 = arith.constant 0 : i32
    %dma_start3A_37 = tpu.memref_slice %arg4[%dma_start3A_24, %dma_start3A_35, %dma_start3A_36] : memref<3x16x4096xi16, #tpu.memory_space<vmem>> -> memref<1x16x4096xi16, #tpu.memory_space<vmem>>
    %dma_start3A_38 = tpu.memref_squeeze %dma_start3A_37 : memref<1x16x4096xi16, #tpu.memory_space<vmem>> -> memref<16x4096xi16, #tpu.memory_space<vmem>>
    %dma_start3A_39 = tpu.memref_bitcast %arg2 : memref<4096x4096xf16, #tpu.memory_space<hbm>> -> memref<4096x4096xi16, #tpu.memory_space<hbm>>
    %dma_start3A_40 = arith.constant 0 : i32
    %dma_start3A_41 = tpu.memref_slice %dma_start3A_39[%add3A_23, %dma_start3A_40] : memref<4096x4096xi16, #tpu.memory_space<hbm>> -> memref<16x4096xi16, #tpu.memory_space<hbm>>
    tpu.enqueue_dma source(%dma_start3A_41 : memref<16x4096xi16, #tpu.memory_space<hbm>>) target(%dma_start3A_38 : memref<16x4096xi16, #tpu.memory_space<vmem>>) target_semaphore(%dma_start3A_34 : memref<!tpu.dma_semaphore, #tpu.memory_space<semaphore_mem>>)
    %add3A_42 = arith.constant 32 : i32
    %add3A_43 = arith.addi %mul3A_2, %add3A_42 : i32
    %dma_start3A_44 = arith.constant 2 : i32
    %dma_start3A_45 = arith.constant 2 : i32
    %dma_start3A_46 = arith.constant 0 : i32
    %dma_start3A_47 = arith.constant 0 : i32
    %dma_start3A_48 = tpu.memref_slice %arg4[%dma_start3A_44, %dma_start3A_46, %dma_start3A_47] : memref<3x16x4096xi16, #tpu.memory_space<vmem>> -> memref<1x16x4096xi16, #tpu.memory_space<vmem>>
    %dma_start3A_49 = tpu.memref_squeeze %dma_start3A_48 : memref<1x16x4096xi16, #tpu.memory_space<vmem>> -> memref<16x4096xi16, #tpu.memory_space<vmem>>
    %dma_start3A_50 = tpu.memref_bitcast %arg2 : memref<4096x4096xf16, #tpu.memory_space<hbm>> -> memref<4096x4096xi16, #tpu.memory_space<hbm>>
    %dma_start3A_51 = arith.constant 0 : i32
    %dma_start3A_52 = tpu.memref_slice %dma_start3A_50[%add3A_43, %dma_start3A_51] : memref<4096x4096xi16, #tpu.memory_space<hbm>> -> memref<16x4096xi16, #tpu.memory_space<hbm>>
    %dma_start3A_53 = tpu.memref_slice %arg5[%dma_start3A_45] : memref<3x!tpu.dma_semaphore, #tpu.memory_space<semaphore_mem>> -> memref<1x!tpu.dma_semaphore, #tpu.memory_space<semaphore_mem>>
    %dma_start3A_54 = tpu.memref_squeeze %dma_start3A_53 : memref<1x!tpu.dma_semaphore, #tpu.memory_space<semaphore_mem>> -> memref<!tpu.dma_semaphore, #tpu.memory_space<semaphore_mem>>
    %dma_start3A_55 = arith.constant 0 : i32
    %dma_start3A_56 = arith.constant 0 : i32
    %dma_start3A_57 = tpu.memref_slice %arg4[%dma_start3A_44, %dma_start3A_55, %dma_start3A_56] : memref<3x16x4096xi16, #tpu.memory_space<vmem>> -> memref<1x16x4096xi16, #tpu.memory_space<vmem>>
    %dma_start3A_58 = tpu.memref_squeeze %dma_start3A_57 : memref<1x16x4096xi16, #tpu.memory_space<vmem>> -> memref<16x4096xi16, #tpu.memory_space<vmem>>
    %dma_start3A_59 = tpu.memref_bitcast %arg2 : memref<4096x4096xf16, #tpu.memory_space<hbm>> -> memref<4096x4096xi16, #tpu.memory_space<hbm>>
    %dma_start3A_60 = arith.constant 0 : i32
    %dma_start3A_61 = tpu.memref_slice %dma_start3A_59[%add3A_43, %dma_start3A_60] : memref<4096x4096xi16, #tpu.memory_space<hbm>> -> memref<16x4096xi16, #tpu.memory_space<hbm>>
    tpu.enqueue_dma source(%dma_start3A_61 : memref<16x4096xi16, #tpu.memory_space<hbm>>) target(%dma_start3A_58 : memref<16x4096xi16, #tpu.memory_space<vmem>>) target_semaphore(%dma_start3A_54 : memref<!tpu.dma_semaphore, #tpu.memory_space<semaphore_mem>>)
    %add3A_62 = arith.constant 0 : i32
    %add3A_63 = arith.addi %mul3A_2, %add3A_62 : i32
    %dma_wait3A = arith.constant 0 : i32
    %dma_wait3A_64 = arith.constant 0 : i32
    %dma_wait3A_65 = arith.constant 0 : i32
    %dma_wait3A_66 = arith.constant 0 : i32
    %dma_wait3A_67 = tpu.memref_slice %arg4[%dma_wait3A, %dma_wait3A_65, %dma_wait3A_66] : memref<3x16x4096xi16, #tpu.memory_space<vmem>> -> memref<1x16x4096xi16, #tpu.memory_space<vmem>>
    %dma_wait3A_68 = tpu.memref_squeeze %dma_wait3A_67 : memref<1x16x4096xi16, #tpu.memory_space<vmem>> -> memref<16x4096xi16, #tpu.memory_space<vmem>>
    %dma_wait3A_69 = tpu.memref_bitcast %arg2 : memref<4096x4096xf16, #tpu.memory_space<hbm>> -> memref<4096x4096xi16, #tpu.memory_space<hbm>>
    %dma_wait3A_70 = arith.constant 0 : i32
    %dma_wait3A_71 = tpu.memref_slice %dma_wait3A_69[%add3A_63, %dma_wait3A_70] : memref<4096x4096xi16, #tpu.memory_space<hbm>> -> memref<16x4096xi16, #tpu.memory_space<hbm>>
    %dma_wait3A_72 = tpu.memref_slice %arg5[%dma_wait3A_64] : memref<3x!tpu.dma_semaphore, #tpu.memory_space<semaphore_mem>> -> memref<1x!tpu.dma_semaphore, #tpu.memory_space<semaphore_mem>>
    %dma_wait3A_73 = tpu.memref_squeeze %dma_wait3A_72 : memref<1x!tpu.dma_semaphore, #tpu.memory_space<semaphore_mem>> -> memref<!tpu.dma_semaphore, #tpu.memory_space<semaphore_mem>>
    %dma_wait3A_74 = arith.constant 0 : i32
    %dma_wait3A_75 = arith.constant 0 : i32
    %dma_wait3A_76 = tpu.memref_slice %arg4[%dma_wait3A, %dma_wait3A_74, %dma_wait3A_75] : memref<3x16x4096xi16, #tpu.memory_space<vmem>> -> memref<1x16x4096xi16, #tpu.memory_space<vmem>>
    %dma_wait3A_77 = tpu.memref_squeeze %dma_wait3A_76 : memref<1x16x4096xi16, #tpu.memory_space<vmem>> -> memref<16x4096xi16, #tpu.memory_space<vmem>>
    %dma_wait3A_78 = tpu.memref_bitcast %arg2 : memref<4096x4096xf16, #tpu.memory_space<hbm>> -> memref<4096x4096xi16, #tpu.memory_space<hbm>>
    %dma_wait3A_79 = arith.constant 0 : i32
    %dma_wait3A_80 = tpu.memref_slice %dma_wait3A_78[%add3A_63, %dma_wait3A_79] : memref<4096x4096xi16, #tpu.memory_space<hbm>> -> memref<16x4096xi16, #tpu.memory_space<hbm>>
    tpu.wait_dma2 semaphore(%dma_wait3A_73 : memref<!tpu.dma_semaphore, #tpu.memory_space<semaphore_mem>>) src(%dma_wait3A_80 : memref<16x4096xi16, #tpu.memory_space<hbm>>) dst(%dma_wait3A_77 : memref<16x4096xi16, #tpu.memory_space<vmem>>)
    %add3A_81 = arith.constant 0 : i32
    %add3A_82 = arith.addi %mul3A_2, %add3A_81 : i32
    %dma_start3A_83 = arith.constant 0 : i32
    %dma_start3A_84 = arith.constant 0 : i32
    %dma_start3A_85 = arith.constant 0 : i32
    %dma_start3A_86 = arith.constant 0 : i32
    %dma_start3A_87 = tpu.memref_slice %arg4[%dma_start3A_83, %dma_start3A_85, %dma_start3A_86] : memref<3x16x4096xi16, #tpu.memory_space<vmem>> -> memref<1x16x4096xi16, #tpu.memory_space<vmem>>
    %dma_start3A_88 = tpu.memref_squeeze %dma_start3A_87 : memref<1x16x4096xi16, #tpu.memory_space<vmem>> -> memref<16x4096xi16, #tpu.memory_space<vmem>>
    %dma_start3A_89 = arith.constant 0 : i32
    %dma_start3A_90 = tpu.memref_slice %arg3[%add3A_82, %dma_start3A_89] : memref<4096x4096xi16, #tpu.memory_space<hbm>> -> memref<16x4096xi16, #tpu.memory_space<hbm>>
    %dma_start3A_91 = tpu.memref_slice %arg6[%dma_start3A_84] : memref<3x!tpu.dma_semaphore, #tpu.memory_space<semaphore_mem>> -> memref<1x!tpu.dma_semaphore, #tpu.memory_space<semaphore_mem>>
    %dma_start3A_92 = tpu.memref_squeeze %dma_start3A_91 : memref<1x!tpu.dma_semaphore, #tpu.memory_space<semaphore_mem>> -> memref<!tpu.dma_semaphore, #tpu.memory_space<semaphore_mem>>
    %dma_start3A_93 = arith.constant 0 : i32
    %dma_start3A_94 = tpu.memref_slice %arg3[%add3A_82, %dma_start3A_93] : memref<4096x4096xi16, #tpu.memory_space<hbm>> -> memref<16x4096xi16, #tpu.memory_space<hbm>>
    %dma_start3A_95 = arith.constant 0 : i32
    %dma_start3A_96 = arith.constant 0 : i32
    %dma_start3A_97 = tpu.memref_slice %arg4[%dma_start3A_83, %dma_start3A_95, %dma_start3A_96] : memref<3x16x4096xi16, #tpu.memory_space<vmem>> -> memref<1x16x4096xi16, #tpu.memory_space<vmem>>
    %dma_start3A_98 = tpu.memref_squeeze %dma_start3A_97 : memref<1x16x4096xi16, #tpu.memory_space<vmem>> -> memref<16x4096xi16, #tpu.memory_space<vmem>>
    tpu.enqueue_dma source(%dma_start3A_98 : memref<16x4096xi16, #tpu.memory_space<vmem>>) target(%dma_start3A_94 : memref<16x4096xi16, #tpu.memory_space<hbm>>) target_semaphore(%dma_start3A_92 : memref<!tpu.dma_semaphore, #tpu.memory_space<semaphore_mem>>)
    %add3A_99 = arith.constant 0 : i32
    %add3A_100 = arith.addi %mul3A_2, %add3A_99 : i32
    %dma_wait3A_101 = arith.constant 0 : i32
    %dma_wait3A_102 = arith.constant 0 : i32
    %dma_wait3A_103 = arith.constant 0 : i32
    %dma_wait3A_104 = arith.constant 0 : i32
    %dma_wait3A_105 = tpu.memref_slice %arg4[%dma_wait3A_101, %dma_wait3A_103, %dma_wait3A_104] : memref<3x16x4096xi16, #tpu.memory_space<vmem>> -> memref<1x16x4096xi16, #tpu.memory_space<vmem>>
    %dma_wait3A_106 = tpu.memref_squeeze %dma_wait3A_105 : memref<1x16x4096xi16, #tpu.memory_space<vmem>> -> memref<16x4096xi16, #tpu.memory_space<vmem>>
    %dma_wait3A_107 = arith.constant 0 : i32
    %dma_wait3A_108 = tpu.memref_slice %arg3[%add3A_100, %dma_wait3A_107] : memref<4096x4096xi16, #tpu.memory_space<hbm>> -> memref<16x4096xi16, #tpu.memory_space<hbm>>
    %dma_wait3A_109 = tpu.memref_slice %arg6[%dma_wait3A_102] : memref<3x!tpu.dma_semaphore, #tpu.memory_space<semaphore_mem>> -> memref<1x!tpu.dma_semaphore, #tpu.memory_space<semaphore_mem>>
    %dma_wait3A_110 = tpu.memref_squeeze %dma_wait3A_109 : memref<1x!tpu.dma_semaphore, #tpu.memory_space<semaphore_mem>> -> memref<!tpu.dma_semaphore, #tpu.memory_space<semaphore_mem>>
    %dma_wait3A_111 = arith.constant 0 : i32
    %dma_wait3A_112 = tpu.memref_slice %arg3[%add3A_100, %dma_wait3A_111] : memref<4096x4096xi16, #tpu.memory_space<hbm>> -> memref<16x4096xi16, #tpu.memory_space<hbm>>
    %dma_wait3A_113 = arith.constant 0 : i32
    %dma_wait3A_114 = arith.constant 0 : i32
    %dma_wait3A_115 = tpu.memref_slice %arg4[%dma_wait3A_101, %dma_wait3A_113, %dma_wait3A_114] : memref<3x16x4096xi16, #tpu.memory_space<vmem>> -> memref<1x16x4096xi16, #tpu.memory_space<vmem>>
    %dma_wait3A_116 = tpu.memref_squeeze %dma_wait3A_115 : memref<1x16x4096xi16, #tpu.memory_space<vmem>> -> memref<16x4096xi16, #tpu.memory_space<vmem>>
    tpu.wait_dma2 semaphore(%dma_wait3A_110 : memref<!tpu.dma_semaphore, #tpu.memory_space<semaphore_mem>>) src(%dma_wait3A_116 : memref<16x4096xi16, #tpu.memory_space<vmem>>) dst(%dma_wait3A_112 : memref<16x4096xi16, #tpu.memory_space<hbm>>)
    %add3A_117 = arith.constant 48 : i32
    %add3A_118 = arith.addi %mul3A_2, %add3A_117 : i32
    %dma_start3A_119 = arith.constant 0 : i32
    %dma_start3A_120 = arith.constant 0 : i32
    %dma_start3A_121 = arith.constant 0 : i32
    %dma_start3A_122 = arith.constant 0 : i32
    %dma_start3A_123 = tpu.memref_slice %arg4[%dma_start3A_119, %dma_start3A_121, %dma_start3A_122] : memref<3x16x4096xi16, #tpu.memory_space<vmem>> -> memref<1x16x4096xi16, #tpu.memory_space<vmem>>
    %dma_start3A_124 = tpu.memref_squeeze %dma_start3A_123 : memref<1x16x4096xi16, #tpu.memory_space<vmem>> -> memref<16x4096xi16, #tpu.memory_space<vmem>>
    %dma_start3A_125 = tpu.memref_bitcast %arg2 : memref<4096x4096xf16, #tpu.memory_space<hbm>> -> memref<4096x4096xi16, #tpu.memory_space<hbm>>
    %dma_start3A_126 = arith.constant 0 : i32
    %dma_start3A_127 = tpu.memref_slice %dma_start3A_125[%add3A_118, %dma_start3A_126] : memref<4096x4096xi16, #tpu.memory_space<hbm>> -> memref<16x4096xi16, #tpu.memory_space<hbm>>
    %dma_start3A_128 = tpu.memref_slice %arg5[%dma_start3A_120] : memref<3x!tpu.dma_semaphore, #tpu.memory_space<semaphore_mem>> -> memref<1x!tpu.dma_semaphore, #tpu.memory_space<semaphore_mem>>
    %dma_start3A_129 = tpu.memref_squeeze %dma_start3A_128 : memref<1x!tpu.dma_semaphore, #tpu.memory_space<semaphore_mem>> -> memref<!tpu.dma_semaphore, #tpu.memory_space<semaphore_mem>>
    %dma_start3A_130 = arith.constant 0 : i32
    %dma_start3A_131 = arith.constant 0 : i32
    %dma_start3A_132 = tpu.memref_slice %arg4[%dma_start3A_119, %dma_start3A_130, %dma_start3A_131] : memref<3x16x4096xi16, #tpu.memory_space<vmem>> -> memref<1x16x4096xi16, #tpu.memory_space<vmem>>
    %dma_start3A_133 = tpu.memref_squeeze %dma_start3A_132 : memref<1x16x4096xi16, #tpu.memory_space<vmem>> -> memref<16x4096xi16, #tpu.memory_space<vmem>>
    %dma_start3A_134 = tpu.memref_bitcast %arg2 : memref<4096x4096xf16, #tpu.memory_space<hbm>> -> memref<4096x4096xi16, #tpu.memory_space<hbm>>
    %dma_start3A_135 = arith.constant 0 : i32
    %dma_start3A_136 = tpu.memref_slice %dma_start3A_134[%add3A_118, %dma_start3A_135] : memref<4096x4096xi16, #tpu.memory_space<hbm>> -> memref<16x4096xi16, #tpu.memory_space<hbm>>
    tpu.enqueue_dma source(%dma_start3A_136 : memref<16x4096xi16, #tpu.memory_space<hbm>>) target(%dma_start3A_133 : memref<16x4096xi16, #tpu.memory_space<vmem>>) target_semaphore(%dma_start3A_129 : memref<!tpu.dma_semaphore, #tpu.memory_space<semaphore_mem>>)
    %add3A_137 = arith.constant 16 : i32
    %add3A_138 = arith.addi %mul3A_2, %add3A_137 : i32
    %dma_wait3A_139 = arith.constant 1 : i32
    %dma_wait3A_140 = arith.constant 1 : i32
    %dma_wait3A_141 = arith.constant 0 : i32
    %dma_wait3A_142 = arith.constant 0 : i32
    %dma_wait3A_143 = tpu.memref_slice %arg4[%dma_wait3A_139, %dma_wait3A_141, %dma_wait3A_142] : memref<3x16x4096xi16, #tpu.memory_space<vmem>> -> memref<1x16x4096xi16, #tpu.memory_space<vmem>>
    %dma_wait3A_144 = tpu.memref_squeeze %dma_wait3A_143 : memref<1x16x4096xi16, #tpu.memory_space<vmem>> -> memref<16x4096xi16, #tpu.memory_space<vmem>>
    %dma_wait3A_145 = tpu.memref_bitcast %arg2 : memref<4096x4096xf16, #tpu.memory_space<hbm>> -> memref<4096x4096xi16, #tpu.memory_space<hbm>>
    %dma_wait3A_146 = arith.constant 0 : i32
    %dma_wait3A_147 = tpu.memref_slice %dma_wait3A_145[%add3A_138, %dma_wait3A_146] : memref<4096x4096xi16, #tpu.memory_space<hbm>> -> memref<16x4096xi16, #tpu.memory_space<hbm>>
    %dma_wait3A_148 = tpu.memref_slice %arg5[%dma_wait3A_140] : memref<3x!tpu.dma_semaphore, #tpu.memory_space<semaphore_mem>> -> memref<1x!tpu.dma_semaphore, #tpu.memory_space<semaphore_mem>>
    %dma_wait3A_149 = tpu.memref_squeeze %dma_wait3A_148 : memref<1x!tpu.dma_semaphore, #tpu.memory_space<semaphore_mem>> -> memref<!tpu.dma_semaphore, #tpu.memory_space<semaphore_mem>>
    %dma_wait3A_150 = arith.constant 0 : i32
    %dma_wait3A_151 = arith.constant 0 : i32
    %dma_wait3A_152 = tpu.memref_slice %arg4[%dma_wait3A_139, %dma_wait3A_150, %dma_wait3A_151] : memref<3x16x4096xi16, #tpu.memory_space<vmem>> -> memref<1x16x4096xi16, #tpu.memory_space<vmem>>
    %dma_wait3A_153 = tpu.memref_squeeze %dma_wait3A_152 : memref<1x16x4096xi16, #tpu.memory_space<vmem>> -> memref<16x4096xi16, #tpu.memory_space<vmem>>
    %dma_wait3A_154 = tpu.memref_bitcast %arg2 : memref<4096x4096xf16, #tpu.memory_space<hbm>> -> memref<4096x4096xi16, #tpu.memory_space<hbm>>
    %dma_wait3A_155 = arith.constant 0 : i32
    %dma_wait3A_156 = tpu.memref_slice %dma_wait3A_154[%add3A_138, %dma_wait3A_155] : memref<4096x4096xi16, #tpu.memory_space<hbm>> -> memref<16x4096xi16, #tpu.memory_space<hbm>>
    tpu.wait_dma2 semaphore(%dma_wait3A_149 : memref<!tpu.dma_semaphore, #tpu.memory_space<semaphore_mem>>) src(%dma_wait3A_156 : memref<16x4096xi16, #tpu.memory_space<hbm>>) dst(%dma_wait3A_153 : memref<16x4096xi16, #tpu.memory_space<vmem>>)
    %add3A_157 = arith.constant 16 : i32
    %add3A_158 = arith.addi %mul3A_2, %add3A_157 : i32
    %dma_start3A_159 = arith.constant 1 : i32
    %dma_start3A_160 = arith.constant 1 : i32
    %dma_start3A_161 = arith.constant 0 : i32
    %dma_start3A_162 = arith.constant 0 : i32
    %dma_start3A_163 = tpu.memref_slice %arg4[%dma_start3A_159, %dma_start3A_161, %dma_start3A_162] : memref<3x16x4096xi16, #tpu.memory_space<vmem>> -> memref<1x16x4096xi16, #tpu.memory_space<vmem>>
    %dma_start3A_164 = tpu.memref_squeeze %dma_start3A_163 : memref<1x16x4096xi16, #tpu.memory_space<vmem>> -> memref<16x4096xi16, #tpu.memory_space<vmem>>
    %dma_start3A_165 = arith.constant 0 : i32
    %dma_start3A_166 = tpu.memref_slice %arg3[%add3A_158, %dma_start3A_165] : memref<4096x4096xi16, #tpu.memory_space<hbm>> -> memref<16x4096xi16, #tpu.memory_space<hbm>>
    %dma_start3A_167 = tpu.memref_slice %arg6[%dma_start3A_160] : memref<3x!tpu.dma_semaphore, #tpu.memory_space<semaphore_mem>> -> memref<1x!tpu.dma_semaphore, #tpu.memory_space<semaphore_mem>>
    %dma_start3A_168 = tpu.memref_squeeze %dma_start3A_167 : memref<1x!tpu.dma_semaphore, #tpu.memory_space<semaphore_mem>> -> memref<!tpu.dma_semaphore, #tpu.memory_space<semaphore_mem>>
    %dma_start3A_169 = arith.constant 0 : i32
    %dma_start3A_170 = tpu.memref_slice %arg3[%add3A_158, %dma_start3A_169] : memref<4096x4096xi16, #tpu.memory_space<hbm>> -> memref<16x4096xi16, #tpu.memory_space<hbm>>
    %dma_start3A_171 = arith.constant 0 : i32
    %dma_start3A_172 = arith.constant 0 : i32
    %dma_start3A_173 = tpu.memref_slice %arg4[%dma_start3A_159, %dma_start3A_171, %dma_start3A_172] : memref<3x16x4096xi16, #tpu.memory_space<vmem>> -> memref<1x16x4096xi16, #tpu.memory_space<vmem>>
    %dma_start3A_174 = tpu.memref_squeeze %dma_start3A_173 : memref<1x16x4096xi16, #tpu.memory_space<vmem>> -> memref<16x4096xi16, #tpu.memory_space<vmem>>
    tpu.enqueue_dma source(%dma_start3A_174 : memref<16x4096xi16, #tpu.memory_space<vmem>>) target(%dma_start3A_170 : memref<16x4096xi16, #tpu.memory_space<hbm>>) target_semaphore(%dma_start3A_168 : memref<!tpu.dma_semaphore, #tpu.memory_space<semaphore_mem>>)
    %add3A_175 = arith.constant 16 : i32
    %add3A_176 = arith.addi %mul3A_2, %add3A_175 : i32
    %dma_wait3A_177 = arith.constant 1 : i32
    %dma_wait3A_178 = arith.constant 1 : i32
    %dma_wait3A_179 = arith.constant 0 : i32
    %dma_wait3A_180 = arith.constant 0 : i32
    %dma_wait3A_181 = tpu.memref_slice %arg4[%dma_wait3A_177, %dma_wait3A_179, %dma_wait3A_180] : memref<3x16x4096xi16, #tpu.memory_space<vmem>> -> memref<1x16x4096xi16, #tpu.memory_space<vmem>>
    %dma_wait3A_182 = tpu.memref_squeeze %dma_wait3A_181 : memref<1x16x4096xi16, #tpu.memory_space<vmem>> -> memref<16x4096xi16, #tpu.memory_space<vmem>>
    %dma_wait3A_183 = arith.constant 0 : i32
    %dma_wait3A_184 = tpu.memref_slice %arg3[%add3A_176, %dma_wait3A_183] : memref<4096x4096xi16, #tpu.memory_space<hbm>> -> memref<16x4096xi16, #tpu.memory_space<hbm>>
    %dma_wait3A_185 = tpu.memref_slice %arg6[%dma_wait3A_178] : memref<3x!tpu.dma_semaphore, #tpu.memory_space<semaphore_mem>> -> memref<1x!tpu.dma_semaphore, #tpu.memory_space<semaphore_mem>>
    %dma_wait3A_186 = tpu.memref_squeeze %dma_wait3A_185 : memref<1x!tpu.dma_semaphore, #tpu.memory_space<semaphore_mem>> -> memref<!tpu.dma_semaphore, #tpu.memory_space<semaphore_mem>>
    %dma_wait3A_187 = arith.constant 0 : i32
    %dma_wait3A_188 = tpu.memref_slice %arg3[%add3A_176, %dma_wait3A_187] : memref<4096x4096xi16, #tpu.memory_space<hbm>> -> memref<16x4096xi16, #tpu.memory_space<hbm>>
    %dma_wait3A_189 = arith.constant 0 : i32
    %dma_wait3A_190 = arith.constant 0 : i32
    %dma_wait3A_191 = tpu.memref_slice %arg4[%dma_wait3A_177, %dma_wait3A_189, %dma_wait3A_190] : memref<3x16x4096xi16, #tpu.memory_space<vmem>> -> memref<1x16x4096xi16, #tpu.memory_space<vmem>>
    %dma_wait3A_192 = tpu.memref_squeeze %dma_wait3A_191 : memref<1x16x4096xi16, #tpu.memory_space<vmem>> -> memref<16x4096xi16, #tpu.memory_space<vmem>>
    tpu.wait_dma2 semaphore(%dma_wait3A_186 : memref<!tpu.dma_semaphore, #tpu.memory_space<semaphore_mem>>) src(%dma_wait3A_192 : memref<16x4096xi16, #tpu.memory_space<vmem>>) dst(%dma_wait3A_188 : memref<16x4096xi16, #tpu.memory_space<hbm>>)
    %add3A_193 = arith.constant 64 : i32
    %add3A_194 = arith.addi %mul3A_2, %add3A_193 : i32
    %dma_start3A_195 = arith.constant 1 : i32
    %dma_start3A_196 = arith.constant 1 : i32
    %dma_start3A_197 = arith.constant 0 : i32
    %dma_start3A_198 = arith.constant 0 : i32
    %dma_start3A_199 = tpu.memref_slice %arg4[%dma_start3A_195, %dma_start3A_197, %dma_start3A_198] : memref<3x16x4096xi16, #tpu.memory_space<vmem>> -> memref<1x16x4096xi16, #tpu.memory_space<vmem>>
    %dma_start3A_200 = tpu.memref_squeeze %dma_start3A_199 : memref<1x16x4096xi16, #tpu.memory_space<vmem>> -> memref<16x4096xi16, #tpu.memory_space<vmem>>
    %dma_start3A_201 = tpu.memref_bitcast %arg2 : memref<4096x4096xf16, #tpu.memory_space<hbm>> -> memref<4096x4096xi16, #tpu.memory_space<hbm>>
    %dma_start3A_202 = arith.constant 0 : i32
    %dma_start3A_203 = tpu.memref_slice %dma_start3A_201[%add3A_194, %dma_start3A_202] : memref<4096x4096xi16, #tpu.memory_space<hbm>> -> memref<16x4096xi16, #tpu.memory_space<hbm>>
    %dma_start3A_204 = tpu.memref_slice %arg5[%dma_start3A_196] : memref<3x!tpu.dma_semaphore, #tpu.memory_space<semaphore_mem>> -> memref<1x!tpu.dma_semaphore, #tpu.memory_space<semaphore_mem>>
    %dma_start3A_205 = tpu.memref_squeeze %dma_start3A_204 : memref<1x!tpu.dma_semaphore, #tpu.memory_space<semaphore_mem>> -> memref<!tpu.dma_semaphore, #tpu.memory_space<semaphore_mem>>
    %dma_start3A_206 = arith.constant 0 : i32
    %dma_start3A_207 = arith.constant 0 : i32
    %dma_start3A_208 = tpu.memref_slice %arg4[%dma_start3A_195, %dma_start3A_206, %dma_start3A_207] : memref<3x16x4096xi16, #tpu.memory_space<vmem>> -> memref<1x16x4096xi16, #tpu.memory_space<vmem>>
    %dma_start3A_209 = tpu.memref_squeeze %dma_start3A_208 : memref<1x16x4096xi16, #tpu.memory_space<vmem>> -> memref<16x4096xi16, #tpu.memory_space<vmem>>
    %dma_start3A_210 = tpu.memref_bitcast %arg2 : memref<4096x4096xf16, #tpu.memory_space<hbm>> -> memref<4096x4096xi16, #tpu.memory_space<hbm>>
    %dma_start3A_211 = arith.constant 0 : i32
    %dma_start3A_212 = tpu.memref_slice %dma_start3A_210[%add3A_194, %dma_start3A_211] : memref<4096x4096xi16, #tpu.memory_space<hbm>> -> memref<16x4096xi16, #tpu.memory_space<hbm>>
    tpu.enqueue_dma source(%dma_start3A_212 : memref<16x4096xi16, #tpu.memory_space<hbm>>) target(%dma_start3A_209 : memref<16x4096xi16, #tpu.memory_space<vmem>>) target_semaphore(%dma_start3A_205 : memref<!tpu.dma_semaphore, #tpu.memory_space<semaphore_mem>>)
    %add3A_213 = arith.constant 32 : i32
    %add3A_214 = arith.addi %mul3A_2, %add3A_213 : i32
    %dma_wait3A_215 = arith.constant 2 : i32
    %dma_wait3A_216 = arith.constant 2 : i32
    %dma_wait3A_217 = arith.constant 0 : i32
    %dma_wait3A_218 = arith.constant 0 : i32
    %dma_wait3A_219 = tpu.memref_slice %arg4[%dma_wait3A_215, %dma_wait3A_217, %dma_wait3A_218] : memref<3x16x4096xi16, #tpu.memory_space<vmem>> -> memref<1x16x4096xi16, #tpu.memory_space<vmem>>
    %dma_wait3A_220 = tpu.memref_squeeze %dma_wait3A_219 : memref<1x16x4096xi16, #tpu.memory_space<vmem>> -> memref<16x4096xi16, #tpu.memory_space<vmem>>
    %dma_wait3A_221 = tpu.memref_bitcast %arg2 : memref<4096x4096xf16, #tpu.memory_space<hbm>> -> memref<4096x4096xi16, #tpu.memory_space<hbm>>
    %dma_wait3A_222 = arith.constant 0 : i32
    %dma_wait3A_223 = tpu.memref_slice %dma_wait3A_221[%add3A_214, %dma_wait3A_222] : memref<4096x4096xi16, #tpu.memory_space<hbm>> -> memref<16x4096xi16, #tpu.memory_space<hbm>>
    %dma_wait3A_224 = tpu.memref_slice %arg5[%dma_wait3A_216] : memref<3x!tpu.dma_semaphore, #tpu.memory_space<semaphore_mem>> -> memref<1x!tpu.dma_semaphore, #tpu.memory_space<semaphore_mem>>
    %dma_wait3A_225 = tpu.memref_squeeze %dma_wait3A_224 : memref<1x!tpu.dma_semaphore, #tpu.memory_space<semaphore_mem>> -> memref<!tpu.dma_semaphore, #tpu.memory_space<semaphore_mem>>
    %dma_wait3A_226 = arith.constant 0 : i32
    %dma_wait3A_227 = arith.constant 0 : i32
    %dma_wait3A_228 = tpu.memref_slice %arg4[%dma_wait3A_215, %dma_wait3A_226, %dma_wait3A_227] : memref<3x16x4096xi16, #tpu.memory_space<vmem>> -> memref<1x16x4096xi16, #tpu.memory_space<vmem>>
    %dma_wait3A_229 = tpu.memref_squeeze %dma_wait3A_228 : memref<1x16x4096xi16, #tpu.memory_space<vmem>> -> memref<16x4096xi16, #tpu.memory_space<vmem>>
    %dma_wait3A_230 = tpu.memref_bitcast %arg2 : memref<4096x4096xf16, #tpu.memory_space<hbm>> -> memref<4096x4096xi16, #tpu.memory_space<hbm>>
    %dma_wait3A_231 = arith.constant 0 : i32
    %dma_wait3A_232 = tpu.memref_slice %dma_wait3A_230[%add3A_214, %dma_wait3A_231] : memref<4096x4096xi16, #tpu.memory_space<hbm>> -> memref<16x4096xi16, #tpu.memory_space<hbm>>
    tpu.wait_dma2 semaphore(%dma_wait3A_225 : memref<!tpu.dma_semaphore, #tpu.memory_space<semaphore_mem>>) src(%dma_wait3A_232 : memref<16x4096xi16, #tpu.memory_space<hbm>>) dst(%dma_wait3A_229 : memref<16x4096xi16, #tpu.memory_space<vmem>>)
    %add3A_233 = arith.constant 32 : i32
    %add3A_234 = arith.addi %mul3A_2, %add3A_233 : i32
    %dma_start3A_235 = arith.constant 2 : i32
    %dma_start3A_236 = arith.constant 2 : i32
    %dma_start3A_237 = arith.constant 0 : i32
    %dma_start3A_238 = arith.constant 0 : i32
    %dma_start3A_239 = tpu.memref_slice %arg4[%dma_start3A_235, %dma_start3A_237, %dma_start3A_238] : memref<3x16x4096xi16, #tpu.memory_space<vmem>> -> memref<1x16x4096xi16, #tpu.memory_space<vmem>>
    %dma_start3A_240 = tpu.memref_squeeze %dma_start3A_239 : memref<1x16x4096xi16, #tpu.memory_space<vmem>> -> memref<16x4096xi16, #tpu.memory_space<vmem>>
    %dma_start3A_241 = arith.constant 0 : i32
    %dma_start3A_242 = tpu.memref_slice %arg3[%add3A_234, %dma_start3A_241] : memref<4096x4096xi16, #tpu.memory_space<hbm>> -> memref<16x4096xi16, #tpu.memory_space<hbm>>
    %dma_start3A_243 = tpu.memref_slice %arg6[%dma_start3A_236] : memref<3x!tpu.dma_semaphore, #tpu.memory_space<semaphore_mem>> -> memref<1x!tpu.dma_semaphore, #tpu.memory_space<semaphore_mem>>
    %dma_start3A_244 = tpu.memref_squeeze %dma_start3A_243 : memref<1x!tpu.dma_semaphore, #tpu.memory_space<semaphore_mem>> -> memref<!tpu.dma_semaphore, #tpu.memory_space<semaphore_mem>>
    %dma_start3A_245 = arith.constant 0 : i32
    %dma_start3A_246 = tpu.memref_slice %arg3[%add3A_234, %dma_start3A_245] : memref<4096x4096xi16, #tpu.memory_space<hbm>> -> memref<16x4096xi16, #tpu.memory_space<hbm>>
    %dma_start3A_247 = arith.constant 0 : i32
    %dma_start3A_248 = arith.constant 0 : i32
    %dma_start3A_249 = tpu.memref_slice %arg4[%dma_start3A_235, %dma_start3A_247, %dma_start3A_248] : memref<3x16x4096xi16, #tpu.memory_space<vmem>> -> memref<1x16x4096xi16, #tpu.memory_space<vmem>>
    %dma_start3A_250 = tpu.memref_squeeze %dma_start3A_249 : memref<1x16x4096xi16, #tpu.memory_space<vmem>> -> memref<16x4096xi16, #tpu.memory_space<vmem>>
    tpu.enqueue_dma source(%dma_start3A_250 : memref<16x4096xi16, #tpu.memory_space<vmem>>) target(%dma_start3A_246 : memref<16x4096xi16, #tpu.memory_space<hbm>>) target_semaphore(%dma_start3A_244 : memref<!tpu.dma_semaphore, #tpu.memory_space<semaphore_mem>>)
    %add3A_251 = arith.constant 32 : i32
    %add3A_252 = arith.addi %mul3A_2, %add3A_251 : i32
    %dma_wait3A_253 = arith.constant 2 : i32
    %dma_wait3A_254 = arith.constant 2 : i32
    %dma_wait3A_255 = arith.constant 0 : i32
    %dma_wait3A_256 = arith.constant 0 : i32
    %dma_wait3A_257 = tpu.memref_slice %arg4[%dma_wait3A_253, %dma_wait3A_255, %dma_wait3A_256] : memref<3x16x4096xi16, #tpu.memory_space<vmem>> -> memref<1x16x4096xi16, #tpu.memory_space<vmem>>
    %dma_wait3A_258 = tpu.memref_squeeze %dma_wait3A_257 : memref<1x16x4096xi16, #tpu.memory_space<vmem>> -> memref<16x4096xi16, #tpu.memory_space<vmem>>
    %dma_wait3A_259 = arith.constant 0 : i32
    %dma_wait3A_260 = tpu.memref_slice %arg3[%add3A_252, %dma_wait3A_259] : memref<4096x4096xi16, #tpu.memory_space<hbm>> -> memref<16x4096xi16, #tpu.memory_space<hbm>>
    %dma_wait3A_261 = tpu.memref_slice %arg6[%dma_wait3A_254] : memref<3x!tpu.dma_semaphore, #tpu.memory_space<semaphore_mem>> -> memref<1x!tpu.dma_semaphore, #tpu.memory_space<semaphore_mem>>
    %dma_wait3A_262 = tpu.memref_squeeze %dma_wait3A_261 : memref<1x!tpu.dma_semaphore, #tpu.memory_space<semaphore_mem>> -> memref<!tpu.dma_semaphore, #tpu.memory_space<semaphore_mem>>
    %dma_wait3A_263 = arith.constant 0 : i32
    %dma_wait3A_264 = tpu.memref_slice %arg3[%add3A_252, %dma_wait3A_263] : memref<4096x4096xi16, #tpu.memory_space<hbm>> -> memref<16x4096xi16, #tpu.memory_space<hbm>>
    %dma_wait3A_265 = arith.constant 0 : i32
    %dma_wait3A_266 = arith.constant 0 : i32
    %dma_wait3A_267 = tpu.memref_slice %arg4[%dma_wait3A_253, %dma_wait3A_265, %dma_wait3A_266] : memref<3x16x4096xi16, #tpu.memory_space<vmem>> -> memref<1x16x4096xi16, #tpu.memory_space<vmem>>
    %dma_wait3A_268 = tpu.memref_squeeze %dma_wait3A_267 : memref<1x16x4096xi16, #tpu.memory_space<vmem>> -> memref<16x4096xi16, #tpu.memory_space<vmem>>
    tpu.wait_dma2 semaphore(%dma_wait3A_262 : memref<!tpu.dma_semaphore, #tpu.memory_space<semaphore_mem>>) src(%dma_wait3A_268 : memref<16x4096xi16, #tpu.memory_space<vmem>>) dst(%dma_wait3A_264 : memref<16x4096xi16, #tpu.memory_space<hbm>>)
    %add3A_269 = arith.constant 80 : i32
    %add3A_270 = arith.addi %mul3A_2, %add3A_269 : i32
    %dma_start3A_271 = arith.constant 2 : i32
    %dma_start3A_272 = arith.constant 2 : i32
    %dma_start3A_273 = arith.constant 0 : i32
    %dma_start3A_274 = arith.constant 0 : i32
    %dma_start3A_275 = tpu.memref_slice %arg4[%dma_start3A_271, %dma_start3A_273, %dma_start3A_274] : memref<3x16x4096xi16, #tpu.memory_space<vmem>> -> memref<1x16x4096xi16, #tpu.memory_space<vmem>>
    %dma_start3A_276 = tpu.memref_squeeze %dma_start3A_275 : memref<1x16x4096xi16, #tpu.memory_space<vmem>> -> memref<16x4096xi16, #tpu.memory_space<vmem>>
    %dma_start3A_277 = tpu.memref_bitcast %arg2 : memref<4096x4096xf16, #tpu.memory_space<hbm>> -> memref<4096x4096xi16, #tpu.memory_space<hbm>>
    %dma_start3A_278 = arith.constant 0 : i32
    %dma_start3A_279 = tpu.memref_slice %dma_start3A_277[%add3A_270, %dma_start3A_278] : memref<4096x4096xi16, #tpu.memory_space<hbm>> -> memref<16x4096xi16, #tpu.memory_space<hbm>>
    %dma_start3A_280 = tpu.memref_slice %arg5[%dma_start3A_272] : memref<3x!tpu.dma_semaphore, #tpu.memory_space<semaphore_mem>> -> memref<1x!tpu.dma_semaphore, #tpu.memory_space<semaphore_mem>>
    %dma_start3A_281 = tpu.memref_squeeze %dma_start3A_280 : memref<1x!tpu.dma_semaphore, #tpu.memory_space<semaphore_mem>> -> memref<!tpu.dma_semaphore, #tpu.memory_space<semaphore_mem>>
    %dma_start3A_282 = arith.constant 0 : i32
    %dma_start3A_283 = arith.constant 0 : i32
    %dma_start3A_284 = tpu.memref_slice %arg4[%dma_start3A_271, %dma_start3A_282, %dma_start3A_283] : memref<3x16x4096xi16, #tpu.memory_space<vmem>> -> memref<1x16x4096xi16, #tpu.memory_space<vmem>>
    %dma_start3A_285 = tpu.memref_squeeze %dma_start3A_284 : memref<1x16x4096xi16, #tpu.memory_space<vmem>> -> memref<16x4096xi16, #tpu.memory_space<vmem>>
    %dma_start3A_286 = tpu.memref_bitcast %arg2 : memref<4096x4096xf16, #tpu.memory_space<hbm>> -> memref<4096x4096xi16, #tpu.memory_space<hbm>>
    %dma_start3A_287 = arith.constant 0 : i32
    %dma_start3A_288 = tpu.memref_slice %dma_start3A_286[%add3A_270, %dma_start3A_287] : memref<4096x4096xi16, #tpu.memory_space<hbm>> -> memref<16x4096xi16, #tpu.memory_space<hbm>>
    tpu.enqueue_dma source(%dma_start3A_288 : memref<16x4096xi16, #tpu.memory_space<hbm>>) target(%dma_start3A_285 : memref<16x4096xi16, #tpu.memory_space<vmem>>) target_semaphore(%dma_start3A_281 : memref<!tpu.dma_semaphore, #tpu.memory_space<semaphore_mem>>)
    %add3A_289 = arith.constant 48 : i32
    %add3A_290 = arith.addi %mul3A_2, %add3A_289 : i32
    %dma_wait3A_291 = arith.constant 0 : i32
    %dma_wait3A_292 = arith.constant 0 : i32
    %dma_wait3A_293 = arith.constant 0 : i32
    %dma_wait3A_294 = arith.constant 0 : i32
    %dma_wait3A_295 = tpu.memref_slice %arg4[%dma_wait3A_291, %dma_wait3A_293, %dma_wait3A_294] : memref<3x16x4096xi16, #tpu.memory_space<vmem>> -> memref<1x16x4096xi16, #tpu.memory_space<vmem>>
    %dma_wait3A_296 = tpu.memref_squeeze %dma_wait3A_295 : memref<1x16x4096xi16, #tpu.memory_space<vmem>> -> memref<16x4096xi16, #tpu.memory_space<vmem>>
    %dma_wait3A_297 = tpu.memref_bitcast %arg2 : memref<4096x4096xf16, #tpu.memory_space<hbm>> -> memref<4096x4096xi16, #tpu.memory_space<hbm>>
    %dma_wait3A_298 = arith.constant 0 : i32
    %dma_wait3A_299 = tpu.memref_slice %dma_wait3A_297[%add3A_290, %dma_wait3A_298] : memref<4096x4096xi16, #tpu.memory_space<hbm>> -> memref<16x4096xi16, #tpu.memory_space<hbm>>
    %dma_wait3A_300 = tpu.memref_slice %arg5[%dma_wait3A_292] : memref<3x!tpu.dma_semaphore, #tpu.memory_space<semaphore_mem>> -> memref<1x!tpu.dma_semaphore, #tpu.memory_space<semaphore_mem>>
    %dma_wait3A_301 = tpu.memref_squeeze %dma_wait3A_300 : memref<1x!tpu.dma_semaphore, #tpu.memory_space<semaphore_mem>> -> memref<!tpu.dma_semaphore, #tpu.memory_space<semaphore_mem>>
    %dma_wait3A_302 = arith.constant 0 : i32
    %dma_wait3A_303 = arith.constant 0 : i32
    %dma_wait3A_304 = tpu.memref_slice %arg4[%dma_wait3A_291, %dma_wait3A_302, %dma_wait3A_303] : memref<3x16x4096xi16, #tpu.memory_space<vmem>> -> memref<1x16x4096xi16, #tpu.memory_space<vmem>>
    %dma_wait3A_305 = tpu.memref_squeeze %dma_wait3A_304 : memref<1x16x4096xi16, #tpu.memory_space<vmem>> -> memref<16x4096xi16, #tpu.memory_space<vmem>>
    %dma_wait3A_306 = tpu.memref_bitcast %arg2 : memref<4096x4096xf16, #tpu.memory_space<hbm>> -> memref<4096x4096xi16, #tpu.memory_space<hbm>>
    %dma_wait3A_307 = arith.constant 0 : i32
    %dma_wait3A_308 = tpu.memref_slice %dma_wait3A_306[%add3A_290, %dma_wait3A_307] : memref<4096x4096xi16, #tpu.memory_space<hbm>> -> memref<16x4096xi16, #tpu.memory_space<hbm>>
    tpu.wait_dma2 semaphore(%dma_wait3A_301 : memref<!tpu.dma_semaphore, #tpu.memory_space<semaphore_mem>>) src(%dma_wait3A_308 : memref<16x4096xi16, #tpu.memory_space<hbm>>) dst(%dma_wait3A_305 : memref<16x4096xi16, #tpu.memory_space<vmem>>)
    %add3A_309 = arith.constant 48 : i32
    %add3A_310 = arith.addi %mul3A_2, %add3A_309 : i32
    %dma_start3A_311 = arith.constant 0 : i32
    %dma_start3A_312 = arith.constant 0 : i32
    %dma_start3A_313 = arith.constant 0 : i32
    %dma_start3A_314 = arith.constant 0 : i32
    %dma_start3A_315 = tpu.memref_slice %arg4[%dma_start3A_311, %dma_start3A_313, %dma_start3A_314] : memref<3x16x4096xi16, #tpu.memory_space<vmem>> -> memref<1x16x4096xi16, #tpu.memory_space<vmem>>
    %dma_start3A_316 = tpu.memref_squeeze %dma_start3A_315 : memref<1x16x4096xi16, #tpu.memory_space<vmem>> -> memref<16x4096xi16, #tpu.memory_space<vmem>>
    %dma_start3A_317 = arith.constant 0 : i32
    %dma_start3A_318 = tpu.memref_slice %arg3[%add3A_310, %dma_start3A_317] : memref<4096x4096xi16, #tpu.memory_space<hbm>> -> memref<16x4096xi16, #tpu.memory_space<hbm>>
    %dma_start3A_319 = tpu.memref_slice %arg6[%dma_start3A_312] : memref<3x!tpu.dma_semaphore, #tpu.memory_space<semaphore_mem>> -> memref<1x!tpu.dma_semaphore, #tpu.memory_space<semaphore_mem>>
    %dma_start3A_320 = tpu.memref_squeeze %dma_start3A_319 : memref<1x!tpu.dma_semaphore, #tpu.memory_space<semaphore_mem>> -> memref<!tpu.dma_semaphore, #tpu.memory_space<semaphore_mem>>
    %dma_start3A_321 = arith.constant 0 : i32
    %dma_start3A_322 = tpu.memref_slice %arg3[%add3A_310, %dma_start3A_321] : memref<4096x4096xi16, #tpu.memory_space<hbm>> -> memref<16x4096xi16, #tpu.memory_space<hbm>>
    %dma_start3A_323 = arith.constant 0 : i32
    %dma_start3A_324 = arith.constant 0 : i32
    %dma_start3A_325 = tpu.memref_slice %arg4[%dma_start3A_311, %dma_start3A_323, %dma_start3A_324] : memref<3x16x4096xi16, #tpu.memory_space<vmem>> -> memref<1x16x4096xi16, #tpu.memory_space<vmem>>
    %dma_start3A_326 = tpu.memref_squeeze %dma_start3A_325 : memref<1x16x4096xi16, #tpu.memory_space<vmem>> -> memref<16x4096xi16, #tpu.memory_space<vmem>>
    tpu.enqueue_dma source(%dma_start3A_326 : memref<16x4096xi16, #tpu.memory_space<vmem>>) target(%dma_start3A_322 : memref<16x4096xi16, #tpu.memory_space<hbm>>) target_semaphore(%dma_start3A_320 : memref<!tpu.dma_semaphore, #tpu.memory_space<semaphore_mem>>)
    %add3A_327 = arith.constant 48 : i32
    %add3A_328 = arith.addi %mul3A_2, %add3A_327 : i32
    %dma_wait3A_329 = arith.constant 0 : i32
    %dma_wait3A_330 = arith.constant 0 : i32
    %dma_wait3A_331 = arith.constant 0 : i32
    %dma_wait3A_332 = arith.constant 0 : i32
    %dma_wait3A_333 = tpu.memref_slice %arg4[%dma_wait3A_329, %dma_wait3A_331, %dma_wait3A_332] : memref<3x16x4096xi16, #tpu.memory_space<vmem>> -> memref<1x16x4096xi16, #tpu.memory_space<vmem>>
    %dma_wait3A_334 = tpu.memref_squeeze %dma_wait3A_333 : memref<1x16x4096xi16, #tpu.memory_space<vmem>> -> memref<16x4096xi16, #tpu.memory_space<vmem>>
    %dma_wait3A_335 = arith.constant 0 : i32
    %dma_wait3A_336 = tpu.memref_slice %arg3[%add3A_328, %dma_wait3A_335] : memref<4096x4096xi16, #tpu.memory_space<hbm>> -> memref<16x4096xi16, #tpu.memory_space<hbm>>
    %dma_wait3A_337 = tpu.memref_slice %arg6[%dma_wait3A_330] : memref<3x!tpu.dma_semaphore, #tpu.memory_space<semaphore_mem>> -> memref<1x!tpu.dma_semaphore, #tpu.memory_space<semaphore_mem>>
    %dma_wait3A_338 = tpu.memref_squeeze %dma_wait3A_337 : memref<1x!tpu.dma_semaphore, #tpu.memory_space<semaphore_mem>> -> memref<!tpu.dma_semaphore, #tpu.memory_space<semaphore_mem>>
    %dma_wait3A_339 = arith.constant 0 : i32
    %dma_wait3A_340 = tpu.memref_slice %arg3[%add3A_328, %dma_wait3A_339] : memref<4096x4096xi16, #tpu.memory_space<hbm>> -> memref<16x4096xi16, #tpu.memory_space<hbm>>
    %dma_wait3A_341 = arith.constant 0 : i32
    %dma_wait3A_342 = arith.constant 0 : i32
    %dma_wait3A_343 = tpu.memref_slice %arg4[%dma_wait3A_329, %dma_wait3A_341, %dma_wait3A_342] : memref<3x16x4096xi16, #tpu.memory_space<vmem>> -> memref<1x16x4096xi16, #tpu.memory_space<vmem>>
    %dma_wait3A_344 = tpu.memref_squeeze %dma_wait3A_343 : memref<1x16x4096xi16, #tpu.memory_space<vmem>> -> memref<16x4096xi16, #tpu.memory_space<vmem>>
    tpu.wait_dma2 semaphore(%dma_wait3A_338 : memref<!tpu.dma_semaphore, #tpu.memory_space<semaphore_mem>>) src(%dma_wait3A_344 : memref<16x4096xi16, #tpu.memory_space<vmem>>) dst(%dma_wait3A_340 : memref<16x4096xi16, #tpu.memory_space<hbm>>)
    %add3A_345 = arith.constant 96 : i32
    %add3A_346 = arith.addi %mul3A_2, %add3A_345 : i32
    %dma_start3A_347 = arith.constant 0 : i32
    %dma_start3A_348 = arith.constant 0 : i32
    %dma_start3A_349 = arith.constant 0 : i32
    %dma_start3A_350 = arith.constant 0 : i32
    %dma_start3A_351 = tpu.memref_slice %arg4[%dma_start3A_347, %dma_start3A_349, %dma_start3A_350] : memref<3x16x4096xi16, #tpu.memory_space<vmem>> -> memref<1x16x4096xi16, #tpu.memory_space<vmem>>
    %dma_start3A_352 = tpu.memref_squeeze %dma_start3A_351 : memref<1x16x4096xi16, #tpu.memory_space<vmem>> -> memref<16x4096xi16, #tpu.memory_space<vmem>>
    %dma_start3A_353 = tpu.memref_bitcast %arg2 : memref<4096x4096xf16, #tpu.memory_space<hbm>> -> memref<4096x4096xi16, #tpu.memory_space<hbm>>
    %dma_start3A_354 = arith.constant 0 : i32
    %dma_start3A_355 = tpu.memref_slice %dma_start3A_353[%add3A_346, %dma_start3A_354] : memref<4096x4096xi16, #tpu.memory_space<hbm>> -> memref<16x4096xi16, #tpu.memory_space<hbm>>
    %dma_start3A_356 = tpu.memref_slice %arg5[%dma_start3A_348] : memref<3x!tpu.dma_semaphore, #tpu.memory_space<semaphore_mem>> -> memref<1x!tpu.dma_semaphore, #tpu.memory_space<semaphore_mem>>
    %dma_start3A_357 = tpu.memref_squeeze %dma_start3A_356 : memref<1x!tpu.dma_semaphore, #tpu.memory_space<semaphore_mem>> -> memref<!tpu.dma_semaphore, #tpu.memory_space<semaphore_mem>>
    %dma_start3A_358 = arith.constant 0 : i32
    %dma_start3A_359 = arith.constant 0 : i32
    %dma_start3A_360 = tpu.memref_slice %arg4[%dma_start3A_347, %dma_start3A_358, %dma_start3A_359] : memref<3x16x4096xi16, #tpu.memory_space<vmem>> -> memref<1x16x4096xi16, #tpu.memory_space<vmem>>
    %dma_start3A_361 = tpu.memref_squeeze %dma_start3A_360 : memref<1x16x4096xi16, #tpu.memory_space<vmem>> -> memref<16x4096xi16, #tpu.memory_space<vmem>>
    %dma_start3A_362 = tpu.memref_bitcast %arg2 : memref<4096x4096xf16, #tpu.memory_space<hbm>> -> memref<4096x4096xi16, #tpu.memory_space<hbm>>
    %dma_start3A_363 = arith.constant 0 : i32
    %dma_start3A_364 = tpu.memref_slice %dma_start3A_362[%add3A_346, %dma_start3A_363] : memref<4096x4096xi16, #tpu.memory_space<hbm>> -> memref<16x4096xi16, #tpu.memory_space<hbm>>
    tpu.enqueue_dma source(%dma_start3A_364 : memref<16x4096xi16, #tpu.memory_space<hbm>>) target(%dma_start3A_361 : memref<16x4096xi16, #tpu.memory_space<vmem>>) target_semaphore(%dma_start3A_357 : memref<!tpu.dma_semaphore, #tpu.memory_space<semaphore_mem>>)
    %add3A_365 = arith.constant 64 : i32
    %add3A_366 = arith.addi %mul3A_2, %add3A_365 : i32
    %dma_wait3A_367 = arith.constant 1 : i32
    %dma_wait3A_368 = arith.constant 1 : i32
    %dma_wait3A_369 = arith.constant 0 : i32
    %dma_wait3A_370 = arith.constant 0 : i32
    %dma_wait3A_371 = tpu.memref_slice %arg4[%dma_wait3A_367, %dma_wait3A_369, %dma_wait3A_370] : memref<3x16x4096xi16, #tpu.memory_space<vmem>> -> memref<1x16x4096xi16, #tpu.memory_space<vmem>>
    %dma_wait3A_372 = tpu.memref_squeeze %dma_wait3A_371 : memref<1x16x4096xi16, #tpu.memory_space<vmem>> -> memref<16x4096xi16, #tpu.memory_space<vmem>>
    %dma_wait3A_373 = tpu.memref_bitcast %arg2 : memref<4096x4096xf16, #tpu.memory_space<hbm>> -> memref<4096x4096xi16, #tpu.memory_space<hbm>>
    %dma_wait3A_374 = arith.constant 0 : i32
    %dma_wait3A_375 = tpu.memref_slice %dma_wait3A_373[%add3A_366, %dma_wait3A_374] : memref<4096x4096xi16, #tpu.memory_space<hbm>> -> memref<16x4096xi16, #tpu.memory_space<hbm>>
    %dma_wait3A_376 = tpu.memref_slice %arg5[%dma_wait3A_368] : memref<3x!tpu.dma_semaphore, #tpu.memory_space<semaphore_mem>> -> memref<1x!tpu.dma_semaphore, #tpu.memory_space<semaphore_mem>>
    %dma_wait3A_377 = tpu.memref_squeeze %dma_wait3A_376 : memref<1x!tpu.dma_semaphore, #tpu.memory_space<semaphore_mem>> -> memref<!tpu.dma_semaphore, #tpu.memory_space<semaphore_mem>>
    %dma_wait3A_378 = arith.constant 0 : i32
    %dma_wait3A_379 = arith.constant 0 : i32
    %dma_wait3A_380 = tpu.memref_slice %arg4[%dma_wait3A_367, %dma_wait3A_378, %dma_wait3A_379] : memref<3x16x4096xi16, #tpu.memory_space<vmem>> -> memref<1x16x4096xi16, #tpu.memory_space<vmem>>
    %dma_wait3A_381 = tpu.memref_squeeze %dma_wait3A_380 : memref<1x16x4096xi16, #tpu.memory_space<vmem>> -> memref<16x4096xi16, #tpu.memory_space<vmem>>
    %dma_wait3A_382 = tpu.memref_bitcast %arg2 : memref<4096x4096xf16, #tpu.memory_space<hbm>> -> memref<4096x4096xi16, #tpu.memory_space<hbm>>
    %dma_wait3A_383 = arith.constant 0 : i32
    %dma_wait3A_384 = tpu.memref_slice %dma_wait3A_382[%add3A_366, %dma_wait3A_383] : memref<4096x4096xi16, #tpu.memory_space<hbm>> -> memref<16x4096xi16, #tpu.memory_space<hbm>>
    tpu.wait_dma2 semaphore(%dma_wait3A_377 : memref<!tpu.dma_semaphore, #tpu.memory_space<semaphore_mem>>) src(%dma_wait3A_384 : memref<16x4096xi16, #tpu.memory_space<hbm>>) dst(%dma_wait3A_381 : memref<16x4096xi16, #tpu.memory_space<vmem>>)
    %add3A_385 = arith.constant 64 : i32
    %add3A_386 = arith.addi %mul3A_2, %add3A_385 : i32
    %dma_start3A_387 = arith.constant 1 : i32
    %dma_start3A_388 = arith.constant 1 : i32
    %dma_start3A_389 = arith.constant 0 : i32
    %dma_start3A_390 = arith.constant 0 : i32
    %dma_start3A_391 = tpu.memref_slice %arg4[%dma_start3A_387, %dma_start3A_389, %dma_start3A_390] : memref<3x16x4096xi16, #tpu.memory_space<vmem>> -> memref<1x16x4096xi16, #tpu.memory_space<vmem>>
    %dma_start3A_392 = tpu.memref_squeeze %dma_start3A_391 : memref<1x16x4096xi16, #tpu.memory_space<vmem>> -> memref<16x4096xi16, #tpu.memory_space<vmem>>
    %dma_start3A_393 = arith.constant 0 : i32
    %dma_start3A_394 = tpu.memref_slice %arg3[%add3A_386, %dma_start3A_393] : memref<4096x4096xi16, #tpu.memory_space<hbm>> -> memref<16x4096xi16, #tpu.memory_space<hbm>>
    %dma_start3A_395 = tpu.memref_slice %arg6[%dma_start3A_388] : memref<3x!tpu.dma_semaphore, #tpu.memory_space<semaphore_mem>> -> memref<1x!tpu.dma_semaphore, #tpu.memory_space<semaphore_mem>>
    %dma_start3A_396 = tpu.memref_squeeze %dma_start3A_395 : memref<1x!tpu.dma_semaphore, #tpu.memory_space<semaphore_mem>> -> memref<!tpu.dma_semaphore, #tpu.memory_space<semaphore_mem>>
    %dma_start3A_397 = arith.constant 0 : i32
    %dma_start3A_398 = tpu.memref_slice %arg3[%add3A_386, %dma_start3A_397] : memref<4096x4096xi16, #tpu.memory_space<hbm>> -> memref<16x4096xi16, #tpu.memory_space<hbm>>
    %dma_start3A_399 = arith.constant 0 : i32
    %dma_start3A_400 = arith.constant 0 : i32
    %dma_start3A_401 = tpu.memref_slice %arg4[%dma_start3A_387, %dma_start3A_399, %dma_start3A_400] : memref<3x16x4096xi16, #tpu.memory_space<vmem>> -> memref<1x16x4096xi16, #tpu.memory_space<vmem>>
    %dma_start3A_402 = tpu.memref_squeeze %dma_start3A_401 : memref<1x16x4096xi16, #tpu.memory_space<vmem>> -> memref<16x4096xi16, #tpu.memory_space<vmem>>
    tpu.enqueue_dma source(%dma_start3A_402 : memref<16x4096xi16, #tpu.memory_space<vmem>>) target(%dma_start3A_398 : memref<16x4096xi16, #tpu.memory_space<hbm>>) target_semaphore(%dma_start3A_396 : memref<!tpu.dma_semaphore, #tpu.memory_space<semaphore_mem>>)
    %add3A_403 = arith.constant 64 : i32
    %add3A_404 = arith.addi %mul3A_2, %add3A_403 : i32
    %dma_wait3A_405 = arith.constant 1 : i32
    %dma_wait3A_406 = arith.constant 1 : i32
    %dma_wait3A_407 = arith.constant 0 : i32
    %dma_wait3A_408 = arith.constant 0 : i32
    %dma_wait3A_409 = tpu.memref_slice %arg4[%dma_wait3A_405, %dma_wait3A_407, %dma_wait3A_408] : memref<3x16x4096xi16, #tpu.memory_space<vmem>> -> memref<1x16x4096xi16, #tpu.memory_space<vmem>>
    %dma_wait3A_410 = tpu.memref_squeeze %dma_wait3A_409 : memref<1x16x4096xi16, #tpu.memory_space<vmem>> -> memref<16x4096xi16, #tpu.memory_space<vmem>>
    %dma_wait3A_411 = arith.constant 0 : i32
    %dma_wait3A_412 = tpu.memref_slice %arg3[%add3A_404, %dma_wait3A_411] : memref<4096x4096xi16, #tpu.memory_space<hbm>> -> memref<16x4096xi16, #tpu.memory_space<hbm>>
    %dma_wait3A_413 = tpu.memref_slice %arg6[%dma_wait3A_406] : memref<3x!tpu.dma_semaphore, #tpu.memory_space<semaphore_mem>> -> memref<1x!tpu.dma_semaphore, #tpu.memory_space<semaphore_mem>>
    %dma_wait3A_414 = tpu.memref_squeeze %dma_wait3A_413 : memref<1x!tpu.dma_semaphore, #tpu.memory_space<semaphore_mem>> -> memref<!tpu.dma_semaphore, #tpu.memory_space<semaphore_mem>>
    %dma_wait3A_415 = arith.constant 0 : i32
    %dma_wait3A_416 = tpu.memref_slice %arg3[%add3A_404, %dma_wait3A_415] : memref<4096x4096xi16, #tpu.memory_space<hbm>> -> memref<16x4096xi16, #tpu.memory_space<hbm>>
    %dma_wait3A_417 = arith.constant 0 : i32
    %dma_wait3A_418 = arith.constant 0 : i32
    %dma_wait3A_419 = tpu.memref_slice %arg4[%dma_wait3A_405, %dma_wait3A_417, %dma_wait3A_418] : memref<3x16x4096xi16, #tpu.memory_space<vmem>> -> memref<1x16x4096xi16, #tpu.memory_space<vmem>>
    %dma_wait3A_420 = tpu.memref_squeeze %dma_wait3A_419 : memref<1x16x4096xi16, #tpu.memory_space<vmem>> -> memref<16x4096xi16, #tpu.memory_space<vmem>>
    tpu.wait_dma2 semaphore(%dma_wait3A_414 : memref<!tpu.dma_semaphore, #tpu.memory_space<semaphore_mem>>) src(%dma_wait3A_420 : memref<16x4096xi16, #tpu.memory_space<vmem>>) dst(%dma_wait3A_416 : memref<16x4096xi16, #tpu.memory_space<hbm>>)
    %add3A_421 = arith.constant 112 : i32
    %add3A_422 = arith.addi %mul3A_2, %add3A_421 : i32
    %dma_start3A_423 = arith.constant 1 : i32
    %dma_start3A_424 = arith.constant 1 : i32
    %dma_start3A_425 = arith.constant 0 : i32
    %dma_start3A_426 = arith.constant 0 : i32
    %dma_start3A_427 = tpu.memref_slice %arg4[%dma_start3A_423, %dma_start3A_425, %dma_start3A_426] : memref<3x16x4096xi16, #tpu.memory_space<vmem>> -> memref<1x16x4096xi16, #tpu.memory_space<vmem>>
    %dma_start3A_428 = tpu.memref_squeeze %dma_start3A_427 : memref<1x16x4096xi16, #tpu.memory_space<vmem>> -> memref<16x4096xi16, #tpu.memory_space<vmem>>
    %dma_start3A_429 = tpu.memref_bitcast %arg2 : memref<4096x4096xf16, #tpu.memory_space<hbm>> -> memref<4096x4096xi16, #tpu.memory_space<hbm>>
    %dma_start3A_430 = arith.constant 0 : i32
    %dma_start3A_431 = tpu.memref_slice %dma_start3A_429[%add3A_422, %dma_start3A_430] : memref<4096x4096xi16, #tpu.memory_space<hbm>> -> memref<16x4096xi16, #tpu.memory_space<hbm>>
    %dma_start3A_432 = tpu.memref_slice %arg5[%dma_start3A_424] : memref<3x!tpu.dma_semaphore, #tpu.memory_space<semaphore_mem>> -> memref<1x!tpu.dma_semaphore, #tpu.memory_space<semaphore_mem>>
    %dma_start3A_433 = tpu.memref_squeeze %dma_start3A_432 : memref<1x!tpu.dma_semaphore, #tpu.memory_space<semaphore_mem>> -> memref<!tpu.dma_semaphore, #tpu.memory_space<semaphore_mem>>
    %dma_start3A_434 = arith.constant 0 : i32
    %dma_start3A_435 = arith.constant 0 : i32
    %dma_start3A_436 = tpu.memref_slice %arg4[%dma_start3A_423, %dma_start3A_434, %dma_start3A_435] : memref<3x16x4096xi16, #tpu.memory_space<vmem>> -> memref<1x16x4096xi16, #tpu.memory_space<vmem>>
    %dma_start3A_437 = tpu.memref_squeeze %dma_start3A_436 : memref<1x16x4096xi16, #tpu.memory_space<vmem>> -> memref<16x4096xi16, #tpu.memory_space<vmem>>
    %dma_start3A_438 = tpu.memref_bitcast %arg2 : memref<4096x4096xf16, #tpu.memory_space<hbm>> -> memref<4096x4096xi16, #tpu.memory_space<hbm>>
    %dma_start3A_439 = arith.constant 0 : i32
    %dma_start3A_440 = tpu.memref_slice %dma_start3A_438[%add3A_422, %dma_start3A_439] : memref<4096x4096xi16, #tpu.memory_space<hbm>> -> memref<16x4096xi16, #tpu.memory_space<hbm>>
    tpu.enqueue_dma source(%dma_start3A_440 : memref<16x4096xi16, #tpu.memory_space<hbm>>) target(%dma_start3A_437 : memref<16x4096xi16, #tpu.memory_space<vmem>>) target_semaphore(%dma_start3A_433 : memref<!tpu.dma_semaphore, #tpu.memory_space<semaphore_mem>>)
    %add3A_441 = arith.constant 80 : i32
    %add3A_442 = arith.addi %mul3A_2, %add3A_441 : i32
    %dma_wait3A_443 = arith.constant 2 : i32
    %dma_wait3A_444 = arith.constant 2 : i32
    %dma_wait3A_445 = arith.constant 0 : i32
    %dma_wait3A_446 = arith.constant 0 : i32
    %dma_wait3A_447 = tpu.memref_slice %arg4[%dma_wait3A_443, %dma_wait3A_445, %dma_wait3A_446] : memref<3x16x4096xi16, #tpu.memory_space<vmem>> -> memref<1x16x4096xi16, #tpu.memory_space<vmem>>
    %dma_wait3A_448 = tpu.memref_squeeze %dma_wait3A_447 : memref<1x16x4096xi16, #tpu.memory_space<vmem>> -> memref<16x4096xi16, #tpu.memory_space<vmem>>
    %dma_wait3A_449 = tpu.memref_bitcast %arg2 : memref<4096x4096xf16, #tpu.memory_space<hbm>> -> memref<4096x4096xi16, #tpu.memory_space<hbm>>
    %dma_wait3A_450 = arith.constant 0 : i32
    %dma_wait3A_451 = tpu.memref_slice %dma_wait3A_449[%add3A_442, %dma_wait3A_450] : memref<4096x4096xi16, #tpu.memory_space<hbm>> -> memref<16x4096xi16, #tpu.memory_space<hbm>>
    %dma_wait3A_452 = tpu.memref_slice %arg5[%dma_wait3A_444] : memref<3x!tpu.dma_semaphore, #tpu.memory_space<semaphore_mem>> -> memref<1x!tpu.dma_semaphore, #tpu.memory_space<semaphore_mem>>
    %dma_wait3A_453 = tpu.memref_squeeze %dma_wait3A_452 : memref<1x!tpu.dma_semaphore, #tpu.memory_space<semaphore_mem>> -> memref<!tpu.dma_semaphore, #tpu.memory_space<semaphore_mem>>
    %dma_wait3A_454 = arith.constant 0 : i32
    %dma_wait3A_455 = arith.constant 0 : i32
    %dma_wait3A_456 = tpu.memref_slice %arg4[%dma_wait3A_443, %dma_wait3A_454, %dma_wait3A_455] : memref<3x16x4096xi16, #tpu.memory_space<vmem>> -> memref<1x16x4096xi16, #tpu.memory_space<vmem>>
    %dma_wait3A_457 = tpu.memref_squeeze %dma_wait3A_456 : memref<1x16x4096xi16, #tpu.memory_space<vmem>> -> memref<16x4096xi16, #tpu.memory_space<vmem>>
    %dma_wait3A_458 = tpu.memref_bitcast %arg2 : memref<4096x4096xf16, #tpu.memory_space<hbm>> -> memref<4096x4096xi16, #tpu.memory_space<hbm>>
    %dma_wait3A_459 = arith.constant 0 : i32
    %dma_wait3A_460 = tpu.memref_slice %dma_wait3A_458[%add3A_442, %dma_wait3A_459] : memref<4096x4096xi16, #tpu.memory_space<hbm>> -> memref<16x4096xi16, #tpu.memory_space<hbm>>
    tpu.wait_dma2 semaphore(%dma_wait3A_453 : memref<!tpu.dma_semaphore, #tpu.memory_space<semaphore_mem>>) src(%dma_wait3A_460 : memref<16x4096xi16, #tpu.memory_space<hbm>>) dst(%dma_wait3A_457 : memref<16x4096xi16, #tpu.memory_space<vmem>>)
    %add3A_461 = arith.constant 80 : i32
    %add3A_462 = arith.addi %mul3A_2, %add3A_461 : i32
    %dma_start3A_463 = arith.constant 2 : i32
    %dma_start3A_464 = arith.constant 2 : i32
    %dma_start3A_465 = arith.constant 0 : i32
    %dma_start3A_466 = arith.constant 0 : i32
    %dma_start3A_467 = tpu.memref_slice %arg4[%dma_start3A_463, %dma_start3A_465, %dma_start3A_466] : memref<3x16x4096xi16, #tpu.memory_space<vmem>> -> memref<1x16x4096xi16, #tpu.memory_space<vmem>>
    %dma_start3A_468 = tpu.memref_squeeze %dma_start3A_467 : memref<1x16x4096xi16, #tpu.memory_space<vmem>> -> memref<16x4096xi16, #tpu.memory_space<vmem>>
    %dma_start3A_469 = arith.constant 0 : i32
    %dma_start3A_470 = tpu.memref_slice %arg3[%add3A_462, %dma_start3A_469] : memref<4096x4096xi16, #tpu.memory_space<hbm>> -> memref<16x4096xi16, #tpu.memory_space<hbm>>
    %dma_start3A_471 = tpu.memref_slice %arg6[%dma_start3A_464] : memref<3x!tpu.dma_semaphore, #tpu.memory_space<semaphore_mem>> -> memref<1x!tpu.dma_semaphore, #tpu.memory_space<semaphore_mem>>
    %dma_start3A_472 = tpu.memref_squeeze %dma_start3A_471 : memref<1x!tpu.dma_semaphore, #tpu.memory_space<semaphore_mem>> -> memref<!tpu.dma_semaphore, #tpu.memory_space<semaphore_mem>>
    %dma_start3A_473 = arith.constant 0 : i32
    %dma_start3A_474 = tpu.memref_slice %arg3[%add3A_462, %dma_start3A_473] : memref<4096x4096xi16, #tpu.memory_space<hbm>> -> memref<16x4096xi16, #tpu.memory_space<hbm>>
    %dma_start3A_475 = arith.constant 0 : i32
    %dma_start3A_476 = arith.constant 0 : i32
    %dma_start3A_477 = tpu.memref_slice %arg4[%dma_start3A_463, %dma_start3A_475, %dma_start3A_476] : memref<3x16x4096xi16, #tpu.memory_space<vmem>> -> memref<1x16x4096xi16, #tpu.memory_space<vmem>>
    %dma_start3A_478 = tpu.memref_squeeze %dma_start3A_477 : memref<1x16x4096xi16, #tpu.memory_space<vmem>> -> memref<16x4096xi16, #tpu.memory_space<vmem>>
    tpu.enqueue_dma source(%dma_start3A_478 : memref<16x4096xi16, #tpu.memory_space<vmem>>) target(%dma_start3A_474 : memref<16x4096xi16, #tpu.memory_space<hbm>>) target_semaphore(%dma_start3A_472 : memref<!tpu.dma_semaphore, #tpu.memory_space<semaphore_mem>>)
    %add3A_479 = arith.constant 96 : i32
    %add3A_480 = arith.addi %mul3A_2, %add3A_479 : i32
    %dma_wait3A_481 = arith.constant 0 : i32
    %dma_wait3A_482 = arith.constant 0 : i32
    %dma_wait3A_483 = arith.constant 0 : i32
    %dma_wait3A_484 = arith.constant 0 : i32
    %dma_wait3A_485 = tpu.memref_slice %arg4[%dma_wait3A_481, %dma_wait3A_483, %dma_wait3A_484] : memref<3x16x4096xi16, #tpu.memory_space<vmem>> -> memref<1x16x4096xi16, #tpu.memory_space<vmem>>
    %dma_wait3A_486 = tpu.memref_squeeze %dma_wait3A_485 : memref<1x16x4096xi16, #tpu.memory_space<vmem>> -> memref<16x4096xi16, #tpu.memory_space<vmem>>
    %dma_wait3A_487 = tpu.memref_bitcast %arg2 : memref<4096x4096xf16, #tpu.memory_space<hbm>> -> memref<4096x4096xi16, #tpu.memory_space<hbm>>
    %dma_wait3A_488 = arith.constant 0 : i32
    %dma_wait3A_489 = tpu.memref_slice %dma_wait3A_487[%add3A_480, %dma_wait3A_488] : memref<4096x4096xi16, #tpu.memory_space<hbm>> -> memref<16x4096xi16, #tpu.memory_space<hbm>>
    %dma_wait3A_490 = tpu.memref_slice %arg5[%dma_wait3A_482] : memref<3x!tpu.dma_semaphore, #tpu.memory_space<semaphore_mem>> -> memref<1x!tpu.dma_semaphore, #tpu.memory_space<semaphore_mem>>
    %dma_wait3A_491 = tpu.memref_squeeze %dma_wait3A_490 : memref<1x!tpu.dma_semaphore, #tpu.memory_space<semaphore_mem>> -> memref<!tpu.dma_semaphore, #tpu.memory_space<semaphore_mem>>
    %dma_wait3A_492 = arith.constant 0 : i32
    %dma_wait3A_493 = arith.constant 0 : i32
    %dma_wait3A_494 = tpu.memref_slice %arg4[%dma_wait3A_481, %dma_wait3A_492, %dma_wait3A_493] : memref<3x16x4096xi16, #tpu.memory_space<vmem>> -> memref<1x16x4096xi16, #tpu.memory_space<vmem>>
    %dma_wait3A_495 = tpu.memref_squeeze %dma_wait3A_494 : memref<1x16x4096xi16, #tpu.memory_space<vmem>> -> memref<16x4096xi16, #tpu.memory_space<vmem>>
    %dma_wait3A_496 = tpu.memref_bitcast %arg2 : memref<4096x4096xf16, #tpu.memory_space<hbm>> -> memref<4096x4096xi16, #tpu.memory_space<hbm>>
    %dma_wait3A_497 = arith.constant 0 : i32
    %dma_wait3A_498 = tpu.memref_slice %dma_wait3A_496[%add3A_480, %dma_wait3A_497] : memref<4096x4096xi16, #tpu.memory_space<hbm>> -> memref<16x4096xi16, #tpu.memory_space<hbm>>
    tpu.wait_dma2 semaphore(%dma_wait3A_491 : memref<!tpu.dma_semaphore, #tpu.memory_space<semaphore_mem>>) src(%dma_wait3A_498 : memref<16x4096xi16, #tpu.memory_space<hbm>>) dst(%dma_wait3A_495 : memref<16x4096xi16, #tpu.memory_space<vmem>>)
    %add3A_499 = arith.constant 96 : i32
    %add3A_500 = arith.addi %mul3A_2, %add3A_499 : i32
    %dma_start3A_501 = arith.constant 0 : i32
    %dma_start3A_502 = arith.constant 0 : i32
    %dma_start3A_503 = arith.constant 0 : i32
    %dma_start3A_504 = arith.constant 0 : i32
    %dma_start3A_505 = tpu.memref_slice %arg4[%dma_start3A_501, %dma_start3A_503, %dma_start3A_504] : memref<3x16x4096xi16, #tpu.memory_space<vmem>> -> memref<1x16x4096xi16, #tpu.memory_space<vmem>>
    %dma_start3A_506 = tpu.memref_squeeze %dma_start3A_505 : memref<1x16x4096xi16, #tpu.memory_space<vmem>> -> memref<16x4096xi16, #tpu.memory_space<vmem>>
    %dma_start3A_507 = arith.constant 0 : i32
    %dma_start3A_508 = tpu.memref_slice %arg3[%add3A_500, %dma_start3A_507] : memref<4096x4096xi16, #tpu.memory_space<hbm>> -> memref<16x4096xi16, #tpu.memory_space<hbm>>
    %dma_start3A_509 = tpu.memref_slice %arg6[%dma_start3A_502] : memref<3x!tpu.dma_semaphore, #tpu.memory_space<semaphore_mem>> -> memref<1x!tpu.dma_semaphore, #tpu.memory_space<semaphore_mem>>
    %dma_start3A_510 = tpu.memref_squeeze %dma_start3A_509 : memref<1x!tpu.dma_semaphore, #tpu.memory_space<semaphore_mem>> -> memref<!tpu.dma_semaphore, #tpu.memory_space<semaphore_mem>>
    %dma_start3A_511 = arith.constant 0 : i32
    %dma_start3A_512 = tpu.memref_slice %arg3[%add3A_500, %dma_start3A_511] : memref<4096x4096xi16, #tpu.memory_space<hbm>> -> memref<16x4096xi16, #tpu.memory_space<hbm>>
    %dma_start3A_513 = arith.constant 0 : i32
    %dma_start3A_514 = arith.constant 0 : i32
    %dma_start3A_515 = tpu.memref_slice %arg4[%dma_start3A_501, %dma_start3A_513, %dma_start3A_514] : memref<3x16x4096xi16, #tpu.memory_space<vmem>> -> memref<1x16x4096xi16, #tpu.memory_space<vmem>>
    %dma_start3A_516 = tpu.memref_squeeze %dma_start3A_515 : memref<1x16x4096xi16, #tpu.memory_space<vmem>> -> memref<16x4096xi16, #tpu.memory_space<vmem>>
    tpu.enqueue_dma source(%dma_start3A_516 : memref<16x4096xi16, #tpu.memory_space<vmem>>) target(%dma_start3A_512 : memref<16x4096xi16, #tpu.memory_space<hbm>>) target_semaphore(%dma_start3A_510 : memref<!tpu.dma_semaphore, #tpu.memory_space<semaphore_mem>>)
    %add3A_517 = arith.constant 112 : i32
    %add3A_518 = arith.addi %mul3A_2, %add3A_517 : i32
    %dma_wait3A_519 = arith.constant 1 : i32
    %dma_wait3A_520 = arith.constant 1 : i32
    %dma_wait3A_521 = arith.constant 0 : i32
    %dma_wait3A_522 = arith.constant 0 : i32
    %dma_wait3A_523 = tpu.memref_slice %arg4[%dma_wait3A_519, %dma_wait3A_521, %dma_wait3A_522] : memref<3x16x4096xi16, #tpu.memory_space<vmem>> -> memref<1x16x4096xi16, #tpu.memory_space<vmem>>
    %dma_wait3A_524 = tpu.memref_squeeze %dma_wait3A_523 : memref<1x16x4096xi16, #tpu.memory_space<vmem>> -> memref<16x4096xi16, #tpu.memory_space<vmem>>
    %dma_wait3A_525 = tpu.memref_bitcast %arg2 : memref<4096x4096xf16, #tpu.memory_space<hbm>> -> memref<4096x4096xi16, #tpu.memory_space<hbm>>
    %dma_wait3A_526 = arith.constant 0 : i32
    %dma_wait3A_527 = tpu.memref_slice %dma_wait3A_525[%add3A_518, %dma_wait3A_526] : memref<4096x4096xi16, #tpu.memory_space<hbm>> -> memref<16x4096xi16, #tpu.memory_space<hbm>>
    %dma_wait3A_528 = tpu.memref_slice %arg5[%dma_wait3A_520] : memref<3x!tpu.dma_semaphore, #tpu.memory_space<semaphore_mem>> -> memref<1x!tpu.dma_semaphore, #tpu.memory_space<semaphore_mem>>
    %dma_wait3A_529 = tpu.memref_squeeze %dma_wait3A_528 : memref<1x!tpu.dma_semaphore, #tpu.memory_space<semaphore_mem>> -> memref<!tpu.dma_semaphore, #tpu.memory_space<semaphore_mem>>
    %dma_wait3A_530 = arith.constant 0 : i32
    %dma_wait3A_531 = arith.constant 0 : i32
    %dma_wait3A_532 = tpu.memref_slice %arg4[%dma_wait3A_519, %dma_wait3A_530, %dma_wait3A_531] : memref<3x16x4096xi16, #tpu.memory_space<vmem>> -> memref<1x16x4096xi16, #tpu.memory_space<vmem>>
    %dma_wait3A_533 = tpu.memref_squeeze %dma_wait3A_532 : memref<1x16x4096xi16, #tpu.memory_space<vmem>> -> memref<16x4096xi16, #tpu.memory_space<vmem>>
    %dma_wait3A_534 = tpu.memref_bitcast %arg2 : memref<4096x4096xf16, #tpu.memory_space<hbm>> -> memref<4096x4096xi16, #tpu.memory_space<hbm>>
    %dma_wait3A_535 = arith.constant 0 : i32
    %dma_wait3A_536 = tpu.memref_slice %dma_wait3A_534[%add3A_518, %dma_wait3A_535] : memref<4096x4096xi16, #tpu.memory_space<hbm>> -> memref<16x4096xi16, #tpu.memory_space<hbm>>
    tpu.wait_dma2 semaphore(%dma_wait3A_529 : memref<!tpu.dma_semaphore, #tpu.memory_space<semaphore_mem>>) src(%dma_wait3A_536 : memref<16x4096xi16, #tpu.memory_space<hbm>>) dst(%dma_wait3A_533 : memref<16x4096xi16, #tpu.memory_space<vmem>>)
    %add3A_537 = arith.constant 112 : i32
    %add3A_538 = arith.addi %mul3A_2, %add3A_537 : i32
    %dma_start3A_539 = arith.constant 1 : i32
    %dma_start3A_540 = arith.constant 1 : i32
    %dma_start3A_541 = arith.constant 0 : i32
    %dma_start3A_542 = arith.constant 0 : i32
    %dma_start3A_543 = tpu.memref_slice %arg4[%dma_start3A_539, %dma_start3A_541, %dma_start3A_542] : memref<3x16x4096xi16, #tpu.memory_space<vmem>> -> memref<1x16x4096xi16, #tpu.memory_space<vmem>>
    %dma_start3A_544 = tpu.memref_squeeze %dma_start3A_543 : memref<1x16x4096xi16, #tpu.memory_space<vmem>> -> memref<16x4096xi16, #tpu.memory_space<vmem>>
    %dma_start3A_545 = arith.constant 0 : i32
    %dma_start3A_546 = tpu.memref_slice %arg3[%add3A_538, %dma_start3A_545] : memref<4096x4096xi16, #tpu.memory_space<hbm>> -> memref<16x4096xi16, #tpu.memory_space<hbm>>
    %dma_start3A_547 = tpu.memref_slice %arg6[%dma_start3A_540] : memref<3x!tpu.dma_semaphore, #tpu.memory_space<semaphore_mem>> -> memref<1x!tpu.dma_semaphore, #tpu.memory_space<semaphore_mem>>
    %dma_start3A_548 = tpu.memref_squeeze %dma_start3A_547 : memref<1x!tpu.dma_semaphore, #tpu.memory_space<semaphore_mem>> -> memref<!tpu.dma_semaphore, #tpu.memory_space<semaphore_mem>>
    %dma_start3A_549 = arith.constant 0 : i32
    %dma_start3A_550 = tpu.memref_slice %arg3[%add3A_538, %dma_start3A_549] : memref<4096x4096xi16, #tpu.memory_space<hbm>> -> memref<16x4096xi16, #tpu.memory_space<hbm>>
    %dma_start3A_551 = arith.constant 0 : i32
    %dma_start3A_552 = arith.constant 0 : i32
    %dma_start3A_553 = tpu.memref_slice %arg4[%dma_start3A_539, %dma_start3A_551, %dma_start3A_552] : memref<3x16x4096xi16, #tpu.memory_space<vmem>> -> memref<1x16x4096xi16, #tpu.memory_space<vmem>>
    %dma_start3A_554 = tpu.memref_squeeze %dma_start3A_553 : memref<1x16x4096xi16, #tpu.memory_space<vmem>> -> memref<16x4096xi16, #tpu.memory_space<vmem>>
    tpu.enqueue_dma source(%dma_start3A_554 : memref<16x4096xi16, #tpu.memory_space<vmem>>) target(%dma_start3A_550 : memref<16x4096xi16, #tpu.memory_space<hbm>>) target_semaphore(%dma_start3A_548 : memref<!tpu.dma_semaphore, #tpu.memory_space<semaphore_mem>>)
    %add3A_555 = arith.constant 80 : i32
    %add3A_556 = arith.addi %mul3A_2, %add3A_555 : i32
    %dma_wait3A_557 = arith.constant 2 : i32
    %dma_wait3A_558 = arith.constant 2 : i32
    %dma_wait3A_559 = arith.constant 0 : i32
    %dma_wait3A_560 = arith.constant 0 : i32
    %dma_wait3A_561 = tpu.memref_slice %arg4[%dma_wait3A_557, %dma_wait3A_559, %dma_wait3A_560] : memref<3x16x4096xi16, #tpu.memory_space<vmem>> -> memref<1x16x4096xi16, #tpu.memory_space<vmem>>
    %dma_wait3A_562 = tpu.memref_squeeze %dma_wait3A_561 : memref<1x16x4096xi16, #tpu.memory_space<vmem>> -> memref<16x4096xi16, #tpu.memory_space<vmem>>
    %dma_wait3A_563 = arith.constant 0 : i32
    %dma_wait3A_564 = tpu.memref_slice %arg3[%add3A_556, %dma_wait3A_563] : memref<4096x4096xi16, #tpu.memory_space<hbm>> -> memref<16x4096xi16, #tpu.memory_space<hbm>>
    %dma_wait3A_565 = tpu.memref_slice %arg6[%dma_wait3A_558] : memref<3x!tpu.dma_semaphore, #tpu.memory_space<semaphore_mem>> -> memref<1x!tpu.dma_semaphore, #tpu.memory_space<semaphore_mem>>
    %dma_wait3A_566 = tpu.memref_squeeze %dma_wait3A_565 : memref<1x!tpu.dma_semaphore, #tpu.memory_space<semaphore_mem>> -> memref<!tpu.dma_semaphore, #tpu.memory_space<semaphore_mem>>
    %dma_wait3A_567 = arith.constant 0 : i32
    %dma_wait3A_568 = tpu.memref_slice %arg3[%add3A_556, %dma_wait3A_567] : memref<4096x4096xi16, #tpu.memory_space<hbm>> -> memref<16x4096xi16, #tpu.memory_space<hbm>>
    %dma_wait3A_569 = arith.constant 0 : i32
    %dma_wait3A_570 = arith.constant 0 : i32
    %dma_wait3A_571 = tpu.memref_slice %arg4[%dma_wait3A_557, %dma_wait3A_569, %dma_wait3A_570] : memref<3x16x4096xi16, #tpu.memory_space<vmem>> -> memref<1x16x4096xi16, #tpu.memory_space<vmem>>
    %dma_wait3A_572 = tpu.memref_squeeze %dma_wait3A_571 : memref<1x16x4096xi16, #tpu.memory_space<vmem>> -> memref<16x4096xi16, #tpu.memory_space<vmem>>
    tpu.wait_dma2 semaphore(%dma_wait3A_566 : memref<!tpu.dma_semaphore, #tpu.memory_space<semaphore_mem>>) src(%dma_wait3A_572 : memref<16x4096xi16, #tpu.memory_space<vmem>>) dst(%dma_wait3A_568 : memref<16x4096xi16, #tpu.memory_space<hbm>>)
    %add3A_573 = arith.constant 96 : i32
    %add3A_574 = arith.addi %mul3A_2, %add3A_573 : i32
    %dma_wait3A_575 = arith.constant 0 : i32
    %dma_wait3A_576 = arith.constant 0 : i32
    %dma_wait3A_577 = arith.constant 0 : i32
    %dma_wait3A_578 = arith.constant 0 : i32
    %dma_wait3A_579 = tpu.memref_slice %arg4[%dma_wait3A_575, %dma_wait3A_577, %dma_wait3A_578] : memref<3x16x4096xi16, #tpu.memory_space<vmem>> -> memref<1x16x4096xi16, #tpu.memory_space<vmem>>
    %dma_wait3A_580 = tpu.memref_squeeze %dma_wait3A_579 : memref<1x16x4096xi16, #tpu.memory_space<vmem>> -> memref<16x4096xi16, #tpu.memory_space<vmem>>
    %dma_wait3A_581 = arith.constant 0 : i32
    %dma_wait3A_582 = tpu.memref_slice %arg3[%add3A_574, %dma_wait3A_581] : memref<4096x4096xi16, #tpu.memory_space<hbm>> -> memref<16x4096xi16, #tpu.memory_space<hbm>>
    %dma_wait3A_583 = tpu.memref_slice %arg6[%dma_wait3A_576] : memref<3x!tpu.dma_semaphore, #tpu.memory_space<semaphore_mem>> -> memref<1x!tpu.dma_semaphore, #tpu.memory_space<semaphore_mem>>
    %dma_wait3A_584 = tpu.memref_squeeze %dma_wait3A_583 : memref<1x!tpu.dma_semaphore, #tpu.memory_space<semaphore_mem>> -> memref<!tpu.dma_semaphore, #tpu.memory_space<semaphore_mem>>
    %dma_wait3A_585 = arith.constant 0 : i32
    %dma_wait3A_586 = tpu.memref_slice %arg3[%add3A_574, %dma_wait3A_585] : memref<4096x4096xi16, #tpu.memory_space<hbm>> -> memref<16x4096xi16, #tpu.memory_space<hbm>>
    %dma_wait3A_587 = arith.constant 0 : i32
    %dma_wait3A_588 = arith.constant 0 : i32
    %dma_wait3A_589 = tpu.memref_slice %arg4[%dma_wait3A_575, %dma_wait3A_587, %dma_wait3A_588] : memref<3x16x4096xi16, #tpu.memory_space<vmem>> -> memref<1x16x4096xi16, #tpu.memory_space<vmem>>
    %dma_wait3A_590 = tpu.memref_squeeze %dma_wait3A_589 : memref<1x16x4096xi16, #tpu.memory_space<vmem>> -> memref<16x4096xi16, #tpu.memory_space<vmem>>
    tpu.wait_dma2 semaphore(%dma_wait3A_584 : memref<!tpu.dma_semaphore, #tpu.memory_space<semaphore_mem>>) src(%dma_wait3A_590 : memref<16x4096xi16, #tpu.memory_space<vmem>>) dst(%dma_wait3A_586 : memref<16x4096xi16, #tpu.memory_space<hbm>>)
    %add3A_591 = arith.constant 112 : i32
    %add3A_592 = arith.addi %mul3A_2, %add3A_591 : i32
    %dma_wait3A_593 = arith.constant 1 : i32
    %dma_wait3A_594 = arith.constant 1 : i32
    %dma_wait3A_595 = arith.constant 0 : i32
    %dma_wait3A_596 = arith.constant 0 : i32
    %dma_wait3A_597 = tpu.memref_slice %arg4[%dma_wait3A_593, %dma_wait3A_595, %dma_wait3A_596] : memref<3x16x4096xi16, #tpu.memory_space<vmem>> -> memref<1x16x4096xi16, #tpu.memory_space<vmem>>
    %dma_wait3A_598 = tpu.memref_squeeze %dma_wait3A_597 : memref<1x16x4096xi16, #tpu.memory_space<vmem>> -> memref<16x4096xi16, #tpu.memory_space<vmem>>
    %dma_wait3A_599 = arith.constant 0 : i32
    %dma_wait3A_600 = tpu.memref_slice %arg3[%add3A_592, %dma_wait3A_599] : memref<4096x4096xi16, #tpu.memory_space<hbm>> -> memref<16x4096xi16, #tpu.memory_space<hbm>>
    %dma_wait3A_601 = tpu.memref_slice %arg6[%dma_wait3A_594] : memref<3x!tpu.dma_semaphore, #tpu.memory_space<semaphore_mem>> -> memref<1x!tpu.dma_semaphore, #tpu.memory_space<semaphore_mem>>
    %dma_wait3A_602 = tpu.memref_squeeze %dma_wait3A_601 : memref<1x!tpu.dma_semaphore, #tpu.memory_space<semaphore_mem>> -> memref<!tpu.dma_semaphore, #tpu.memory_space<semaphore_mem>>
    %dma_wait3A_603 = arith.constant 0 : i32
    %dma_wait3A_604 = tpu.memref_slice %arg3[%add3A_592, %dma_wait3A_603] : memref<4096x4096xi16, #tpu.memory_space<hbm>> -> memref<16x4096xi16, #tpu.memory_space<hbm>>
    %dma_wait3A_605 = arith.constant 0 : i32
    %dma_wait3A_606 = arith.constant 0 : i32
    %dma_wait3A_607 = tpu.memref_slice %arg4[%dma_wait3A_593, %dma_wait3A_605, %dma_wait3A_606] : memref<3x16x4096xi16, #tpu.memory_space<vmem>> -> memref<1x16x4096xi16, #tpu.memory_space<vmem>>
    %dma_wait3A_608 = tpu.memref_squeeze %dma_wait3A_607 : memref<1x16x4096xi16, #tpu.memory_space<vmem>> -> memref<16x4096xi16, #tpu.memory_space<vmem>>
    tpu.wait_dma2 semaphore(%dma_wait3A_602 : memref<!tpu.dma_semaphore, #tpu.memory_space<semaphore_mem>>) src(%dma_wait3A_608 : memref<16x4096xi16, #tpu.memory_space<vmem>>) dst(%dma_wait3A_604 : memref<16x4096xi16, #tpu.memory_space<hbm>>)
    return
  }
}

#map = affine_map<(d0, d1) -> (0, 0)>
module attributes {stable_mosaic.version = 14 : i64} {
  func.func @_sc_ingest_two(%arg0: i32, %arg1: i32, %arg2: memref<4096x4096xf16, #tpu.memory_space<hbm>>, %arg3: memref<4096x4096xf16, #tpu.memory_space<hbm>>, %arg4: memref<4096x4096xi16, #tpu.memory_space<hbm>>, %arg5: memref<4096x4096xi16, #tpu.memory_space<hbm>>, %arg6: memref<3x16x4096xi16, #tpu.memory_space<vmem>>, %arg7: memref<3x!tpu.dma_semaphore, #tpu.memory_space<semaphore_mem>>, %arg8: memref<3x!tpu.dma_semaphore, #tpu.memory_space<semaphore_mem>>) attributes {dimension_semantics = [#tpu.dimension_semantics<core_parallel>, #tpu.dimension_semantics<subcore_parallel>], iteration_bounds = array<i64: 2, 16>, scalar_prefetch = 0 : i64, scratch_operands = 3 : i64, tpu.core_type = #tpu.core_type<sc_vector_subcore>, window_params = [{transform_indices = #map}, {transform_indices = #map}, {transform_indices = #map}, {transform_indices = #map}]} {
    %mul3A = arith.constant 16 : i32
    %mul3A_0 = arith.muli %arg0, %mul3A : i32
    %add3A = arith.addi %mul3A_0, %arg1 : i32
    %mul3A_1 = arith.constant 128 : i32
    %mul3A_2 = arith.muli %add3A, %mul3A_1 : i32
    %add3A_3 = arith.constant 0 : i32
    %add3A_4 = arith.addi %mul3A_2, %add3A_3 : i32
    %dma_start3A = arith.constant 0 : i32
    %dma_start3A_5 = arith.constant 0 : i32
    %dma_start3A_6 = arith.constant 0 : i32
    %dma_start3A_7 = arith.constant 0 : i32
    %dma_start3A_8 = tpu.memref_slice %arg6[%dma_start3A, %dma_start3A_6, %dma_start3A_7] : memref<3x16x4096xi16, #tpu.memory_space<vmem>> -> memref<1x16x4096xi16, #tpu.memory_space<vmem>>
    %dma_start3A_9 = tpu.memref_squeeze %dma_start3A_8 : memref<1x16x4096xi16, #tpu.memory_space<vmem>> -> memref<16x4096xi16, #tpu.memory_space<vmem>>
    %dma_start3A_10 = tpu.memref_bitcast %arg2 : memref<4096x4096xf16, #tpu.memory_space<hbm>> -> memref<4096x4096xi16, #tpu.memory_space<hbm>>
    %dma_start3A_11 = arith.constant 0 : i32
    %dma_start3A_12 = tpu.memref_slice %dma_start3A_10[%add3A_4, %dma_start3A_11] : memref<4096x4096xi16, #tpu.memory_space<hbm>> -> memref<16x4096xi16, #tpu.memory_space<hbm>>
    %dma_start3A_13 = tpu.memref_slice %arg7[%dma_start3A_5] : memref<3x!tpu.dma_semaphore, #tpu.memory_space<semaphore_mem>> -> memref<1x!tpu.dma_semaphore, #tpu.memory_space<semaphore_mem>>
    %dma_start3A_14 = tpu.memref_squeeze %dma_start3A_13 : memref<1x!tpu.dma_semaphore, #tpu.memory_space<semaphore_mem>> -> memref<!tpu.dma_semaphore, #tpu.memory_space<semaphore_mem>>
    %dma_start3A_15 = arith.constant 0 : i32
    %dma_start3A_16 = arith.constant 0 : i32
    %dma_start3A_17 = tpu.memref_slice %arg6[%dma_start3A, %dma_start3A_15, %dma_start3A_16] : memref<3x16x4096xi16, #tpu.memory_space<vmem>> -> memref<1x16x4096xi16, #tpu.memory_space<vmem>>
    %dma_start3A_18 = tpu.memref_squeeze %dma_start3A_17 : memref<1x16x4096xi16, #tpu.memory_space<vmem>> -> memref<16x4096xi16, #tpu.memory_space<vmem>>
    %dma_start3A_19 = tpu.memref_bitcast %arg2 : memref<4096x4096xf16, #tpu.memory_space<hbm>> -> memref<4096x4096xi16, #tpu.memory_space<hbm>>
    %dma_start3A_20 = arith.constant 0 : i32
    %dma_start3A_21 = tpu.memref_slice %dma_start3A_19[%add3A_4, %dma_start3A_20] : memref<4096x4096xi16, #tpu.memory_space<hbm>> -> memref<16x4096xi16, #tpu.memory_space<hbm>>
    tpu.enqueue_dma source(%dma_start3A_21 : memref<16x4096xi16, #tpu.memory_space<hbm>>) target(%dma_start3A_18 : memref<16x4096xi16, #tpu.memory_space<vmem>>) target_semaphore(%dma_start3A_14 : memref<!tpu.dma_semaphore, #tpu.memory_space<semaphore_mem>>)
    %add3A_22 = arith.constant 16 : i32
    %add3A_23 = arith.addi %mul3A_2, %add3A_22 : i32
    %dma_start3A_24 = arith.constant 1 : i32
    %dma_start3A_25 = arith.constant 1 : i32
    %dma_start3A_26 = arith.constant 0 : i32
    %dma_start3A_27 = arith.constant 0 : i32
    %dma_start3A_28 = tpu.memref_slice %arg6[%dma_start3A_24, %dma_start3A_26, %dma_start3A_27] : memref<3x16x4096xi16, #tpu.memory_space<vmem>> -> memref<1x16x4096xi16, #tpu.memory_space<vmem>>
    %dma_start3A_29 = tpu.memref_squeeze %dma_start3A_28 : memref<1x16x4096xi16, #tpu.memory_space<vmem>> -> memref<16x4096xi16, #tpu.memory_space<vmem>>
    %dma_start3A_30 = tpu.memref_bitcast %arg2 : memref<4096x4096xf16, #tpu.memory_space<hbm>> -> memref<4096x4096xi16, #tpu.memory_space<hbm>>
    %dma_start3A_31 = arith.constant 0 : i32
    %dma_start3A_32 = tpu.memref_slice %dma_start3A_30[%add3A_23, %dma_start3A_31] : memref<4096x4096xi16, #tpu.memory_space<hbm>> -> memref<16x4096xi16, #tpu.memory_space<hbm>>
    %dma_start3A_33 = tpu.memref_slice %arg7[%dma_start3A_25] : memref<3x!tpu.dma_semaphore, #tpu.memory_space<semaphore_mem>> -> memref<1x!tpu.dma_semaphore, #tpu.memory_space<semaphore_mem>>
    %dma_start3A_34 = tpu.memref_squeeze %dma_start3A_33 : memref<1x!tpu.dma_semaphore, #tpu.memory_space<semaphore_mem>> -> memref<!tpu.dma_semaphore, #tpu.memory_space<semaphore_mem>>
    %dma_start3A_35 = arith.constant 0 : i32
    %dma_start3A_36 = arith.constant 0 : i32
    %dma_start3A_37 = tpu.memref_slice %arg6[%dma_start3A_24, %dma_start3A_35, %dma_start3A_36] : memref<3x16x4096xi16, #tpu.memory_space<vmem>> -> memref<1x16x4096xi16, #tpu.memory_space<vmem>>
    %dma_start3A_38 = tpu.memref_squeeze %dma_start3A_37 : memref<1x16x4096xi16, #tpu.memory_space<vmem>> -> memref<16x4096xi16, #tpu.memory_space<vmem>>
    %dma_start3A_39 = tpu.memref_bitcast %arg2 : memref<4096x4096xf16, #tpu.memory_space<hbm>> -> memref<4096x4096xi16, #tpu.memory_space<hbm>>
    %dma_start3A_40 = arith.constant 0 : i32
    %dma_start3A_41 = tpu.memref_slice %dma_start3A_39[%add3A_23, %dma_start3A_40] : memref<4096x4096xi16, #tpu.memory_space<hbm>> -> memref<16x4096xi16, #tpu.memory_space<hbm>>
    tpu.enqueue_dma source(%dma_start3A_41 : memref<16x4096xi16, #tpu.memory_space<hbm>>) target(%dma_start3A_38 : memref<16x4096xi16, #tpu.memory_space<vmem>>) target_semaphore(%dma_start3A_34 : memref<!tpu.dma_semaphore, #tpu.memory_space<semaphore_mem>>)
    %add3A_42 = arith.constant 32 : i32
    %add3A_43 = arith.addi %mul3A_2, %add3A_42 : i32
    %dma_start3A_44 = arith.constant 2 : i32
    %dma_start3A_45 = arith.constant 2 : i32
    %dma_start3A_46 = arith.constant 0 : i32
    %dma_start3A_47 = arith.constant 0 : i32
    %dma_start3A_48 = tpu.memref_slice %arg6[%dma_start3A_44, %dma_start3A_46, %dma_start3A_47] : memref<3x16x4096xi16, #tpu.memory_space<vmem>> -> memref<1x16x4096xi16, #tpu.memory_space<vmem>>
    %dma_start3A_49 = tpu.memref_squeeze %dma_start3A_48 : memref<1x16x4096xi16, #tpu.memory_space<vmem>> -> memref<16x4096xi16, #tpu.memory_space<vmem>>
    %dma_start3A_50 = tpu.memref_bitcast %arg2 : memref<4096x4096xf16, #tpu.memory_space<hbm>> -> memref<4096x4096xi16, #tpu.memory_space<hbm>>
    %dma_start3A_51 = arith.constant 0 : i32
    %dma_start3A_52 = tpu.memref_slice %dma_start3A_50[%add3A_43, %dma_start3A_51] : memref<4096x4096xi16, #tpu.memory_space<hbm>> -> memref<16x4096xi16, #tpu.memory_space<hbm>>
    %dma_start3A_53 = tpu.memref_slice %arg7[%dma_start3A_45] : memref<3x!tpu.dma_semaphore, #tpu.memory_space<semaphore_mem>> -> memref<1x!tpu.dma_semaphore, #tpu.memory_space<semaphore_mem>>
    %dma_start3A_54 = tpu.memref_squeeze %dma_start3A_53 : memref<1x!tpu.dma_semaphore, #tpu.memory_space<semaphore_mem>> -> memref<!tpu.dma_semaphore, #tpu.memory_space<semaphore_mem>>
    %dma_start3A_55 = arith.constant 0 : i32
    %dma_start3A_56 = arith.constant 0 : i32
    %dma_start3A_57 = tpu.memref_slice %arg6[%dma_start3A_44, %dma_start3A_55, %dma_start3A_56] : memref<3x16x4096xi16, #tpu.memory_space<vmem>> -> memref<1x16x4096xi16, #tpu.memory_space<vmem>>
    %dma_start3A_58 = tpu.memref_squeeze %dma_start3A_57 : memref<1x16x4096xi16, #tpu.memory_space<vmem>> -> memref<16x4096xi16, #tpu.memory_space<vmem>>
    %dma_start3A_59 = tpu.memref_bitcast %arg2 : memref<4096x4096xf16, #tpu.memory_space<hbm>> -> memref<4096x4096xi16, #tpu.memory_space<hbm>>
    %dma_start3A_60 = arith.constant 0 : i32
    %dma_start3A_61 = tpu.memref_slice %dma_start3A_59[%add3A_43, %dma_start3A_60] : memref<4096x4096xi16, #tpu.memory_space<hbm>> -> memref<16x4096xi16, #tpu.memory_space<hbm>>
    tpu.enqueue_dma source(%dma_start3A_61 : memref<16x4096xi16, #tpu.memory_space<hbm>>) target(%dma_start3A_58 : memref<16x4096xi16, #tpu.memory_space<vmem>>) target_semaphore(%dma_start3A_54 : memref<!tpu.dma_semaphore, #tpu.memory_space<semaphore_mem>>)
    %add3A_62 = arith.constant 0 : i32
    %add3A_63 = arith.addi %mul3A_2, %add3A_62 : i32
    %dma_wait3A = arith.constant 0 : i32
    %dma_wait3A_64 = arith.constant 0 : i32
    %dma_wait3A_65 = arith.constant 0 : i32
    %dma_wait3A_66 = arith.constant 0 : i32
    %dma_wait3A_67 = tpu.memref_slice %arg6[%dma_wait3A, %dma_wait3A_65, %dma_wait3A_66] : memref<3x16x4096xi16, #tpu.memory_space<vmem>> -> memref<1x16x4096xi16, #tpu.memory_space<vmem>>
    %dma_wait3A_68 = tpu.memref_squeeze %dma_wait3A_67 : memref<1x16x4096xi16, #tpu.memory_space<vmem>> -> memref<16x4096xi16, #tpu.memory_space<vmem>>
    %dma_wait3A_69 = tpu.memref_bitcast %arg2 : memref<4096x4096xf16, #tpu.memory_space<hbm>> -> memref<4096x4096xi16, #tpu.memory_space<hbm>>
    %dma_wait3A_70 = arith.constant 0 : i32
    %dma_wait3A_71 = tpu.memref_slice %dma_wait3A_69[%add3A_63, %dma_wait3A_70] : memref<4096x4096xi16, #tpu.memory_space<hbm>> -> memref<16x4096xi16, #tpu.memory_space<hbm>>
    %dma_wait3A_72 = tpu.memref_slice %arg7[%dma_wait3A_64] : memref<3x!tpu.dma_semaphore, #tpu.memory_space<semaphore_mem>> -> memref<1x!tpu.dma_semaphore, #tpu.memory_space<semaphore_mem>>
    %dma_wait3A_73 = tpu.memref_squeeze %dma_wait3A_72 : memref<1x!tpu.dma_semaphore, #tpu.memory_space<semaphore_mem>> -> memref<!tpu.dma_semaphore, #tpu.memory_space<semaphore_mem>>
    %dma_wait3A_74 = arith.constant 0 : i32
    %dma_wait3A_75 = arith.constant 0 : i32
    %dma_wait3A_76 = tpu.memref_slice %arg6[%dma_wait3A, %dma_wait3A_74, %dma_wait3A_75] : memref<3x16x4096xi16, #tpu.memory_space<vmem>> -> memref<1x16x4096xi16, #tpu.memory_space<vmem>>
    %dma_wait3A_77 = tpu.memref_squeeze %dma_wait3A_76 : memref<1x16x4096xi16, #tpu.memory_space<vmem>> -> memref<16x4096xi16, #tpu.memory_space<vmem>>
    %dma_wait3A_78 = tpu.memref_bitcast %arg2 : memref<4096x4096xf16, #tpu.memory_space<hbm>> -> memref<4096x4096xi16, #tpu.memory_space<hbm>>
    %dma_wait3A_79 = arith.constant 0 : i32
    %dma_wait3A_80 = tpu.memref_slice %dma_wait3A_78[%add3A_63, %dma_wait3A_79] : memref<4096x4096xi16, #tpu.memory_space<hbm>> -> memref<16x4096xi16, #tpu.memory_space<hbm>>
    tpu.wait_dma2 semaphore(%dma_wait3A_73 : memref<!tpu.dma_semaphore, #tpu.memory_space<semaphore_mem>>) src(%dma_wait3A_80 : memref<16x4096xi16, #tpu.memory_space<hbm>>) dst(%dma_wait3A_77 : memref<16x4096xi16, #tpu.memory_space<vmem>>)
    %add3A_81 = arith.constant 0 : i32
    %add3A_82 = arith.addi %mul3A_2, %add3A_81 : i32
    %dma_start3A_83 = arith.constant 0 : i32
    %dma_start3A_84 = arith.constant 0 : i32
    %dma_start3A_85 = arith.constant 0 : i32
    %dma_start3A_86 = arith.constant 0 : i32
    %dma_start3A_87 = tpu.memref_slice %arg6[%dma_start3A_83, %dma_start3A_85, %dma_start3A_86] : memref<3x16x4096xi16, #tpu.memory_space<vmem>> -> memref<1x16x4096xi16, #tpu.memory_space<vmem>>
    %dma_start3A_88 = tpu.memref_squeeze %dma_start3A_87 : memref<1x16x4096xi16, #tpu.memory_space<vmem>> -> memref<16x4096xi16, #tpu.memory_space<vmem>>
    %dma_start3A_89 = arith.constant 0 : i32
    %dma_start3A_90 = tpu.memref_slice %arg4[%add3A_82, %dma_start3A_89] : memref<4096x4096xi16, #tpu.memory_space<hbm>> -> memref<16x4096xi16, #tpu.memory_space<hbm>>
    %dma_start3A_91 = tpu.memref_slice %arg8[%dma_start3A_84] : memref<3x!tpu.dma_semaphore, #tpu.memory_space<semaphore_mem>> -> memref<1x!tpu.dma_semaphore, #tpu.memory_space<semaphore_mem>>
    %dma_start3A_92 = tpu.memref_squeeze %dma_start3A_91 : memref<1x!tpu.dma_semaphore, #tpu.memory_space<semaphore_mem>> -> memref<!tpu.dma_semaphore, #tpu.memory_space<semaphore_mem>>
    %dma_start3A_93 = arith.constant 0 : i32
    %dma_start3A_94 = tpu.memref_slice %arg4[%add3A_82, %dma_start3A_93] : memref<4096x4096xi16, #tpu.memory_space<hbm>> -> memref<16x4096xi16, #tpu.memory_space<hbm>>
    %dma_start3A_95 = arith.constant 0 : i32
    %dma_start3A_96 = arith.constant 0 : i32
    %dma_start3A_97 = tpu.memref_slice %arg6[%dma_start3A_83, %dma_start3A_95, %dma_start3A_96] : memref<3x16x4096xi16, #tpu.memory_space<vmem>> -> memref<1x16x4096xi16, #tpu.memory_space<vmem>>
    %dma_start3A_98 = tpu.memref_squeeze %dma_start3A_97 : memref<1x16x4096xi16, #tpu.memory_space<vmem>> -> memref<16x4096xi16, #tpu.memory_space<vmem>>
    tpu.enqueue_dma source(%dma_start3A_98 : memref<16x4096xi16, #tpu.memory_space<vmem>>) target(%dma_start3A_94 : memref<16x4096xi16, #tpu.memory_space<hbm>>) target_semaphore(%dma_start3A_92 : memref<!tpu.dma_semaphore, #tpu.memory_space<semaphore_mem>>)
    %add3A_99 = arith.constant 0 : i32
    %add3A_100 = arith.addi %mul3A_2, %add3A_99 : i32
    %dma_wait3A_101 = arith.constant 0 : i32
    %dma_wait3A_102 = arith.constant 0 : i32
    %dma_wait3A_103 = arith.constant 0 : i32
    %dma_wait3A_104 = arith.constant 0 : i32
    %dma_wait3A_105 = tpu.memref_slice %arg6[%dma_wait3A_101, %dma_wait3A_103, %dma_wait3A_104] : memref<3x16x4096xi16, #tpu.memory_space<vmem>> -> memref<1x16x4096xi16, #tpu.memory_space<vmem>>
    %dma_wait3A_106 = tpu.memref_squeeze %dma_wait3A_105 : memref<1x16x4096xi16, #tpu.memory_space<vmem>> -> memref<16x4096xi16, #tpu.memory_space<vmem>>
    %dma_wait3A_107 = arith.constant 0 : i32
    %dma_wait3A_108 = tpu.memref_slice %arg4[%add3A_100, %dma_wait3A_107] : memref<4096x4096xi16, #tpu.memory_space<hbm>> -> memref<16x4096xi16, #tpu.memory_space<hbm>>
    %dma_wait3A_109 = tpu.memref_slice %arg8[%dma_wait3A_102] : memref<3x!tpu.dma_semaphore, #tpu.memory_space<semaphore_mem>> -> memref<1x!tpu.dma_semaphore, #tpu.memory_space<semaphore_mem>>
    %dma_wait3A_110 = tpu.memref_squeeze %dma_wait3A_109 : memref<1x!tpu.dma_semaphore, #tpu.memory_space<semaphore_mem>> -> memref<!tpu.dma_semaphore, #tpu.memory_space<semaphore_mem>>
    %dma_wait3A_111 = arith.constant 0 : i32
    %dma_wait3A_112 = tpu.memref_slice %arg4[%add3A_100, %dma_wait3A_111] : memref<4096x4096xi16, #tpu.memory_space<hbm>> -> memref<16x4096xi16, #tpu.memory_space<hbm>>
    %dma_wait3A_113 = arith.constant 0 : i32
    %dma_wait3A_114 = arith.constant 0 : i32
    %dma_wait3A_115 = tpu.memref_slice %arg6[%dma_wait3A_101, %dma_wait3A_113, %dma_wait3A_114] : memref<3x16x4096xi16, #tpu.memory_space<vmem>> -> memref<1x16x4096xi16, #tpu.memory_space<vmem>>
    %dma_wait3A_116 = tpu.memref_squeeze %dma_wait3A_115 : memref<1x16x4096xi16, #tpu.memory_space<vmem>> -> memref<16x4096xi16, #tpu.memory_space<vmem>>
    tpu.wait_dma2 semaphore(%dma_wait3A_110 : memref<!tpu.dma_semaphore, #tpu.memory_space<semaphore_mem>>) src(%dma_wait3A_116 : memref<16x4096xi16, #tpu.memory_space<vmem>>) dst(%dma_wait3A_112 : memref<16x4096xi16, #tpu.memory_space<hbm>>)
    %add3A_117 = arith.constant 48 : i32
    %add3A_118 = arith.addi %mul3A_2, %add3A_117 : i32
    %dma_start3A_119 = arith.constant 0 : i32
    %dma_start3A_120 = arith.constant 0 : i32
    %dma_start3A_121 = arith.constant 0 : i32
    %dma_start3A_122 = arith.constant 0 : i32
    %dma_start3A_123 = tpu.memref_slice %arg6[%dma_start3A_119, %dma_start3A_121, %dma_start3A_122] : memref<3x16x4096xi16, #tpu.memory_space<vmem>> -> memref<1x16x4096xi16, #tpu.memory_space<vmem>>
    %dma_start3A_124 = tpu.memref_squeeze %dma_start3A_123 : memref<1x16x4096xi16, #tpu.memory_space<vmem>> -> memref<16x4096xi16, #tpu.memory_space<vmem>>
    %dma_start3A_125 = tpu.memref_bitcast %arg2 : memref<4096x4096xf16, #tpu.memory_space<hbm>> -> memref<4096x4096xi16, #tpu.memory_space<hbm>>
    %dma_start3A_126 = arith.constant 0 : i32
    %dma_start3A_127 = tpu.memref_slice %dma_start3A_125[%add3A_118, %dma_start3A_126] : memref<4096x4096xi16, #tpu.memory_space<hbm>> -> memref<16x4096xi16, #tpu.memory_space<hbm>>
    %dma_start3A_128 = tpu.memref_slice %arg7[%dma_start3A_120] : memref<3x!tpu.dma_semaphore, #tpu.memory_space<semaphore_mem>> -> memref<1x!tpu.dma_semaphore, #tpu.memory_space<semaphore_mem>>
    %dma_start3A_129 = tpu.memref_squeeze %dma_start3A_128 : memref<1x!tpu.dma_semaphore, #tpu.memory_space<semaphore_mem>> -> memref<!tpu.dma_semaphore, #tpu.memory_space<semaphore_mem>>
    %dma_start3A_130 = arith.constant 0 : i32
    %dma_start3A_131 = arith.constant 0 : i32
    %dma_start3A_132 = tpu.memref_slice %arg6[%dma_start3A_119, %dma_start3A_130, %dma_start3A_131] : memref<3x16x4096xi16, #tpu.memory_space<vmem>> -> memref<1x16x4096xi16, #tpu.memory_space<vmem>>
    %dma_start3A_133 = tpu.memref_squeeze %dma_start3A_132 : memref<1x16x4096xi16, #tpu.memory_space<vmem>> -> memref<16x4096xi16, #tpu.memory_space<vmem>>
    %dma_start3A_134 = tpu.memref_bitcast %arg2 : memref<4096x4096xf16, #tpu.memory_space<hbm>> -> memref<4096x4096xi16, #tpu.memory_space<hbm>>
    %dma_start3A_135 = arith.constant 0 : i32
    %dma_start3A_136 = tpu.memref_slice %dma_start3A_134[%add3A_118, %dma_start3A_135] : memref<4096x4096xi16, #tpu.memory_space<hbm>> -> memref<16x4096xi16, #tpu.memory_space<hbm>>
    tpu.enqueue_dma source(%dma_start3A_136 : memref<16x4096xi16, #tpu.memory_space<hbm>>) target(%dma_start3A_133 : memref<16x4096xi16, #tpu.memory_space<vmem>>) target_semaphore(%dma_start3A_129 : memref<!tpu.dma_semaphore, #tpu.memory_space<semaphore_mem>>)
    %add3A_137 = arith.constant 16 : i32
    %add3A_138 = arith.addi %mul3A_2, %add3A_137 : i32
    %dma_wait3A_139 = arith.constant 1 : i32
    %dma_wait3A_140 = arith.constant 1 : i32
    %dma_wait3A_141 = arith.constant 0 : i32
    %dma_wait3A_142 = arith.constant 0 : i32
    %dma_wait3A_143 = tpu.memref_slice %arg6[%dma_wait3A_139, %dma_wait3A_141, %dma_wait3A_142] : memref<3x16x4096xi16, #tpu.memory_space<vmem>> -> memref<1x16x4096xi16, #tpu.memory_space<vmem>>
    %dma_wait3A_144 = tpu.memref_squeeze %dma_wait3A_143 : memref<1x16x4096xi16, #tpu.memory_space<vmem>> -> memref<16x4096xi16, #tpu.memory_space<vmem>>
    %dma_wait3A_145 = tpu.memref_bitcast %arg2 : memref<4096x4096xf16, #tpu.memory_space<hbm>> -> memref<4096x4096xi16, #tpu.memory_space<hbm>>
    %dma_wait3A_146 = arith.constant 0 : i32
    %dma_wait3A_147 = tpu.memref_slice %dma_wait3A_145[%add3A_138, %dma_wait3A_146] : memref<4096x4096xi16, #tpu.memory_space<hbm>> -> memref<16x4096xi16, #tpu.memory_space<hbm>>
    %dma_wait3A_148 = tpu.memref_slice %arg7[%dma_wait3A_140] : memref<3x!tpu.dma_semaphore, #tpu.memory_space<semaphore_mem>> -> memref<1x!tpu.dma_semaphore, #tpu.memory_space<semaphore_mem>>
    %dma_wait3A_149 = tpu.memref_squeeze %dma_wait3A_148 : memref<1x!tpu.dma_semaphore, #tpu.memory_space<semaphore_mem>> -> memref<!tpu.dma_semaphore, #tpu.memory_space<semaphore_mem>>
    %dma_wait3A_150 = arith.constant 0 : i32
    %dma_wait3A_151 = arith.constant 0 : i32
    %dma_wait3A_152 = tpu.memref_slice %arg6[%dma_wait3A_139, %dma_wait3A_150, %dma_wait3A_151] : memref<3x16x4096xi16, #tpu.memory_space<vmem>> -> memref<1x16x4096xi16, #tpu.memory_space<vmem>>
    %dma_wait3A_153 = tpu.memref_squeeze %dma_wait3A_152 : memref<1x16x4096xi16, #tpu.memory_space<vmem>> -> memref<16x4096xi16, #tpu.memory_space<vmem>>
    %dma_wait3A_154 = tpu.memref_bitcast %arg2 : memref<4096x4096xf16, #tpu.memory_space<hbm>> -> memref<4096x4096xi16, #tpu.memory_space<hbm>>
    %dma_wait3A_155 = arith.constant 0 : i32
    %dma_wait3A_156 = tpu.memref_slice %dma_wait3A_154[%add3A_138, %dma_wait3A_155] : memref<4096x4096xi16, #tpu.memory_space<hbm>> -> memref<16x4096xi16, #tpu.memory_space<hbm>>
    tpu.wait_dma2 semaphore(%dma_wait3A_149 : memref<!tpu.dma_semaphore, #tpu.memory_space<semaphore_mem>>) src(%dma_wait3A_156 : memref<16x4096xi16, #tpu.memory_space<hbm>>) dst(%dma_wait3A_153 : memref<16x4096xi16, #tpu.memory_space<vmem>>)
    %add3A_157 = arith.constant 16 : i32
    %add3A_158 = arith.addi %mul3A_2, %add3A_157 : i32
    %dma_start3A_159 = arith.constant 1 : i32
    %dma_start3A_160 = arith.constant 1 : i32
    %dma_start3A_161 = arith.constant 0 : i32
    %dma_start3A_162 = arith.constant 0 : i32
    %dma_start3A_163 = tpu.memref_slice %arg6[%dma_start3A_159, %dma_start3A_161, %dma_start3A_162] : memref<3x16x4096xi16, #tpu.memory_space<vmem>> -> memref<1x16x4096xi16, #tpu.memory_space<vmem>>
    %dma_start3A_164 = tpu.memref_squeeze %dma_start3A_163 : memref<1x16x4096xi16, #tpu.memory_space<vmem>> -> memref<16x4096xi16, #tpu.memory_space<vmem>>
    %dma_start3A_165 = arith.constant 0 : i32
    %dma_start3A_166 = tpu.memref_slice %arg4[%add3A_158, %dma_start3A_165] : memref<4096x4096xi16, #tpu.memory_space<hbm>> -> memref<16x4096xi16, #tpu.memory_space<hbm>>
    %dma_start3A_167 = tpu.memref_slice %arg8[%dma_start3A_160] : memref<3x!tpu.dma_semaphore, #tpu.memory_space<semaphore_mem>> -> memref<1x!tpu.dma_semaphore, #tpu.memory_space<semaphore_mem>>
    %dma_start3A_168 = tpu.memref_squeeze %dma_start3A_167 : memref<1x!tpu.dma_semaphore, #tpu.memory_space<semaphore_mem>> -> memref<!tpu.dma_semaphore, #tpu.memory_space<semaphore_mem>>
    %dma_start3A_169 = arith.constant 0 : i32
    %dma_start3A_170 = tpu.memref_slice %arg4[%add3A_158, %dma_start3A_169] : memref<4096x4096xi16, #tpu.memory_space<hbm>> -> memref<16x4096xi16, #tpu.memory_space<hbm>>
    %dma_start3A_171 = arith.constant 0 : i32
    %dma_start3A_172 = arith.constant 0 : i32
    %dma_start3A_173 = tpu.memref_slice %arg6[%dma_start3A_159, %dma_start3A_171, %dma_start3A_172] : memref<3x16x4096xi16, #tpu.memory_space<vmem>> -> memref<1x16x4096xi16, #tpu.memory_space<vmem>>
    %dma_start3A_174 = tpu.memref_squeeze %dma_start3A_173 : memref<1x16x4096xi16, #tpu.memory_space<vmem>> -> memref<16x4096xi16, #tpu.memory_space<vmem>>
    tpu.enqueue_dma source(%dma_start3A_174 : memref<16x4096xi16, #tpu.memory_space<vmem>>) target(%dma_start3A_170 : memref<16x4096xi16, #tpu.memory_space<hbm>>) target_semaphore(%dma_start3A_168 : memref<!tpu.dma_semaphore, #tpu.memory_space<semaphore_mem>>)
    %add3A_175 = arith.constant 16 : i32
    %add3A_176 = arith.addi %mul3A_2, %add3A_175 : i32
    %dma_wait3A_177 = arith.constant 1 : i32
    %dma_wait3A_178 = arith.constant 1 : i32
    %dma_wait3A_179 = arith.constant 0 : i32
    %dma_wait3A_180 = arith.constant 0 : i32
    %dma_wait3A_181 = tpu.memref_slice %arg6[%dma_wait3A_177, %dma_wait3A_179, %dma_wait3A_180] : memref<3x16x4096xi16, #tpu.memory_space<vmem>> -> memref<1x16x4096xi16, #tpu.memory_space<vmem>>
    %dma_wait3A_182 = tpu.memref_squeeze %dma_wait3A_181 : memref<1x16x4096xi16, #tpu.memory_space<vmem>> -> memref<16x4096xi16, #tpu.memory_space<vmem>>
    %dma_wait3A_183 = arith.constant 0 : i32
    %dma_wait3A_184 = tpu.memref_slice %arg4[%add3A_176, %dma_wait3A_183] : memref<4096x4096xi16, #tpu.memory_space<hbm>> -> memref<16x4096xi16, #tpu.memory_space<hbm>>
    %dma_wait3A_185 = tpu.memref_slice %arg8[%dma_wait3A_178] : memref<3x!tpu.dma_semaphore, #tpu.memory_space<semaphore_mem>> -> memref<1x!tpu.dma_semaphore, #tpu.memory_space<semaphore_mem>>
    %dma_wait3A_186 = tpu.memref_squeeze %dma_wait3A_185 : memref<1x!tpu.dma_semaphore, #tpu.memory_space<semaphore_mem>> -> memref<!tpu.dma_semaphore, #tpu.memory_space<semaphore_mem>>
    %dma_wait3A_187 = arith.constant 0 : i32
    %dma_wait3A_188 = tpu.memref_slice %arg4[%add3A_176, %dma_wait3A_187] : memref<4096x4096xi16, #tpu.memory_space<hbm>> -> memref<16x4096xi16, #tpu.memory_space<hbm>>
    %dma_wait3A_189 = arith.constant 0 : i32
    %dma_wait3A_190 = arith.constant 0 : i32
    %dma_wait3A_191 = tpu.memref_slice %arg6[%dma_wait3A_177, %dma_wait3A_189, %dma_wait3A_190] : memref<3x16x4096xi16, #tpu.memory_space<vmem>> -> memref<1x16x4096xi16, #tpu.memory_space<vmem>>
    %dma_wait3A_192 = tpu.memref_squeeze %dma_wait3A_191 : memref<1x16x4096xi16, #tpu.memory_space<vmem>> -> memref<16x4096xi16, #tpu.memory_space<vmem>>
    tpu.wait_dma2 semaphore(%dma_wait3A_186 : memref<!tpu.dma_semaphore, #tpu.memory_space<semaphore_mem>>) src(%dma_wait3A_192 : memref<16x4096xi16, #tpu.memory_space<vmem>>) dst(%dma_wait3A_188 : memref<16x4096xi16, #tpu.memory_space<hbm>>)
    %add3A_193 = arith.constant 64 : i32
    %add3A_194 = arith.addi %mul3A_2, %add3A_193 : i32
    %dma_start3A_195 = arith.constant 1 : i32
    %dma_start3A_196 = arith.constant 1 : i32
    %dma_start3A_197 = arith.constant 0 : i32
    %dma_start3A_198 = arith.constant 0 : i32
    %dma_start3A_199 = tpu.memref_slice %arg6[%dma_start3A_195, %dma_start3A_197, %dma_start3A_198] : memref<3x16x4096xi16, #tpu.memory_space<vmem>> -> memref<1x16x4096xi16, #tpu.memory_space<vmem>>
    %dma_start3A_200 = tpu.memref_squeeze %dma_start3A_199 : memref<1x16x4096xi16, #tpu.memory_space<vmem>> -> memref<16x4096xi16, #tpu.memory_space<vmem>>
    %dma_start3A_201 = tpu.memref_bitcast %arg2 : memref<4096x4096xf16, #tpu.memory_space<hbm>> -> memref<4096x4096xi16, #tpu.memory_space<hbm>>
    %dma_start3A_202 = arith.constant 0 : i32
    %dma_start3A_203 = tpu.memref_slice %dma_start3A_201[%add3A_194, %dma_start3A_202] : memref<4096x4096xi16, #tpu.memory_space<hbm>> -> memref<16x4096xi16, #tpu.memory_space<hbm>>
    %dma_start3A_204 = tpu.memref_slice %arg7[%dma_start3A_196] : memref<3x!tpu.dma_semaphore, #tpu.memory_space<semaphore_mem>> -> memref<1x!tpu.dma_semaphore, #tpu.memory_space<semaphore_mem>>
    %dma_start3A_205 = tpu.memref_squeeze %dma_start3A_204 : memref<1x!tpu.dma_semaphore, #tpu.memory_space<semaphore_mem>> -> memref<!tpu.dma_semaphore, #tpu.memory_space<semaphore_mem>>
    %dma_start3A_206 = arith.constant 0 : i32
    %dma_start3A_207 = arith.constant 0 : i32
    %dma_start3A_208 = tpu.memref_slice %arg6[%dma_start3A_195, %dma_start3A_206, %dma_start3A_207] : memref<3x16x4096xi16, #tpu.memory_space<vmem>> -> memref<1x16x4096xi16, #tpu.memory_space<vmem>>
    %dma_start3A_209 = tpu.memref_squeeze %dma_start3A_208 : memref<1x16x4096xi16, #tpu.memory_space<vmem>> -> memref<16x4096xi16, #tpu.memory_space<vmem>>
    %dma_start3A_210 = tpu.memref_bitcast %arg2 : memref<4096x4096xf16, #tpu.memory_space<hbm>> -> memref<4096x4096xi16, #tpu.memory_space<hbm>>
    %dma_start3A_211 = arith.constant 0 : i32
    %dma_start3A_212 = tpu.memref_slice %dma_start3A_210[%add3A_194, %dma_start3A_211] : memref<4096x4096xi16, #tpu.memory_space<hbm>> -> memref<16x4096xi16, #tpu.memory_space<hbm>>
    tpu.enqueue_dma source(%dma_start3A_212 : memref<16x4096xi16, #tpu.memory_space<hbm>>) target(%dma_start3A_209 : memref<16x4096xi16, #tpu.memory_space<vmem>>) target_semaphore(%dma_start3A_205 : memref<!tpu.dma_semaphore, #tpu.memory_space<semaphore_mem>>)
    %add3A_213 = arith.constant 32 : i32
    %add3A_214 = arith.addi %mul3A_2, %add3A_213 : i32
    %dma_wait3A_215 = arith.constant 2 : i32
    %dma_wait3A_216 = arith.constant 2 : i32
    %dma_wait3A_217 = arith.constant 0 : i32
    %dma_wait3A_218 = arith.constant 0 : i32
    %dma_wait3A_219 = tpu.memref_slice %arg6[%dma_wait3A_215, %dma_wait3A_217, %dma_wait3A_218] : memref<3x16x4096xi16, #tpu.memory_space<vmem>> -> memref<1x16x4096xi16, #tpu.memory_space<vmem>>
    %dma_wait3A_220 = tpu.memref_squeeze %dma_wait3A_219 : memref<1x16x4096xi16, #tpu.memory_space<vmem>> -> memref<16x4096xi16, #tpu.memory_space<vmem>>
    %dma_wait3A_221 = tpu.memref_bitcast %arg2 : memref<4096x4096xf16, #tpu.memory_space<hbm>> -> memref<4096x4096xi16, #tpu.memory_space<hbm>>
    %dma_wait3A_222 = arith.constant 0 : i32
    %dma_wait3A_223 = tpu.memref_slice %dma_wait3A_221[%add3A_214, %dma_wait3A_222] : memref<4096x4096xi16, #tpu.memory_space<hbm>> -> memref<16x4096xi16, #tpu.memory_space<hbm>>
    %dma_wait3A_224 = tpu.memref_slice %arg7[%dma_wait3A_216] : memref<3x!tpu.dma_semaphore, #tpu.memory_space<semaphore_mem>> -> memref<1x!tpu.dma_semaphore, #tpu.memory_space<semaphore_mem>>
    %dma_wait3A_225 = tpu.memref_squeeze %dma_wait3A_224 : memref<1x!tpu.dma_semaphore, #tpu.memory_space<semaphore_mem>> -> memref<!tpu.dma_semaphore, #tpu.memory_space<semaphore_mem>>
    %dma_wait3A_226 = arith.constant 0 : i32
    %dma_wait3A_227 = arith.constant 0 : i32
    %dma_wait3A_228 = tpu.memref_slice %arg6[%dma_wait3A_215, %dma_wait3A_226, %dma_wait3A_227] : memref<3x16x4096xi16, #tpu.memory_space<vmem>> -> memref<1x16x4096xi16, #tpu.memory_space<vmem>>
    %dma_wait3A_229 = tpu.memref_squeeze %dma_wait3A_228 : memref<1x16x4096xi16, #tpu.memory_space<vmem>> -> memref<16x4096xi16, #tpu.memory_space<vmem>>
    %dma_wait3A_230 = tpu.memref_bitcast %arg2 : memref<4096x4096xf16, #tpu.memory_space<hbm>> -> memref<4096x4096xi16, #tpu.memory_space<hbm>>
    %dma_wait3A_231 = arith.constant 0 : i32
    %dma_wait3A_232 = tpu.memref_slice %dma_wait3A_230[%add3A_214, %dma_wait3A_231] : memref<4096x4096xi16, #tpu.memory_space<hbm>> -> memref<16x4096xi16, #tpu.memory_space<hbm>>
    tpu.wait_dma2 semaphore(%dma_wait3A_225 : memref<!tpu.dma_semaphore, #tpu.memory_space<semaphore_mem>>) src(%dma_wait3A_232 : memref<16x4096xi16, #tpu.memory_space<hbm>>) dst(%dma_wait3A_229 : memref<16x4096xi16, #tpu.memory_space<vmem>>)
    %add3A_233 = arith.constant 32 : i32
    %add3A_234 = arith.addi %mul3A_2, %add3A_233 : i32
    %dma_start3A_235 = arith.constant 2 : i32
    %dma_start3A_236 = arith.constant 2 : i32
    %dma_start3A_237 = arith.constant 0 : i32
    %dma_start3A_238 = arith.constant 0 : i32
    %dma_start3A_239 = tpu.memref_slice %arg6[%dma_start3A_235, %dma_start3A_237, %dma_start3A_238] : memref<3x16x4096xi16, #tpu.memory_space<vmem>> -> memref<1x16x4096xi16, #tpu.memory_space<vmem>>
    %dma_start3A_240 = tpu.memref_squeeze %dma_start3A_239 : memref<1x16x4096xi16, #tpu.memory_space<vmem>> -> memref<16x4096xi16, #tpu.memory_space<vmem>>
    %dma_start3A_241 = arith.constant 0 : i32
    %dma_start3A_242 = tpu.memref_slice %arg4[%add3A_234, %dma_start3A_241] : memref<4096x4096xi16, #tpu.memory_space<hbm>> -> memref<16x4096xi16, #tpu.memory_space<hbm>>
    %dma_start3A_243 = tpu.memref_slice %arg8[%dma_start3A_236] : memref<3x!tpu.dma_semaphore, #tpu.memory_space<semaphore_mem>> -> memref<1x!tpu.dma_semaphore, #tpu.memory_space<semaphore_mem>>
    %dma_start3A_244 = tpu.memref_squeeze %dma_start3A_243 : memref<1x!tpu.dma_semaphore, #tpu.memory_space<semaphore_mem>> -> memref<!tpu.dma_semaphore, #tpu.memory_space<semaphore_mem>>
    %dma_start3A_245 = arith.constant 0 : i32
    %dma_start3A_246 = tpu.memref_slice %arg4[%add3A_234, %dma_start3A_245] : memref<4096x4096xi16, #tpu.memory_space<hbm>> -> memref<16x4096xi16, #tpu.memory_space<hbm>>
    %dma_start3A_247 = arith.constant 0 : i32
    %dma_start3A_248 = arith.constant 0 : i32
    %dma_start3A_249 = tpu.memref_slice %arg6[%dma_start3A_235, %dma_start3A_247, %dma_start3A_248] : memref<3x16x4096xi16, #tpu.memory_space<vmem>> -> memref<1x16x4096xi16, #tpu.memory_space<vmem>>
    %dma_start3A_250 = tpu.memref_squeeze %dma_start3A_249 : memref<1x16x4096xi16, #tpu.memory_space<vmem>> -> memref<16x4096xi16, #tpu.memory_space<vmem>>
    tpu.enqueue_dma source(%dma_start3A_250 : memref<16x4096xi16, #tpu.memory_space<vmem>>) target(%dma_start3A_246 : memref<16x4096xi16, #tpu.memory_space<hbm>>) target_semaphore(%dma_start3A_244 : memref<!tpu.dma_semaphore, #tpu.memory_space<semaphore_mem>>)
    %add3A_251 = arith.constant 32 : i32
    %add3A_252 = arith.addi %mul3A_2, %add3A_251 : i32
    %dma_wait3A_253 = arith.constant 2 : i32
    %dma_wait3A_254 = arith.constant 2 : i32
    %dma_wait3A_255 = arith.constant 0 : i32
    %dma_wait3A_256 = arith.constant 0 : i32
    %dma_wait3A_257 = tpu.memref_slice %arg6[%dma_wait3A_253, %dma_wait3A_255, %dma_wait3A_256] : memref<3x16x4096xi16, #tpu.memory_space<vmem>> -> memref<1x16x4096xi16, #tpu.memory_space<vmem>>
    %dma_wait3A_258 = tpu.memref_squeeze %dma_wait3A_257 : memref<1x16x4096xi16, #tpu.memory_space<vmem>> -> memref<16x4096xi16, #tpu.memory_space<vmem>>
    %dma_wait3A_259 = arith.constant 0 : i32
    %dma_wait3A_260 = tpu.memref_slice %arg4[%add3A_252, %dma_wait3A_259] : memref<4096x4096xi16, #tpu.memory_space<hbm>> -> memref<16x4096xi16, #tpu.memory_space<hbm>>
    %dma_wait3A_261 = tpu.memref_slice %arg8[%dma_wait3A_254] : memref<3x!tpu.dma_semaphore, #tpu.memory_space<semaphore_mem>> -> memref<1x!tpu.dma_semaphore, #tpu.memory_space<semaphore_mem>>
    %dma_wait3A_262 = tpu.memref_squeeze %dma_wait3A_261 : memref<1x!tpu.dma_semaphore, #tpu.memory_space<semaphore_mem>> -> memref<!tpu.dma_semaphore, #tpu.memory_space<semaphore_mem>>
    %dma_wait3A_263 = arith.constant 0 : i32
    %dma_wait3A_264 = tpu.memref_slice %arg4[%add3A_252, %dma_wait3A_263] : memref<4096x4096xi16, #tpu.memory_space<hbm>> -> memref<16x4096xi16, #tpu.memory_space<hbm>>
    %dma_wait3A_265 = arith.constant 0 : i32
    %dma_wait3A_266 = arith.constant 0 : i32
    %dma_wait3A_267 = tpu.memref_slice %arg6[%dma_wait3A_253, %dma_wait3A_265, %dma_wait3A_266] : memref<3x16x4096xi16, #tpu.memory_space<vmem>> -> memref<1x16x4096xi16, #tpu.memory_space<vmem>>
    %dma_wait3A_268 = tpu.memref_squeeze %dma_wait3A_267 : memref<1x16x4096xi16, #tpu.memory_space<vmem>> -> memref<16x4096xi16, #tpu.memory_space<vmem>>
    tpu.wait_dma2 semaphore(%dma_wait3A_262 : memref<!tpu.dma_semaphore, #tpu.memory_space<semaphore_mem>>) src(%dma_wait3A_268 : memref<16x4096xi16, #tpu.memory_space<vmem>>) dst(%dma_wait3A_264 : memref<16x4096xi16, #tpu.memory_space<hbm>>)
    %add3A_269 = arith.constant 80 : i32
    %add3A_270 = arith.addi %mul3A_2, %add3A_269 : i32
    %dma_start3A_271 = arith.constant 2 : i32
    %dma_start3A_272 = arith.constant 2 : i32
    %dma_start3A_273 = arith.constant 0 : i32
    %dma_start3A_274 = arith.constant 0 : i32
    %dma_start3A_275 = tpu.memref_slice %arg6[%dma_start3A_271, %dma_start3A_273, %dma_start3A_274] : memref<3x16x4096xi16, #tpu.memory_space<vmem>> -> memref<1x16x4096xi16, #tpu.memory_space<vmem>>
    %dma_start3A_276 = tpu.memref_squeeze %dma_start3A_275 : memref<1x16x4096xi16, #tpu.memory_space<vmem>> -> memref<16x4096xi16, #tpu.memory_space<vmem>>
    %dma_start3A_277 = tpu.memref_bitcast %arg2 : memref<4096x4096xf16, #tpu.memory_space<hbm>> -> memref<4096x4096xi16, #tpu.memory_space<hbm>>
    %dma_start3A_278 = arith.constant 0 : i32
    %dma_start3A_279 = tpu.memref_slice %dma_start3A_277[%add3A_270, %dma_start3A_278] : memref<4096x4096xi16, #tpu.memory_space<hbm>> -> memref<16x4096xi16, #tpu.memory_space<hbm>>
    %dma_start3A_280 = tpu.memref_slice %arg7[%dma_start3A_272] : memref<3x!tpu.dma_semaphore, #tpu.memory_space<semaphore_mem>> -> memref<1x!tpu.dma_semaphore, #tpu.memory_space<semaphore_mem>>
    %dma_start3A_281 = tpu.memref_squeeze %dma_start3A_280 : memref<1x!tpu.dma_semaphore, #tpu.memory_space<semaphore_mem>> -> memref<!tpu.dma_semaphore, #tpu.memory_space<semaphore_mem>>
    %dma_start3A_282 = arith.constant 0 : i32
    %dma_start3A_283 = arith.constant 0 : i32
    %dma_start3A_284 = tpu.memref_slice %arg6[%dma_start3A_271, %dma_start3A_282, %dma_start3A_283] : memref<3x16x4096xi16, #tpu.memory_space<vmem>> -> memref<1x16x4096xi16, #tpu.memory_space<vmem>>
    %dma_start3A_285 = tpu.memref_squeeze %dma_start3A_284 : memref<1x16x4096xi16, #tpu.memory_space<vmem>> -> memref<16x4096xi16, #tpu.memory_space<vmem>>
    %dma_start3A_286 = tpu.memref_bitcast %arg2 : memref<4096x4096xf16, #tpu.memory_space<hbm>> -> memref<4096x4096xi16, #tpu.memory_space<hbm>>
    %dma_start3A_287 = arith.constant 0 : i32
    %dma_start3A_288 = tpu.memref_slice %dma_start3A_286[%add3A_270, %dma_start3A_287] : memref<4096x4096xi16, #tpu.memory_space<hbm>> -> memref<16x4096xi16, #tpu.memory_space<hbm>>
    tpu.enqueue_dma source(%dma_start3A_288 : memref<16x4096xi16, #tpu.memory_space<hbm>>) target(%dma_start3A_285 : memref<16x4096xi16, #tpu.memory_space<vmem>>) target_semaphore(%dma_start3A_281 : memref<!tpu.dma_semaphore, #tpu.memory_space<semaphore_mem>>)
    %add3A_289 = arith.constant 48 : i32
    %add3A_290 = arith.addi %mul3A_2, %add3A_289 : i32
    %dma_wait3A_291 = arith.constant 0 : i32
    %dma_wait3A_292 = arith.constant 0 : i32
    %dma_wait3A_293 = arith.constant 0 : i32
    %dma_wait3A_294 = arith.constant 0 : i32
    %dma_wait3A_295 = tpu.memref_slice %arg6[%dma_wait3A_291, %dma_wait3A_293, %dma_wait3A_294] : memref<3x16x4096xi16, #tpu.memory_space<vmem>> -> memref<1x16x4096xi16, #tpu.memory_space<vmem>>
    %dma_wait3A_296 = tpu.memref_squeeze %dma_wait3A_295 : memref<1x16x4096xi16, #tpu.memory_space<vmem>> -> memref<16x4096xi16, #tpu.memory_space<vmem>>
    %dma_wait3A_297 = tpu.memref_bitcast %arg2 : memref<4096x4096xf16, #tpu.memory_space<hbm>> -> memref<4096x4096xi16, #tpu.memory_space<hbm>>
    %dma_wait3A_298 = arith.constant 0 : i32
    %dma_wait3A_299 = tpu.memref_slice %dma_wait3A_297[%add3A_290, %dma_wait3A_298] : memref<4096x4096xi16, #tpu.memory_space<hbm>> -> memref<16x4096xi16, #tpu.memory_space<hbm>>
    %dma_wait3A_300 = tpu.memref_slice %arg7[%dma_wait3A_292] : memref<3x!tpu.dma_semaphore, #tpu.memory_space<semaphore_mem>> -> memref<1x!tpu.dma_semaphore, #tpu.memory_space<semaphore_mem>>
    %dma_wait3A_301 = tpu.memref_squeeze %dma_wait3A_300 : memref<1x!tpu.dma_semaphore, #tpu.memory_space<semaphore_mem>> -> memref<!tpu.dma_semaphore, #tpu.memory_space<semaphore_mem>>
    %dma_wait3A_302 = arith.constant 0 : i32
    %dma_wait3A_303 = arith.constant 0 : i32
    %dma_wait3A_304 = tpu.memref_slice %arg6[%dma_wait3A_291, %dma_wait3A_302, %dma_wait3A_303] : memref<3x16x4096xi16, #tpu.memory_space<vmem>> -> memref<1x16x4096xi16, #tpu.memory_space<vmem>>
    %dma_wait3A_305 = tpu.memref_squeeze %dma_wait3A_304 : memref<1x16x4096xi16, #tpu.memory_space<vmem>> -> memref<16x4096xi16, #tpu.memory_space<vmem>>
    %dma_wait3A_306 = tpu.memref_bitcast %arg2 : memref<4096x4096xf16, #tpu.memory_space<hbm>> -> memref<4096x4096xi16, #tpu.memory_space<hbm>>
    %dma_wait3A_307 = arith.constant 0 : i32
    %dma_wait3A_308 = tpu.memref_slice %dma_wait3A_306[%add3A_290, %dma_wait3A_307] : memref<4096x4096xi16, #tpu.memory_space<hbm>> -> memref<16x4096xi16, #tpu.memory_space<hbm>>
    tpu.wait_dma2 semaphore(%dma_wait3A_301 : memref<!tpu.dma_semaphore, #tpu.memory_space<semaphore_mem>>) src(%dma_wait3A_308 : memref<16x4096xi16, #tpu.memory_space<hbm>>) dst(%dma_wait3A_305 : memref<16x4096xi16, #tpu.memory_space<vmem>>)
    %add3A_309 = arith.constant 48 : i32
    %add3A_310 = arith.addi %mul3A_2, %add3A_309 : i32
    %dma_start3A_311 = arith.constant 0 : i32
    %dma_start3A_312 = arith.constant 0 : i32
    %dma_start3A_313 = arith.constant 0 : i32
    %dma_start3A_314 = arith.constant 0 : i32
    %dma_start3A_315 = tpu.memref_slice %arg6[%dma_start3A_311, %dma_start3A_313, %dma_start3A_314] : memref<3x16x4096xi16, #tpu.memory_space<vmem>> -> memref<1x16x4096xi16, #tpu.memory_space<vmem>>
    %dma_start3A_316 = tpu.memref_squeeze %dma_start3A_315 : memref<1x16x4096xi16, #tpu.memory_space<vmem>> -> memref<16x4096xi16, #tpu.memory_space<vmem>>
    %dma_start3A_317 = arith.constant 0 : i32
    %dma_start3A_318 = tpu.memref_slice %arg4[%add3A_310, %dma_start3A_317] : memref<4096x4096xi16, #tpu.memory_space<hbm>> -> memref<16x4096xi16, #tpu.memory_space<hbm>>
    %dma_start3A_319 = tpu.memref_slice %arg8[%dma_start3A_312] : memref<3x!tpu.dma_semaphore, #tpu.memory_space<semaphore_mem>> -> memref<1x!tpu.dma_semaphore, #tpu.memory_space<semaphore_mem>>
    %dma_start3A_320 = tpu.memref_squeeze %dma_start3A_319 : memref<1x!tpu.dma_semaphore, #tpu.memory_space<semaphore_mem>> -> memref<!tpu.dma_semaphore, #tpu.memory_space<semaphore_mem>>
    %dma_start3A_321 = arith.constant 0 : i32
    %dma_start3A_322 = tpu.memref_slice %arg4[%add3A_310, %dma_start3A_321] : memref<4096x4096xi16, #tpu.memory_space<hbm>> -> memref<16x4096xi16, #tpu.memory_space<hbm>>
    %dma_start3A_323 = arith.constant 0 : i32
    %dma_start3A_324 = arith.constant 0 : i32
    %dma_start3A_325 = tpu.memref_slice %arg6[%dma_start3A_311, %dma_start3A_323, %dma_start3A_324] : memref<3x16x4096xi16, #tpu.memory_space<vmem>> -> memref<1x16x4096xi16, #tpu.memory_space<vmem>>
    %dma_start3A_326 = tpu.memref_squeeze %dma_start3A_325 : memref<1x16x4096xi16, #tpu.memory_space<vmem>> -> memref<16x4096xi16, #tpu.memory_space<vmem>>
    tpu.enqueue_dma source(%dma_start3A_326 : memref<16x4096xi16, #tpu.memory_space<vmem>>) target(%dma_start3A_322 : memref<16x4096xi16, #tpu.memory_space<hbm>>) target_semaphore(%dma_start3A_320 : memref<!tpu.dma_semaphore, #tpu.memory_space<semaphore_mem>>)
    %add3A_327 = arith.constant 48 : i32
    %add3A_328 = arith.addi %mul3A_2, %add3A_327 : i32
    %dma_wait3A_329 = arith.constant 0 : i32
    %dma_wait3A_330 = arith.constant 0 : i32
    %dma_wait3A_331 = arith.constant 0 : i32
    %dma_wait3A_332 = arith.constant 0 : i32
    %dma_wait3A_333 = tpu.memref_slice %arg6[%dma_wait3A_329, %dma_wait3A_331, %dma_wait3A_332] : memref<3x16x4096xi16, #tpu.memory_space<vmem>> -> memref<1x16x4096xi16, #tpu.memory_space<vmem>>
    %dma_wait3A_334 = tpu.memref_squeeze %dma_wait3A_333 : memref<1x16x4096xi16, #tpu.memory_space<vmem>> -> memref<16x4096xi16, #tpu.memory_space<vmem>>
    %dma_wait3A_335 = arith.constant 0 : i32
    %dma_wait3A_336 = tpu.memref_slice %arg4[%add3A_328, %dma_wait3A_335] : memref<4096x4096xi16, #tpu.memory_space<hbm>> -> memref<16x4096xi16, #tpu.memory_space<hbm>>
    %dma_wait3A_337 = tpu.memref_slice %arg8[%dma_wait3A_330] : memref<3x!tpu.dma_semaphore, #tpu.memory_space<semaphore_mem>> -> memref<1x!tpu.dma_semaphore, #tpu.memory_space<semaphore_mem>>
    %dma_wait3A_338 = tpu.memref_squeeze %dma_wait3A_337 : memref<1x!tpu.dma_semaphore, #tpu.memory_space<semaphore_mem>> -> memref<!tpu.dma_semaphore, #tpu.memory_space<semaphore_mem>>
    %dma_wait3A_339 = arith.constant 0 : i32
    %dma_wait3A_340 = tpu.memref_slice %arg4[%add3A_328, %dma_wait3A_339] : memref<4096x4096xi16, #tpu.memory_space<hbm>> -> memref<16x4096xi16, #tpu.memory_space<hbm>>
    %dma_wait3A_341 = arith.constant 0 : i32
    %dma_wait3A_342 = arith.constant 0 : i32
    %dma_wait3A_343 = tpu.memref_slice %arg6[%dma_wait3A_329, %dma_wait3A_341, %dma_wait3A_342] : memref<3x16x4096xi16, #tpu.memory_space<vmem>> -> memref<1x16x4096xi16, #tpu.memory_space<vmem>>
    %dma_wait3A_344 = tpu.memref_squeeze %dma_wait3A_343 : memref<1x16x4096xi16, #tpu.memory_space<vmem>> -> memref<16x4096xi16, #tpu.memory_space<vmem>>
    tpu.wait_dma2 semaphore(%dma_wait3A_338 : memref<!tpu.dma_semaphore, #tpu.memory_space<semaphore_mem>>) src(%dma_wait3A_344 : memref<16x4096xi16, #tpu.memory_space<vmem>>) dst(%dma_wait3A_340 : memref<16x4096xi16, #tpu.memory_space<hbm>>)
    %add3A_345 = arith.constant 96 : i32
    %add3A_346 = arith.addi %mul3A_2, %add3A_345 : i32
    %dma_start3A_347 = arith.constant 0 : i32
    %dma_start3A_348 = arith.constant 0 : i32
    %dma_start3A_349 = arith.constant 0 : i32
    %dma_start3A_350 = arith.constant 0 : i32
    %dma_start3A_351 = tpu.memref_slice %arg6[%dma_start3A_347, %dma_start3A_349, %dma_start3A_350] : memref<3x16x4096xi16, #tpu.memory_space<vmem>> -> memref<1x16x4096xi16, #tpu.memory_space<vmem>>
    %dma_start3A_352 = tpu.memref_squeeze %dma_start3A_351 : memref<1x16x4096xi16, #tpu.memory_space<vmem>> -> memref<16x4096xi16, #tpu.memory_space<vmem>>
    %dma_start3A_353 = tpu.memref_bitcast %arg2 : memref<4096x4096xf16, #tpu.memory_space<hbm>> -> memref<4096x4096xi16, #tpu.memory_space<hbm>>
    %dma_start3A_354 = arith.constant 0 : i32
    %dma_start3A_355 = tpu.memref_slice %dma_start3A_353[%add3A_346, %dma_start3A_354] : memref<4096x4096xi16, #tpu.memory_space<hbm>> -> memref<16x4096xi16, #tpu.memory_space<hbm>>
    %dma_start3A_356 = tpu.memref_slice %arg7[%dma_start3A_348] : memref<3x!tpu.dma_semaphore, #tpu.memory_space<semaphore_mem>> -> memref<1x!tpu.dma_semaphore, #tpu.memory_space<semaphore_mem>>
    %dma_start3A_357 = tpu.memref_squeeze %dma_start3A_356 : memref<1x!tpu.dma_semaphore, #tpu.memory_space<semaphore_mem>> -> memref<!tpu.dma_semaphore, #tpu.memory_space<semaphore_mem>>
    %dma_start3A_358 = arith.constant 0 : i32
    %dma_start3A_359 = arith.constant 0 : i32
    %dma_start3A_360 = tpu.memref_slice %arg6[%dma_start3A_347, %dma_start3A_358, %dma_start3A_359] : memref<3x16x4096xi16, #tpu.memory_space<vmem>> -> memref<1x16x4096xi16, #tpu.memory_space<vmem>>
    %dma_start3A_361 = tpu.memref_squeeze %dma_start3A_360 : memref<1x16x4096xi16, #tpu.memory_space<vmem>> -> memref<16x4096xi16, #tpu.memory_space<vmem>>
    %dma_start3A_362 = tpu.memref_bitcast %arg2 : memref<4096x4096xf16, #tpu.memory_space<hbm>> -> memref<4096x4096xi16, #tpu.memory_space<hbm>>
    %dma_start3A_363 = arith.constant 0 : i32
    %dma_start3A_364 = tpu.memref_slice %dma_start3A_362[%add3A_346, %dma_start3A_363] : memref<4096x4096xi16, #tpu.memory_space<hbm>> -> memref<16x4096xi16, #tpu.memory_space<hbm>>
    tpu.enqueue_dma source(%dma_start3A_364 : memref<16x4096xi16, #tpu.memory_space<hbm>>) target(%dma_start3A_361 : memref<16x4096xi16, #tpu.memory_space<vmem>>) target_semaphore(%dma_start3A_357 : memref<!tpu.dma_semaphore, #tpu.memory_space<semaphore_mem>>)
    %add3A_365 = arith.constant 64 : i32
    %add3A_366 = arith.addi %mul3A_2, %add3A_365 : i32
    %dma_wait3A_367 = arith.constant 1 : i32
    %dma_wait3A_368 = arith.constant 1 : i32
    %dma_wait3A_369 = arith.constant 0 : i32
    %dma_wait3A_370 = arith.constant 0 : i32
    %dma_wait3A_371 = tpu.memref_slice %arg6[%dma_wait3A_367, %dma_wait3A_369, %dma_wait3A_370] : memref<3x16x4096xi16, #tpu.memory_space<vmem>> -> memref<1x16x4096xi16, #tpu.memory_space<vmem>>
    %dma_wait3A_372 = tpu.memref_squeeze %dma_wait3A_371 : memref<1x16x4096xi16, #tpu.memory_space<vmem>> -> memref<16x4096xi16, #tpu.memory_space<vmem>>
    %dma_wait3A_373 = tpu.memref_bitcast %arg2 : memref<4096x4096xf16, #tpu.memory_space<hbm>> -> memref<4096x4096xi16, #tpu.memory_space<hbm>>
    %dma_wait3A_374 = arith.constant 0 : i32
    %dma_wait3A_375 = tpu.memref_slice %dma_wait3A_373[%add3A_366, %dma_wait3A_374] : memref<4096x4096xi16, #tpu.memory_space<hbm>> -> memref<16x4096xi16, #tpu.memory_space<hbm>>
    %dma_wait3A_376 = tpu.memref_slice %arg7[%dma_wait3A_368] : memref<3x!tpu.dma_semaphore, #tpu.memory_space<semaphore_mem>> -> memref<1x!tpu.dma_semaphore, #tpu.memory_space<semaphore_mem>>
    %dma_wait3A_377 = tpu.memref_squeeze %dma_wait3A_376 : memref<1x!tpu.dma_semaphore, #tpu.memory_space<semaphore_mem>> -> memref<!tpu.dma_semaphore, #tpu.memory_space<semaphore_mem>>
    %dma_wait3A_378 = arith.constant 0 : i32
    %dma_wait3A_379 = arith.constant 0 : i32
    %dma_wait3A_380 = tpu.memref_slice %arg6[%dma_wait3A_367, %dma_wait3A_378, %dma_wait3A_379] : memref<3x16x4096xi16, #tpu.memory_space<vmem>> -> memref<1x16x4096xi16, #tpu.memory_space<vmem>>
    %dma_wait3A_381 = tpu.memref_squeeze %dma_wait3A_380 : memref<1x16x4096xi16, #tpu.memory_space<vmem>> -> memref<16x4096xi16, #tpu.memory_space<vmem>>
    %dma_wait3A_382 = tpu.memref_bitcast %arg2 : memref<4096x4096xf16, #tpu.memory_space<hbm>> -> memref<4096x4096xi16, #tpu.memory_space<hbm>>
    %dma_wait3A_383 = arith.constant 0 : i32
    %dma_wait3A_384 = tpu.memref_slice %dma_wait3A_382[%add3A_366, %dma_wait3A_383] : memref<4096x4096xi16, #tpu.memory_space<hbm>> -> memref<16x4096xi16, #tpu.memory_space<hbm>>
    tpu.wait_dma2 semaphore(%dma_wait3A_377 : memref<!tpu.dma_semaphore, #tpu.memory_space<semaphore_mem>>) src(%dma_wait3A_384 : memref<16x4096xi16, #tpu.memory_space<hbm>>) dst(%dma_wait3A_381 : memref<16x4096xi16, #tpu.memory_space<vmem>>)
    %add3A_385 = arith.constant 64 : i32
    %add3A_386 = arith.addi %mul3A_2, %add3A_385 : i32
    %dma_start3A_387 = arith.constant 1 : i32
    %dma_start3A_388 = arith.constant 1 : i32
    %dma_start3A_389 = arith.constant 0 : i32
    %dma_start3A_390 = arith.constant 0 : i32
    %dma_start3A_391 = tpu.memref_slice %arg6[%dma_start3A_387, %dma_start3A_389, %dma_start3A_390] : memref<3x16x4096xi16, #tpu.memory_space<vmem>> -> memref<1x16x4096xi16, #tpu.memory_space<vmem>>
    %dma_start3A_392 = tpu.memref_squeeze %dma_start3A_391 : memref<1x16x4096xi16, #tpu.memory_space<vmem>> -> memref<16x4096xi16, #tpu.memory_space<vmem>>
    %dma_start3A_393 = arith.constant 0 : i32
    %dma_start3A_394 = tpu.memref_slice %arg4[%add3A_386, %dma_start3A_393] : memref<4096x4096xi16, #tpu.memory_space<hbm>> -> memref<16x4096xi16, #tpu.memory_space<hbm>>
    %dma_start3A_395 = tpu.memref_slice %arg8[%dma_start3A_388] : memref<3x!tpu.dma_semaphore, #tpu.memory_space<semaphore_mem>> -> memref<1x!tpu.dma_semaphore, #tpu.memory_space<semaphore_mem>>
    %dma_start3A_396 = tpu.memref_squeeze %dma_start3A_395 : memref<1x!tpu.dma_semaphore, #tpu.memory_space<semaphore_mem>> -> memref<!tpu.dma_semaphore, #tpu.memory_space<semaphore_mem>>
    %dma_start3A_397 = arith.constant 0 : i32
    %dma_start3A_398 = tpu.memref_slice %arg4[%add3A_386, %dma_start3A_397] : memref<4096x4096xi16, #tpu.memory_space<hbm>> -> memref<16x4096xi16, #tpu.memory_space<hbm>>
    %dma_start3A_399 = arith.constant 0 : i32
    %dma_start3A_400 = arith.constant 0 : i32
    %dma_start3A_401 = tpu.memref_slice %arg6[%dma_start3A_387, %dma_start3A_399, %dma_start3A_400] : memref<3x16x4096xi16, #tpu.memory_space<vmem>> -> memref<1x16x4096xi16, #tpu.memory_space<vmem>>
    %dma_start3A_402 = tpu.memref_squeeze %dma_start3A_401 : memref<1x16x4096xi16, #tpu.memory_space<vmem>> -> memref<16x4096xi16, #tpu.memory_space<vmem>>
    tpu.enqueue_dma source(%dma_start3A_402 : memref<16x4096xi16, #tpu.memory_space<vmem>>) target(%dma_start3A_398 : memref<16x4096xi16, #tpu.memory_space<hbm>>) target_semaphore(%dma_start3A_396 : memref<!tpu.dma_semaphore, #tpu.memory_space<semaphore_mem>>)
    %add3A_403 = arith.constant 64 : i32
    %add3A_404 = arith.addi %mul3A_2, %add3A_403 : i32
    %dma_wait3A_405 = arith.constant 1 : i32
    %dma_wait3A_406 = arith.constant 1 : i32
    %dma_wait3A_407 = arith.constant 0 : i32
    %dma_wait3A_408 = arith.constant 0 : i32
    %dma_wait3A_409 = tpu.memref_slice %arg6[%dma_wait3A_405, %dma_wait3A_407, %dma_wait3A_408] : memref<3x16x4096xi16, #tpu.memory_space<vmem>> -> memref<1x16x4096xi16, #tpu.memory_space<vmem>>
    %dma_wait3A_410 = tpu.memref_squeeze %dma_wait3A_409 : memref<1x16x4096xi16, #tpu.memory_space<vmem>> -> memref<16x4096xi16, #tpu.memory_space<vmem>>
    %dma_wait3A_411 = arith.constant 0 : i32
    %dma_wait3A_412 = tpu.memref_slice %arg4[%add3A_404, %dma_wait3A_411] : memref<4096x4096xi16, #tpu.memory_space<hbm>> -> memref<16x4096xi16, #tpu.memory_space<hbm>>
    %dma_wait3A_413 = tpu.memref_slice %arg8[%dma_wait3A_406] : memref<3x!tpu.dma_semaphore, #tpu.memory_space<semaphore_mem>> -> memref<1x!tpu.dma_semaphore, #tpu.memory_space<semaphore_mem>>
    %dma_wait3A_414 = tpu.memref_squeeze %dma_wait3A_413 : memref<1x!tpu.dma_semaphore, #tpu.memory_space<semaphore_mem>> -> memref<!tpu.dma_semaphore, #tpu.memory_space<semaphore_mem>>
    %dma_wait3A_415 = arith.constant 0 : i32
    %dma_wait3A_416 = tpu.memref_slice %arg4[%add3A_404, %dma_wait3A_415] : memref<4096x4096xi16, #tpu.memory_space<hbm>> -> memref<16x4096xi16, #tpu.memory_space<hbm>>
    %dma_wait3A_417 = arith.constant 0 : i32
    %dma_wait3A_418 = arith.constant 0 : i32
    %dma_wait3A_419 = tpu.memref_slice %arg6[%dma_wait3A_405, %dma_wait3A_417, %dma_wait3A_418] : memref<3x16x4096xi16, #tpu.memory_space<vmem>> -> memref<1x16x4096xi16, #tpu.memory_space<vmem>>
    %dma_wait3A_420 = tpu.memref_squeeze %dma_wait3A_419 : memref<1x16x4096xi16, #tpu.memory_space<vmem>> -> memref<16x4096xi16, #tpu.memory_space<vmem>>
    tpu.wait_dma2 semaphore(%dma_wait3A_414 : memref<!tpu.dma_semaphore, #tpu.memory_space<semaphore_mem>>) src(%dma_wait3A_420 : memref<16x4096xi16, #tpu.memory_space<vmem>>) dst(%dma_wait3A_416 : memref<16x4096xi16, #tpu.memory_space<hbm>>)
    %add3A_421 = arith.constant 112 : i32
    %add3A_422 = arith.addi %mul3A_2, %add3A_421 : i32
    %dma_start3A_423 = arith.constant 1 : i32
    %dma_start3A_424 = arith.constant 1 : i32
    %dma_start3A_425 = arith.constant 0 : i32
    %dma_start3A_426 = arith.constant 0 : i32
    %dma_start3A_427 = tpu.memref_slice %arg6[%dma_start3A_423, %dma_start3A_425, %dma_start3A_426] : memref<3x16x4096xi16, #tpu.memory_space<vmem>> -> memref<1x16x4096xi16, #tpu.memory_space<vmem>>
    %dma_start3A_428 = tpu.memref_squeeze %dma_start3A_427 : memref<1x16x4096xi16, #tpu.memory_space<vmem>> -> memref<16x4096xi16, #tpu.memory_space<vmem>>
    %dma_start3A_429 = tpu.memref_bitcast %arg2 : memref<4096x4096xf16, #tpu.memory_space<hbm>> -> memref<4096x4096xi16, #tpu.memory_space<hbm>>
    %dma_start3A_430 = arith.constant 0 : i32
    %dma_start3A_431 = tpu.memref_slice %dma_start3A_429[%add3A_422, %dma_start3A_430] : memref<4096x4096xi16, #tpu.memory_space<hbm>> -> memref<16x4096xi16, #tpu.memory_space<hbm>>
    %dma_start3A_432 = tpu.memref_slice %arg7[%dma_start3A_424] : memref<3x!tpu.dma_semaphore, #tpu.memory_space<semaphore_mem>> -> memref<1x!tpu.dma_semaphore, #tpu.memory_space<semaphore_mem>>
    %dma_start3A_433 = tpu.memref_squeeze %dma_start3A_432 : memref<1x!tpu.dma_semaphore, #tpu.memory_space<semaphore_mem>> -> memref<!tpu.dma_semaphore, #tpu.memory_space<semaphore_mem>>
    %dma_start3A_434 = arith.constant 0 : i32
    %dma_start3A_435 = arith.constant 0 : i32
    %dma_start3A_436 = tpu.memref_slice %arg6[%dma_start3A_423, %dma_start3A_434, %dma_start3A_435] : memref<3x16x4096xi16, #tpu.memory_space<vmem>> -> memref<1x16x4096xi16, #tpu.memory_space<vmem>>
    %dma_start3A_437 = tpu.memref_squeeze %dma_start3A_436 : memref<1x16x4096xi16, #tpu.memory_space<vmem>> -> memref<16x4096xi16, #tpu.memory_space<vmem>>
    %dma_start3A_438 = tpu.memref_bitcast %arg2 : memref<4096x4096xf16, #tpu.memory_space<hbm>> -> memref<4096x4096xi16, #tpu.memory_space<hbm>>
    %dma_start3A_439 = arith.constant 0 : i32
    %dma_start3A_440 = tpu.memref_slice %dma_start3A_438[%add3A_422, %dma_start3A_439] : memref<4096x4096xi16, #tpu.memory_space<hbm>> -> memref<16x4096xi16, #tpu.memory_space<hbm>>
    tpu.enqueue_dma source(%dma_start3A_440 : memref<16x4096xi16, #tpu.memory_space<hbm>>) target(%dma_start3A_437 : memref<16x4096xi16, #tpu.memory_space<vmem>>) target_semaphore(%dma_start3A_433 : memref<!tpu.dma_semaphore, #tpu.memory_space<semaphore_mem>>)
    %add3A_441 = arith.constant 80 : i32
    %add3A_442 = arith.addi %mul3A_2, %add3A_441 : i32
    %dma_wait3A_443 = arith.constant 2 : i32
    %dma_wait3A_444 = arith.constant 2 : i32
    %dma_wait3A_445 = arith.constant 0 : i32
    %dma_wait3A_446 = arith.constant 0 : i32
    %dma_wait3A_447 = tpu.memref_slice %arg6[%dma_wait3A_443, %dma_wait3A_445, %dma_wait3A_446] : memref<3x16x4096xi16, #tpu.memory_space<vmem>> -> memref<1x16x4096xi16, #tpu.memory_space<vmem>>
    %dma_wait3A_448 = tpu.memref_squeeze %dma_wait3A_447 : memref<1x16x4096xi16, #tpu.memory_space<vmem>> -> memref<16x4096xi16, #tpu.memory_space<vmem>>
    %dma_wait3A_449 = tpu.memref_bitcast %arg2 : memref<4096x4096xf16, #tpu.memory_space<hbm>> -> memref<4096x4096xi16, #tpu.memory_space<hbm>>
    %dma_wait3A_450 = arith.constant 0 : i32
    %dma_wait3A_451 = tpu.memref_slice %dma_wait3A_449[%add3A_442, %dma_wait3A_450] : memref<4096x4096xi16, #tpu.memory_space<hbm>> -> memref<16x4096xi16, #tpu.memory_space<hbm>>
    %dma_wait3A_452 = tpu.memref_slice %arg7[%dma_wait3A_444] : memref<3x!tpu.dma_semaphore, #tpu.memory_space<semaphore_mem>> -> memref<1x!tpu.dma_semaphore, #tpu.memory_space<semaphore_mem>>
    %dma_wait3A_453 = tpu.memref_squeeze %dma_wait3A_452 : memref<1x!tpu.dma_semaphore, #tpu.memory_space<semaphore_mem>> -> memref<!tpu.dma_semaphore, #tpu.memory_space<semaphore_mem>>
    %dma_wait3A_454 = arith.constant 0 : i32
    %dma_wait3A_455 = arith.constant 0 : i32
    %dma_wait3A_456 = tpu.memref_slice %arg6[%dma_wait3A_443, %dma_wait3A_454, %dma_wait3A_455] : memref<3x16x4096xi16, #tpu.memory_space<vmem>> -> memref<1x16x4096xi16, #tpu.memory_space<vmem>>
    %dma_wait3A_457 = tpu.memref_squeeze %dma_wait3A_456 : memref<1x16x4096xi16, #tpu.memory_space<vmem>> -> memref<16x4096xi16, #tpu.memory_space<vmem>>
    %dma_wait3A_458 = tpu.memref_bitcast %arg2 : memref<4096x4096xf16, #tpu.memory_space<hbm>> -> memref<4096x4096xi16, #tpu.memory_space<hbm>>
    %dma_wait3A_459 = arith.constant 0 : i32
    %dma_wait3A_460 = tpu.memref_slice %dma_wait3A_458[%add3A_442, %dma_wait3A_459] : memref<4096x4096xi16, #tpu.memory_space<hbm>> -> memref<16x4096xi16, #tpu.memory_space<hbm>>
    tpu.wait_dma2 semaphore(%dma_wait3A_453 : memref<!tpu.dma_semaphore, #tpu.memory_space<semaphore_mem>>) src(%dma_wait3A_460 : memref<16x4096xi16, #tpu.memory_space<hbm>>) dst(%dma_wait3A_457 : memref<16x4096xi16, #tpu.memory_space<vmem>>)
    %add3A_461 = arith.constant 80 : i32
    %add3A_462 = arith.addi %mul3A_2, %add3A_461 : i32
    %dma_start3A_463 = arith.constant 2 : i32
    %dma_start3A_464 = arith.constant 2 : i32
    %dma_start3A_465 = arith.constant 0 : i32
    %dma_start3A_466 = arith.constant 0 : i32
    %dma_start3A_467 = tpu.memref_slice %arg6[%dma_start3A_463, %dma_start3A_465, %dma_start3A_466] : memref<3x16x4096xi16, #tpu.memory_space<vmem>> -> memref<1x16x4096xi16, #tpu.memory_space<vmem>>
    %dma_start3A_468 = tpu.memref_squeeze %dma_start3A_467 : memref<1x16x4096xi16, #tpu.memory_space<vmem>> -> memref<16x4096xi16, #tpu.memory_space<vmem>>
    %dma_start3A_469 = arith.constant 0 : i32
    %dma_start3A_470 = tpu.memref_slice %arg4[%add3A_462, %dma_start3A_469] : memref<4096x4096xi16, #tpu.memory_space<hbm>> -> memref<16x4096xi16, #tpu.memory_space<hbm>>
    %dma_start3A_471 = tpu.memref_slice %arg8[%dma_start3A_464] : memref<3x!tpu.dma_semaphore, #tpu.memory_space<semaphore_mem>> -> memref<1x!tpu.dma_semaphore, #tpu.memory_space<semaphore_mem>>
    %dma_start3A_472 = tpu.memref_squeeze %dma_start3A_471 : memref<1x!tpu.dma_semaphore, #tpu.memory_space<semaphore_mem>> -> memref<!tpu.dma_semaphore, #tpu.memory_space<semaphore_mem>>
    %dma_start3A_473 = arith.constant 0 : i32
    %dma_start3A_474 = tpu.memref_slice %arg4[%add3A_462, %dma_start3A_473] : memref<4096x4096xi16, #tpu.memory_space<hbm>> -> memref<16x4096xi16, #tpu.memory_space<hbm>>
    %dma_start3A_475 = arith.constant 0 : i32
    %dma_start3A_476 = arith.constant 0 : i32
    %dma_start3A_477 = tpu.memref_slice %arg6[%dma_start3A_463, %dma_start3A_475, %dma_start3A_476] : memref<3x16x4096xi16, #tpu.memory_space<vmem>> -> memref<1x16x4096xi16, #tpu.memory_space<vmem>>
    %dma_start3A_478 = tpu.memref_squeeze %dma_start3A_477 : memref<1x16x4096xi16, #tpu.memory_space<vmem>> -> memref<16x4096xi16, #tpu.memory_space<vmem>>
    tpu.enqueue_dma source(%dma_start3A_478 : memref<16x4096xi16, #tpu.memory_space<vmem>>) target(%dma_start3A_474 : memref<16x4096xi16, #tpu.memory_space<hbm>>) target_semaphore(%dma_start3A_472 : memref<!tpu.dma_semaphore, #tpu.memory_space<semaphore_mem>>)
    %add3A_479 = arith.constant 96 : i32
    %add3A_480 = arith.addi %mul3A_2, %add3A_479 : i32
    %dma_wait3A_481 = arith.constant 0 : i32
    %dma_wait3A_482 = arith.constant 0 : i32
    %dma_wait3A_483 = arith.constant 0 : i32
    %dma_wait3A_484 = arith.constant 0 : i32
    %dma_wait3A_485 = tpu.memref_slice %arg6[%dma_wait3A_481, %dma_wait3A_483, %dma_wait3A_484] : memref<3x16x4096xi16, #tpu.memory_space<vmem>> -> memref<1x16x4096xi16, #tpu.memory_space<vmem>>
    %dma_wait3A_486 = tpu.memref_squeeze %dma_wait3A_485 : memref<1x16x4096xi16, #tpu.memory_space<vmem>> -> memref<16x4096xi16, #tpu.memory_space<vmem>>
    %dma_wait3A_487 = tpu.memref_bitcast %arg2 : memref<4096x4096xf16, #tpu.memory_space<hbm>> -> memref<4096x4096xi16, #tpu.memory_space<hbm>>
    %dma_wait3A_488 = arith.constant 0 : i32
    %dma_wait3A_489 = tpu.memref_slice %dma_wait3A_487[%add3A_480, %dma_wait3A_488] : memref<4096x4096xi16, #tpu.memory_space<hbm>> -> memref<16x4096xi16, #tpu.memory_space<hbm>>
    %dma_wait3A_490 = tpu.memref_slice %arg7[%dma_wait3A_482] : memref<3x!tpu.dma_semaphore, #tpu.memory_space<semaphore_mem>> -> memref<1x!tpu.dma_semaphore, #tpu.memory_space<semaphore_mem>>
    %dma_wait3A_491 = tpu.memref_squeeze %dma_wait3A_490 : memref<1x!tpu.dma_semaphore, #tpu.memory_space<semaphore_mem>> -> memref<!tpu.dma_semaphore, #tpu.memory_space<semaphore_mem>>
    %dma_wait3A_492 = arith.constant 0 : i32
    %dma_wait3A_493 = arith.constant 0 : i32
    %dma_wait3A_494 = tpu.memref_slice %arg6[%dma_wait3A_481, %dma_wait3A_492, %dma_wait3A_493] : memref<3x16x4096xi16, #tpu.memory_space<vmem>> -> memref<1x16x4096xi16, #tpu.memory_space<vmem>>
    %dma_wait3A_495 = tpu.memref_squeeze %dma_wait3A_494 : memref<1x16x4096xi16, #tpu.memory_space<vmem>> -> memref<16x4096xi16, #tpu.memory_space<vmem>>
    %dma_wait3A_496 = tpu.memref_bitcast %arg2 : memref<4096x4096xf16, #tpu.memory_space<hbm>> -> memref<4096x4096xi16, #tpu.memory_space<hbm>>
    %dma_wait3A_497 = arith.constant 0 : i32
    %dma_wait3A_498 = tpu.memref_slice %dma_wait3A_496[%add3A_480, %dma_wait3A_497] : memref<4096x4096xi16, #tpu.memory_space<hbm>> -> memref<16x4096xi16, #tpu.memory_space<hbm>>
    tpu.wait_dma2 semaphore(%dma_wait3A_491 : memref<!tpu.dma_semaphore, #tpu.memory_space<semaphore_mem>>) src(%dma_wait3A_498 : memref<16x4096xi16, #tpu.memory_space<hbm>>) dst(%dma_wait3A_495 : memref<16x4096xi16, #tpu.memory_space<vmem>>)
    %add3A_499 = arith.constant 96 : i32
    %add3A_500 = arith.addi %mul3A_2, %add3A_499 : i32
    %dma_start3A_501 = arith.constant 0 : i32
    %dma_start3A_502 = arith.constant 0 : i32
    %dma_start3A_503 = arith.constant 0 : i32
    %dma_start3A_504 = arith.constant 0 : i32
    %dma_start3A_505 = tpu.memref_slice %arg6[%dma_start3A_501, %dma_start3A_503, %dma_start3A_504] : memref<3x16x4096xi16, #tpu.memory_space<vmem>> -> memref<1x16x4096xi16, #tpu.memory_space<vmem>>
    %dma_start3A_506 = tpu.memref_squeeze %dma_start3A_505 : memref<1x16x4096xi16, #tpu.memory_space<vmem>> -> memref<16x4096xi16, #tpu.memory_space<vmem>>
    %dma_start3A_507 = arith.constant 0 : i32
    %dma_start3A_508 = tpu.memref_slice %arg4[%add3A_500, %dma_start3A_507] : memref<4096x4096xi16, #tpu.memory_space<hbm>> -> memref<16x4096xi16, #tpu.memory_space<hbm>>
    %dma_start3A_509 = tpu.memref_slice %arg8[%dma_start3A_502] : memref<3x!tpu.dma_semaphore, #tpu.memory_space<semaphore_mem>> -> memref<1x!tpu.dma_semaphore, #tpu.memory_space<semaphore_mem>>
    %dma_start3A_510 = tpu.memref_squeeze %dma_start3A_509 : memref<1x!tpu.dma_semaphore, #tpu.memory_space<semaphore_mem>> -> memref<!tpu.dma_semaphore, #tpu.memory_space<semaphore_mem>>
    %dma_start3A_511 = arith.constant 0 : i32
    %dma_start3A_512 = tpu.memref_slice %arg4[%add3A_500, %dma_start3A_511] : memref<4096x4096xi16, #tpu.memory_space<hbm>> -> memref<16x4096xi16, #tpu.memory_space<hbm>>
    %dma_start3A_513 = arith.constant 0 : i32
    %dma_start3A_514 = arith.constant 0 : i32
    %dma_start3A_515 = tpu.memref_slice %arg6[%dma_start3A_501, %dma_start3A_513, %dma_start3A_514] : memref<3x16x4096xi16, #tpu.memory_space<vmem>> -> memref<1x16x4096xi16, #tpu.memory_space<vmem>>
    %dma_start3A_516 = tpu.memref_squeeze %dma_start3A_515 : memref<1x16x4096xi16, #tpu.memory_space<vmem>> -> memref<16x4096xi16, #tpu.memory_space<vmem>>
    tpu.enqueue_dma source(%dma_start3A_516 : memref<16x4096xi16, #tpu.memory_space<vmem>>) target(%dma_start3A_512 : memref<16x4096xi16, #tpu.memory_space<hbm>>) target_semaphore(%dma_start3A_510 : memref<!tpu.dma_semaphore, #tpu.memory_space<semaphore_mem>>)
    %add3A_517 = arith.constant 112 : i32
    %add3A_518 = arith.addi %mul3A_2, %add3A_517 : i32
    %dma_wait3A_519 = arith.constant 1 : i32
    %dma_wait3A_520 = arith.constant 1 : i32
    %dma_wait3A_521 = arith.constant 0 : i32
    %dma_wait3A_522 = arith.constant 0 : i32
    %dma_wait3A_523 = tpu.memref_slice %arg6[%dma_wait3A_519, %dma_wait3A_521, %dma_wait3A_522] : memref<3x16x4096xi16, #tpu.memory_space<vmem>> -> memref<1x16x4096xi16, #tpu.memory_space<vmem>>
    %dma_wait3A_524 = tpu.memref_squeeze %dma_wait3A_523 : memref<1x16x4096xi16, #tpu.memory_space<vmem>> -> memref<16x4096xi16, #tpu.memory_space<vmem>>
    %dma_wait3A_525 = tpu.memref_bitcast %arg2 : memref<4096x4096xf16, #tpu.memory_space<hbm>> -> memref<4096x4096xi16, #tpu.memory_space<hbm>>
    %dma_wait3A_526 = arith.constant 0 : i32
    %dma_wait3A_527 = tpu.memref_slice %dma_wait3A_525[%add3A_518, %dma_wait3A_526] : memref<4096x4096xi16, #tpu.memory_space<hbm>> -> memref<16x4096xi16, #tpu.memory_space<hbm>>
    %dma_wait3A_528 = tpu.memref_slice %arg7[%dma_wait3A_520] : memref<3x!tpu.dma_semaphore, #tpu.memory_space<semaphore_mem>> -> memref<1x!tpu.dma_semaphore, #tpu.memory_space<semaphore_mem>>
    %dma_wait3A_529 = tpu.memref_squeeze %dma_wait3A_528 : memref<1x!tpu.dma_semaphore, #tpu.memory_space<semaphore_mem>> -> memref<!tpu.dma_semaphore, #tpu.memory_space<semaphore_mem>>
    %dma_wait3A_530 = arith.constant 0 : i32
    %dma_wait3A_531 = arith.constant 0 : i32
    %dma_wait3A_532 = tpu.memref_slice %arg6[%dma_wait3A_519, %dma_wait3A_530, %dma_wait3A_531] : memref<3x16x4096xi16, #tpu.memory_space<vmem>> -> memref<1x16x4096xi16, #tpu.memory_space<vmem>>
    %dma_wait3A_533 = tpu.memref_squeeze %dma_wait3A_532 : memref<1x16x4096xi16, #tpu.memory_space<vmem>> -> memref<16x4096xi16, #tpu.memory_space<vmem>>
    %dma_wait3A_534 = tpu.memref_bitcast %arg2 : memref<4096x4096xf16, #tpu.memory_space<hbm>> -> memref<4096x4096xi16, #tpu.memory_space<hbm>>
    %dma_wait3A_535 = arith.constant 0 : i32
    %dma_wait3A_536 = tpu.memref_slice %dma_wait3A_534[%add3A_518, %dma_wait3A_535] : memref<4096x4096xi16, #tpu.memory_space<hbm>> -> memref<16x4096xi16, #tpu.memory_space<hbm>>
    tpu.wait_dma2 semaphore(%dma_wait3A_529 : memref<!tpu.dma_semaphore, #tpu.memory_space<semaphore_mem>>) src(%dma_wait3A_536 : memref<16x4096xi16, #tpu.memory_space<hbm>>) dst(%dma_wait3A_533 : memref<16x4096xi16, #tpu.memory_space<vmem>>)
    %add3A_537 = arith.constant 112 : i32
    %add3A_538 = arith.addi %mul3A_2, %add3A_537 : i32
    %dma_start3A_539 = arith.constant 1 : i32
    %dma_start3A_540 = arith.constant 1 : i32
    %dma_start3A_541 = arith.constant 0 : i32
    %dma_start3A_542 = arith.constant 0 : i32
    %dma_start3A_543 = tpu.memref_slice %arg6[%dma_start3A_539, %dma_start3A_541, %dma_start3A_542] : memref<3x16x4096xi16, #tpu.memory_space<vmem>> -> memref<1x16x4096xi16, #tpu.memory_space<vmem>>
    %dma_start3A_544 = tpu.memref_squeeze %dma_start3A_543 : memref<1x16x4096xi16, #tpu.memory_space<vmem>> -> memref<16x4096xi16, #tpu.memory_space<vmem>>
    %dma_start3A_545 = arith.constant 0 : i32
    %dma_start3A_546 = tpu.memref_slice %arg4[%add3A_538, %dma_start3A_545] : memref<4096x4096xi16, #tpu.memory_space<hbm>> -> memref<16x4096xi16, #tpu.memory_space<hbm>>
    %dma_start3A_547 = tpu.memref_slice %arg8[%dma_start3A_540] : memref<3x!tpu.dma_semaphore, #tpu.memory_space<semaphore_mem>> -> memref<1x!tpu.dma_semaphore, #tpu.memory_space<semaphore_mem>>
    %dma_start3A_548 = tpu.memref_squeeze %dma_start3A_547 : memref<1x!tpu.dma_semaphore, #tpu.memory_space<semaphore_mem>> -> memref<!tpu.dma_semaphore, #tpu.memory_space<semaphore_mem>>
    %dma_start3A_549 = arith.constant 0 : i32
    %dma_start3A_550 = tpu.memref_slice %arg4[%add3A_538, %dma_start3A_549] : memref<4096x4096xi16, #tpu.memory_space<hbm>> -> memref<16x4096xi16, #tpu.memory_space<hbm>>
    %dma_start3A_551 = arith.constant 0 : i32
    %dma_start3A_552 = arith.constant 0 : i32
    %dma_start3A_553 = tpu.memref_slice %arg6[%dma_start3A_539, %dma_start3A_551, %dma_start3A_552] : memref<3x16x4096xi16, #tpu.memory_space<vmem>> -> memref<1x16x4096xi16, #tpu.memory_space<vmem>>
    %dma_start3A_554 = tpu.memref_squeeze %dma_start3A_553 : memref<1x16x4096xi16, #tpu.memory_space<vmem>> -> memref<16x4096xi16, #tpu.memory_space<vmem>>
    tpu.enqueue_dma source(%dma_start3A_554 : memref<16x4096xi16, #tpu.memory_space<vmem>>) target(%dma_start3A_550 : memref<16x4096xi16, #tpu.memory_space<hbm>>) target_semaphore(%dma_start3A_548 : memref<!tpu.dma_semaphore, #tpu.memory_space<semaphore_mem>>)
    %add3A_555 = arith.constant 80 : i32
    %add3A_556 = arith.addi %mul3A_2, %add3A_555 : i32
    %dma_wait3A_557 = arith.constant 2 : i32
    %dma_wait3A_558 = arith.constant 2 : i32
    %dma_wait3A_559 = arith.constant 0 : i32
    %dma_wait3A_560 = arith.constant 0 : i32
    %dma_wait3A_561 = tpu.memref_slice %arg6[%dma_wait3A_557, %dma_wait3A_559, %dma_wait3A_560] : memref<3x16x4096xi16, #tpu.memory_space<vmem>> -> memref<1x16x4096xi16, #tpu.memory_space<vmem>>
    %dma_wait3A_562 = tpu.memref_squeeze %dma_wait3A_561 : memref<1x16x4096xi16, #tpu.memory_space<vmem>> -> memref<16x4096xi16, #tpu.memory_space<vmem>>
    %dma_wait3A_563 = arith.constant 0 : i32
    %dma_wait3A_564 = tpu.memref_slice %arg4[%add3A_556, %dma_wait3A_563] : memref<4096x4096xi16, #tpu.memory_space<hbm>> -> memref<16x4096xi16, #tpu.memory_space<hbm>>
    %dma_wait3A_565 = tpu.memref_slice %arg8[%dma_wait3A_558] : memref<3x!tpu.dma_semaphore, #tpu.memory_space<semaphore_mem>> -> memref<1x!tpu.dma_semaphore, #tpu.memory_space<semaphore_mem>>
    %dma_wait3A_566 = tpu.memref_squeeze %dma_wait3A_565 : memref<1x!tpu.dma_semaphore, #tpu.memory_space<semaphore_mem>> -> memref<!tpu.dma_semaphore, #tpu.memory_space<semaphore_mem>>
    %dma_wait3A_567 = arith.constant 0 : i32
    %dma_wait3A_568 = tpu.memref_slice %arg4[%add3A_556, %dma_wait3A_567] : memref<4096x4096xi16, #tpu.memory_space<hbm>> -> memref<16x4096xi16, #tpu.memory_space<hbm>>
    %dma_wait3A_569 = arith.constant 0 : i32
    %dma_wait3A_570 = arith.constant 0 : i32
    %dma_wait3A_571 = tpu.memref_slice %arg6[%dma_wait3A_557, %dma_wait3A_569, %dma_wait3A_570] : memref<3x16x4096xi16, #tpu.memory_space<vmem>> -> memref<1x16x4096xi16, #tpu.memory_space<vmem>>
    %dma_wait3A_572 = tpu.memref_squeeze %dma_wait3A_571 : memref<1x16x4096xi16, #tpu.memory_space<vmem>> -> memref<16x4096xi16, #tpu.memory_space<vmem>>
    tpu.wait_dma2 semaphore(%dma_wait3A_566 : memref<!tpu.dma_semaphore, #tpu.memory_space<semaphore_mem>>) src(%dma_wait3A_572 : memref<16x4096xi16, #tpu.memory_space<vmem>>) dst(%dma_wait3A_568 : memref<16x4096xi16, #tpu.memory_space<hbm>>)
    %add3A_573 = arith.constant 96 : i32
    %add3A_574 = arith.addi %mul3A_2, %add3A_573 : i32
    %dma_wait3A_575 = arith.constant 0 : i32
    %dma_wait3A_576 = arith.constant 0 : i32
    %dma_wait3A_577 = arith.constant 0 : i32
    %dma_wait3A_578 = arith.constant 0 : i32
    %dma_wait3A_579 = tpu.memref_slice %arg6[%dma_wait3A_575, %dma_wait3A_577, %dma_wait3A_578] : memref<3x16x4096xi16, #tpu.memory_space<vmem>> -> memref<1x16x4096xi16, #tpu.memory_space<vmem>>
    %dma_wait3A_580 = tpu.memref_squeeze %dma_wait3A_579 : memref<1x16x4096xi16, #tpu.memory_space<vmem>> -> memref<16x4096xi16, #tpu.memory_space<vmem>>
    %dma_wait3A_581 = arith.constant 0 : i32
    %dma_wait3A_582 = tpu.memref_slice %arg4[%add3A_574, %dma_wait3A_581] : memref<4096x4096xi16, #tpu.memory_space<hbm>> -> memref<16x4096xi16, #tpu.memory_space<hbm>>
    %dma_wait3A_583 = tpu.memref_slice %arg8[%dma_wait3A_576] : memref<3x!tpu.dma_semaphore, #tpu.memory_space<semaphore_mem>> -> memref<1x!tpu.dma_semaphore, #tpu.memory_space<semaphore_mem>>
    %dma_wait3A_584 = tpu.memref_squeeze %dma_wait3A_583 : memref<1x!tpu.dma_semaphore, #tpu.memory_space<semaphore_mem>> -> memref<!tpu.dma_semaphore, #tpu.memory_space<semaphore_mem>>
    %dma_wait3A_585 = arith.constant 0 : i32
    %dma_wait3A_586 = tpu.memref_slice %arg4[%add3A_574, %dma_wait3A_585] : memref<4096x4096xi16, #tpu.memory_space<hbm>> -> memref<16x4096xi16, #tpu.memory_space<hbm>>
    %dma_wait3A_587 = arith.constant 0 : i32
    %dma_wait3A_588 = arith.constant 0 : i32
    %dma_wait3A_589 = tpu.memref_slice %arg6[%dma_wait3A_575, %dma_wait3A_587, %dma_wait3A_588] : memref<3x16x4096xi16, #tpu.memory_space<vmem>> -> memref<1x16x4096xi16, #tpu.memory_space<vmem>>
    %dma_wait3A_590 = tpu.memref_squeeze %dma_wait3A_589 : memref<1x16x4096xi16, #tpu.memory_space<vmem>> -> memref<16x4096xi16, #tpu.memory_space<vmem>>
    tpu.wait_dma2 semaphore(%dma_wait3A_584 : memref<!tpu.dma_semaphore, #tpu.memory_space<semaphore_mem>>) src(%dma_wait3A_590 : memref<16x4096xi16, #tpu.memory_space<vmem>>) dst(%dma_wait3A_586 : memref<16x4096xi16, #tpu.memory_space<hbm>>)
    %add3A_591 = arith.constant 112 : i32
    %add3A_592 = arith.addi %mul3A_2, %add3A_591 : i32
    %dma_wait3A_593 = arith.constant 1 : i32
    %dma_wait3A_594 = arith.constant 1 : i32
    %dma_wait3A_595 = arith.constant 0 : i32
    %dma_wait3A_596 = arith.constant 0 : i32
    %dma_wait3A_597 = tpu.memref_slice %arg6[%dma_wait3A_593, %dma_wait3A_595, %dma_wait3A_596] : memref<3x16x4096xi16, #tpu.memory_space<vmem>> -> memref<1x16x4096xi16, #tpu.memory_space<vmem>>
    %dma_wait3A_598 = tpu.memref_squeeze %dma_wait3A_597 : memref<1x16x4096xi16, #tpu.memory_space<vmem>> -> memref<16x4096xi16, #tpu.memory_space<vmem>>
    %dma_wait3A_599 = arith.constant 0 : i32
    %dma_wait3A_600 = tpu.memref_slice %arg4[%add3A_592, %dma_wait3A_599] : memref<4096x4096xi16, #tpu.memory_space<hbm>> -> memref<16x4096xi16, #tpu.memory_space<hbm>>
    %dma_wait3A_601 = tpu.memref_slice %arg8[%dma_wait3A_594] : memref<3x!tpu.dma_semaphore, #tpu.memory_space<semaphore_mem>> -> memref<1x!tpu.dma_semaphore, #tpu.memory_space<semaphore_mem>>
    %dma_wait3A_602 = tpu.memref_squeeze %dma_wait3A_601 : memref<1x!tpu.dma_semaphore, #tpu.memory_space<semaphore_mem>> -> memref<!tpu.dma_semaphore, #tpu.memory_space<semaphore_mem>>
    %dma_wait3A_603 = arith.constant 0 : i32
    %dma_wait3A_604 = tpu.memref_slice %arg4[%add3A_592, %dma_wait3A_603] : memref<4096x4096xi16, #tpu.memory_space<hbm>> -> memref<16x4096xi16, #tpu.memory_space<hbm>>
    %dma_wait3A_605 = arith.constant 0 : i32
    %dma_wait3A_606 = arith.constant 0 : i32
    %dma_wait3A_607 = tpu.memref_slice %arg6[%dma_wait3A_593, %dma_wait3A_605, %dma_wait3A_606] : memref<3x16x4096xi16, #tpu.memory_space<vmem>> -> memref<1x16x4096xi16, #tpu.memory_space<vmem>>
    %dma_wait3A_608 = tpu.memref_squeeze %dma_wait3A_607 : memref<1x16x4096xi16, #tpu.memory_space<vmem>> -> memref<16x4096xi16, #tpu.memory_space<vmem>>
    tpu.wait_dma2 semaphore(%dma_wait3A_602 : memref<!tpu.dma_semaphore, #tpu.memory_space<semaphore_mem>>) src(%dma_wait3A_608 : memref<16x4096xi16, #tpu.memory_space<vmem>>) dst(%dma_wait3A_604 : memref<16x4096xi16, #tpu.memory_space<hbm>>)
    %mul3A_609 = arith.constant 128 : i32
    %mul3A_610 = arith.muli %add3A, %mul3A_609 : i32
    %add3A_611 = arith.constant 0 : i32
    %add3A_612 = arith.addi %mul3A_610, %add3A_611 : i32
    %dma_start3A_613 = arith.constant 0 : i32
    %dma_start3A_614 = arith.constant 0 : i32
    %dma_start3A_615 = arith.constant 0 : i32
    %dma_start3A_616 = arith.constant 0 : i32
    %dma_start3A_617 = tpu.memref_slice %arg6[%dma_start3A_613, %dma_start3A_615, %dma_start3A_616] : memref<3x16x4096xi16, #tpu.memory_space<vmem>> -> memref<1x16x4096xi16, #tpu.memory_space<vmem>>
    %dma_start3A_618 = tpu.memref_squeeze %dma_start3A_617 : memref<1x16x4096xi16, #tpu.memory_space<vmem>> -> memref<16x4096xi16, #tpu.memory_space<vmem>>
    %dma_start3A_619 = tpu.memref_bitcast %arg3 : memref<4096x4096xf16, #tpu.memory_space<hbm>> -> memref<4096x4096xi16, #tpu.memory_space<hbm>>
    %dma_start3A_620 = arith.constant 0 : i32
    %dma_start3A_621 = tpu.memref_slice %dma_start3A_619[%add3A_612, %dma_start3A_620] : memref<4096x4096xi16, #tpu.memory_space<hbm>> -> memref<16x4096xi16, #tpu.memory_space<hbm>>
    %dma_start3A_622 = tpu.memref_slice %arg7[%dma_start3A_614] : memref<3x!tpu.dma_semaphore, #tpu.memory_space<semaphore_mem>> -> memref<1x!tpu.dma_semaphore, #tpu.memory_space<semaphore_mem>>
    %dma_start3A_623 = tpu.memref_squeeze %dma_start3A_622 : memref<1x!tpu.dma_semaphore, #tpu.memory_space<semaphore_mem>> -> memref<!tpu.dma_semaphore, #tpu.memory_space<semaphore_mem>>
    %dma_start3A_624 = arith.constant 0 : i32
    %dma_start3A_625 = arith.constant 0 : i32
    %dma_start3A_626 = tpu.memref_slice %arg6[%dma_start3A_613, %dma_start3A_624, %dma_start3A_625] : memref<3x16x4096xi16, #tpu.memory_space<vmem>> -> memref<1x16x4096xi16, #tpu.memory_space<vmem>>
    %dma_start3A_627 = tpu.memref_squeeze %dma_start3A_626 : memref<1x16x4096xi16, #tpu.memory_space<vmem>> -> memref<16x4096xi16, #tpu.memory_space<vmem>>
    %dma_start3A_628 = tpu.memref_bitcast %arg3 : memref<4096x4096xf16, #tpu.memory_space<hbm>> -> memref<4096x4096xi16, #tpu.memory_space<hbm>>
    %dma_start3A_629 = arith.constant 0 : i32
    %dma_start3A_630 = tpu.memref_slice %dma_start3A_628[%add3A_612, %dma_start3A_629] : memref<4096x4096xi16, #tpu.memory_space<hbm>> -> memref<16x4096xi16, #tpu.memory_space<hbm>>
    tpu.enqueue_dma source(%dma_start3A_630 : memref<16x4096xi16, #tpu.memory_space<hbm>>) target(%dma_start3A_627 : memref<16x4096xi16, #tpu.memory_space<vmem>>) target_semaphore(%dma_start3A_623 : memref<!tpu.dma_semaphore, #tpu.memory_space<semaphore_mem>>)
    %add3A_631 = arith.constant 16 : i32
    %add3A_632 = arith.addi %mul3A_610, %add3A_631 : i32
    %dma_start3A_633 = arith.constant 1 : i32
    %dma_start3A_634 = arith.constant 1 : i32
    %dma_start3A_635 = arith.constant 0 : i32
    %dma_start3A_636 = arith.constant 0 : i32
    %dma_start3A_637 = tpu.memref_slice %arg6[%dma_start3A_633, %dma_start3A_635, %dma_start3A_636] : memref<3x16x4096xi16, #tpu.memory_space<vmem>> -> memref<1x16x4096xi16, #tpu.memory_space<vmem>>
    %dma_start3A_638 = tpu.memref_squeeze %dma_start3A_637 : memref<1x16x4096xi16, #tpu.memory_space<vmem>> -> memref<16x4096xi16, #tpu.memory_space<vmem>>
    %dma_start3A_639 = tpu.memref_bitcast %arg3 : memref<4096x4096xf16, #tpu.memory_space<hbm>> -> memref<4096x4096xi16, #tpu.memory_space<hbm>>
    %dma_start3A_640 = arith.constant 0 : i32
    %dma_start3A_641 = tpu.memref_slice %dma_start3A_639[%add3A_632, %dma_start3A_640] : memref<4096x4096xi16, #tpu.memory_space<hbm>> -> memref<16x4096xi16, #tpu.memory_space<hbm>>
    %dma_start3A_642 = tpu.memref_slice %arg7[%dma_start3A_634] : memref<3x!tpu.dma_semaphore, #tpu.memory_space<semaphore_mem>> -> memref<1x!tpu.dma_semaphore, #tpu.memory_space<semaphore_mem>>
    %dma_start3A_643 = tpu.memref_squeeze %dma_start3A_642 : memref<1x!tpu.dma_semaphore, #tpu.memory_space<semaphore_mem>> -> memref<!tpu.dma_semaphore, #tpu.memory_space<semaphore_mem>>
    %dma_start3A_644 = arith.constant 0 : i32
    %dma_start3A_645 = arith.constant 0 : i32
    %dma_start3A_646 = tpu.memref_slice %arg6[%dma_start3A_633, %dma_start3A_644, %dma_start3A_645] : memref<3x16x4096xi16, #tpu.memory_space<vmem>> -> memref<1x16x4096xi16, #tpu.memory_space<vmem>>
    %dma_start3A_647 = tpu.memref_squeeze %dma_start3A_646 : memref<1x16x4096xi16, #tpu.memory_space<vmem>> -> memref<16x4096xi16, #tpu.memory_space<vmem>>
    %dma_start3A_648 = tpu.memref_bitcast %arg3 : memref<4096x4096xf16, #tpu.memory_space<hbm>> -> memref<4096x4096xi16, #tpu.memory_space<hbm>>
    %dma_start3A_649 = arith.constant 0 : i32
    %dma_start3A_650 = tpu.memref_slice %dma_start3A_648[%add3A_632, %dma_start3A_649] : memref<4096x4096xi16, #tpu.memory_space<hbm>> -> memref<16x4096xi16, #tpu.memory_space<hbm>>
    tpu.enqueue_dma source(%dma_start3A_650 : memref<16x4096xi16, #tpu.memory_space<hbm>>) target(%dma_start3A_647 : memref<16x4096xi16, #tpu.memory_space<vmem>>) target_semaphore(%dma_start3A_643 : memref<!tpu.dma_semaphore, #tpu.memory_space<semaphore_mem>>)
    %add3A_651 = arith.constant 32 : i32
    %add3A_652 = arith.addi %mul3A_610, %add3A_651 : i32
    %dma_start3A_653 = arith.constant 2 : i32
    %dma_start3A_654 = arith.constant 2 : i32
    %dma_start3A_655 = arith.constant 0 : i32
    %dma_start3A_656 = arith.constant 0 : i32
    %dma_start3A_657 = tpu.memref_slice %arg6[%dma_start3A_653, %dma_start3A_655, %dma_start3A_656] : memref<3x16x4096xi16, #tpu.memory_space<vmem>> -> memref<1x16x4096xi16, #tpu.memory_space<vmem>>
    %dma_start3A_658 = tpu.memref_squeeze %dma_start3A_657 : memref<1x16x4096xi16, #tpu.memory_space<vmem>> -> memref<16x4096xi16, #tpu.memory_space<vmem>>
    %dma_start3A_659 = tpu.memref_bitcast %arg3 : memref<4096x4096xf16, #tpu.memory_space<hbm>> -> memref<4096x4096xi16, #tpu.memory_space<hbm>>
    %dma_start3A_660 = arith.constant 0 : i32
    %dma_start3A_661 = tpu.memref_slice %dma_start3A_659[%add3A_652, %dma_start3A_660] : memref<4096x4096xi16, #tpu.memory_space<hbm>> -> memref<16x4096xi16, #tpu.memory_space<hbm>>
    %dma_start3A_662 = tpu.memref_slice %arg7[%dma_start3A_654] : memref<3x!tpu.dma_semaphore, #tpu.memory_space<semaphore_mem>> -> memref<1x!tpu.dma_semaphore, #tpu.memory_space<semaphore_mem>>
    %dma_start3A_663 = tpu.memref_squeeze %dma_start3A_662 : memref<1x!tpu.dma_semaphore, #tpu.memory_space<semaphore_mem>> -> memref<!tpu.dma_semaphore, #tpu.memory_space<semaphore_mem>>
    %dma_start3A_664 = arith.constant 0 : i32
    %dma_start3A_665 = arith.constant 0 : i32
    %dma_start3A_666 = tpu.memref_slice %arg6[%dma_start3A_653, %dma_start3A_664, %dma_start3A_665] : memref<3x16x4096xi16, #tpu.memory_space<vmem>> -> memref<1x16x4096xi16, #tpu.memory_space<vmem>>
    %dma_start3A_667 = tpu.memref_squeeze %dma_start3A_666 : memref<1x16x4096xi16, #tpu.memory_space<vmem>> -> memref<16x4096xi16, #tpu.memory_space<vmem>>
    %dma_start3A_668 = tpu.memref_bitcast %arg3 : memref<4096x4096xf16, #tpu.memory_space<hbm>> -> memref<4096x4096xi16, #tpu.memory_space<hbm>>
    %dma_start3A_669 = arith.constant 0 : i32
    %dma_start3A_670 = tpu.memref_slice %dma_start3A_668[%add3A_652, %dma_start3A_669] : memref<4096x4096xi16, #tpu.memory_space<hbm>> -> memref<16x4096xi16, #tpu.memory_space<hbm>>
    tpu.enqueue_dma source(%dma_start3A_670 : memref<16x4096xi16, #tpu.memory_space<hbm>>) target(%dma_start3A_667 : memref<16x4096xi16, #tpu.memory_space<vmem>>) target_semaphore(%dma_start3A_663 : memref<!tpu.dma_semaphore, #tpu.memory_space<semaphore_mem>>)
    %add3A_671 = arith.constant 0 : i32
    %add3A_672 = arith.addi %mul3A_610, %add3A_671 : i32
    %dma_wait3A_673 = arith.constant 0 : i32
    %dma_wait3A_674 = arith.constant 0 : i32
    %dma_wait3A_675 = arith.constant 0 : i32
    %dma_wait3A_676 = arith.constant 0 : i32
    %dma_wait3A_677 = tpu.memref_slice %arg6[%dma_wait3A_673, %dma_wait3A_675, %dma_wait3A_676] : memref<3x16x4096xi16, #tpu.memory_space<vmem>> -> memref<1x16x4096xi16, #tpu.memory_space<vmem>>
    %dma_wait3A_678 = tpu.memref_squeeze %dma_wait3A_677 : memref<1x16x4096xi16, #tpu.memory_space<vmem>> -> memref<16x4096xi16, #tpu.memory_space<vmem>>
    %dma_wait3A_679 = tpu.memref_bitcast %arg3 : memref<4096x4096xf16, #tpu.memory_space<hbm>> -> memref<4096x4096xi16, #tpu.memory_space<hbm>>
    %dma_wait3A_680 = arith.constant 0 : i32
    %dma_wait3A_681 = tpu.memref_slice %dma_wait3A_679[%add3A_672, %dma_wait3A_680] : memref<4096x4096xi16, #tpu.memory_space<hbm>> -> memref<16x4096xi16, #tpu.memory_space<hbm>>
    %dma_wait3A_682 = tpu.memref_slice %arg7[%dma_wait3A_674] : memref<3x!tpu.dma_semaphore, #tpu.memory_space<semaphore_mem>> -> memref<1x!tpu.dma_semaphore, #tpu.memory_space<semaphore_mem>>
    %dma_wait3A_683 = tpu.memref_squeeze %dma_wait3A_682 : memref<1x!tpu.dma_semaphore, #tpu.memory_space<semaphore_mem>> -> memref<!tpu.dma_semaphore, #tpu.memory_space<semaphore_mem>>
    %dma_wait3A_684 = arith.constant 0 : i32
    %dma_wait3A_685 = arith.constant 0 : i32
    %dma_wait3A_686 = tpu.memref_slice %arg6[%dma_wait3A_673, %dma_wait3A_684, %dma_wait3A_685] : memref<3x16x4096xi16, #tpu.memory_space<vmem>> -> memref<1x16x4096xi16, #tpu.memory_space<vmem>>
    %dma_wait3A_687 = tpu.memref_squeeze %dma_wait3A_686 : memref<1x16x4096xi16, #tpu.memory_space<vmem>> -> memref<16x4096xi16, #tpu.memory_space<vmem>>
    %dma_wait3A_688 = tpu.memref_bitcast %arg3 : memref<4096x4096xf16, #tpu.memory_space<hbm>> -> memref<4096x4096xi16, #tpu.memory_space<hbm>>
    %dma_wait3A_689 = arith.constant 0 : i32
    %dma_wait3A_690 = tpu.memref_slice %dma_wait3A_688[%add3A_672, %dma_wait3A_689] : memref<4096x4096xi16, #tpu.memory_space<hbm>> -> memref<16x4096xi16, #tpu.memory_space<hbm>>
    tpu.wait_dma2 semaphore(%dma_wait3A_683 : memref<!tpu.dma_semaphore, #tpu.memory_space<semaphore_mem>>) src(%dma_wait3A_690 : memref<16x4096xi16, #tpu.memory_space<hbm>>) dst(%dma_wait3A_687 : memref<16x4096xi16, #tpu.memory_space<vmem>>)
    %add3A_691 = arith.constant 0 : i32
    %add3A_692 = arith.addi %mul3A_610, %add3A_691 : i32
    %dma_start3A_693 = arith.constant 0 : i32
    %dma_start3A_694 = arith.constant 0 : i32
    %dma_start3A_695 = arith.constant 0 : i32
    %dma_start3A_696 = arith.constant 0 : i32
    %dma_start3A_697 = tpu.memref_slice %arg6[%dma_start3A_693, %dma_start3A_695, %dma_start3A_696] : memref<3x16x4096xi16, #tpu.memory_space<vmem>> -> memref<1x16x4096xi16, #tpu.memory_space<vmem>>
    %dma_start3A_698 = tpu.memref_squeeze %dma_start3A_697 : memref<1x16x4096xi16, #tpu.memory_space<vmem>> -> memref<16x4096xi16, #tpu.memory_space<vmem>>
    %dma_start3A_699 = arith.constant 0 : i32
    %dma_start3A_700 = tpu.memref_slice %arg5[%add3A_692, %dma_start3A_699] : memref<4096x4096xi16, #tpu.memory_space<hbm>> -> memref<16x4096xi16, #tpu.memory_space<hbm>>
    %dma_start3A_701 = tpu.memref_slice %arg8[%dma_start3A_694] : memref<3x!tpu.dma_semaphore, #tpu.memory_space<semaphore_mem>> -> memref<1x!tpu.dma_semaphore, #tpu.memory_space<semaphore_mem>>
    %dma_start3A_702 = tpu.memref_squeeze %dma_start3A_701 : memref<1x!tpu.dma_semaphore, #tpu.memory_space<semaphore_mem>> -> memref<!tpu.dma_semaphore, #tpu.memory_space<semaphore_mem>>
    %dma_start3A_703 = arith.constant 0 : i32
    %dma_start3A_704 = tpu.memref_slice %arg5[%add3A_692, %dma_start3A_703] : memref<4096x4096xi16, #tpu.memory_space<hbm>> -> memref<16x4096xi16, #tpu.memory_space<hbm>>
    %dma_start3A_705 = arith.constant 0 : i32
    %dma_start3A_706 = arith.constant 0 : i32
    %dma_start3A_707 = tpu.memref_slice %arg6[%dma_start3A_693, %dma_start3A_705, %dma_start3A_706] : memref<3x16x4096xi16, #tpu.memory_space<vmem>> -> memref<1x16x4096xi16, #tpu.memory_space<vmem>>
    %dma_start3A_708 = tpu.memref_squeeze %dma_start3A_707 : memref<1x16x4096xi16, #tpu.memory_space<vmem>> -> memref<16x4096xi16, #tpu.memory_space<vmem>>
    tpu.enqueue_dma source(%dma_start3A_708 : memref<16x4096xi16, #tpu.memory_space<vmem>>) target(%dma_start3A_704 : memref<16x4096xi16, #tpu.memory_space<hbm>>) target_semaphore(%dma_start3A_702 : memref<!tpu.dma_semaphore, #tpu.memory_space<semaphore_mem>>)
    %add3A_709 = arith.constant 0 : i32
    %add3A_710 = arith.addi %mul3A_610, %add3A_709 : i32
    %dma_wait3A_711 = arith.constant 0 : i32
    %dma_wait3A_712 = arith.constant 0 : i32
    %dma_wait3A_713 = arith.constant 0 : i32
    %dma_wait3A_714 = arith.constant 0 : i32
    %dma_wait3A_715 = tpu.memref_slice %arg6[%dma_wait3A_711, %dma_wait3A_713, %dma_wait3A_714] : memref<3x16x4096xi16, #tpu.memory_space<vmem>> -> memref<1x16x4096xi16, #tpu.memory_space<vmem>>
    %dma_wait3A_716 = tpu.memref_squeeze %dma_wait3A_715 : memref<1x16x4096xi16, #tpu.memory_space<vmem>> -> memref<16x4096xi16, #tpu.memory_space<vmem>>
    %dma_wait3A_717 = arith.constant 0 : i32
    %dma_wait3A_718 = tpu.memref_slice %arg5[%add3A_710, %dma_wait3A_717] : memref<4096x4096xi16, #tpu.memory_space<hbm>> -> memref<16x4096xi16, #tpu.memory_space<hbm>>
    %dma_wait3A_719 = tpu.memref_slice %arg8[%dma_wait3A_712] : memref<3x!tpu.dma_semaphore, #tpu.memory_space<semaphore_mem>> -> memref<1x!tpu.dma_semaphore, #tpu.memory_space<semaphore_mem>>
    %dma_wait3A_720 = tpu.memref_squeeze %dma_wait3A_719 : memref<1x!tpu.dma_semaphore, #tpu.memory_space<semaphore_mem>> -> memref<!tpu.dma_semaphore, #tpu.memory_space<semaphore_mem>>
    %dma_wait3A_721 = arith.constant 0 : i32
    %dma_wait3A_722 = tpu.memref_slice %arg5[%add3A_710, %dma_wait3A_721] : memref<4096x4096xi16, #tpu.memory_space<hbm>> -> memref<16x4096xi16, #tpu.memory_space<hbm>>
    %dma_wait3A_723 = arith.constant 0 : i32
    %dma_wait3A_724 = arith.constant 0 : i32
    %dma_wait3A_725 = tpu.memref_slice %arg6[%dma_wait3A_711, %dma_wait3A_723, %dma_wait3A_724] : memref<3x16x4096xi16, #tpu.memory_space<vmem>> -> memref<1x16x4096xi16, #tpu.memory_space<vmem>>
    %dma_wait3A_726 = tpu.memref_squeeze %dma_wait3A_725 : memref<1x16x4096xi16, #tpu.memory_space<vmem>> -> memref<16x4096xi16, #tpu.memory_space<vmem>>
    tpu.wait_dma2 semaphore(%dma_wait3A_720 : memref<!tpu.dma_semaphore, #tpu.memory_space<semaphore_mem>>) src(%dma_wait3A_726 : memref<16x4096xi16, #tpu.memory_space<vmem>>) dst(%dma_wait3A_722 : memref<16x4096xi16, #tpu.memory_space<hbm>>)
    %add3A_727 = arith.constant 48 : i32
    %add3A_728 = arith.addi %mul3A_610, %add3A_727 : i32
    %dma_start3A_729 = arith.constant 0 : i32
    %dma_start3A_730 = arith.constant 0 : i32
    %dma_start3A_731 = arith.constant 0 : i32
    %dma_start3A_732 = arith.constant 0 : i32
    %dma_start3A_733 = tpu.memref_slice %arg6[%dma_start3A_729, %dma_start3A_731, %dma_start3A_732] : memref<3x16x4096xi16, #tpu.memory_space<vmem>> -> memref<1x16x4096xi16, #tpu.memory_space<vmem>>
    %dma_start3A_734 = tpu.memref_squeeze %dma_start3A_733 : memref<1x16x4096xi16, #tpu.memory_space<vmem>> -> memref<16x4096xi16, #tpu.memory_space<vmem>>
    %dma_start3A_735 = tpu.memref_bitcast %arg3 : memref<4096x4096xf16, #tpu.memory_space<hbm>> -> memref<4096x4096xi16, #tpu.memory_space<hbm>>
    %dma_start3A_736 = arith.constant 0 : i32
    %dma_start3A_737 = tpu.memref_slice %dma_start3A_735[%add3A_728, %dma_start3A_736] : memref<4096x4096xi16, #tpu.memory_space<hbm>> -> memref<16x4096xi16, #tpu.memory_space<hbm>>
    %dma_start3A_738 = tpu.memref_slice %arg7[%dma_start3A_730] : memref<3x!tpu.dma_semaphore, #tpu.memory_space<semaphore_mem>> -> memref<1x!tpu.dma_semaphore, #tpu.memory_space<semaphore_mem>>
    %dma_start3A_739 = tpu.memref_squeeze %dma_start3A_738 : memref<1x!tpu.dma_semaphore, #tpu.memory_space<semaphore_mem>> -> memref<!tpu.dma_semaphore, #tpu.memory_space<semaphore_mem>>
    %dma_start3A_740 = arith.constant 0 : i32
    %dma_start3A_741 = arith.constant 0 : i32
    %dma_start3A_742 = tpu.memref_slice %arg6[%dma_start3A_729, %dma_start3A_740, %dma_start3A_741] : memref<3x16x4096xi16, #tpu.memory_space<vmem>> -> memref<1x16x4096xi16, #tpu.memory_space<vmem>>
    %dma_start3A_743 = tpu.memref_squeeze %dma_start3A_742 : memref<1x16x4096xi16, #tpu.memory_space<vmem>> -> memref<16x4096xi16, #tpu.memory_space<vmem>>
    %dma_start3A_744 = tpu.memref_bitcast %arg3 : memref<4096x4096xf16, #tpu.memory_space<hbm>> -> memref<4096x4096xi16, #tpu.memory_space<hbm>>
    %dma_start3A_745 = arith.constant 0 : i32
    %dma_start3A_746 = tpu.memref_slice %dma_start3A_744[%add3A_728, %dma_start3A_745] : memref<4096x4096xi16, #tpu.memory_space<hbm>> -> memref<16x4096xi16, #tpu.memory_space<hbm>>
    tpu.enqueue_dma source(%dma_start3A_746 : memref<16x4096xi16, #tpu.memory_space<hbm>>) target(%dma_start3A_743 : memref<16x4096xi16, #tpu.memory_space<vmem>>) target_semaphore(%dma_start3A_739 : memref<!tpu.dma_semaphore, #tpu.memory_space<semaphore_mem>>)
    %add3A_747 = arith.constant 16 : i32
    %add3A_748 = arith.addi %mul3A_610, %add3A_747 : i32
    %dma_wait3A_749 = arith.constant 1 : i32
    %dma_wait3A_750 = arith.constant 1 : i32
    %dma_wait3A_751 = arith.constant 0 : i32
    %dma_wait3A_752 = arith.constant 0 : i32
    %dma_wait3A_753 = tpu.memref_slice %arg6[%dma_wait3A_749, %dma_wait3A_751, %dma_wait3A_752] : memref<3x16x4096xi16, #tpu.memory_space<vmem>> -> memref<1x16x4096xi16, #tpu.memory_space<vmem>>
    %dma_wait3A_754 = tpu.memref_squeeze %dma_wait3A_753 : memref<1x16x4096xi16, #tpu.memory_space<vmem>> -> memref<16x4096xi16, #tpu.memory_space<vmem>>
    %dma_wait3A_755 = tpu.memref_bitcast %arg3 : memref<4096x4096xf16, #tpu.memory_space<hbm>> -> memref<4096x4096xi16, #tpu.memory_space<hbm>>
    %dma_wait3A_756 = arith.constant 0 : i32
    %dma_wait3A_757 = tpu.memref_slice %dma_wait3A_755[%add3A_748, %dma_wait3A_756] : memref<4096x4096xi16, #tpu.memory_space<hbm>> -> memref<16x4096xi16, #tpu.memory_space<hbm>>
    %dma_wait3A_758 = tpu.memref_slice %arg7[%dma_wait3A_750] : memref<3x!tpu.dma_semaphore, #tpu.memory_space<semaphore_mem>> -> memref<1x!tpu.dma_semaphore, #tpu.memory_space<semaphore_mem>>
    %dma_wait3A_759 = tpu.memref_squeeze %dma_wait3A_758 : memref<1x!tpu.dma_semaphore, #tpu.memory_space<semaphore_mem>> -> memref<!tpu.dma_semaphore, #tpu.memory_space<semaphore_mem>>
    %dma_wait3A_760 = arith.constant 0 : i32
    %dma_wait3A_761 = arith.constant 0 : i32
    %dma_wait3A_762 = tpu.memref_slice %arg6[%dma_wait3A_749, %dma_wait3A_760, %dma_wait3A_761] : memref<3x16x4096xi16, #tpu.memory_space<vmem>> -> memref<1x16x4096xi16, #tpu.memory_space<vmem>>
    %dma_wait3A_763 = tpu.memref_squeeze %dma_wait3A_762 : memref<1x16x4096xi16, #tpu.memory_space<vmem>> -> memref<16x4096xi16, #tpu.memory_space<vmem>>
    %dma_wait3A_764 = tpu.memref_bitcast %arg3 : memref<4096x4096xf16, #tpu.memory_space<hbm>> -> memref<4096x4096xi16, #tpu.memory_space<hbm>>
    %dma_wait3A_765 = arith.constant 0 : i32
    %dma_wait3A_766 = tpu.memref_slice %dma_wait3A_764[%add3A_748, %dma_wait3A_765] : memref<4096x4096xi16, #tpu.memory_space<hbm>> -> memref<16x4096xi16, #tpu.memory_space<hbm>>
    tpu.wait_dma2 semaphore(%dma_wait3A_759 : memref<!tpu.dma_semaphore, #tpu.memory_space<semaphore_mem>>) src(%dma_wait3A_766 : memref<16x4096xi16, #tpu.memory_space<hbm>>) dst(%dma_wait3A_763 : memref<16x4096xi16, #tpu.memory_space<vmem>>)
    %add3A_767 = arith.constant 16 : i32
    %add3A_768 = arith.addi %mul3A_610, %add3A_767 : i32
    %dma_start3A_769 = arith.constant 1 : i32
    %dma_start3A_770 = arith.constant 1 : i32
    %dma_start3A_771 = arith.constant 0 : i32
    %dma_start3A_772 = arith.constant 0 : i32
    %dma_start3A_773 = tpu.memref_slice %arg6[%dma_start3A_769, %dma_start3A_771, %dma_start3A_772] : memref<3x16x4096xi16, #tpu.memory_space<vmem>> -> memref<1x16x4096xi16, #tpu.memory_space<vmem>>
    %dma_start3A_774 = tpu.memref_squeeze %dma_start3A_773 : memref<1x16x4096xi16, #tpu.memory_space<vmem>> -> memref<16x4096xi16, #tpu.memory_space<vmem>>
    %dma_start3A_775 = arith.constant 0 : i32
    %dma_start3A_776 = tpu.memref_slice %arg5[%add3A_768, %dma_start3A_775] : memref<4096x4096xi16, #tpu.memory_space<hbm>> -> memref<16x4096xi16, #tpu.memory_space<hbm>>
    %dma_start3A_777 = tpu.memref_slice %arg8[%dma_start3A_770] : memref<3x!tpu.dma_semaphore, #tpu.memory_space<semaphore_mem>> -> memref<1x!tpu.dma_semaphore, #tpu.memory_space<semaphore_mem>>
    %dma_start3A_778 = tpu.memref_squeeze %dma_start3A_777 : memref<1x!tpu.dma_semaphore, #tpu.memory_space<semaphore_mem>> -> memref<!tpu.dma_semaphore, #tpu.memory_space<semaphore_mem>>
    %dma_start3A_779 = arith.constant 0 : i32
    %dma_start3A_780 = tpu.memref_slice %arg5[%add3A_768, %dma_start3A_779] : memref<4096x4096xi16, #tpu.memory_space<hbm>> -> memref<16x4096xi16, #tpu.memory_space<hbm>>
    %dma_start3A_781 = arith.constant 0 : i32
    %dma_start3A_782 = arith.constant 0 : i32
    %dma_start3A_783 = tpu.memref_slice %arg6[%dma_start3A_769, %dma_start3A_781, %dma_start3A_782] : memref<3x16x4096xi16, #tpu.memory_space<vmem>> -> memref<1x16x4096xi16, #tpu.memory_space<vmem>>
    %dma_start3A_784 = tpu.memref_squeeze %dma_start3A_783 : memref<1x16x4096xi16, #tpu.memory_space<vmem>> -> memref<16x4096xi16, #tpu.memory_space<vmem>>
    tpu.enqueue_dma source(%dma_start3A_784 : memref<16x4096xi16, #tpu.memory_space<vmem>>) target(%dma_start3A_780 : memref<16x4096xi16, #tpu.memory_space<hbm>>) target_semaphore(%dma_start3A_778 : memref<!tpu.dma_semaphore, #tpu.memory_space<semaphore_mem>>)
    %add3A_785 = arith.constant 16 : i32
    %add3A_786 = arith.addi %mul3A_610, %add3A_785 : i32
    %dma_wait3A_787 = arith.constant 1 : i32
    %dma_wait3A_788 = arith.constant 1 : i32
    %dma_wait3A_789 = arith.constant 0 : i32
    %dma_wait3A_790 = arith.constant 0 : i32
    %dma_wait3A_791 = tpu.memref_slice %arg6[%dma_wait3A_787, %dma_wait3A_789, %dma_wait3A_790] : memref<3x16x4096xi16, #tpu.memory_space<vmem>> -> memref<1x16x4096xi16, #tpu.memory_space<vmem>>
    %dma_wait3A_792 = tpu.memref_squeeze %dma_wait3A_791 : memref<1x16x4096xi16, #tpu.memory_space<vmem>> -> memref<16x4096xi16, #tpu.memory_space<vmem>>
    %dma_wait3A_793 = arith.constant 0 : i32
    %dma_wait3A_794 = tpu.memref_slice %arg5[%add3A_786, %dma_wait3A_793] : memref<4096x4096xi16, #tpu.memory_space<hbm>> -> memref<16x4096xi16, #tpu.memory_space<hbm>>
    %dma_wait3A_795 = tpu.memref_slice %arg8[%dma_wait3A_788] : memref<3x!tpu.dma_semaphore, #tpu.memory_space<semaphore_mem>> -> memref<1x!tpu.dma_semaphore, #tpu.memory_space<semaphore_mem>>
    %dma_wait3A_796 = tpu.memref_squeeze %dma_wait3A_795 : memref<1x!tpu.dma_semaphore, #tpu.memory_space<semaphore_mem>> -> memref<!tpu.dma_semaphore, #tpu.memory_space<semaphore_mem>>
    %dma_wait3A_797 = arith.constant 0 : i32
    %dma_wait3A_798 = tpu.memref_slice %arg5[%add3A_786, %dma_wait3A_797] : memref<4096x4096xi16, #tpu.memory_space<hbm>> -> memref<16x4096xi16, #tpu.memory_space<hbm>>
    %dma_wait3A_799 = arith.constant 0 : i32
    %dma_wait3A_800 = arith.constant 0 : i32
    %dma_wait3A_801 = tpu.memref_slice %arg6[%dma_wait3A_787, %dma_wait3A_799, %dma_wait3A_800] : memref<3x16x4096xi16, #tpu.memory_space<vmem>> -> memref<1x16x4096xi16, #tpu.memory_space<vmem>>
    %dma_wait3A_802 = tpu.memref_squeeze %dma_wait3A_801 : memref<1x16x4096xi16, #tpu.memory_space<vmem>> -> memref<16x4096xi16, #tpu.memory_space<vmem>>
    tpu.wait_dma2 semaphore(%dma_wait3A_796 : memref<!tpu.dma_semaphore, #tpu.memory_space<semaphore_mem>>) src(%dma_wait3A_802 : memref<16x4096xi16, #tpu.memory_space<vmem>>) dst(%dma_wait3A_798 : memref<16x4096xi16, #tpu.memory_space<hbm>>)
    %add3A_803 = arith.constant 64 : i32
    %add3A_804 = arith.addi %mul3A_610, %add3A_803 : i32
    %dma_start3A_805 = arith.constant 1 : i32
    %dma_start3A_806 = arith.constant 1 : i32
    %dma_start3A_807 = arith.constant 0 : i32
    %dma_start3A_808 = arith.constant 0 : i32
    %dma_start3A_809 = tpu.memref_slice %arg6[%dma_start3A_805, %dma_start3A_807, %dma_start3A_808] : memref<3x16x4096xi16, #tpu.memory_space<vmem>> -> memref<1x16x4096xi16, #tpu.memory_space<vmem>>
    %dma_start3A_810 = tpu.memref_squeeze %dma_start3A_809 : memref<1x16x4096xi16, #tpu.memory_space<vmem>> -> memref<16x4096xi16, #tpu.memory_space<vmem>>
    %dma_start3A_811 = tpu.memref_bitcast %arg3 : memref<4096x4096xf16, #tpu.memory_space<hbm>> -> memref<4096x4096xi16, #tpu.memory_space<hbm>>
    %dma_start3A_812 = arith.constant 0 : i32
    %dma_start3A_813 = tpu.memref_slice %dma_start3A_811[%add3A_804, %dma_start3A_812] : memref<4096x4096xi16, #tpu.memory_space<hbm>> -> memref<16x4096xi16, #tpu.memory_space<hbm>>
    %dma_start3A_814 = tpu.memref_slice %arg7[%dma_start3A_806] : memref<3x!tpu.dma_semaphore, #tpu.memory_space<semaphore_mem>> -> memref<1x!tpu.dma_semaphore, #tpu.memory_space<semaphore_mem>>
    %dma_start3A_815 = tpu.memref_squeeze %dma_start3A_814 : memref<1x!tpu.dma_semaphore, #tpu.memory_space<semaphore_mem>> -> memref<!tpu.dma_semaphore, #tpu.memory_space<semaphore_mem>>
    %dma_start3A_816 = arith.constant 0 : i32
    %dma_start3A_817 = arith.constant 0 : i32
    %dma_start3A_818 = tpu.memref_slice %arg6[%dma_start3A_805, %dma_start3A_816, %dma_start3A_817] : memref<3x16x4096xi16, #tpu.memory_space<vmem>> -> memref<1x16x4096xi16, #tpu.memory_space<vmem>>
    %dma_start3A_819 = tpu.memref_squeeze %dma_start3A_818 : memref<1x16x4096xi16, #tpu.memory_space<vmem>> -> memref<16x4096xi16, #tpu.memory_space<vmem>>
    %dma_start3A_820 = tpu.memref_bitcast %arg3 : memref<4096x4096xf16, #tpu.memory_space<hbm>> -> memref<4096x4096xi16, #tpu.memory_space<hbm>>
    %dma_start3A_821 = arith.constant 0 : i32
    %dma_start3A_822 = tpu.memref_slice %dma_start3A_820[%add3A_804, %dma_start3A_821] : memref<4096x4096xi16, #tpu.memory_space<hbm>> -> memref<16x4096xi16, #tpu.memory_space<hbm>>
    tpu.enqueue_dma source(%dma_start3A_822 : memref<16x4096xi16, #tpu.memory_space<hbm>>) target(%dma_start3A_819 : memref<16x4096xi16, #tpu.memory_space<vmem>>) target_semaphore(%dma_start3A_815 : memref<!tpu.dma_semaphore, #tpu.memory_space<semaphore_mem>>)
    %add3A_823 = arith.constant 32 : i32
    %add3A_824 = arith.addi %mul3A_610, %add3A_823 : i32
    %dma_wait3A_825 = arith.constant 2 : i32
    %dma_wait3A_826 = arith.constant 2 : i32
    %dma_wait3A_827 = arith.constant 0 : i32
    %dma_wait3A_828 = arith.constant 0 : i32
    %dma_wait3A_829 = tpu.memref_slice %arg6[%dma_wait3A_825, %dma_wait3A_827, %dma_wait3A_828] : memref<3x16x4096xi16, #tpu.memory_space<vmem>> -> memref<1x16x4096xi16, #tpu.memory_space<vmem>>
    %dma_wait3A_830 = tpu.memref_squeeze %dma_wait3A_829 : memref<1x16x4096xi16, #tpu.memory_space<vmem>> -> memref<16x4096xi16, #tpu.memory_space<vmem>>
    %dma_wait3A_831 = tpu.memref_bitcast %arg3 : memref<4096x4096xf16, #tpu.memory_space<hbm>> -> memref<4096x4096xi16, #tpu.memory_space<hbm>>
    %dma_wait3A_832 = arith.constant 0 : i32
    %dma_wait3A_833 = tpu.memref_slice %dma_wait3A_831[%add3A_824, %dma_wait3A_832] : memref<4096x4096xi16, #tpu.memory_space<hbm>> -> memref<16x4096xi16, #tpu.memory_space<hbm>>
    %dma_wait3A_834 = tpu.memref_slice %arg7[%dma_wait3A_826] : memref<3x!tpu.dma_semaphore, #tpu.memory_space<semaphore_mem>> -> memref<1x!tpu.dma_semaphore, #tpu.memory_space<semaphore_mem>>
    %dma_wait3A_835 = tpu.memref_squeeze %dma_wait3A_834 : memref<1x!tpu.dma_semaphore, #tpu.memory_space<semaphore_mem>> -> memref<!tpu.dma_semaphore, #tpu.memory_space<semaphore_mem>>
    %dma_wait3A_836 = arith.constant 0 : i32
    %dma_wait3A_837 = arith.constant 0 : i32
    %dma_wait3A_838 = tpu.memref_slice %arg6[%dma_wait3A_825, %dma_wait3A_836, %dma_wait3A_837] : memref<3x16x4096xi16, #tpu.memory_space<vmem>> -> memref<1x16x4096xi16, #tpu.memory_space<vmem>>
    %dma_wait3A_839 = tpu.memref_squeeze %dma_wait3A_838 : memref<1x16x4096xi16, #tpu.memory_space<vmem>> -> memref<16x4096xi16, #tpu.memory_space<vmem>>
    %dma_wait3A_840 = tpu.memref_bitcast %arg3 : memref<4096x4096xf16, #tpu.memory_space<hbm>> -> memref<4096x4096xi16, #tpu.memory_space<hbm>>
    %dma_wait3A_841 = arith.constant 0 : i32
    %dma_wait3A_842 = tpu.memref_slice %dma_wait3A_840[%add3A_824, %dma_wait3A_841] : memref<4096x4096xi16, #tpu.memory_space<hbm>> -> memref<16x4096xi16, #tpu.memory_space<hbm>>
    tpu.wait_dma2 semaphore(%dma_wait3A_835 : memref<!tpu.dma_semaphore, #tpu.memory_space<semaphore_mem>>) src(%dma_wait3A_842 : memref<16x4096xi16, #tpu.memory_space<hbm>>) dst(%dma_wait3A_839 : memref<16x4096xi16, #tpu.memory_space<vmem>>)
    %add3A_843 = arith.constant 32 : i32
    %add3A_844 = arith.addi %mul3A_610, %add3A_843 : i32
    %dma_start3A_845 = arith.constant 2 : i32
    %dma_start3A_846 = arith.constant 2 : i32
    %dma_start3A_847 = arith.constant 0 : i32
    %dma_start3A_848 = arith.constant 0 : i32
    %dma_start3A_849 = tpu.memref_slice %arg6[%dma_start3A_845, %dma_start3A_847, %dma_start3A_848] : memref<3x16x4096xi16, #tpu.memory_space<vmem>> -> memref<1x16x4096xi16, #tpu.memory_space<vmem>>
    %dma_start3A_850 = tpu.memref_squeeze %dma_start3A_849 : memref<1x16x4096xi16, #tpu.memory_space<vmem>> -> memref<16x4096xi16, #tpu.memory_space<vmem>>
    %dma_start3A_851 = arith.constant 0 : i32
    %dma_start3A_852 = tpu.memref_slice %arg5[%add3A_844, %dma_start3A_851] : memref<4096x4096xi16, #tpu.memory_space<hbm>> -> memref<16x4096xi16, #tpu.memory_space<hbm>>
    %dma_start3A_853 = tpu.memref_slice %arg8[%dma_start3A_846] : memref<3x!tpu.dma_semaphore, #tpu.memory_space<semaphore_mem>> -> memref<1x!tpu.dma_semaphore, #tpu.memory_space<semaphore_mem>>
    %dma_start3A_854 = tpu.memref_squeeze %dma_start3A_853 : memref<1x!tpu.dma_semaphore, #tpu.memory_space<semaphore_mem>> -> memref<!tpu.dma_semaphore, #tpu.memory_space<semaphore_mem>>
    %dma_start3A_855 = arith.constant 0 : i32
    %dma_start3A_856 = tpu.memref_slice %arg5[%add3A_844, %dma_start3A_855] : memref<4096x4096xi16, #tpu.memory_space<hbm>> -> memref<16x4096xi16, #tpu.memory_space<hbm>>
    %dma_start3A_857 = arith.constant 0 : i32
    %dma_start3A_858 = arith.constant 0 : i32
    %dma_start3A_859 = tpu.memref_slice %arg6[%dma_start3A_845, %dma_start3A_857, %dma_start3A_858] : memref<3x16x4096xi16, #tpu.memory_space<vmem>> -> memref<1x16x4096xi16, #tpu.memory_space<vmem>>
    %dma_start3A_860 = tpu.memref_squeeze %dma_start3A_859 : memref<1x16x4096xi16, #tpu.memory_space<vmem>> -> memref<16x4096xi16, #tpu.memory_space<vmem>>
    tpu.enqueue_dma source(%dma_start3A_860 : memref<16x4096xi16, #tpu.memory_space<vmem>>) target(%dma_start3A_856 : memref<16x4096xi16, #tpu.memory_space<hbm>>) target_semaphore(%dma_start3A_854 : memref<!tpu.dma_semaphore, #tpu.memory_space<semaphore_mem>>)
    %add3A_861 = arith.constant 32 : i32
    %add3A_862 = arith.addi %mul3A_610, %add3A_861 : i32
    %dma_wait3A_863 = arith.constant 2 : i32
    %dma_wait3A_864 = arith.constant 2 : i32
    %dma_wait3A_865 = arith.constant 0 : i32
    %dma_wait3A_866 = arith.constant 0 : i32
    %dma_wait3A_867 = tpu.memref_slice %arg6[%dma_wait3A_863, %dma_wait3A_865, %dma_wait3A_866] : memref<3x16x4096xi16, #tpu.memory_space<vmem>> -> memref<1x16x4096xi16, #tpu.memory_space<vmem>>
    %dma_wait3A_868 = tpu.memref_squeeze %dma_wait3A_867 : memref<1x16x4096xi16, #tpu.memory_space<vmem>> -> memref<16x4096xi16, #tpu.memory_space<vmem>>
    %dma_wait3A_869 = arith.constant 0 : i32
    %dma_wait3A_870 = tpu.memref_slice %arg5[%add3A_862, %dma_wait3A_869] : memref<4096x4096xi16, #tpu.memory_space<hbm>> -> memref<16x4096xi16, #tpu.memory_space<hbm>>
    %dma_wait3A_871 = tpu.memref_slice %arg8[%dma_wait3A_864] : memref<3x!tpu.dma_semaphore, #tpu.memory_space<semaphore_mem>> -> memref<1x!tpu.dma_semaphore, #tpu.memory_space<semaphore_mem>>
    %dma_wait3A_872 = tpu.memref_squeeze %dma_wait3A_871 : memref<1x!tpu.dma_semaphore, #tpu.memory_space<semaphore_mem>> -> memref<!tpu.dma_semaphore, #tpu.memory_space<semaphore_mem>>
    %dma_wait3A_873 = arith.constant 0 : i32
    %dma_wait3A_874 = tpu.memref_slice %arg5[%add3A_862, %dma_wait3A_873] : memref<4096x4096xi16, #tpu.memory_space<hbm>> -> memref<16x4096xi16, #tpu.memory_space<hbm>>
    %dma_wait3A_875 = arith.constant 0 : i32
    %dma_wait3A_876 = arith.constant 0 : i32
    %dma_wait3A_877 = tpu.memref_slice %arg6[%dma_wait3A_863, %dma_wait3A_875, %dma_wait3A_876] : memref<3x16x4096xi16, #tpu.memory_space<vmem>> -> memref<1x16x4096xi16, #tpu.memory_space<vmem>>
    %dma_wait3A_878 = tpu.memref_squeeze %dma_wait3A_877 : memref<1x16x4096xi16, #tpu.memory_space<vmem>> -> memref<16x4096xi16, #tpu.memory_space<vmem>>
    tpu.wait_dma2 semaphore(%dma_wait3A_872 : memref<!tpu.dma_semaphore, #tpu.memory_space<semaphore_mem>>) src(%dma_wait3A_878 : memref<16x4096xi16, #tpu.memory_space<vmem>>) dst(%dma_wait3A_874 : memref<16x4096xi16, #tpu.memory_space<hbm>>)
    %add3A_879 = arith.constant 80 : i32
    %add3A_880 = arith.addi %mul3A_610, %add3A_879 : i32
    %dma_start3A_881 = arith.constant 2 : i32
    %dma_start3A_882 = arith.constant 2 : i32
    %dma_start3A_883 = arith.constant 0 : i32
    %dma_start3A_884 = arith.constant 0 : i32
    %dma_start3A_885 = tpu.memref_slice %arg6[%dma_start3A_881, %dma_start3A_883, %dma_start3A_884] : memref<3x16x4096xi16, #tpu.memory_space<vmem>> -> memref<1x16x4096xi16, #tpu.memory_space<vmem>>
    %dma_start3A_886 = tpu.memref_squeeze %dma_start3A_885 : memref<1x16x4096xi16, #tpu.memory_space<vmem>> -> memref<16x4096xi16, #tpu.memory_space<vmem>>
    %dma_start3A_887 = tpu.memref_bitcast %arg3 : memref<4096x4096xf16, #tpu.memory_space<hbm>> -> memref<4096x4096xi16, #tpu.memory_space<hbm>>
    %dma_start3A_888 = arith.constant 0 : i32
    %dma_start3A_889 = tpu.memref_slice %dma_start3A_887[%add3A_880, %dma_start3A_888] : memref<4096x4096xi16, #tpu.memory_space<hbm>> -> memref<16x4096xi16, #tpu.memory_space<hbm>>
    %dma_start3A_890 = tpu.memref_slice %arg7[%dma_start3A_882] : memref<3x!tpu.dma_semaphore, #tpu.memory_space<semaphore_mem>> -> memref<1x!tpu.dma_semaphore, #tpu.memory_space<semaphore_mem>>
    %dma_start3A_891 = tpu.memref_squeeze %dma_start3A_890 : memref<1x!tpu.dma_semaphore, #tpu.memory_space<semaphore_mem>> -> memref<!tpu.dma_semaphore, #tpu.memory_space<semaphore_mem>>
    %dma_start3A_892 = arith.constant 0 : i32
    %dma_start3A_893 = arith.constant 0 : i32
    %dma_start3A_894 = tpu.memref_slice %arg6[%dma_start3A_881, %dma_start3A_892, %dma_start3A_893] : memref<3x16x4096xi16, #tpu.memory_space<vmem>> -> memref<1x16x4096xi16, #tpu.memory_space<vmem>>
    %dma_start3A_895 = tpu.memref_squeeze %dma_start3A_894 : memref<1x16x4096xi16, #tpu.memory_space<vmem>> -> memref<16x4096xi16, #tpu.memory_space<vmem>>
    %dma_start3A_896 = tpu.memref_bitcast %arg3 : memref<4096x4096xf16, #tpu.memory_space<hbm>> -> memref<4096x4096xi16, #tpu.memory_space<hbm>>
    %dma_start3A_897 = arith.constant 0 : i32
    %dma_start3A_898 = tpu.memref_slice %dma_start3A_896[%add3A_880, %dma_start3A_897] : memref<4096x4096xi16, #tpu.memory_space<hbm>> -> memref<16x4096xi16, #tpu.memory_space<hbm>>
    tpu.enqueue_dma source(%dma_start3A_898 : memref<16x4096xi16, #tpu.memory_space<hbm>>) target(%dma_start3A_895 : memref<16x4096xi16, #tpu.memory_space<vmem>>) target_semaphore(%dma_start3A_891 : memref<!tpu.dma_semaphore, #tpu.memory_space<semaphore_mem>>)
    %add3A_899 = arith.constant 48 : i32
    %add3A_900 = arith.addi %mul3A_610, %add3A_899 : i32
    %dma_wait3A_901 = arith.constant 0 : i32
    %dma_wait3A_902 = arith.constant 0 : i32
    %dma_wait3A_903 = arith.constant 0 : i32
    %dma_wait3A_904 = arith.constant 0 : i32
    %dma_wait3A_905 = tpu.memref_slice %arg6[%dma_wait3A_901, %dma_wait3A_903, %dma_wait3A_904] : memref<3x16x4096xi16, #tpu.memory_space<vmem>> -> memref<1x16x4096xi16, #tpu.memory_space<vmem>>
    %dma_wait3A_906 = tpu.memref_squeeze %dma_wait3A_905 : memref<1x16x4096xi16, #tpu.memory_space<vmem>> -> memref<16x4096xi16, #tpu.memory_space<vmem>>
    %dma_wait3A_907 = tpu.memref_bitcast %arg3 : memref<4096x4096xf16, #tpu.memory_space<hbm>> -> memref<4096x4096xi16, #tpu.memory_space<hbm>>
    %dma_wait3A_908 = arith.constant 0 : i32
    %dma_wait3A_909 = tpu.memref_slice %dma_wait3A_907[%add3A_900, %dma_wait3A_908] : memref<4096x4096xi16, #tpu.memory_space<hbm>> -> memref<16x4096xi16, #tpu.memory_space<hbm>>
    %dma_wait3A_910 = tpu.memref_slice %arg7[%dma_wait3A_902] : memref<3x!tpu.dma_semaphore, #tpu.memory_space<semaphore_mem>> -> memref<1x!tpu.dma_semaphore, #tpu.memory_space<semaphore_mem>>
    %dma_wait3A_911 = tpu.memref_squeeze %dma_wait3A_910 : memref<1x!tpu.dma_semaphore, #tpu.memory_space<semaphore_mem>> -> memref<!tpu.dma_semaphore, #tpu.memory_space<semaphore_mem>>
    %dma_wait3A_912 = arith.constant 0 : i32
    %dma_wait3A_913 = arith.constant 0 : i32
    %dma_wait3A_914 = tpu.memref_slice %arg6[%dma_wait3A_901, %dma_wait3A_912, %dma_wait3A_913] : memref<3x16x4096xi16, #tpu.memory_space<vmem>> -> memref<1x16x4096xi16, #tpu.memory_space<vmem>>
    %dma_wait3A_915 = tpu.memref_squeeze %dma_wait3A_914 : memref<1x16x4096xi16, #tpu.memory_space<vmem>> -> memref<16x4096xi16, #tpu.memory_space<vmem>>
    %dma_wait3A_916 = tpu.memref_bitcast %arg3 : memref<4096x4096xf16, #tpu.memory_space<hbm>> -> memref<4096x4096xi16, #tpu.memory_space<hbm>>
    %dma_wait3A_917 = arith.constant 0 : i32
    %dma_wait3A_918 = tpu.memref_slice %dma_wait3A_916[%add3A_900, %dma_wait3A_917] : memref<4096x4096xi16, #tpu.memory_space<hbm>> -> memref<16x4096xi16, #tpu.memory_space<hbm>>
    tpu.wait_dma2 semaphore(%dma_wait3A_911 : memref<!tpu.dma_semaphore, #tpu.memory_space<semaphore_mem>>) src(%dma_wait3A_918 : memref<16x4096xi16, #tpu.memory_space<hbm>>) dst(%dma_wait3A_915 : memref<16x4096xi16, #tpu.memory_space<vmem>>)
    %add3A_919 = arith.constant 48 : i32
    %add3A_920 = arith.addi %mul3A_610, %add3A_919 : i32
    %dma_start3A_921 = arith.constant 0 : i32
    %dma_start3A_922 = arith.constant 0 : i32
    %dma_start3A_923 = arith.constant 0 : i32
    %dma_start3A_924 = arith.constant 0 : i32
    %dma_start3A_925 = tpu.memref_slice %arg6[%dma_start3A_921, %dma_start3A_923, %dma_start3A_924] : memref<3x16x4096xi16, #tpu.memory_space<vmem>> -> memref<1x16x4096xi16, #tpu.memory_space<vmem>>
    %dma_start3A_926 = tpu.memref_squeeze %dma_start3A_925 : memref<1x16x4096xi16, #tpu.memory_space<vmem>> -> memref<16x4096xi16, #tpu.memory_space<vmem>>
    %dma_start3A_927 = arith.constant 0 : i32
    %dma_start3A_928 = tpu.memref_slice %arg5[%add3A_920, %dma_start3A_927] : memref<4096x4096xi16, #tpu.memory_space<hbm>> -> memref<16x4096xi16, #tpu.memory_space<hbm>>
    %dma_start3A_929 = tpu.memref_slice %arg8[%dma_start3A_922] : memref<3x!tpu.dma_semaphore, #tpu.memory_space<semaphore_mem>> -> memref<1x!tpu.dma_semaphore, #tpu.memory_space<semaphore_mem>>
    %dma_start3A_930 = tpu.memref_squeeze %dma_start3A_929 : memref<1x!tpu.dma_semaphore, #tpu.memory_space<semaphore_mem>> -> memref<!tpu.dma_semaphore, #tpu.memory_space<semaphore_mem>>
    %dma_start3A_931 = arith.constant 0 : i32
    %dma_start3A_932 = tpu.memref_slice %arg5[%add3A_920, %dma_start3A_931] : memref<4096x4096xi16, #tpu.memory_space<hbm>> -> memref<16x4096xi16, #tpu.memory_space<hbm>>
    %dma_start3A_933 = arith.constant 0 : i32
    %dma_start3A_934 = arith.constant 0 : i32
    %dma_start3A_935 = tpu.memref_slice %arg6[%dma_start3A_921, %dma_start3A_933, %dma_start3A_934] : memref<3x16x4096xi16, #tpu.memory_space<vmem>> -> memref<1x16x4096xi16, #tpu.memory_space<vmem>>
    %dma_start3A_936 = tpu.memref_squeeze %dma_start3A_935 : memref<1x16x4096xi16, #tpu.memory_space<vmem>> -> memref<16x4096xi16, #tpu.memory_space<vmem>>
    tpu.enqueue_dma source(%dma_start3A_936 : memref<16x4096xi16, #tpu.memory_space<vmem>>) target(%dma_start3A_932 : memref<16x4096xi16, #tpu.memory_space<hbm>>) target_semaphore(%dma_start3A_930 : memref<!tpu.dma_semaphore, #tpu.memory_space<semaphore_mem>>)
    %add3A_937 = arith.constant 48 : i32
    %add3A_938 = arith.addi %mul3A_610, %add3A_937 : i32
    %dma_wait3A_939 = arith.constant 0 : i32
    %dma_wait3A_940 = arith.constant 0 : i32
    %dma_wait3A_941 = arith.constant 0 : i32
    %dma_wait3A_942 = arith.constant 0 : i32
    %dma_wait3A_943 = tpu.memref_slice %arg6[%dma_wait3A_939, %dma_wait3A_941, %dma_wait3A_942] : memref<3x16x4096xi16, #tpu.memory_space<vmem>> -> memref<1x16x4096xi16, #tpu.memory_space<vmem>>
    %dma_wait3A_944 = tpu.memref_squeeze %dma_wait3A_943 : memref<1x16x4096xi16, #tpu.memory_space<vmem>> -> memref<16x4096xi16, #tpu.memory_space<vmem>>
    %dma_wait3A_945 = arith.constant 0 : i32
    %dma_wait3A_946 = tpu.memref_slice %arg5[%add3A_938, %dma_wait3A_945] : memref<4096x4096xi16, #tpu.memory_space<hbm>> -> memref<16x4096xi16, #tpu.memory_space<hbm>>
    %dma_wait3A_947 = tpu.memref_slice %arg8[%dma_wait3A_940] : memref<3x!tpu.dma_semaphore, #tpu.memory_space<semaphore_mem>> -> memref<1x!tpu.dma_semaphore, #tpu.memory_space<semaphore_mem>>
    %dma_wait3A_948 = tpu.memref_squeeze %dma_wait3A_947 : memref<1x!tpu.dma_semaphore, #tpu.memory_space<semaphore_mem>> -> memref<!tpu.dma_semaphore, #tpu.memory_space<semaphore_mem>>
    %dma_wait3A_949 = arith.constant 0 : i32
    %dma_wait3A_950 = tpu.memref_slice %arg5[%add3A_938, %dma_wait3A_949] : memref<4096x4096xi16, #tpu.memory_space<hbm>> -> memref<16x4096xi16, #tpu.memory_space<hbm>>
    %dma_wait3A_951 = arith.constant 0 : i32
    %dma_wait3A_952 = arith.constant 0 : i32
    %dma_wait3A_953 = tpu.memref_slice %arg6[%dma_wait3A_939, %dma_wait3A_951, %dma_wait3A_952] : memref<3x16x4096xi16, #tpu.memory_space<vmem>> -> memref<1x16x4096xi16, #tpu.memory_space<vmem>>
    %dma_wait3A_954 = tpu.memref_squeeze %dma_wait3A_953 : memref<1x16x4096xi16, #tpu.memory_space<vmem>> -> memref<16x4096xi16, #tpu.memory_space<vmem>>
    tpu.wait_dma2 semaphore(%dma_wait3A_948 : memref<!tpu.dma_semaphore, #tpu.memory_space<semaphore_mem>>) src(%dma_wait3A_954 : memref<16x4096xi16, #tpu.memory_space<vmem>>) dst(%dma_wait3A_950 : memref<16x4096xi16, #tpu.memory_space<hbm>>)
    %add3A_955 = arith.constant 96 : i32
    %add3A_956 = arith.addi %mul3A_610, %add3A_955 : i32
    %dma_start3A_957 = arith.constant 0 : i32
    %dma_start3A_958 = arith.constant 0 : i32
    %dma_start3A_959 = arith.constant 0 : i32
    %dma_start3A_960 = arith.constant 0 : i32
    %dma_start3A_961 = tpu.memref_slice %arg6[%dma_start3A_957, %dma_start3A_959, %dma_start3A_960] : memref<3x16x4096xi16, #tpu.memory_space<vmem>> -> memref<1x16x4096xi16, #tpu.memory_space<vmem>>
    %dma_start3A_962 = tpu.memref_squeeze %dma_start3A_961 : memref<1x16x4096xi16, #tpu.memory_space<vmem>> -> memref<16x4096xi16, #tpu.memory_space<vmem>>
    %dma_start3A_963 = tpu.memref_bitcast %arg3 : memref<4096x4096xf16, #tpu.memory_space<hbm>> -> memref<4096x4096xi16, #tpu.memory_space<hbm>>
    %dma_start3A_964 = arith.constant 0 : i32
    %dma_start3A_965 = tpu.memref_slice %dma_start3A_963[%add3A_956, %dma_start3A_964] : memref<4096x4096xi16, #tpu.memory_space<hbm>> -> memref<16x4096xi16, #tpu.memory_space<hbm>>
    %dma_start3A_966 = tpu.memref_slice %arg7[%dma_start3A_958] : memref<3x!tpu.dma_semaphore, #tpu.memory_space<semaphore_mem>> -> memref<1x!tpu.dma_semaphore, #tpu.memory_space<semaphore_mem>>
    %dma_start3A_967 = tpu.memref_squeeze %dma_start3A_966 : memref<1x!tpu.dma_semaphore, #tpu.memory_space<semaphore_mem>> -> memref<!tpu.dma_semaphore, #tpu.memory_space<semaphore_mem>>
    %dma_start3A_968 = arith.constant 0 : i32
    %dma_start3A_969 = arith.constant 0 : i32
    %dma_start3A_970 = tpu.memref_slice %arg6[%dma_start3A_957, %dma_start3A_968, %dma_start3A_969] : memref<3x16x4096xi16, #tpu.memory_space<vmem>> -> memref<1x16x4096xi16, #tpu.memory_space<vmem>>
    %dma_start3A_971 = tpu.memref_squeeze %dma_start3A_970 : memref<1x16x4096xi16, #tpu.memory_space<vmem>> -> memref<16x4096xi16, #tpu.memory_space<vmem>>
    %dma_start3A_972 = tpu.memref_bitcast %arg3 : memref<4096x4096xf16, #tpu.memory_space<hbm>> -> memref<4096x4096xi16, #tpu.memory_space<hbm>>
    %dma_start3A_973 = arith.constant 0 : i32
    %dma_start3A_974 = tpu.memref_slice %dma_start3A_972[%add3A_956, %dma_start3A_973] : memref<4096x4096xi16, #tpu.memory_space<hbm>> -> memref<16x4096xi16, #tpu.memory_space<hbm>>
    tpu.enqueue_dma source(%dma_start3A_974 : memref<16x4096xi16, #tpu.memory_space<hbm>>) target(%dma_start3A_971 : memref<16x4096xi16, #tpu.memory_space<vmem>>) target_semaphore(%dma_start3A_967 : memref<!tpu.dma_semaphore, #tpu.memory_space<semaphore_mem>>)
    %add3A_975 = arith.constant 64 : i32
    %add3A_976 = arith.addi %mul3A_610, %add3A_975 : i32
    %dma_wait3A_977 = arith.constant 1 : i32
    %dma_wait3A_978 = arith.constant 1 : i32
    %dma_wait3A_979 = arith.constant 0 : i32
    %dma_wait3A_980 = arith.constant 0 : i32
    %dma_wait3A_981 = tpu.memref_slice %arg6[%dma_wait3A_977, %dma_wait3A_979, %dma_wait3A_980] : memref<3x16x4096xi16, #tpu.memory_space<vmem>> -> memref<1x16x4096xi16, #tpu.memory_space<vmem>>
    %dma_wait3A_982 = tpu.memref_squeeze %dma_wait3A_981 : memref<1x16x4096xi16, #tpu.memory_space<vmem>> -> memref<16x4096xi16, #tpu.memory_space<vmem>>
    %dma_wait3A_983 = tpu.memref_bitcast %arg3 : memref<4096x4096xf16, #tpu.memory_space<hbm>> -> memref<4096x4096xi16, #tpu.memory_space<hbm>>
    %dma_wait3A_984 = arith.constant 0 : i32
    %dma_wait3A_985 = tpu.memref_slice %dma_wait3A_983[%add3A_976, %dma_wait3A_984] : memref<4096x4096xi16, #tpu.memory_space<hbm>> -> memref<16x4096xi16, #tpu.memory_space<hbm>>
    %dma_wait3A_986 = tpu.memref_slice %arg7[%dma_wait3A_978] : memref<3x!tpu.dma_semaphore, #tpu.memory_space<semaphore_mem>> -> memref<1x!tpu.dma_semaphore, #tpu.memory_space<semaphore_mem>>
    %dma_wait3A_987 = tpu.memref_squeeze %dma_wait3A_986 : memref<1x!tpu.dma_semaphore, #tpu.memory_space<semaphore_mem>> -> memref<!tpu.dma_semaphore, #tpu.memory_space<semaphore_mem>>
    %dma_wait3A_988 = arith.constant 0 : i32
    %dma_wait3A_989 = arith.constant 0 : i32
    %dma_wait3A_990 = tpu.memref_slice %arg6[%dma_wait3A_977, %dma_wait3A_988, %dma_wait3A_989] : memref<3x16x4096xi16, #tpu.memory_space<vmem>> -> memref<1x16x4096xi16, #tpu.memory_space<vmem>>
    %dma_wait3A_991 = tpu.memref_squeeze %dma_wait3A_990 : memref<1x16x4096xi16, #tpu.memory_space<vmem>> -> memref<16x4096xi16, #tpu.memory_space<vmem>>
    %dma_wait3A_992 = tpu.memref_bitcast %arg3 : memref<4096x4096xf16, #tpu.memory_space<hbm>> -> memref<4096x4096xi16, #tpu.memory_space<hbm>>
    %dma_wait3A_993 = arith.constant 0 : i32
    %dma_wait3A_994 = tpu.memref_slice %dma_wait3A_992[%add3A_976, %dma_wait3A_993] : memref<4096x4096xi16, #tpu.memory_space<hbm>> -> memref<16x4096xi16, #tpu.memory_space<hbm>>
    tpu.wait_dma2 semaphore(%dma_wait3A_987 : memref<!tpu.dma_semaphore, #tpu.memory_space<semaphore_mem>>) src(%dma_wait3A_994 : memref<16x4096xi16, #tpu.memory_space<hbm>>) dst(%dma_wait3A_991 : memref<16x4096xi16, #tpu.memory_space<vmem>>)
    %add3A_995 = arith.constant 64 : i32
    %add3A_996 = arith.addi %mul3A_610, %add3A_995 : i32
    %dma_start3A_997 = arith.constant 1 : i32
    %dma_start3A_998 = arith.constant 1 : i32
    %dma_start3A_999 = arith.constant 0 : i32
    %dma_start3A_1000 = arith.constant 0 : i32
    %dma_start3A_1001 = tpu.memref_slice %arg6[%dma_start3A_997, %dma_start3A_999, %dma_start3A_1000] : memref<3x16x4096xi16, #tpu.memory_space<vmem>> -> memref<1x16x4096xi16, #tpu.memory_space<vmem>>
    %dma_start3A_1002 = tpu.memref_squeeze %dma_start3A_1001 : memref<1x16x4096xi16, #tpu.memory_space<vmem>> -> memref<16x4096xi16, #tpu.memory_space<vmem>>
    %dma_start3A_1003 = arith.constant 0 : i32
    %dma_start3A_1004 = tpu.memref_slice %arg5[%add3A_996, %dma_start3A_1003] : memref<4096x4096xi16, #tpu.memory_space<hbm>> -> memref<16x4096xi16, #tpu.memory_space<hbm>>
    %dma_start3A_1005 = tpu.memref_slice %arg8[%dma_start3A_998] : memref<3x!tpu.dma_semaphore, #tpu.memory_space<semaphore_mem>> -> memref<1x!tpu.dma_semaphore, #tpu.memory_space<semaphore_mem>>
    %dma_start3A_1006 = tpu.memref_squeeze %dma_start3A_1005 : memref<1x!tpu.dma_semaphore, #tpu.memory_space<semaphore_mem>> -> memref<!tpu.dma_semaphore, #tpu.memory_space<semaphore_mem>>
    %dma_start3A_1007 = arith.constant 0 : i32
    %dma_start3A_1008 = tpu.memref_slice %arg5[%add3A_996, %dma_start3A_1007] : memref<4096x4096xi16, #tpu.memory_space<hbm>> -> memref<16x4096xi16, #tpu.memory_space<hbm>>
    %dma_start3A_1009 = arith.constant 0 : i32
    %dma_start3A_1010 = arith.constant 0 : i32
    %dma_start3A_1011 = tpu.memref_slice %arg6[%dma_start3A_997, %dma_start3A_1009, %dma_start3A_1010] : memref<3x16x4096xi16, #tpu.memory_space<vmem>> -> memref<1x16x4096xi16, #tpu.memory_space<vmem>>
    %dma_start3A_1012 = tpu.memref_squeeze %dma_start3A_1011 : memref<1x16x4096xi16, #tpu.memory_space<vmem>> -> memref<16x4096xi16, #tpu.memory_space<vmem>>
    tpu.enqueue_dma source(%dma_start3A_1012 : memref<16x4096xi16, #tpu.memory_space<vmem>>) target(%dma_start3A_1008 : memref<16x4096xi16, #tpu.memory_space<hbm>>) target_semaphore(%dma_start3A_1006 : memref<!tpu.dma_semaphore, #tpu.memory_space<semaphore_mem>>)
    %add3A_1013 = arith.constant 64 : i32
    %add3A_1014 = arith.addi %mul3A_610, %add3A_1013 : i32
    %dma_wait3A_1015 = arith.constant 1 : i32
    %dma_wait3A_1016 = arith.constant 1 : i32
    %dma_wait3A_1017 = arith.constant 0 : i32
    %dma_wait3A_1018 = arith.constant 0 : i32
    %dma_wait3A_1019 = tpu.memref_slice %arg6[%dma_wait3A_1015, %dma_wait3A_1017, %dma_wait3A_1018] : memref<3x16x4096xi16, #tpu.memory_space<vmem>> -> memref<1x16x4096xi16, #tpu.memory_space<vmem>>
    %dma_wait3A_1020 = tpu.memref_squeeze %dma_wait3A_1019 : memref<1x16x4096xi16, #tpu.memory_space<vmem>> -> memref<16x4096xi16, #tpu.memory_space<vmem>>
    %dma_wait3A_1021 = arith.constant 0 : i32
    %dma_wait3A_1022 = tpu.memref_slice %arg5[%add3A_1014, %dma_wait3A_1021] : memref<4096x4096xi16, #tpu.memory_space<hbm>> -> memref<16x4096xi16, #tpu.memory_space<hbm>>
    %dma_wait3A_1023 = tpu.memref_slice %arg8[%dma_wait3A_1016] : memref<3x!tpu.dma_semaphore, #tpu.memory_space<semaphore_mem>> -> memref<1x!tpu.dma_semaphore, #tpu.memory_space<semaphore_mem>>
    %dma_wait3A_1024 = tpu.memref_squeeze %dma_wait3A_1023 : memref<1x!tpu.dma_semaphore, #tpu.memory_space<semaphore_mem>> -> memref<!tpu.dma_semaphore, #tpu.memory_space<semaphore_mem>>
    %dma_wait3A_1025 = arith.constant 0 : i32
    %dma_wait3A_1026 = tpu.memref_slice %arg5[%add3A_1014, %dma_wait3A_1025] : memref<4096x4096xi16, #tpu.memory_space<hbm>> -> memref<16x4096xi16, #tpu.memory_space<hbm>>
    %dma_wait3A_1027 = arith.constant 0 : i32
    %dma_wait3A_1028 = arith.constant 0 : i32
    %dma_wait3A_1029 = tpu.memref_slice %arg6[%dma_wait3A_1015, %dma_wait3A_1027, %dma_wait3A_1028] : memref<3x16x4096xi16, #tpu.memory_space<vmem>> -> memref<1x16x4096xi16, #tpu.memory_space<vmem>>
    %dma_wait3A_1030 = tpu.memref_squeeze %dma_wait3A_1029 : memref<1x16x4096xi16, #tpu.memory_space<vmem>> -> memref<16x4096xi16, #tpu.memory_space<vmem>>
    tpu.wait_dma2 semaphore(%dma_wait3A_1024 : memref<!tpu.dma_semaphore, #tpu.memory_space<semaphore_mem>>) src(%dma_wait3A_1030 : memref<16x4096xi16, #tpu.memory_space<vmem>>) dst(%dma_wait3A_1026 : memref<16x4096xi16, #tpu.memory_space<hbm>>)
    %add3A_1031 = arith.constant 112 : i32
    %add3A_1032 = arith.addi %mul3A_610, %add3A_1031 : i32
    %dma_start3A_1033 = arith.constant 1 : i32
    %dma_start3A_1034 = arith.constant 1 : i32
    %dma_start3A_1035 = arith.constant 0 : i32
    %dma_start3A_1036 = arith.constant 0 : i32
    %dma_start3A_1037 = tpu.memref_slice %arg6[%dma_start3A_1033, %dma_start3A_1035, %dma_start3A_1036] : memref<3x16x4096xi16, #tpu.memory_space<vmem>> -> memref<1x16x4096xi16, #tpu.memory_space<vmem>>
    %dma_start3A_1038 = tpu.memref_squeeze %dma_start3A_1037 : memref<1x16x4096xi16, #tpu.memory_space<vmem>> -> memref<16x4096xi16, #tpu.memory_space<vmem>>
    %dma_start3A_1039 = tpu.memref_bitcast %arg3 : memref<4096x4096xf16, #tpu.memory_space<hbm>> -> memref<4096x4096xi16, #tpu.memory_space<hbm>>
    %dma_start3A_1040 = arith.constant 0 : i32
    %dma_start3A_1041 = tpu.memref_slice %dma_start3A_1039[%add3A_1032, %dma_start3A_1040] : memref<4096x4096xi16, #tpu.memory_space<hbm>> -> memref<16x4096xi16, #tpu.memory_space<hbm>>
    %dma_start3A_1042 = tpu.memref_slice %arg7[%dma_start3A_1034] : memref<3x!tpu.dma_semaphore, #tpu.memory_space<semaphore_mem>> -> memref<1x!tpu.dma_semaphore, #tpu.memory_space<semaphore_mem>>
    %dma_start3A_1043 = tpu.memref_squeeze %dma_start3A_1042 : memref<1x!tpu.dma_semaphore, #tpu.memory_space<semaphore_mem>> -> memref<!tpu.dma_semaphore, #tpu.memory_space<semaphore_mem>>
    %dma_start3A_1044 = arith.constant 0 : i32
    %dma_start3A_1045 = arith.constant 0 : i32
    %dma_start3A_1046 = tpu.memref_slice %arg6[%dma_start3A_1033, %dma_start3A_1044, %dma_start3A_1045] : memref<3x16x4096xi16, #tpu.memory_space<vmem>> -> memref<1x16x4096xi16, #tpu.memory_space<vmem>>
    %dma_start3A_1047 = tpu.memref_squeeze %dma_start3A_1046 : memref<1x16x4096xi16, #tpu.memory_space<vmem>> -> memref<16x4096xi16, #tpu.memory_space<vmem>>
    %dma_start3A_1048 = tpu.memref_bitcast %arg3 : memref<4096x4096xf16, #tpu.memory_space<hbm>> -> memref<4096x4096xi16, #tpu.memory_space<hbm>>
    %dma_start3A_1049 = arith.constant 0 : i32
    %dma_start3A_1050 = tpu.memref_slice %dma_start3A_1048[%add3A_1032, %dma_start3A_1049] : memref<4096x4096xi16, #tpu.memory_space<hbm>> -> memref<16x4096xi16, #tpu.memory_space<hbm>>
    tpu.enqueue_dma source(%dma_start3A_1050 : memref<16x4096xi16, #tpu.memory_space<hbm>>) target(%dma_start3A_1047 : memref<16x4096xi16, #tpu.memory_space<vmem>>) target_semaphore(%dma_start3A_1043 : memref<!tpu.dma_semaphore, #tpu.memory_space<semaphore_mem>>)
    %add3A_1051 = arith.constant 80 : i32
    %add3A_1052 = arith.addi %mul3A_610, %add3A_1051 : i32
    %dma_wait3A_1053 = arith.constant 2 : i32
    %dma_wait3A_1054 = arith.constant 2 : i32
    %dma_wait3A_1055 = arith.constant 0 : i32
    %dma_wait3A_1056 = arith.constant 0 : i32
    %dma_wait3A_1057 = tpu.memref_slice %arg6[%dma_wait3A_1053, %dma_wait3A_1055, %dma_wait3A_1056] : memref<3x16x4096xi16, #tpu.memory_space<vmem>> -> memref<1x16x4096xi16, #tpu.memory_space<vmem>>
    %dma_wait3A_1058 = tpu.memref_squeeze %dma_wait3A_1057 : memref<1x16x4096xi16, #tpu.memory_space<vmem>> -> memref<16x4096xi16, #tpu.memory_space<vmem>>
    %dma_wait3A_1059 = tpu.memref_bitcast %arg3 : memref<4096x4096xf16, #tpu.memory_space<hbm>> -> memref<4096x4096xi16, #tpu.memory_space<hbm>>
    %dma_wait3A_1060 = arith.constant 0 : i32
    %dma_wait3A_1061 = tpu.memref_slice %dma_wait3A_1059[%add3A_1052, %dma_wait3A_1060] : memref<4096x4096xi16, #tpu.memory_space<hbm>> -> memref<16x4096xi16, #tpu.memory_space<hbm>>
    %dma_wait3A_1062 = tpu.memref_slice %arg7[%dma_wait3A_1054] : memref<3x!tpu.dma_semaphore, #tpu.memory_space<semaphore_mem>> -> memref<1x!tpu.dma_semaphore, #tpu.memory_space<semaphore_mem>>
    %dma_wait3A_1063 = tpu.memref_squeeze %dma_wait3A_1062 : memref<1x!tpu.dma_semaphore, #tpu.memory_space<semaphore_mem>> -> memref<!tpu.dma_semaphore, #tpu.memory_space<semaphore_mem>>
    %dma_wait3A_1064 = arith.constant 0 : i32
    %dma_wait3A_1065 = arith.constant 0 : i32
    %dma_wait3A_1066 = tpu.memref_slice %arg6[%dma_wait3A_1053, %dma_wait3A_1064, %dma_wait3A_1065] : memref<3x16x4096xi16, #tpu.memory_space<vmem>> -> memref<1x16x4096xi16, #tpu.memory_space<vmem>>
    %dma_wait3A_1067 = tpu.memref_squeeze %dma_wait3A_1066 : memref<1x16x4096xi16, #tpu.memory_space<vmem>> -> memref<16x4096xi16, #tpu.memory_space<vmem>>
    %dma_wait3A_1068 = tpu.memref_bitcast %arg3 : memref<4096x4096xf16, #tpu.memory_space<hbm>> -> memref<4096x4096xi16, #tpu.memory_space<hbm>>
    %dma_wait3A_1069 = arith.constant 0 : i32
    %dma_wait3A_1070 = tpu.memref_slice %dma_wait3A_1068[%add3A_1052, %dma_wait3A_1069] : memref<4096x4096xi16, #tpu.memory_space<hbm>> -> memref<16x4096xi16, #tpu.memory_space<hbm>>
    tpu.wait_dma2 semaphore(%dma_wait3A_1063 : memref<!tpu.dma_semaphore, #tpu.memory_space<semaphore_mem>>) src(%dma_wait3A_1070 : memref<16x4096xi16, #tpu.memory_space<hbm>>) dst(%dma_wait3A_1067 : memref<16x4096xi16, #tpu.memory_space<vmem>>)
    %add3A_1071 = arith.constant 80 : i32
    %add3A_1072 = arith.addi %mul3A_610, %add3A_1071 : i32
    %dma_start3A_1073 = arith.constant 2 : i32
    %dma_start3A_1074 = arith.constant 2 : i32
    %dma_start3A_1075 = arith.constant 0 : i32
    %dma_start3A_1076 = arith.constant 0 : i32
    %dma_start3A_1077 = tpu.memref_slice %arg6[%dma_start3A_1073, %dma_start3A_1075, %dma_start3A_1076] : memref<3x16x4096xi16, #tpu.memory_space<vmem>> -> memref<1x16x4096xi16, #tpu.memory_space<vmem>>
    %dma_start3A_1078 = tpu.memref_squeeze %dma_start3A_1077 : memref<1x16x4096xi16, #tpu.memory_space<vmem>> -> memref<16x4096xi16, #tpu.memory_space<vmem>>
    %dma_start3A_1079 = arith.constant 0 : i32
    %dma_start3A_1080 = tpu.memref_slice %arg5[%add3A_1072, %dma_start3A_1079] : memref<4096x4096xi16, #tpu.memory_space<hbm>> -> memref<16x4096xi16, #tpu.memory_space<hbm>>
    %dma_start3A_1081 = tpu.memref_slice %arg8[%dma_start3A_1074] : memref<3x!tpu.dma_semaphore, #tpu.memory_space<semaphore_mem>> -> memref<1x!tpu.dma_semaphore, #tpu.memory_space<semaphore_mem>>
    %dma_start3A_1082 = tpu.memref_squeeze %dma_start3A_1081 : memref<1x!tpu.dma_semaphore, #tpu.memory_space<semaphore_mem>> -> memref<!tpu.dma_semaphore, #tpu.memory_space<semaphore_mem>>
    %dma_start3A_1083 = arith.constant 0 : i32
    %dma_start3A_1084 = tpu.memref_slice %arg5[%add3A_1072, %dma_start3A_1083] : memref<4096x4096xi16, #tpu.memory_space<hbm>> -> memref<16x4096xi16, #tpu.memory_space<hbm>>
    %dma_start3A_1085 = arith.constant 0 : i32
    %dma_start3A_1086 = arith.constant 0 : i32
    %dma_start3A_1087 = tpu.memref_slice %arg6[%dma_start3A_1073, %dma_start3A_1085, %dma_start3A_1086] : memref<3x16x4096xi16, #tpu.memory_space<vmem>> -> memref<1x16x4096xi16, #tpu.memory_space<vmem>>
    %dma_start3A_1088 = tpu.memref_squeeze %dma_start3A_1087 : memref<1x16x4096xi16, #tpu.memory_space<vmem>> -> memref<16x4096xi16, #tpu.memory_space<vmem>>
    tpu.enqueue_dma source(%dma_start3A_1088 : memref<16x4096xi16, #tpu.memory_space<vmem>>) target(%dma_start3A_1084 : memref<16x4096xi16, #tpu.memory_space<hbm>>) target_semaphore(%dma_start3A_1082 : memref<!tpu.dma_semaphore, #tpu.memory_space<semaphore_mem>>)
    %add3A_1089 = arith.constant 96 : i32
    %add3A_1090 = arith.addi %mul3A_610, %add3A_1089 : i32
    %dma_wait3A_1091 = arith.constant 0 : i32
    %dma_wait3A_1092 = arith.constant 0 : i32
    %dma_wait3A_1093 = arith.constant 0 : i32
    %dma_wait3A_1094 = arith.constant 0 : i32
    %dma_wait3A_1095 = tpu.memref_slice %arg6[%dma_wait3A_1091, %dma_wait3A_1093, %dma_wait3A_1094] : memref<3x16x4096xi16, #tpu.memory_space<vmem>> -> memref<1x16x4096xi16, #tpu.memory_space<vmem>>
    %dma_wait3A_1096 = tpu.memref_squeeze %dma_wait3A_1095 : memref<1x16x4096xi16, #tpu.memory_space<vmem>> -> memref<16x4096xi16, #tpu.memory_space<vmem>>
    %dma_wait3A_1097 = tpu.memref_bitcast %arg3 : memref<4096x4096xf16, #tpu.memory_space<hbm>> -> memref<4096x4096xi16, #tpu.memory_space<hbm>>
    %dma_wait3A_1098 = arith.constant 0 : i32
    %dma_wait3A_1099 = tpu.memref_slice %dma_wait3A_1097[%add3A_1090, %dma_wait3A_1098] : memref<4096x4096xi16, #tpu.memory_space<hbm>> -> memref<16x4096xi16, #tpu.memory_space<hbm>>
    %dma_wait3A_1100 = tpu.memref_slice %arg7[%dma_wait3A_1092] : memref<3x!tpu.dma_semaphore, #tpu.memory_space<semaphore_mem>> -> memref<1x!tpu.dma_semaphore, #tpu.memory_space<semaphore_mem>>
    %dma_wait3A_1101 = tpu.memref_squeeze %dma_wait3A_1100 : memref<1x!tpu.dma_semaphore, #tpu.memory_space<semaphore_mem>> -> memref<!tpu.dma_semaphore, #tpu.memory_space<semaphore_mem>>
    %dma_wait3A_1102 = arith.constant 0 : i32
    %dma_wait3A_1103 = arith.constant 0 : i32
    %dma_wait3A_1104 = tpu.memref_slice %arg6[%dma_wait3A_1091, %dma_wait3A_1102, %dma_wait3A_1103] : memref<3x16x4096xi16, #tpu.memory_space<vmem>> -> memref<1x16x4096xi16, #tpu.memory_space<vmem>>
    %dma_wait3A_1105 = tpu.memref_squeeze %dma_wait3A_1104 : memref<1x16x4096xi16, #tpu.memory_space<vmem>> -> memref<16x4096xi16, #tpu.memory_space<vmem>>
    %dma_wait3A_1106 = tpu.memref_bitcast %arg3 : memref<4096x4096xf16, #tpu.memory_space<hbm>> -> memref<4096x4096xi16, #tpu.memory_space<hbm>>
    %dma_wait3A_1107 = arith.constant 0 : i32
    %dma_wait3A_1108 = tpu.memref_slice %dma_wait3A_1106[%add3A_1090, %dma_wait3A_1107] : memref<4096x4096xi16, #tpu.memory_space<hbm>> -> memref<16x4096xi16, #tpu.memory_space<hbm>>
    tpu.wait_dma2 semaphore(%dma_wait3A_1101 : memref<!tpu.dma_semaphore, #tpu.memory_space<semaphore_mem>>) src(%dma_wait3A_1108 : memref<16x4096xi16, #tpu.memory_space<hbm>>) dst(%dma_wait3A_1105 : memref<16x4096xi16, #tpu.memory_space<vmem>>)
    %add3A_1109 = arith.constant 96 : i32
    %add3A_1110 = arith.addi %mul3A_610, %add3A_1109 : i32
    %dma_start3A_1111 = arith.constant 0 : i32
    %dma_start3A_1112 = arith.constant 0 : i32
    %dma_start3A_1113 = arith.constant 0 : i32
    %dma_start3A_1114 = arith.constant 0 : i32
    %dma_start3A_1115 = tpu.memref_slice %arg6[%dma_start3A_1111, %dma_start3A_1113, %dma_start3A_1114] : memref<3x16x4096xi16, #tpu.memory_space<vmem>> -> memref<1x16x4096xi16, #tpu.memory_space<vmem>>
    %dma_start3A_1116 = tpu.memref_squeeze %dma_start3A_1115 : memref<1x16x4096xi16, #tpu.memory_space<vmem>> -> memref<16x4096xi16, #tpu.memory_space<vmem>>
    %dma_start3A_1117 = arith.constant 0 : i32
    %dma_start3A_1118 = tpu.memref_slice %arg5[%add3A_1110, %dma_start3A_1117] : memref<4096x4096xi16, #tpu.memory_space<hbm>> -> memref<16x4096xi16, #tpu.memory_space<hbm>>
    %dma_start3A_1119 = tpu.memref_slice %arg8[%dma_start3A_1112] : memref<3x!tpu.dma_semaphore, #tpu.memory_space<semaphore_mem>> -> memref<1x!tpu.dma_semaphore, #tpu.memory_space<semaphore_mem>>
    %dma_start3A_1120 = tpu.memref_squeeze %dma_start3A_1119 : memref<1x!tpu.dma_semaphore, #tpu.memory_space<semaphore_mem>> -> memref<!tpu.dma_semaphore, #tpu.memory_space<semaphore_mem>>
    %dma_start3A_1121 = arith.constant 0 : i32
    %dma_start3A_1122 = tpu.memref_slice %arg5[%add3A_1110, %dma_start3A_1121] : memref<4096x4096xi16, #tpu.memory_space<hbm>> -> memref<16x4096xi16, #tpu.memory_space<hbm>>
    %dma_start3A_1123 = arith.constant 0 : i32
    %dma_start3A_1124 = arith.constant 0 : i32
    %dma_start3A_1125 = tpu.memref_slice %arg6[%dma_start3A_1111, %dma_start3A_1123, %dma_start3A_1124] : memref<3x16x4096xi16, #tpu.memory_space<vmem>> -> memref<1x16x4096xi16, #tpu.memory_space<vmem>>
    %dma_start3A_1126 = tpu.memref_squeeze %dma_start3A_1125 : memref<1x16x4096xi16, #tpu.memory_space<vmem>> -> memref<16x4096xi16, #tpu.memory_space<vmem>>
    tpu.enqueue_dma source(%dma_start3A_1126 : memref<16x4096xi16, #tpu.memory_space<vmem>>) target(%dma_start3A_1122 : memref<16x4096xi16, #tpu.memory_space<hbm>>) target_semaphore(%dma_start3A_1120 : memref<!tpu.dma_semaphore, #tpu.memory_space<semaphore_mem>>)
    %add3A_1127 = arith.constant 112 : i32
    %add3A_1128 = arith.addi %mul3A_610, %add3A_1127 : i32
    %dma_wait3A_1129 = arith.constant 1 : i32
    %dma_wait3A_1130 = arith.constant 1 : i32
    %dma_wait3A_1131 = arith.constant 0 : i32
    %dma_wait3A_1132 = arith.constant 0 : i32
    %dma_wait3A_1133 = tpu.memref_slice %arg6[%dma_wait3A_1129, %dma_wait3A_1131, %dma_wait3A_1132] : memref<3x16x4096xi16, #tpu.memory_space<vmem>> -> memref<1x16x4096xi16, #tpu.memory_space<vmem>>
    %dma_wait3A_1134 = tpu.memref_squeeze %dma_wait3A_1133 : memref<1x16x4096xi16, #tpu.memory_space<vmem>> -> memref<16x4096xi16, #tpu.memory_space<vmem>>
    %dma_wait3A_1135 = tpu.memref_bitcast %arg3 : memref<4096x4096xf16, #tpu.memory_space<hbm>> -> memref<4096x4096xi16, #tpu.memory_space<hbm>>
    %dma_wait3A_1136 = arith.constant 0 : i32
    %dma_wait3A_1137 = tpu.memref_slice %dma_wait3A_1135[%add3A_1128, %dma_wait3A_1136] : memref<4096x4096xi16, #tpu.memory_space<hbm>> -> memref<16x4096xi16, #tpu.memory_space<hbm>>
    %dma_wait3A_1138 = tpu.memref_slice %arg7[%dma_wait3A_1130] : memref<3x!tpu.dma_semaphore, #tpu.memory_space<semaphore_mem>> -> memref<1x!tpu.dma_semaphore, #tpu.memory_space<semaphore_mem>>
    %dma_wait3A_1139 = tpu.memref_squeeze %dma_wait3A_1138 : memref<1x!tpu.dma_semaphore, #tpu.memory_space<semaphore_mem>> -> memref<!tpu.dma_semaphore, #tpu.memory_space<semaphore_mem>>
    %dma_wait3A_1140 = arith.constant 0 : i32
    %dma_wait3A_1141 = arith.constant 0 : i32
    %dma_wait3A_1142 = tpu.memref_slice %arg6[%dma_wait3A_1129, %dma_wait3A_1140, %dma_wait3A_1141] : memref<3x16x4096xi16, #tpu.memory_space<vmem>> -> memref<1x16x4096xi16, #tpu.memory_space<vmem>>
    %dma_wait3A_1143 = tpu.memref_squeeze %dma_wait3A_1142 : memref<1x16x4096xi16, #tpu.memory_space<vmem>> -> memref<16x4096xi16, #tpu.memory_space<vmem>>
    %dma_wait3A_1144 = tpu.memref_bitcast %arg3 : memref<4096x4096xf16, #tpu.memory_space<hbm>> -> memref<4096x4096xi16, #tpu.memory_space<hbm>>
    %dma_wait3A_1145 = arith.constant 0 : i32
    %dma_wait3A_1146 = tpu.memref_slice %dma_wait3A_1144[%add3A_1128, %dma_wait3A_1145] : memref<4096x4096xi16, #tpu.memory_space<hbm>> -> memref<16x4096xi16, #tpu.memory_space<hbm>>
    tpu.wait_dma2 semaphore(%dma_wait3A_1139 : memref<!tpu.dma_semaphore, #tpu.memory_space<semaphore_mem>>) src(%dma_wait3A_1146 : memref<16x4096xi16, #tpu.memory_space<hbm>>) dst(%dma_wait3A_1143 : memref<16x4096xi16, #tpu.memory_space<vmem>>)
    %add3A_1147 = arith.constant 112 : i32
    %add3A_1148 = arith.addi %mul3A_610, %add3A_1147 : i32
    %dma_start3A_1149 = arith.constant 1 : i32
    %dma_start3A_1150 = arith.constant 1 : i32
    %dma_start3A_1151 = arith.constant 0 : i32
    %dma_start3A_1152 = arith.constant 0 : i32
    %dma_start3A_1153 = tpu.memref_slice %arg6[%dma_start3A_1149, %dma_start3A_1151, %dma_start3A_1152] : memref<3x16x4096xi16, #tpu.memory_space<vmem>> -> memref<1x16x4096xi16, #tpu.memory_space<vmem>>
    %dma_start3A_1154 = tpu.memref_squeeze %dma_start3A_1153 : memref<1x16x4096xi16, #tpu.memory_space<vmem>> -> memref<16x4096xi16, #tpu.memory_space<vmem>>
    %dma_start3A_1155 = arith.constant 0 : i32
    %dma_start3A_1156 = tpu.memref_slice %arg5[%add3A_1148, %dma_start3A_1155] : memref<4096x4096xi16, #tpu.memory_space<hbm>> -> memref<16x4096xi16, #tpu.memory_space<hbm>>
    %dma_start3A_1157 = tpu.memref_slice %arg8[%dma_start3A_1150] : memref<3x!tpu.dma_semaphore, #tpu.memory_space<semaphore_mem>> -> memref<1x!tpu.dma_semaphore, #tpu.memory_space<semaphore_mem>>
    %dma_start3A_1158 = tpu.memref_squeeze %dma_start3A_1157 : memref<1x!tpu.dma_semaphore, #tpu.memory_space<semaphore_mem>> -> memref<!tpu.dma_semaphore, #tpu.memory_space<semaphore_mem>>
    %dma_start3A_1159 = arith.constant 0 : i32
    %dma_start3A_1160 = tpu.memref_slice %arg5[%add3A_1148, %dma_start3A_1159] : memref<4096x4096xi16, #tpu.memory_space<hbm>> -> memref<16x4096xi16, #tpu.memory_space<hbm>>
    %dma_start3A_1161 = arith.constant 0 : i32
    %dma_start3A_1162 = arith.constant 0 : i32
    %dma_start3A_1163 = tpu.memref_slice %arg6[%dma_start3A_1149, %dma_start3A_1161, %dma_start3A_1162] : memref<3x16x4096xi16, #tpu.memory_space<vmem>> -> memref<1x16x4096xi16, #tpu.memory_space<vmem>>
    %dma_start3A_1164 = tpu.memref_squeeze %dma_start3A_1163 : memref<1x16x4096xi16, #tpu.memory_space<vmem>> -> memref<16x4096xi16, #tpu.memory_space<vmem>>
    tpu.enqueue_dma source(%dma_start3A_1164 : memref<16x4096xi16, #tpu.memory_space<vmem>>) target(%dma_start3A_1160 : memref<16x4096xi16, #tpu.memory_space<hbm>>) target_semaphore(%dma_start3A_1158 : memref<!tpu.dma_semaphore, #tpu.memory_space<semaphore_mem>>)
    %add3A_1165 = arith.constant 80 : i32
    %add3A_1166 = arith.addi %mul3A_610, %add3A_1165 : i32
    %dma_wait3A_1167 = arith.constant 2 : i32
    %dma_wait3A_1168 = arith.constant 2 : i32
    %dma_wait3A_1169 = arith.constant 0 : i32
    %dma_wait3A_1170 = arith.constant 0 : i32
    %dma_wait3A_1171 = tpu.memref_slice %arg6[%dma_wait3A_1167, %dma_wait3A_1169, %dma_wait3A_1170] : memref<3x16x4096xi16, #tpu.memory_space<vmem>> -> memref<1x16x4096xi16, #tpu.memory_space<vmem>>
    %dma_wait3A_1172 = tpu.memref_squeeze %dma_wait3A_1171 : memref<1x16x4096xi16, #tpu.memory_space<vmem>> -> memref<16x4096xi16, #tpu.memory_space<vmem>>
    %dma_wait3A_1173 = arith.constant 0 : i32
    %dma_wait3A_1174 = tpu.memref_slice %arg5[%add3A_1166, %dma_wait3A_1173] : memref<4096x4096xi16, #tpu.memory_space<hbm>> -> memref<16x4096xi16, #tpu.memory_space<hbm>>
    %dma_wait3A_1175 = tpu.memref_slice %arg8[%dma_wait3A_1168] : memref<3x!tpu.dma_semaphore, #tpu.memory_space<semaphore_mem>> -> memref<1x!tpu.dma_semaphore, #tpu.memory_space<semaphore_mem>>
    %dma_wait3A_1176 = tpu.memref_squeeze %dma_wait3A_1175 : memref<1x!tpu.dma_semaphore, #tpu.memory_space<semaphore_mem>> -> memref<!tpu.dma_semaphore, #tpu.memory_space<semaphore_mem>>
    %dma_wait3A_1177 = arith.constant 0 : i32
    %dma_wait3A_1178 = tpu.memref_slice %arg5[%add3A_1166, %dma_wait3A_1177] : memref<4096x4096xi16, #tpu.memory_space<hbm>> -> memref<16x4096xi16, #tpu.memory_space<hbm>>
    %dma_wait3A_1179 = arith.constant 0 : i32
    %dma_wait3A_1180 = arith.constant 0 : i32
    %dma_wait3A_1181 = tpu.memref_slice %arg6[%dma_wait3A_1167, %dma_wait3A_1179, %dma_wait3A_1180] : memref<3x16x4096xi16, #tpu.memory_space<vmem>> -> memref<1x16x4096xi16, #tpu.memory_space<vmem>>
    %dma_wait3A_1182 = tpu.memref_squeeze %dma_wait3A_1181 : memref<1x16x4096xi16, #tpu.memory_space<vmem>> -> memref<16x4096xi16, #tpu.memory_space<vmem>>
    tpu.wait_dma2 semaphore(%dma_wait3A_1176 : memref<!tpu.dma_semaphore, #tpu.memory_space<semaphore_mem>>) src(%dma_wait3A_1182 : memref<16x4096xi16, #tpu.memory_space<vmem>>) dst(%dma_wait3A_1178 : memref<16x4096xi16, #tpu.memory_space<hbm>>)
    %add3A_1183 = arith.constant 96 : i32
    %add3A_1184 = arith.addi %mul3A_610, %add3A_1183 : i32
    %dma_wait3A_1185 = arith.constant 0 : i32
    %dma_wait3A_1186 = arith.constant 0 : i32
    %dma_wait3A_1187 = arith.constant 0 : i32
    %dma_wait3A_1188 = arith.constant 0 : i32
    %dma_wait3A_1189 = tpu.memref_slice %arg6[%dma_wait3A_1185, %dma_wait3A_1187, %dma_wait3A_1188] : memref<3x16x4096xi16, #tpu.memory_space<vmem>> -> memref<1x16x4096xi16, #tpu.memory_space<vmem>>
    %dma_wait3A_1190 = tpu.memref_squeeze %dma_wait3A_1189 : memref<1x16x4096xi16, #tpu.memory_space<vmem>> -> memref<16x4096xi16, #tpu.memory_space<vmem>>
    %dma_wait3A_1191 = arith.constant 0 : i32
    %dma_wait3A_1192 = tpu.memref_slice %arg5[%add3A_1184, %dma_wait3A_1191] : memref<4096x4096xi16, #tpu.memory_space<hbm>> -> memref<16x4096xi16, #tpu.memory_space<hbm>>
    %dma_wait3A_1193 = tpu.memref_slice %arg8[%dma_wait3A_1186] : memref<3x!tpu.dma_semaphore, #tpu.memory_space<semaphore_mem>> -> memref<1x!tpu.dma_semaphore, #tpu.memory_space<semaphore_mem>>
    %dma_wait3A_1194 = tpu.memref_squeeze %dma_wait3A_1193 : memref<1x!tpu.dma_semaphore, #tpu.memory_space<semaphore_mem>> -> memref<!tpu.dma_semaphore, #tpu.memory_space<semaphore_mem>>
    %dma_wait3A_1195 = arith.constant 0 : i32
    %dma_wait3A_1196 = tpu.memref_slice %arg5[%add3A_1184, %dma_wait3A_1195] : memref<4096x4096xi16, #tpu.memory_space<hbm>> -> memref<16x4096xi16, #tpu.memory_space<hbm>>
    %dma_wait3A_1197 = arith.constant 0 : i32
    %dma_wait3A_1198 = arith.constant 0 : i32
    %dma_wait3A_1199 = tpu.memref_slice %arg6[%dma_wait3A_1185, %dma_wait3A_1197, %dma_wait3A_1198] : memref<3x16x4096xi16, #tpu.memory_space<vmem>> -> memref<1x16x4096xi16, #tpu.memory_space<vmem>>
    %dma_wait3A_1200 = tpu.memref_squeeze %dma_wait3A_1199 : memref<1x16x4096xi16, #tpu.memory_space<vmem>> -> memref<16x4096xi16, #tpu.memory_space<vmem>>
    tpu.wait_dma2 semaphore(%dma_wait3A_1194 : memref<!tpu.dma_semaphore, #tpu.memory_space<semaphore_mem>>) src(%dma_wait3A_1200 : memref<16x4096xi16, #tpu.memory_space<vmem>>) dst(%dma_wait3A_1196 : memref<16x4096xi16, #tpu.memory_space<hbm>>)
    %add3A_1201 = arith.constant 112 : i32
    %add3A_1202 = arith.addi %mul3A_610, %add3A_1201 : i32
    %dma_wait3A_1203 = arith.constant 1 : i32
    %dma_wait3A_1204 = arith.constant 1 : i32
    %dma_wait3A_1205 = arith.constant 0 : i32
    %dma_wait3A_1206 = arith.constant 0 : i32
    %dma_wait3A_1207 = tpu.memref_slice %arg6[%dma_wait3A_1203, %dma_wait3A_1205, %dma_wait3A_1206] : memref<3x16x4096xi16, #tpu.memory_space<vmem>> -> memref<1x16x4096xi16, #tpu.memory_space<vmem>>
    %dma_wait3A_1208 = tpu.memref_squeeze %dma_wait3A_1207 : memref<1x16x4096xi16, #tpu.memory_space<vmem>> -> memref<16x4096xi16, #tpu.memory_space<vmem>>
    %dma_wait3A_1209 = arith.constant 0 : i32
    %dma_wait3A_1210 = tpu.memref_slice %arg5[%add3A_1202, %dma_wait3A_1209] : memref<4096x4096xi16, #tpu.memory_space<hbm>> -> memref<16x4096xi16, #tpu.memory_space<hbm>>
    %dma_wait3A_1211 = tpu.memref_slice %arg8[%dma_wait3A_1204] : memref<3x!tpu.dma_semaphore, #tpu.memory_space<semaphore_mem>> -> memref<1x!tpu.dma_semaphore, #tpu.memory_space<semaphore_mem>>
    %dma_wait3A_1212 = tpu.memref_squeeze %dma_wait3A_1211 : memref<1x!tpu.dma_semaphore, #tpu.memory_space<semaphore_mem>> -> memref<!tpu.dma_semaphore, #tpu.memory_space<semaphore_mem>>
    %dma_wait3A_1213 = arith.constant 0 : i32
    %dma_wait3A_1214 = tpu.memref_slice %arg5[%add3A_1202, %dma_wait3A_1213] : memref<4096x4096xi16, #tpu.memory_space<hbm>> -> memref<16x4096xi16, #tpu.memory_space<hbm>>
    %dma_wait3A_1215 = arith.constant 0 : i32
    %dma_wait3A_1216 = arith.constant 0 : i32
    %dma_wait3A_1217 = tpu.memref_slice %arg6[%dma_wait3A_1203, %dma_wait3A_1215, %dma_wait3A_1216] : memref<3x16x4096xi16, #tpu.memory_space<vmem>> -> memref<1x16x4096xi16, #tpu.memory_space<vmem>>
    %dma_wait3A_1218 = tpu.memref_squeeze %dma_wait3A_1217 : memref<1x16x4096xi16, #tpu.memory_space<vmem>> -> memref<16x4096xi16, #tpu.memory_space<vmem>>
    tpu.wait_dma2 semaphore(%dma_wait3A_1212 : memref<!tpu.dma_semaphore, #tpu.memory_space<semaphore_mem>>) src(%dma_wait3A_1218 : memref<16x4096xi16, #tpu.memory_space<vmem>>) dst(%dma_wait3A_1214 : memref<16x4096xi16, #tpu.memory_space<hbm>>)
    return
  }
}

module attributes {stable_mosaic.version = 14 : i64} {
  func.func @_stage2(%arg0: i32, %arg1: memref<128x4096xbf16, #tpu.memory_space<vmem>>, %arg2: memref<128x4096xbf16, #tpu.memory_space<vmem>>, %arg3: memref<4096x512xi16, #tpu.memory_space<vmem>>, %arg4: memref<4096x512xi16, #tpu.memory_space<vmem>>, %arg5: memref<128x512xf32, #tpu.memory_space<vmem>>) attributes {dimension_semantics = [#tpu.dimension_semantics<arbitrary>], iteration_bounds = array<i64: 8>, scalar_prefetch = 0 : i64, scratch_operands = 0 : i64, tpu.core_type = #tpu.core_type<tc>, window_params = [{pipeline_mode = #tpu.pipeline_mode<synchronous>, transform_indices = @transform_0, window_bounds = array<i64: 128, 4096>}, {pipeline_mode = #tpu.pipeline_mode<synchronous>, transform_indices = @transform_1, window_bounds = array<i64: 128, 4096>}, {transform_indices = @transform_2, window_bounds = array<i64: 4096, 512>}, {transform_indices = @transform_3, window_bounds = array<i64: 4096, 512>}, {transform_indices = @transform_4, window_bounds = array<i64: 128, 512>}]} {
    %get3A = arith.constant 0 : index
    %get3A_0 = arith.constant 0 : index
    %get3A_1 = vector.load %arg3[%get3A, %get3A_0] : memref<4096x512xi16, #tpu.memory_space<vmem>>, vector<4096x512xi16>
    %bitcast3A = tpu.bitcast %get3A_1 : vector<4096x512xi16> -> vector<2048x512xi32>
    %add3A = arith.constant 262148 : i32
    %add3A_2 = vector.broadcast %add3A : i32 to vector<2048x512xi32>
    %add3A_3 = arith.addi %bitcast3A, %add3A_2 : vector<2048x512xi32>
    %shift_right_arithmetic3A = arith.constant 3 : i32
    %shift_right_arithmetic3A_4 = vector.broadcast %shift_right_arithmetic3A : i32 to vector<2048x512xi32>
    %shift_right_arithmetic3A_5 = arith.shrsi %add3A_3, %shift_right_arithmetic3A_4 : vector<2048x512xi32>
    %and3A = arith.constant 268374015 : i32
    %and3A_6 = vector.broadcast %and3A : i32 to vector<2048x512xi32>
    %and3A_7 = arith.andi %shift_right_arithmetic3A_5, %and3A_6 : vector<2048x512xi32>
    %add3A_8 = arith.constant 939538432 : i32
    %add3A_9 = vector.broadcast %add3A_8 : i32 to vector<2048x512xi32>
    %add3A_10 = arith.addi %and3A_7, %add3A_9 : vector<2048x512xi32>
    %and3A_11 = arith.constant -2147450880 : i32
    %and3A_12 = vector.broadcast %and3A_11 : i32 to vector<2048x512xi32>
    %and3A_13 = arith.andi %bitcast3A, %and3A_12 : vector<2048x512xi32>
    %or3A = arith.ori %add3A_10, %and3A_13 : vector<2048x512xi32>
    %bitcast3A_14 = tpu.bitcast %or3A : vector<2048x512xi32> -> vector<4096x512xbf16>
    %get3A_15 = arith.constant 0 : index
    %get3A_16 = arith.constant 0 : index
    %get3A_17 = vector.load %arg4[%get3A_15, %get3A_16] : memref<4096x512xi16, #tpu.memory_space<vmem>>, vector<4096x512xi16>
    %bitcast3A_18 = tpu.bitcast %get3A_17 : vector<4096x512xi16> -> vector<2048x512xi32>
    %add3A_19 = arith.constant 262148 : i32
    %add3A_20 = vector.broadcast %add3A_19 : i32 to vector<2048x512xi32>
    %add3A_21 = arith.addi %bitcast3A_18, %add3A_20 : vector<2048x512xi32>
    %shift_right_arithmetic3A_22 = arith.constant 3 : i32
    %shift_right_arithmetic3A_23 = vector.broadcast %shift_right_arithmetic3A_22 : i32 to vector<2048x512xi32>
    %shift_right_arithmetic3A_24 = arith.shrsi %add3A_21, %shift_right_arithmetic3A_23 : vector<2048x512xi32>
    %and3A_25 = arith.constant 268374015 : i32
    %and3A_26 = vector.broadcast %and3A_25 : i32 to vector<2048x512xi32>
    %and3A_27 = arith.andi %shift_right_arithmetic3A_24, %and3A_26 : vector<2048x512xi32>
    %add3A_28 = arith.constant 939538432 : i32
    %add3A_29 = vector.broadcast %add3A_28 : i32 to vector<2048x512xi32>
    %add3A_30 = arith.addi %and3A_27, %add3A_29 : vector<2048x512xi32>
    %and3A_31 = arith.constant -2147450880 : i32
    %and3A_32 = vector.broadcast %and3A_31 : i32 to vector<2048x512xi32>
    %and3A_33 = arith.andi %bitcast3A_18, %and3A_32 : vector<2048x512xi32>
    %or3A_34 = arith.ori %add3A_30, %and3A_33 : vector<2048x512xi32>
    %bitcast3A_35 = tpu.bitcast %or3A_34 : vector<2048x512xi32> -> vector<4096x512xbf16>
    %get3A_36 = arith.constant 0 : index
    %get3A_37 = arith.constant 0 : index
    %get3A_38 = vector.load %arg1[%get3A_36, %get3A_37] : memref<128x4096xbf16, #tpu.memory_space<vmem>>, vector<128x4096xbf16>
    %dot_general3A = arith.constant dense<0.000000e+00> : vector<128x512xf32>
    %dot_general3A_39 = tpu.matmul %get3A_38, %bitcast3A_14, %dot_general3A {dimension_numbers = #tpu.dot_dimension_numbers<[1], [0], [0], [1], [0, 0, 1, 1], [], []>, transpose_lhs_hint = false} : vector<128x4096xbf16>, vector<4096x512xbf16>, vector<128x512xf32> -> vector<128x512xf32>
    %get3A_40 = arith.constant 0 : index
    %get3A_41 = arith.constant 0 : index
    %get3A_42 = vector.load %arg2[%get3A_40, %get3A_41] : memref<128x4096xbf16, #tpu.memory_space<vmem>>, vector<128x4096xbf16>
    %dot_general3A_43 = arith.constant dense<0.000000e+00> : vector<128x512xf32>
    %dot_general3A_44 = tpu.matmul %get3A_42, %bitcast3A_35, %dot_general3A_43 {dimension_numbers = #tpu.dot_dimension_numbers<[1], [0], [0], [1], [0, 0, 1, 1], [], []>, transpose_lhs_hint = false} : vector<128x4096xbf16>, vector<4096x512xbf16>, vector<128x512xf32> -> vector<128x512xf32>
    %mul3A = arith.constant 2.000000e+00 : f32
    %mul3A_45 = vector.broadcast %mul3A : f32 to vector<128x512xf32>
    %mul3A_46 = arith.mulf %mul3A_45, %dot_general3A_44 : vector<128x512xf32>
    %add3A_47 = arith.addf %dot_general3A_39, %mul3A_46 : vector<128x512xf32>
    %swap3A = arith.constant 0 : index
    %swap3A_48 = arith.constant 0 : index
    %swap3A_49 = vector.load %arg5[%swap3A, %swap3A_48] : memref<128x512xf32, #tpu.memory_space<vmem>>, vector<128x512xf32>
    tpu.vector_store %arg5[%swap3A, %swap3A_48], %add3A_47 {strides = array<i32>} : memref<128x512xf32, #tpu.memory_space<vmem>>, vector<128x512xf32>,
    return
  }
  func.func @transform_0(%arg0: i32) -> (i32, i32) {
    %c0_i32 = arith.constant 0 : i32
    %c0_i32_0 = arith.constant 0 : i32
    %c0_i32_1 = arith.constant 0 : i32
    return %c0_i32, %c0_i32_0 : i32, i32
  }
  func.func @transform_1(%arg0: i32) -> (i32, i32) {
    %c0_i32 = arith.constant 0 : i32
    %c0_i32_0 = arith.constant 0 : i32
    %c0_i32_1 = arith.constant 0 : i32
    return %c0_i32, %c0_i32_0 : i32, i32
  }
  func.func @transform_2(%arg0: i32) -> (i32, i32) {
    %c0_i32 = arith.constant 0 : i32
    %c0_i32_0 = arith.constant 0 : i32
    return %c0_i32, %arg0 : i32, i32
  }
  func.func @transform_3(%arg0: i32) -> (i32, i32) {
    %c0_i32 = arith.constant 0 : i32
    %c0_i32_0 = arith.constant 0 : i32
    return %c0_i32, %arg0 : i32, i32
  }
  func.func @transform_4(%arg0: i32) -> (i32, i32) {
    %c0_i32 = arith.constant 0 : i32
    %c0_i32_0 = arith.constant 0 : i32
    return %c0_i32, %arg0 : i32, i32
  }
}

module attributes {stable_mosaic.version = 14 : i64} {
  func.func @_stage1(%arg0: i32, %arg1: memref<128x1xi32, #tpu.memory_space<vmem>>, %arg2: memref<128x4096xbf16, #tpu.memory_space<vmem>>, %arg3: memref<8x64x4096xi16, #tpu.memory_space<vmem>>, %arg4: memref<128x512xbf16, #tpu.memory_space<vmem>>) attributes {dimension_semantics = [#tpu.dimension_semantics<arbitrary>], iteration_bounds = array<i64: 8>, scalar_prefetch = 0 : i64, scratch_operands = 0 : i64, tpu.core_type = #tpu.core_type<tc>, window_params = [{pipeline_mode = #tpu.pipeline_mode<synchronous>, transform_indices = @transform_0, window_bounds = array<i64: 128, 1>}, {pipeline_mode = #tpu.pipeline_mode<synchronous>, transform_indices = @transform_1, window_bounds = array<i64: 128, 4096>}, {transform_indices = @transform_2, window_bounds = array<i64: 8, 64, 4096>}, {transform_indices = @transform_3, window_bounds = array<i64: 128, 512>}]} {
    %get3A = arith.constant 0 : index
    %get3A_0 = arith.constant 0 : index
    %get3A_1 = vector.load %arg2[%get3A, %get3A_0] : memref<128x4096xbf16, #tpu.memory_space<vmem>>, vector<128x4096xbf16>
    %get3A_2 = arith.constant 0 : index
    %get3A_3 = arith.constant 0 : index
    %get3A_4 = vector.load %arg1[%get3A_2, %get3A_3] : memref<128x1xi32, #tpu.memory_space<vmem>>, vector<128x1xi32>
    %get3A_5 = arith.constant 0 : index
    %get3A_6 = arith.constant 0 : index
    %get3A_7 = arith.constant 0 : index
    %get3A_8 = vector.load %arg3[%get3A_5, %get3A_6, %get3A_7] : memref<8x64x4096xi16, #tpu.memory_space<vmem>>, vector<1x64x4096xi16>
    %get3A_9 = vector.shape_cast %get3A_8 : vector<1x64x4096xi16> to vector<64x4096xi16>
    %bitcast3A = tpu.bitcast %get3A_9 : vector<64x4096xi16> -> vector<32x4096xi32>
    %add3A = arith.constant 262148 : i32
    %add3A_10 = vector.broadcast %add3A : i32 to vector<32x4096xi32>
    %add3A_11 = arith.addi %bitcast3A, %add3A_10 : vector<32x4096xi32>
    %shift_right_arithmetic3A = arith.constant 3 : i32
    %shift_right_arithmetic3A_12 = vector.broadcast %shift_right_arithmetic3A : i32 to vector<32x4096xi32>
    %shift_right_arithmetic3A_13 = arith.shrsi %add3A_11, %shift_right_arithmetic3A_12 : vector<32x4096xi32>
    %and3A = arith.constant 268374015 : i32
    %and3A_14 = vector.broadcast %and3A : i32 to vector<32x4096xi32>
    %and3A_15 = arith.andi %shift_right_arithmetic3A_13, %and3A_14 : vector<32x4096xi32>
    %add3A_16 = arith.constant 939538432 : i32
    %add3A_17 = vector.broadcast %add3A_16 : i32 to vector<32x4096xi32>
    %add3A_18 = arith.addi %and3A_15, %add3A_17 : vector<32x4096xi32>
    %and3A_19 = arith.constant -2147450880 : i32
    %and3A_20 = vector.broadcast %and3A_19 : i32 to vector<32x4096xi32>
    %and3A_21 = arith.andi %bitcast3A, %and3A_20 : vector<32x4096xi32>
    %or3A = arith.ori %add3A_18, %and3A_21 : vector<32x4096xi32>
    %bitcast3A_22 = tpu.bitcast %or3A : vector<32x4096xi32> -> vector<64x4096xbf16>
    %get3A_23 = arith.constant 1 : index
    %get3A_24 = arith.constant 0 : index
    %get3A_25 = arith.constant 0 : index
    %get3A_26 = vector.load %arg3[%get3A_23, %get3A_24, %get3A_25] : memref<8x64x4096xi16, #tpu.memory_space<vmem>>, vector<1x64x4096xi16>
    %get3A_27 = vector.shape_cast %get3A_26 : vector<1x64x4096xi16> to vector<64x4096xi16>
    %bitcast3A_28 = tpu.bitcast %get3A_27 : vector<64x4096xi16> -> vector<32x4096xi32>
    %add3A_29 = arith.constant 262148 : i32
    %add3A_30 = vector.broadcast %add3A_29 : i32 to vector<32x4096xi32>
    %add3A_31 = arith.addi %bitcast3A_28, %add3A_30 : vector<32x4096xi32>
    %shift_right_arithmetic3A_32 = arith.constant 3 : i32
    %shift_right_arithmetic3A_33 = vector.broadcast %shift_right_arithmetic3A_32 : i32 to vector<32x4096xi32>
    %shift_right_arithmetic3A_34 = arith.shrsi %add3A_31, %shift_right_arithmetic3A_33 : vector<32x4096xi32>
    %and3A_35 = arith.constant 268374015 : i32
    %and3A_36 = vector.broadcast %and3A_35 : i32 to vector<32x4096xi32>
    %and3A_37 = arith.andi %shift_right_arithmetic3A_34, %and3A_36 : vector<32x4096xi32>
    %add3A_38 = arith.constant 939538432 : i32
    %add3A_39 = vector.broadcast %add3A_38 : i32 to vector<32x4096xi32>
    %add3A_40 = arith.addi %and3A_37, %add3A_39 : vector<32x4096xi32>
    %and3A_41 = arith.constant -2147450880 : i32
    %and3A_42 = vector.broadcast %and3A_41 : i32 to vector<32x4096xi32>
    %and3A_43 = arith.andi %bitcast3A_28, %and3A_42 : vector<32x4096xi32>
    %or3A_44 = arith.ori %add3A_40, %and3A_43 : vector<32x4096xi32>
    %bitcast3A_45 = tpu.bitcast %or3A_44 : vector<32x4096xi32> -> vector<64x4096xbf16>
    %get3A_46 = arith.constant 2 : index
    %get3A_47 = arith.constant 0 : index
    %get3A_48 = arith.constant 0 : index
    %get3A_49 = vector.load %arg3[%get3A_46, %get3A_47, %get3A_48] : memref<8x64x4096xi16, #tpu.memory_space<vmem>>, vector<1x64x4096xi16>
    %get3A_50 = vector.shape_cast %get3A_49 : vector<1x64x4096xi16> to vector<64x4096xi16>
    %bitcast3A_51 = tpu.bitcast %get3A_50 : vector<64x4096xi16> -> vector<32x4096xi32>
    %add3A_52 = arith.constant 262148 : i32
    %add3A_53 = vector.broadcast %add3A_52 : i32 to vector<32x4096xi32>
    %add3A_54 = arith.addi %bitcast3A_51, %add3A_53 : vector<32x4096xi32>
    %shift_right_arithmetic3A_55 = arith.constant 3 : i32
    %shift_right_arithmetic3A_56 = vector.broadcast %shift_right_arithmetic3A_55 : i32 to vector<32x4096xi32>
    %shift_right_arithmetic3A_57 = arith.shrsi %add3A_54, %shift_right_arithmetic3A_56 : vector<32x4096xi32>
    %and3A_58 = arith.constant 268374015 : i32
    %and3A_59 = vector.broadcast %and3A_58 : i32 to vector<32x4096xi32>
    %and3A_60 = arith.andi %shift_right_arithmetic3A_57, %and3A_59 : vector<32x4096xi32>
    %add3A_61 = arith.constant 939538432 : i32
    %add3A_62 = vector.broadcast %add3A_61 : i32 to vector<32x4096xi32>
    %add3A_63 = arith.addi %and3A_60, %add3A_62 : vector<32x4096xi32>
    %and3A_64 = arith.constant -2147450880 : i32
    %and3A_65 = vector.broadcast %and3A_64 : i32 to vector<32x4096xi32>
    %and3A_66 = arith.andi %bitcast3A_51, %and3A_65 : vector<32x4096xi32>
    %or3A_67 = arith.ori %add3A_63, %and3A_66 : vector<32x4096xi32>
    %bitcast3A_68 = tpu.bitcast %or3A_67 : vector<32x4096xi32> -> vector<64x4096xbf16>
    %get3A_69 = arith.constant 3 : index
    %get3A_70 = arith.constant 0 : index
    %get3A_71 = arith.constant 0 : index
    %get3A_72 = vector.load %arg3[%get3A_69, %get3A_70, %get3A_71] : memref<8x64x4096xi16, #tpu.memory_space<vmem>>, vector<1x64x4096xi16>
    %get3A_73 = vector.shape_cast %get3A_72 : vector<1x64x4096xi16> to vector<64x4096xi16>
    %bitcast3A_74 = tpu.bitcast %get3A_73 : vector<64x4096xi16> -> vector<32x4096xi32>
    %add3A_75 = arith.constant 262148 : i32
    %add3A_76 = vector.broadcast %add3A_75 : i32 to vector<32x4096xi32>
    %add3A_77 = arith.addi %bitcast3A_74, %add3A_76 : vector<32x4096xi32>
    %shift_right_arithmetic3A_78 = arith.constant 3 : i32
    %shift_right_arithmetic3A_79 = vector.broadcast %shift_right_arithmetic3A_78 : i32 to vector<32x4096xi32>
    %shift_right_arithmetic3A_80 = arith.shrsi %add3A_77, %shift_right_arithmetic3A_79 : vector<32x4096xi32>
    %and3A_81 = arith.constant 268374015 : i32
    %and3A_82 = vector.broadcast %and3A_81 : i32 to vector<32x4096xi32>
    %and3A_83 = arith.andi %shift_right_arithmetic3A_80, %and3A_82 : vector<32x4096xi32>
    %add3A_84 = arith.constant 939538432 : i32
    %add3A_85 = vector.broadcast %add3A_84 : i32 to vector<32x4096xi32>
    %add3A_86 = arith.addi %and3A_83, %add3A_85 : vector<32x4096xi32>
    %and3A_87 = arith.constant -2147450880 : i32
    %and3A_88 = vector.broadcast %and3A_87 : i32 to vector<32x4096xi32>
    %and3A_89 = arith.andi %bitcast3A_74, %and3A_88 : vector<32x4096xi32>
    %or3A_90 = arith.ori %add3A_86, %and3A_89 : vector<32x4096xi32>
    %bitcast3A_91 = tpu.bitcast %or3A_90 : vector<32x4096xi32> -> vector<64x4096xbf16>
    %get3A_92 = arith.constant 4 : index
    %get3A_93 = arith.constant 0 : index
    %get3A_94 = arith.constant 0 : index
    %get3A_95 = vector.load %arg3[%get3A_92, %get3A_93, %get3A_94] : memref<8x64x4096xi16, #tpu.memory_space<vmem>>, vector<1x64x4096xi16>
    %get3A_96 = vector.shape_cast %get3A_95 : vector<1x64x4096xi16> to vector<64x4096xi16>
    %bitcast3A_97 = tpu.bitcast %get3A_96 : vector<64x4096xi16> -> vector<32x4096xi32>
    %add3A_98 = arith.constant 262148 : i32
    %add3A_99 = vector.broadcast %add3A_98 : i32 to vector<32x4096xi32>
    %add3A_100 = arith.addi %bitcast3A_97, %add3A_99 : vector<32x4096xi32>
    %shift_right_arithmetic3A_101 = arith.constant 3 : i32
    %shift_right_arithmetic3A_102 = vector.broadcast %shift_right_arithmetic3A_101 : i32 to vector<32x4096xi32>
    %shift_right_arithmetic3A_103 = arith.shrsi %add3A_100, %shift_right_arithmetic3A_102 : vector<32x4096xi32>
    %and3A_104 = arith.constant 268374015 : i32
    %and3A_105 = vector.broadcast %and3A_104 : i32 to vector<32x4096xi32>
    %and3A_106 = arith.andi %shift_right_arithmetic3A_103, %and3A_105 : vector<32x4096xi32>
    %add3A_107 = arith.constant 939538432 : i32
    %add3A_108 = vector.broadcast %add3A_107 : i32 to vector<32x4096xi32>
    %add3A_109 = arith.addi %and3A_106, %add3A_108 : vector<32x4096xi32>
    %and3A_110 = arith.constant -2147450880 : i32
    %and3A_111 = vector.broadcast %and3A_110 : i32 to vector<32x4096xi32>
    %and3A_112 = arith.andi %bitcast3A_97, %and3A_111 : vector<32x4096xi32>
    %or3A_113 = arith.ori %add3A_109, %and3A_112 : vector<32x4096xi32>
    %bitcast3A_114 = tpu.bitcast %or3A_113 : vector<32x4096xi32> -> vector<64x4096xbf16>
    %get3A_115 = arith.constant 5 : index
    %get3A_116 = arith.constant 0 : index
    %get3A_117 = arith.constant 0 : index
    %get3A_118 = vector.load %arg3[%get3A_115, %get3A_116, %get3A_117] : memref<8x64x4096xi16, #tpu.memory_space<vmem>>, vector<1x64x4096xi16>
    %get3A_119 = vector.shape_cast %get3A_118 : vector<1x64x4096xi16> to vector<64x4096xi16>
    %bitcast3A_120 = tpu.bitcast %get3A_119 : vector<64x4096xi16> -> vector<32x4096xi32>
    %add3A_121 = arith.constant 262148 : i32
    %add3A_122 = vector.broadcast %add3A_121 : i32 to vector<32x4096xi32>
    %add3A_123 = arith.addi %bitcast3A_120, %add3A_122 : vector<32x4096xi32>
    %shift_right_arithmetic3A_124 = arith.constant 3 : i32
    %shift_right_arithmetic3A_125 = vector.broadcast %shift_right_arithmetic3A_124 : i32 to vector<32x4096xi32>
    %shift_right_arithmetic3A_126 = arith.shrsi %add3A_123, %shift_right_arithmetic3A_125 : vector<32x4096xi32>
    %and3A_127 = arith.constant 268374015 : i32
    %and3A_128 = vector.broadcast %and3A_127 : i32 to vector<32x4096xi32>
    %and3A_129 = arith.andi %shift_right_arithmetic3A_126, %and3A_128 : vector<32x4096xi32>
    %add3A_130 = arith.constant 939538432 : i32
    %add3A_131 = vector.broadcast %add3A_130 : i32 to vector<32x4096xi32>
    %add3A_132 = arith.addi %and3A_129, %add3A_131 : vector<32x4096xi32>
    %and3A_133 = arith.constant -2147450880 : i32
    %and3A_134 = vector.broadcast %and3A_133 : i32 to vector<32x4096xi32>
    %and3A_135 = arith.andi %bitcast3A_120, %and3A_134 : vector<32x4096xi32>
    %or3A_136 = arith.ori %add3A_132, %and3A_135 : vector<32x4096xi32>
    %bitcast3A_137 = tpu.bitcast %or3A_136 : vector<32x4096xi32> -> vector<64x4096xbf16>
    %get3A_138 = arith.constant 6 : index
    %get3A_139 = arith.constant 0 : index
    %get3A_140 = arith.constant 0 : index
    %get3A_141 = vector.load %arg3[%get3A_138, %get3A_139, %get3A_140] : memref<8x64x4096xi16, #tpu.memory_space<vmem>>, vector<1x64x4096xi16>
    %get3A_142 = vector.shape_cast %get3A_141 : vector<1x64x4096xi16> to vector<64x4096xi16>
    %bitcast3A_143 = tpu.bitcast %get3A_142 : vector<64x4096xi16> -> vector<32x4096xi32>
    %add3A_144 = arith.constant 262148 : i32
    %add3A_145 = vector.broadcast %add3A_144 : i32 to vector<32x4096xi32>
    %add3A_146 = arith.addi %bitcast3A_143, %add3A_145 : vector<32x4096xi32>
    %shift_right_arithmetic3A_147 = arith.constant 3 : i32
    %shift_right_arithmetic3A_148 = vector.broadcast %shift_right_arithmetic3A_147 : i32 to vector<32x4096xi32>
    %shift_right_arithmetic3A_149 = arith.shrsi %add3A_146, %shift_right_arithmetic3A_148 : vector<32x4096xi32>
    %and3A_150 = arith.constant 268374015 : i32
    %and3A_151 = vector.broadcast %and3A_150 : i32 to vector<32x4096xi32>
    %and3A_152 = arith.andi %shift_right_arithmetic3A_149, %and3A_151 : vector<32x4096xi32>
    %add3A_153 = arith.constant 939538432 : i32
    %add3A_154 = vector.broadcast %add3A_153 : i32 to vector<32x4096xi32>
    %add3A_155 = arith.addi %and3A_152, %add3A_154 : vector<32x4096xi32>
    %and3A_156 = arith.constant -2147450880 : i32
    %and3A_157 = vector.broadcast %and3A_156 : i32 to vector<32x4096xi32>
    %and3A_158 = arith.andi %bitcast3A_143, %and3A_157 : vector<32x4096xi32>
    %or3A_159 = arith.ori %add3A_155, %and3A_158 : vector<32x4096xi32>
    %bitcast3A_160 = tpu.bitcast %or3A_159 : vector<32x4096xi32> -> vector<64x4096xbf16>
    %get3A_161 = arith.constant 7 : index
    %get3A_162 = arith.constant 0 : index
    %get3A_163 = arith.constant 0 : index
    %get3A_164 = vector.load %arg3[%get3A_161, %get3A_162, %get3A_163] : memref<8x64x4096xi16, #tpu.memory_space<vmem>>, vector<1x64x4096xi16>
    %get3A_165 = vector.shape_cast %get3A_164 : vector<1x64x4096xi16> to vector<64x4096xi16>
    %bitcast3A_166 = tpu.bitcast %get3A_165 : vector<64x4096xi16> -> vector<32x4096xi32>
    %add3A_167 = arith.constant 262148 : i32
    %add3A_168 = vector.broadcast %add3A_167 : i32 to vector<32x4096xi32>
    %add3A_169 = arith.addi %bitcast3A_166, %add3A_168 : vector<32x4096xi32>
    %shift_right_arithmetic3A_170 = arith.constant 3 : i32
    %shift_right_arithmetic3A_171 = vector.broadcast %shift_right_arithmetic3A_170 : i32 to vector<32x4096xi32>
    %shift_right_arithmetic3A_172 = arith.shrsi %add3A_169, %shift_right_arithmetic3A_171 : vector<32x4096xi32>
    %and3A_173 = arith.constant 268374015 : i32
    %and3A_174 = vector.broadcast %and3A_173 : i32 to vector<32x4096xi32>
    %and3A_175 = arith.andi %shift_right_arithmetic3A_172, %and3A_174 : vector<32x4096xi32>
    %add3A_176 = arith.constant 939538432 : i32
    %add3A_177 = vector.broadcast %add3A_176 : i32 to vector<32x4096xi32>
    %add3A_178 = arith.addi %and3A_175, %add3A_177 : vector<32x4096xi32>
    %and3A_179 = arith.constant -2147450880 : i32
    %and3A_180 = vector.broadcast %and3A_179 : i32 to vector<32x4096xi32>
    %and3A_181 = arith.andi %bitcast3A_166, %and3A_180 : vector<32x4096xi32>
    %or3A_182 = arith.ori %add3A_178, %and3A_181 : vector<32x4096xi32>
    %bitcast3A_183 = tpu.bitcast %or3A_182 : vector<32x4096xi32> -> vector<64x4096xbf16>
    %concatenate3A = tpu.concatenate %bitcast3A_22, %bitcast3A_45, %bitcast3A_68, %bitcast3A_91, %bitcast3A_114, %bitcast3A_137, %bitcast3A_160, %bitcast3A_183 in 0 : vector<64x4096xbf16>, vector<64x4096xbf16>, vector<64x4096xbf16>, vector<64x4096xbf16>, vector<64x4096xbf16>, vector<64x4096xbf16>, vector<64x4096xbf16>, vector<64x4096xbf16> -> vector<512x4096xbf16>
    %dot_general3A = arith.constant dense<0.000000e+00> : vector<128x512xf32>
    %dot_general3A_184 = tpu.matmul %get3A_1, %concatenate3A, %dot_general3A {dimension_numbers = #tpu.dot_dimension_numbers<[1], [1], [0], [0], [0, 0, 1, 0], [], []>, transpose_lhs_hint = false} : vector<128x4096xbf16>, vector<512x4096xbf16>, vector<128x512xf32> -> vector<128x512xf32>
    %mul3A = arith.constant 8 : i32
    %mul3A_185 = arith.muli %arg0, %mul3A : i32
    %iota3A = tpu.iota {dimensions = array<i32: 1>} : vector<128x512xi32>
    %jit3A = arith.constant 64 : i32
    %div3A = vector.broadcast %jit3A : i32 to vector<128x512xi32>
    %div3A_186 = arith.divsi %iota3A, %div3A : vector<128x512xi32>
    %sign3A = arith.constant 0 : i32
    %sign3A_187 = vector.broadcast %sign3A : i32 to vector<128x512xi32>
    %sign3A_188 = arith.cmpi sgt, %iota3A, %sign3A_187 : vector<128x512xi32>
    %sign3A_189 = arith.extui %sign3A_188 : vector<128x512xi1> to vector<128x512xi32>
    %sign3A_190 = arith.constant 0 : i32
    %sign3A_191 = vector.broadcast %sign3A_190 : i32 to vector<128x512xi32>
    %sign3A_192 = arith.cmpi slt, %iota3A, %sign3A_191 : vector<128x512xi32>
    %sign3A_193 = arith.extui %sign3A_192 : vector<128x512xi1> to vector<128x512xi32>
    %sign3A_194 = arith.subi %sign3A_189, %sign3A_193 : vector<128x512xi32>
    %sign3A_195 = arith.constant 0 : i32
    %sign3A_196 = arith.cmpi sgt, %jit3A, %sign3A_195 : i32
    %sign3A_197 = arith.extui %sign3A_196 : i1 to i32
    %sign3A_198 = arith.constant 0 : i32
    %sign3A_199 = arith.cmpi slt, %jit3A, %sign3A_198 : i32
    %sign3A_200 = arith.extui %sign3A_199 : i1 to i32
    %sign3A_201 = arith.subi %sign3A_197, %sign3A_200 : i32
    %ne3A = vector.broadcast %sign3A_201 : i32 to vector<128x512xi32>
    %ne3A_202 = arith.cmpi ne, %sign3A_194, %ne3A : vector<128x512xi32>
    %rem3A = vector.broadcast %jit3A : i32 to vector<128x512xi32>
    %rem3A_203 = arith.remsi %iota3A, %rem3A : vector<128x512xi32>
    %ne3A_204 = arith.constant 0 : i32
    %ne3A_205 = vector.broadcast %ne3A_204 : i32 to vector<128x512xi32>
    %ne3A_206 = arith.cmpi ne, %rem3A_203, %ne3A_205 : vector<128x512xi32>
    %and3A_207 = arith.andi %ne3A_202, %ne3A_206 : vector<128x512xi1>
    %sub3A = arith.constant 1 : i32
    %sub3A_208 = vector.broadcast %sub3A : i32 to vector<128x512xi32>
    %sub3A_209 = arith.subi %div3A_186, %sub3A_208 : vector<128x512xi32>
    %select_n3A = arith.select %and3A_207, %sub3A_209, %div3A_186 : vector<128x512xi1>, vector<128x512xi32>
    %add3A_210 = vector.broadcast %mul3A_185 : i32 to vector<128x512xi32>
    %add3A_211 = arith.addi %add3A_210, %select_n3A : vector<128x512xi32>
    %eq3A = vector.broadcast %get3A_4 : vector<128x1xi32> to vector<128x512xi32>
    %eq3A_212 = arith.cmpi eq, %eq3A, %add3A_211 : vector<128x512xi32>
    %jit3A_213 = arith.constant 0.000000e+00 : f32
    %broadcast_in_dim3A = vector.broadcast %jit3A_213 : f32 to vector<128x512xf32>
    %select_n3A_214 = arith.select %eq3A_212, %dot_general3A_184, %broadcast_in_dim3A : vector<128x512xi1>, vector<128x512xf32>
    %convert_element_type3A = arith.truncf %select_n3A_214 : vector<128x512xf32> to vector<128x512xbf16>
    %swap3A = arith.constant 0 : index
    %swap3A_215 = arith.constant 0 : index
    %swap3A_216 = vector.load %arg4[%swap3A, %swap3A_215] : memref<128x512xbf16, #tpu.memory_space<vmem>>, vector<128x512xbf16>
    tpu.vector_store %arg4[%swap3A, %swap3A_215], %convert_element_type3A {strides = array<i32>} : memref<128x512xbf16, #tpu.memory_space<vmem>>, vector<128x512xbf16>,
    return
  }
  func.func @transform_0(%arg0: i32) -> (i32, i32) {
    %c0_i32 = arith.constant 0 : i32
    %c0_i32_0 = arith.constant 0 : i32
    %c0_i32_1 = arith.constant 0 : i32
    return %c0_i32, %c0_i32_0 : i32, i32
  }
  func.func @transform_1(%arg0: i32) -> (i32, i32) {
    %c0_i32 = arith.constant 0 : i32
    %c0_i32_0 = arith.constant 0 : i32
    %c0_i32_1 = arith.constant 0 : i32
    return %c0_i32, %c0_i32_0 : i32, i32
  }
  func.func @transform_2(%arg0: i32) -> (i32, i32, i32) {
    %c0_i32 = arith.constant 0 : i32
    %c0_i32_0 = arith.constant 0 : i32
    %c0_i32_1 = arith.constant 0 : i32
    return %arg0, %c0_i32, %c0_i32_0 : i32, i32, i32
  }
  func.func @transform_3(%arg0: i32) -> (i32, i32) {
    %c0_i32 = arith.constant 0 : i32
    %c0_i32_0 = arith.constant 0 : i32
    return %c0_i32, %arg0 : i32, i32
  }
}

</mosaic_0001>

<sc_bundles>
// kernel: kernel.6.cloned.1.call-start
scs
__scs_entry_jumppad:
0x0: {  	(pc) =	sbr.rel $0x88, $3  }
0x1: {  	(tag) =	ssettag $0x0;
	lr =	simm.s32 $0x1  }
0x2: {  	[smem:$0x3F9C] =	sst lr;
	_ =	strace $0xD0000000  }
0x3: {  	_ = 	snop  }
0x4: {  	_ = 	snop  }
0x5: {  	_ = 	snop  }
0x6: {  	_ = 	snop  }
0x7: {  	_ = 	snop  }
__scs_overlays_trampoline_lowered:
0x8: {  	[smem:$0x3FAB] =	sst s0  }
0x9: {  	[smem:$0x3FAC] =	sst s1  }
0xa: {  	[smem:$0x3FAD] =	sst s2  }
0xb: {  	[smem:$0x3FAE] =	sst s3  }
0xc: {  	[smem:$0x3FAF] =	sst s4  }
0xd: {  	[smem:$0x3FB0] =	sst s5  }
0xe: {  	[smem:$0x3FB1] =	sst s6  }
0xf: {  	[smem:$0x3FB2] =	sst s7  }
0x10: {  	[smem:$0x3FB3] =	sst s8  }
0x11: {  	[smem:$0x3FB4] =	sst s9;
	s0 =	simm.s32 @!p0 $0x0  }
0x12: {  	s1 =	sld [smem:$0x3F9A];
	s0 =	simm.s32 @p0 $0x1  }
0x13: {  	[smem:$0x3FB5] =	sst s0;
	s0 =	simm.s32 @!p1 $0x0  }
0x14: {  	s2 =	sld [smem:$0x3F99];
	s0 =	simm.s32 @p1 $0x1  }
0x15: {  	[smem:$0x3FB6] =	sst s0;
	s0 =	simm.s32 @!p2 $0x0  }
0x16: {  	s3 =	sld [smem:$0x3FDB];
	s0 =	simm.s32 @p2 $0x1  }
0x17: {  	s4 =	simm.s32 $0x1BF5;
	[smem:$0x3FB8] =	sst s0  }
0x18: {  	s0 =	sld [smem:$0x3F9B];
	_ =	swait.ge [sflag:s4], $0x0  }
0x19: {  	s7 =	sld [smem:$0x3F9C]  }
0x1a: {  	s8 =	sadd.s32 $0xFFFFE003, lr  }
0x1b: {  	s9 =	sadd.s32 $0xFFFFFEF7, lr;
	s5 =	simm.s32 $0xFFFFFFFF;
	p2 =	slt.u32 s8, $0xFFFFF086  }
0x1c: {  	p1 =	slt.u32 s9, $0xF7A;
	s5 =	simm.s32 @!p2 $0x0  }
0x1d: {  	s5 =	simm.s32 @p1 $0x1;
	p0 =	seq.s32 s7, s2  }
0x1e: {  	s7 =	smul.u32 @!p0 $0xF7A, s2;
	p2 =	seq.s32 @!p0 s5, $0x0  }
0x1f: {  	s9 =	smul.u32 $0xF7A, s1;
	s8 =	simm.s32 @!p0 $0x1BF5;
	p2 =	por !p2, p0  }
0x20: {  	[sflag:s8] =	ssyncset.s32 @!p0 $0xFFFFF086;
	s6 =	sadd.s32 @!p0 s3, s7;
	s7 =	simm.s32 @!p0 $0x108  }
0x21: {  	s3 =	sadd.s32 s3, s9;
	s6 =	sadd.s32 @!p0 $0x88, s6;
	s7 =	simm.s32 @p2 $0x1082  }
0x22: {  	[simem:s7], [sflag:s8] =	dma.local @!p0 [hbm:s6], $0xF7A  }
0x23: {  	s9 =	sor.u32 $0xD0000000, s2;
	s6 =	simm.s32 $0x108;
	_ =	swait.ge @!p0 [sflag:s8], $0x0  }
0x24: {  	s3 =	sadd.s32 $0x88, s3;
	s6 =	simm.s32 @!p1 $0x1082;
	[sflag:s4] =	ssyncset.s32 $0xFFFFF086  }
0x25: {  	[simem:s6], [sflag:s4] =	dma.local [hbm:s3], $0xF7A  }
0x26: {  	[smem:$0x3F9C] =	sst s1;
	(tag) =	ssettag s2;
	_ =	strace s9  }
0x27: {  	s1 =	sld [smem:$0x3FAC]  }
0x28: {  	s2 =	sld [smem:$0x3FAD]  }
0x29: {  	s4 =	sld [smem:$0x3FAF]  }
0x2a: {  	p0 =	seq.s32 s5, $0x0;
	s5 =	sld [smem:$0x3FB0]  }
0x2b: {  	s6 =	sld [smem:$0x3FB1]  }
0x2c: {  	s7 =	sld [smem:$0x3FB2]  }
0x2d: {  	s3 =	simm.s32 $0x108;
	s8 =	sld [smem:$0x3FB3]  }
0x2e: {  	s3 =	simm.s32 @!p0 $0x1082;
	s9 =	sld [smem:$0x3FB4]  }
0x2f: {  	lr =	sadd.s32 s0, s3;
	s0 =	sld [smem:$0x3FAB]  }
0x30: {  	s3 =	sld [smem:$0x3FAE]  }
0x31: {  	[smem:$0x3FB7] =	sst s10  }
0x32: {  	s10 =	sld [smem:$0x3FB5];
	_ =	sdelay $0x3  }
0x33: {  	p0 =	seq.s32 s10, $0x1;
	s10 =	sld [smem:$0x3FB7];
	_ =	sdelay $0x3  }
0x34: {  	[smem:$0x3FB7] =	sst s10  }
0x35: {  	s10 =	sld [smem:$0x3FB6];
	_ =	sdelay $0x3  }
0x36: {  	p1 =	seq.s32 s10, $0x1;
	s10 =	sld [smem:$0x3FB7];
	_ =	sdelay $0x3  }
0x37: {  	[smem:$0x3FB7] =	sst s10  }
0x38: {  	s10 =	sld [smem:$0x3FB8]  }
0x39: {  	_ = 	snop;
	(pc) =	sbr.ind lr, $3  }
0x3a: {  	_ = 	snop  }
0x3b: {  	_ = 	snop  }
0x3c: {  	p2 =	seq.s32 s10, $0x1;
	s10 =	sld [smem:$0x3FB7]  }
0x3d: {  	_ =	shalt  }
0x3e: {  	_ =	shalt  }
0x3f: {  	_ =	shalt  }
0x40: {  	_ =	shalt  }
0x41: {  	_ =	shalt  }
0x42: {  	_ =	shalt  }
0x43: {  	_ =	shalt  }
0x44: {  	_ =	shalt  }
0x45: {  	_ =	shalt  }
0x46: {  	_ =	shalt  }
0x47: {  	_ =	shalt  }
0x48: {  	_ =	shalt  }
0x49: {  	_ =	shalt  }
0x4a: {  	_ =	shalt  }
0x4b: {  	_ =	shalt  }
0x4c: {  	_ =	shalt  }
0x4d: {  	_ =	shalt  }
0x4e: {  	_ =	shalt  }
0x4f: {  	_ =	shalt  }
0x50: {  	_ =	shalt  }
0x51: {  	_ =	shalt  }
0x52: {  	_ =	shalt  }
0x53: {  	_ =	shalt  }
0x54: {  	_ =	shalt  }
0x55: {  	_ =	shalt  }
0x56: {  	_ =	shalt  }
0x57: {  	_ =	shalt  }
0x58: {  	_ =	shalt  }
0x59: {  	_ =	shalt  }
0x5a: {  	_ =	shalt  }
0x5b: {  	_ =	shalt  }
0x5c: {  	_ =	shalt  }
0x5d: {  	_ =	shalt  }
0x5e: {  	_ =	shalt  }
0x5f: {  	_ =	shalt  }
0x60: {  	_ =	shalt  }
0x61: {  	_ =	shalt  }
0x62: {  	_ =	shalt  }
0x63: {  	_ =	shalt  }
0x64: {  	_ =	shalt  }
0x65: {  	_ =	shalt  }
0x66: {  	_ =	shalt  }
0x67: {  	_ =	shalt  }
0x68: {  	_ =	shalt  }
0x69: {  	_ =	shalt  }
0x6a: {  	_ =	shalt  }
0x6b: {  	_ =	shalt  }
0x6c: {  	_ =	shalt  }
0x6d: {  	_ =	shalt  }
0x6e: {  	_ =	shalt  }
0x6f: {  	_ =	shalt  }
0x70: {  	_ =	shalt  }
0x71: {  	_ =	shalt  }
0x72: {  	_ =	shalt  }
0x73: {  	_ =	shalt  }
0x74: {  	_ =	shalt  }
0x75: {  	_ =	shalt  }
0x76: {  	_ =	shalt  }
0x77: {  	_ =	shalt  }
0x78: {  	_ =	shalt  }
0x79: {  	_ =	shalt  }
0x7a: {  	_ =	shalt  }
0x7b: {  	_ =	shalt  }
0x7c: {  	_ =	shalt  }
0x7d: {  	_ =	shalt  }
0x7e: {  	_ =	shalt  }
0x7f: {  	_ =	shalt  }
0x80: {  	_ =	shalt  }
0x81: {  	_ =	shalt  }
0x82: {  	_ =	shalt  }
0x83: {  	_ =	shalt  }
0x84: {  	_ =	shalt  }
0x85: {  	_ =	shalt  }
0x86: {  	_ =	shalt  }
0x87: {  	_ =	shalt  }
.Lfunc_end0:
.L_simem_size_0:
called_computation_lowered:
.L_overlay_start_0:
0x88: {  	s2 =	sld [smem:$0x3FD9]  }
0x89: {  	s3 =	sld [smem:$0x3FFE];
	_ =	sdelay $0x1  }
0x8a: {  	s1 =	srdreg.scid  }
0x8b: {  	s0 =	sand.u32 $0x1, s1  }
0x8c: {  	s17 =	sshll.u32 s0, $0xA;
	s2 =	sadd.s32 s3, s2  }
0x8d: {  	s2 =	sadd.s32 s2, s17  }
0x8e: {  	[smem:$0x3FC3] =	sst s2  }
0x8f: {  	_ = 	snop  }
0x90: {  	s2 =	sld [smem:$0x3FC7];
	(tm) =	ssettm $0x1  }
0x91: {  	s18 =	sld [smem:$0x3FFB];
	_ =	sdelay $0x3  }
0x92: {  	_ =	strace s18  }
0x93: {  	s3 =	sld [smem:$0x3FFC];
	_ =	sdelay $0x3  }
0x94: {  	_ =	strace s3  }
0x95: {  	s3 =	sld [smem:$0x3FFD];
	_ =	sdelay $0x3  }
0x96: {  	_ =	strace s3  }
0x97: {  	_ =	strace $0x8FFFFFFF  }
0x98: {  	s19 =	sld [smem:$0x3FDB];
	_ =	sdelay $0x1  }
0x99: {  	s4 =	simm.s32 $_scs_section_size  }
0x9a: {  	s5 =	simm.s32 $_size__tile_overlayer_lowered;
	s6 =	simm.s32 $_tile_overlayer_lowered  }
0x9b: {  	s22 =	simm.s32 $0x1BFF;
	s21 =	sshll.u32 s6, $0x1;
	s3 =	sadd.s32 s4, s19  }
0x9c: {  	s7 =	simm.s32 $0x0;
	s20 =	sshll.u32 s5, $0x1;
	s5 =	sadd.s32 s21, s3  }
0x9d: {  	[timem:s7], [sflag:s22] =	dma.local [hbm:s5], s20  }
0x9e: {  	_ =	swait.ge [sflag:s22], s20  }
0x9f: {  	s4 =	ssub.s32 $0x0, s20;
	[sflag:s22] =	ssyncset.done $0x0  }
0xa0: {  	[sflag:s22] =	ssyncadd.s32 s4;
	_ =	sdelay $0x1  }
0xa1: {  	s23 =	simm.s32 $0x1B8B  }
0xa2: {  	_ =	swait.ge [sflag:s23], $0x1  }
0xa3: {  	[sflag:s23] =	ssyncset.done $0x0  }
0xa4: {  	s25 =	simm.s32 $0x1B8E;
	s24 =	sld [smem:$0x3FFE];
	[sflag:s23] =	ssyncadd.s32 $0xFFFFFFFF  }
0xa5: {  	s26 =	simm.s32 $execute0_lowered;
	[smem:$0x3FD2] =	sst s25  }
0xa6: {  	s5 =	sshll.u32 s26, $0x1;
	_ =	strace $0x80000046;
	[dreg:$0x1] =	wrdreg $0xFFFFFFFF  }
0xa7: {  	s28 =	simm.s32 $_size_execute0_lowered;
	s3 =	sadd.s32 s3, s5;
	[dreg:$0x0] =	wrdreg $0x0  }
0xa8: {  	s5 =	sshll.u32 s28, $0x1;
	[dreg:$0x2] =	wrdreg s3  }
0xa9: {  	[dreg:$0x3] =	wrdreg s5  }
0xaa: {  	[dreg:$0x4] =	wrdreg $0xC0  }
0xab: {  	_ =	task [dreg:s7], $0x5FFFF  }
0xac: {  	[dreg:$0x1] =	wrdreg $0xFFFFFFFF  }
0xad: {  	[dreg:$0x0] =	wrdreg $0x60  }
0xae: {  	[dreg:$0x2] =	wrdreg s2  }
0xaf: {  	[dreg:$0x3] =	wrdreg s24  }
0xb0: {  	[dreg:$0x4] =	wrdreg $0x9  }
0xb1: {  	_ =	task.clear_ibuf [dreg:s7], $0x5FFFF;
	_ =	strace $0x90000046  }
0xb2: {  	s29 =	simm.s32 $0x9;
	_ =	strace $0x80000048  }
0xb3: {  	_ =	swait.ge [sflag:s29], $0x1  }
0xb4: {  	[sflag:s29] =	ssyncadd.s32 $0xFFFFFFFF  }
0xb5: {  	_ =	strace $0x90000048  }
0xb6: {  	_ =	sfence  }
0xb7: {  	s30 =	sld [smem:$0x0];
	_ =	sdelay $0x2  }
0xb8: {  	s31 =	sshll.u32 s1, $0xD;
	s1 =	sshrl.u32 s1, $0x2  }
0xb9: {  	s3 =	sand.u32 $0x4000, s31;
	s1 =	sadd.s32 s1, s30  }
0xba: {  	s0 =	sor.u32 s3, s0;
	s1 =	sshll.u32 s1, $0x11  }
0xbb: {  	s0 =	sor.u32 s1, s0  }
0xbc: {  	s0 =	sadd.s32 $0x8F2B, s0  }
0xbd: {  	[sflag:s0] =	ssyncadd.remote.s32 $0x1  }
0xbe: {  	_ =	sfence.sel $0xFFFF  }
0xbf: {  	[dreg:$0x0] =	wrdreg $0xFFFFFFFF;
	(pc) =	sbr.abs _section_cstart, $3  }
0xc0: {  	[dreg:$0x1] =	wrdreg $0xFFFFFFFF  }
0xc1: {  	_ =	task.clear_ibuf [dreg:s7], $0x2FFFF;
	_ =	strace $0x9FFFFFFF  }
0xc2: {  	(tm) =	ssettm $0x7FFFFFFF  }
0xc3: {  	_ =	shalt  }
tec
execute0_lowered:
.L_overlay_start_1:
0x0: {  	(tag) =	ssettag $0x1  }
0x1: {  	s0 =	rddreg [dreg:$0x0]  }
0x2: {  	s3 =	rddreg [dreg:$0x1]  }
0x3: {  	s2 =	simm.s32 $0x0;
	s4 =	srdreg.scid;
	s1 =	stileid.u32  }
0x4: {  	s21 =	simm.s32 $0x4000;
	s22 =	simm.s32 $0x1;
	s23 =	simm.s32 $0x4  }
0x5: {  	s24 =	simm.s32 $0x2;
	s25 =	simm.s32 $0x5;
	s26 =	simm.s32 $0x3  }
0x6: {  	s28 =	simm.s32 $0x6;
	[smem:$0x7FF] =	sst s2;
	s4 =	sand.u32 $0x1, s4  }
0x7: {  	s6 =	sshll.u32 s1, $0xF;
	s5 =	ssub.s32 $0x2, s4;
	s4 =	sshll.u32 s4, $0x13  }
0x8: {  	s18 =	sadd.s32 $0x1000, s3;
	s31 =	sshrl.u32 s5, $0x1;
	s13 =	sor.u32 s6, s4  }
0x9: {  	_ =	strace $0x80000047;
	s19 =	ssub.s32 s5, s31;
	s3 =	sadd.s32 s0, s13  }
0xa: {  	s8 =	sor.u32 $0x1000, s13;
	s10 =	sor.u32 $0x2000, s13;
	s12 =	sor.u32 $0x3000, s13  }
0xb: {  	s6 =	sadd.s32 s18, s13;
	s14 =	sor.u32 $0x4000, s13;
	s16 =	sor.u32 $0x5000, s13  }
0xc: {  	s17 =	sor.u32 $0x6000, s13;
	s20 =	sor.u32 $0x7000, s13;
	s4 =	sadd.s32 s0, s8  }
0xd: {  	s5 =	sadd.s32 s0, s10;
	s7 =	sadd.s32 s0, s12;
	s8 =	sadd.s32 s18, s8  }
0xe: {  	s9 =	sadd.s32 s0, s14;
	s10 =	sadd.s32 s18, s10;
	s11 =	sadd.s32 s0, s16  }
0xf: {  	s12 =	sadd.s32 s18, s12;
	s13 =	sadd.s32 s0, s17;
	s14 =	sadd.s32 s18, s14  }
0x10: {  	s15 =	sadd.s32 s0, s20;
	s16 =	sadd.s32 s18, s16;
	s17 =	sadd.s32 s18, s17  }
0x11: {  	s18 =	sadd.s32 s18, s20;
	s19 =	smax.u32 s19, $0x1;
	s20 =	simm.s32 $0x200  }
.LBB2_1:
0x12: {  	s29 =	simm.s32 $0x40  }
0x13: {  	s0 =	sadd.s32 $0x0, s3;
	s30 =	simm.s32 $0x400;
	s31 =	simm.s32 $0x0  }
.LBB2_2:
0x14: {  	[tilespmem:s31], [sflag:$0x1] =	stream.strided.gather [hbm4b:s0+s20], $0x400, s21, s20, $0x38;
	[tilespmem:$0x18000] =	vst v63  }
0x15: {  	s0 =	smov.u32 s29;
	s31 =	smov.u32 s30;
	p0 =	sne.s32 s29, $0x7C0  }
.Ltmp0:
0x16: {  	s29 =	sadd.s32 $0x40, s29;
	(pc) =	sbr.rel @p0 .LBB2_2-.Ltmp0, $2  }
0x17: {  	_ =	sdelay $0x2  }
0x18: {  	s30 =	sadd.s32 $0x400, s30;
	s0 =	sadd.s32 s0, s3  }
0x19: {  	[tilespmem:s31], [sflag:$0x1] =	stream.strided.gather [hbm4b:s0+s20], $0x400, s21, s20, $0x38;
	[tilespmem:$0x18000] =	vst v63  }
0x1a: {  	s29 =	simm.s32 $0x8000  }
0x1b: {  	s30 =	simm.s32 $0x40;
	s0 =	sadd.s32 $0x0, s4;
	s31 =	simm.s32 $0x8400  }
.LBB2_4:
0x1c: {  	[tilespmem:s29], [sflag:$0x2] =	stream.strided.gather [hbm4b:s0+s20], $0x400, s21, s20, $0x38;
	[tilespmem:$0x18000] =	vst v63  }
0x1d: {  	s0 =	smov.u32 s30;
	s29 =	smov.u32 s31;
	p0 =	sne.s32 s30, $0x7C0  }
.Ltmp1:
0x1e: {  	s30 =	sadd.s32 $0x40, s30;
	(pc) =	sbr.rel @p0 .LBB2_4-.Ltmp1, $2  }
0x1f: {  	_ =	sdelay $0x2  }
0x20: {  	s31 =	sadd.s32 $0x400, s31;
	s0 =	sadd.s32 s0, s4  }
0x21: {  	[tilespmem:s29], [sflag:$0x2] =	stream.strided.gather [hbm4b:s0+s20], $0x400, s21, s20, $0x38;
	[tilespmem:$0x18000] =	vst v63  }
0x22: {  	s29 =	simm.s32 $0x10000  }
0x23: {  	s30 =	simm.s32 $0x40;
	s0 =	sadd.s32 $0x0, s5;
	s31 =	simm.s32 $0x10400  }
.LBB2_6:
0x24: {  	[tilespmem:s29], [sflag:$0x3] =	stream.strided.gather [hbm4b:s0+s20], $0x400, s21, s20, $0x38;
	[tilespmem:$0x18000] =	vst v63  }
0x25: {  	s0 =	smov.u32 s30;
	s29 =	smov.u32 s31;
	p0 =	sne.s32 s30, $0x7C0  }
.Ltmp2:
0x26: {  	s30 =	sadd.s32 $0x40, s30;
	(pc) =	sbr.rel @p0 .LBB2_6-.Ltmp2, $2  }
0x27: {  	_ =	sdelay $0x2  }
0x28: {  	s31 =	sadd.s32 $0x400, s31;
	s0 =	sadd.s32 s0, s5  }
0x29: {  	[tilespmem:s29], [sflag:$0x3] =	stream.strided.gather [hbm4b:s0+s20], $0x400, s21, s20, $0x38;
	[tilespmem:$0x18000] =	vst v63  }
0x2a: {  	_ =	swait.ge [sflag:s22], $0x8000  }
0x2b: {  	s29 =	simm.s32 $0x0;
	s30 =	simm.s32 $0x40;
	[sflag:s22] =	ssyncset.done $0x0  }
0x2c: {  	s0 =	sadd.s32 $0x0, s6;
	s31 =	simm.s32 $0x400;
	[sflag:s22] =	ssyncadd.s32 $0xFFFF8000  }
.LBB2_8:
0x2d: {  	[hbm4b:s0+s20] =	stream.strided.scatter [tilespmem:s29], [sflag:$0x4], $0x400, s21, s20, $0x38;
	[tilespmem:$0x18000] =	vst v63  }
0x2e: {  	s0 =	smov.u32 s30;
	s29 =	smov.u32 s31;
	p0 =	sne.s32 s30, $0x7C0  }
.Ltmp3:
0x2f: {  	s30 =	sadd.s32 $0x40, s30;
	(pc) =	sbr.rel @p0 .LBB2_8-.Ltmp3, $2  }
0x30: {  	_ =	sdelay $0x2  }
0x31: {  	s31 =	sadd.s32 $0x400, s31;
	s0 =	sadd.s32 s0, s6  }
0x32: {  	[hbm4b:s0+s20] =	stream.strided.scatter [tilespmem:s29], [sflag:$0x4], $0x400, s21, s20, $0x38;
	[tilespmem:$0x18000] =	vst v63  }
0x33: {  	_ =	swait.ge [sflag:s23], $0x8000  }
0x34: {  	s29 =	simm.s32 $0x0;
	s30 =	simm.s32 $0x40;
	[sflag:s23] =	ssyncset.done $0x0  }
0x35: {  	s0 =	sadd.s32 $0x0, s7;
	s31 =	simm.s32 $0x400;
	[sflag:s23] =	ssyncadd.s32 $0xFFFF8000  }
.LBB2_10:
0x36: {  	[tilespmem:s29], [sflag:$0x1] =	stream.strided.gather [hbm4b:s0+s20], $0x400, s21, s20, $0x38;
	[tilespmem:$0x18000] =	vst v63  }
0x37: {  	s0 =	smov.u32 s30;
	s29 =	smov.u32 s31;
	p0 =	sne.s32 s30, $0x7C0  }
.Ltmp4:
0x38: {  	s30 =	sadd.s32 $0x40, s30;
	(pc) =	sbr.rel @p0 .LBB2_10-.Ltmp4, $2  }
0x39: {  	_ =	sdelay $0x2  }
0x3a: {  	s31 =	sadd.s32 $0x400, s31;
	s0 =	sadd.s32 s0, s7  }
0x3b: {  	[tilespmem:s29], [sflag:$0x1] =	stream.strided.gather [hbm4b:s0+s20], $0x400, s21, s20, $0x38;
	[tilespmem:$0x18000] =	vst v63  }
0x3c: {  	_ =	swait.ge [sflag:s24], $0x8000  }
0x3d: {  	s29 =	simm.s32 $0x8000;
	s30 =	simm.s32 $0x40;
	[sflag:s24] =	ssyncset.done $0x0  }
0x3e: {  	s0 =	sadd.s32 $0x0, s8;
	s31 =	simm.s32 $0x8400;
	[sflag:s24] =	ssyncadd.s32 $0xFFFF8000  }
.LBB2_12:
0x3f: {  	[hbm4b:s0+s20] =	stream.strided.scatter [tilespmem:s29], [sflag:$0x5], $0x400, s21, s20, $0x38;
	[tilespmem:$0x18000] =	vst v63  }
0x40: {  	s0 =	smov.u32 s30;
	s29 =	smov.u32 s31;
	p0 =	sne.s32 s30, $0x7C0  }
.Ltmp5:
0x41: {  	s30 =	sadd.s32 $0x40, s30;
	(pc) =	sbr.rel @p0 .LBB2_12-.Ltmp5, $2  }
0x42: {  	_ =	sdelay $0x2  }
0x43: {  	s31 =	sadd.s32 $0x400, s31;
	s0 =	sadd.s32 s0, s8  }
0x44: {  	[hbm4b:s0+s20] =	stream.strided.scatter [tilespmem:s29], [sflag:$0x5], $0x400, s21, s20, $0x38;
	[tilespmem:$0x18000] =	vst v63  }
0x45: {  	_ =	swait.ge [sflag:s25], $0x8000  }
0x46: {  	s29 =	simm.s32 $0x8000;
	s30 =	simm.s32 $0x40;
	[sflag:s25] =	ssyncset.done $0x0  }
0x47: {  	s0 =	sadd.s32 $0x0, s9;
	s31 =	simm.s32 $0x8400;
	[sflag:s25] =	ssyncadd.s32 $0xFFFF8000  }
.LBB2_14:
0x48: {  	[tilespmem:s29], [sflag:$0x2] =	stream.strided.gather [hbm4b:s0+s20], $0x400, s21, s20, $0x38;
	[tilespmem:$0x18000] =	vst v63  }
0x49: {  	s0 =	smov.u32 s30;
	s29 =	smov.u32 s31;
	p0 =	sne.s32 s30, $0x7C0  }
.Ltmp6:
0x4a: {  	s30 =	sadd.s32 $0x40, s30;
	(pc) =	sbr.rel @p0 .LBB2_14-.Ltmp6, $2  }
0x4b: {  	_ =	sdelay $0x2  }
0x4c: {  	s31 =	sadd.s32 $0x400, s31;
	s0 =	sadd.s32 s0, s9  }
0x4d: {  	[tilespmem:s29], [sflag:$0x2] =	stream.strided.gather [hbm4b:s0+s20], $0x400, s21, s20, $0x38;
	[tilespmem:$0x18000] =	vst v63  }
0x4e: {  	_ =	swait.ge [sflag:s26], $0x8000  }
0x4f: {  	s29 =	simm.s32 $0x10000;
	s30 =	simm.s32 $0x40;
	[sflag:s26] =	ssyncset.done $0x0  }
0x50: {  	s0 =	sadd.s32 $0x0, s10;
	s31 =	simm.s32 $0x10400;
	[sflag:s26] =	ssyncadd.s32 $0xFFFF8000  }
.LBB2_16:
0x51: {  	[hbm4b:s0+s20] =	stream.strided.scatter [tilespmem:s29], [sflag:$0x6], $0x400, s21, s20, $0x38;
	[tilespmem:$0x18000] =	vst v63  }
0x52: {  	s0 =	smov.u32 s30;
	s29 =	smov.u32 s31;
	p0 =	sne.s32 s30, $0x7C0  }
.Ltmp7:
0x53: {  	s30 =	sadd.s32 $0x40, s30;
	(pc) =	sbr.rel @p0 .LBB2_16-.Ltmp7, $2  }
0x54: {  	_ =	sdelay $0x2  }
0x55: {  	s31 =	sadd.s32 $0x400, s31;
	s0 =	sadd.s32 s0, s10  }
0x56: {  	[hbm4b:s0+s20] =	stream.strided.scatter [tilespmem:s29], [sflag:$0x6], $0x400, s21, s20, $0x38;
	[tilespmem:$0x18000] =	vst v63  }
0x57: {  	_ =	swait.ge [sflag:s28], $0x8000  }
0x58: {  	s29 =	simm.s32 $0x10000;
	s30 =	simm.s32 $0x40;
	[sflag:s28] =	ssyncset.done $0x0  }
0x59: {  	s0 =	sadd.s32 $0x0, s11;
	s31 =	simm.s32 $0x10400;
	[sflag:s28] =	ssyncadd.s32 $0xFFFF8000  }
.LBB2_18:
0x5a: {  	[tilespmem:s29], [sflag:$0x3] =	stream.strided.gather [hbm4b:s0+s20], $0x400, s21, s20, $0x38;
	[tilespmem:$0x18000] =	vst v63  }
0x5b: {  	s0 =	smov.u32 s30;
	s29 =	smov.u32 s31;
	p0 =	sne.s32 s30, $0x7C0  }
.Ltmp8:
0x5c: {  	s30 =	sadd.s32 $0x40, s30;
	(pc) =	sbr.rel @p0 .LBB2_18-.Ltmp8, $2  }
0x5d: {  	_ =	sdelay $0x2  }
0x5e: {  	s31 =	sadd.s32 $0x400, s31;
	s0 =	sadd.s32 s0, s11  }
0x5f: {  	[tilespmem:s29], [sflag:$0x3] =	stream.strided.gather [hbm4b:s0+s20], $0x400, s21, s20, $0x38;
	[tilespmem:$0x18000] =	vst v63  }
0x60: {  	_ =	swait.ge [sflag:s22], $0x8000  }
0x61: {  	s29 =	simm.s32 $0x0;
	s30 =	simm.s32 $0x40;
	[sflag:s22] =	ssyncset.done $0x0  }
0x62: {  	s0 =	sadd.s32 $0x0, s12;
	s31 =	simm.s32 $0x400;
	[sflag:s22] =	ssyncadd.s32 $0xFFFF8000  }
.LBB2_20:
0x63: {  	[hbm4b:s0+s20] =	stream.strided.scatter [tilespmem:s29], [sflag:$0x4], $0x400, s21, s20, $0x38;
	[tilespmem:$0x18000] =	vst v63  }
0x64: {  	s0 =	smov.u32 s30;
	s29 =	smov.u32 s31;
	p0 =	sne.s32 s30, $0x7C0  }
.Ltmp9:
0x65: {  	s30 =	sadd.s32 $0x40, s30;
	(pc) =	sbr.rel @p0 .LBB2_20-.Ltmp9, $2  }
0x66: {  	_ =	sdelay $0x2  }
0x67: {  	s31 =	sadd.s32 $0x400, s31;
	s0 =	sadd.s32 s0, s12  }
0x68: {  	[hbm4b:s0+s20] =	stream.strided.scatter [tilespmem:s29], [sflag:$0x4], $0x400, s21, s20, $0x38;
	[tilespmem:$0x18000] =	vst v63  }
0x69: {  	_ =	swait.ge [sflag:s23], $0x8000  }
0x6a: {  	s29 =	simm.s32 $0x0;
	s30 =	simm.s32 $0x40;
	[sflag:s23] =	ssyncset.done $0x0  }
0x6b: {  	s0 =	sadd.s32 $0x0, s13;
	s31 =	simm.s32 $0x400;
	[sflag:s23] =	ssyncadd.s32 $0xFFFF8000  }
.LBB2_22:
0x6c: {  	[tilespmem:s29], [sflag:$0x1] =	stream.strided.gather [hbm4b:s0+s20], $0x400, s21, s20, $0x38;
	[tilespmem:$0x18000] =	vst v63  }
0x6d: {  	s0 =	smov.u32 s30;
	s29 =	smov.u32 s31;
	p0 =	sne.s32 s30, $0x7C0  }
.Ltmp10:
0x6e: {  	s30 =	sadd.s32 $0x40, s30;
	(pc) =	sbr.rel @p0 .LBB2_22-.Ltmp10, $2  }
0x6f: {  	_ =	sdelay $0x2  }
0x70: {  	s31 =	sadd.s32 $0x400, s31;
	s0 =	sadd.s32 s0, s13  }
0x71: {  	[tilespmem:s29], [sflag:$0x1] =	stream.strided.gather [hbm4b:s0+s20], $0x400, s21, s20, $0x38;
	[tilespmem:$0x18000] =	vst v63  }
0x72: {  	_ =	swait.ge [sflag:s24], $0x8000  }
0x73: {  	s29 =	simm.s32 $0x8000;
	s30 =	simm.s32 $0x40;
	[sflag:s24] =	ssyncset.done $0x0  }
0x74: {  	s0 =	sadd.s32 $0x0, s14;
	s31 =	simm.s32 $0x8400;
	[sflag:s24] =	ssyncadd.s32 $0xFFFF8000  }
.LBB2_24:
0x75: {  	[hbm4b:s0+s20] =	stream.strided.scatter [tilespmem:s29], [sflag:$0x5], $0x400, s21, s20, $0x38;
	[tilespmem:$0x18000] =	vst v63  }
0x76: {  	s0 =	smov.u32 s30;
	s29 =	smov.u32 s31;
	p0 =	sne.s32 s30, $0x7C0  }
.Ltmp11:
0x77: {  	s30 =	sadd.s32 $0x40, s30;
	(pc) =	sbr.rel @p0 .LBB2_24-.Ltmp11, $2  }
0x78: {  	_ =	sdelay $0x2  }
0x79: {  	s31 =	sadd.s32 $0x400, s31;
	s0 =	sadd.s32 s0, s14  }
0x7a: {  	[hbm4b:s0+s20] =	stream.strided.scatter [tilespmem:s29], [sflag:$0x5], $0x400, s21, s20, $0x38;
	[tilespmem:$0x18000] =	vst v63  }
0x7b: {  	_ =	swait.ge [sflag:s25], $0x8000  }
0x7c: {  	s29 =	simm.s32 $0x8000;
	s30 =	simm.s32 $0x40;
	[sflag:s25] =	ssyncset.done $0x0  }
0x7d: {  	s0 =	sadd.s32 $0x0, s15;
	s31 =	simm.s32 $0x8400;
	[sflag:s25] =	ssyncadd.s32 $0xFFFF8000  }
.LBB2_26:
0x7e: {  	[tilespmem:s29], [sflag:$0x2] =	stream.strided.gather [hbm4b:s0+s20], $0x400, s21, s20, $0x38;
	[tilespmem:$0x18000] =	vst v63  }
0x7f: {  	s0 =	smov.u32 s30;
	s29 =	smov.u32 s31;
	p0 =	sne.s32 s30, $0x7C0  }
.Ltmp12:
0x80: {  	s30 =	sadd.s32 $0x40, s30;
	(pc) =	sbr.rel @p0 .LBB2_26-.Ltmp12, $2  }
0x81: {  	_ =	sdelay $0x2  }
0x82: {  	s31 =	sadd.s32 $0x400, s31;
	s0 =	sadd.s32 s0, s15  }
0x83: {  	[tilespmem:s29], [sflag:$0x2] =	stream.strided.gather [hbm4b:s0+s20], $0x400, s21, s20, $0x38;
	[tilespmem:$0x18000] =	vst v63  }
0x84: {  	_ =	swait.ge [sflag:s26], $0x8000  }
0x85: {  	s29 =	simm.s32 $0x10000;
	s30 =	simm.s32 $0x40;
	[sflag:s26] =	ssyncset.done $0x0  }
0x86: {  	s0 =	sadd.s32 $0x0, s16;
	s31 =	simm.s32 $0x10400;
	[sflag:s26] =	ssyncadd.s32 $0xFFFF8000  }
.LBB2_28:
0x87: {  	[hbm4b:s0+s20] =	stream.strided.scatter [tilespmem:s29], [sflag:$0x6], $0x400, s21, s20, $0x38;
	[tilespmem:$0x18000] =	vst v63  }
0x88: {  	s0 =	smov.u32 s30;
	s29 =	smov.u32 s31;
	p0 =	sne.s32 s30, $0x7C0  }
.Ltmp13:
0x89: {  	s30 =	sadd.s32 $0x40, s30;
	(pc) =	sbr.rel @p0 .LBB2_28-.Ltmp13, $2  }
0x8a: {  	_ =	sdelay $0x2  }
0x8b: {  	s31 =	sadd.s32 $0x400, s31;
	s0 =	sadd.s32 s0, s16  }
0x8c: {  	[hbm4b:s0+s20] =	stream.strided.scatter [tilespmem:s29], [sflag:$0x6], $0x400, s21, s20, $0x38;
	[tilespmem:$0x18000] =	vst v63  }
0x8d: {  	_ =	swait.ge [sflag:s22], $0x8000  }
0x8e: {  	s29 =	simm.s32 $0x0;
	s30 =	simm.s32 $0x40;
	[sflag:s22] =	ssyncset.done $0x0  }
0x8f: {  	s0 =	sadd.s32 $0x0, s17;
	s31 =	simm.s32 $0x400;
	[sflag:s22] =	ssyncadd.s32 $0xFFFF8000  }
.LBB2_30:
0x90: {  	[hbm4b:s0+s20] =	stream.strided.scatter [tilespmem:s29], [sflag:$0x4], $0x400, s21, s20, $0x38;
	[tilespmem:$0x18000] =	vst v63  }
0x91: {  	s0 =	smov.u32 s30;
	s29 =	smov.u32 s31;
	p0 =	sne.s32 s30, $0x7C0  }
.Ltmp14:
0x92: {  	s30 =	sadd.s32 $0x40, s30;
	(pc) =	sbr.rel @p0 .LBB2_30-.Ltmp14, $2  }
0x93: {  	_ =	sdelay $0x2  }
0x94: {  	s31 =	sadd.s32 $0x400, s31;
	s0 =	sadd.s32 s0, s17  }
0x95: {  	[hbm4b:s0+s20] =	stream.strided.scatter [tilespmem:s29], [sflag:$0x4], $0x400, s21, s20, $0x38;
	[tilespmem:$0x18000] =	vst v63  }
0x96: {  	_ =	swait.ge [sflag:s24], $0x8000  }
0x97: {  	s29 =	simm.s32 $0x8000;
	s30 =	simm.s32 $0x40;
	[sflag:s24] =	ssyncset.done $0x0  }
0x98: {  	s0 =	sadd.s32 $0x0, s18;
	s31 =	simm.s32 $0x8400;
	[sflag:s24] =	ssyncadd.s32 $0xFFFF8000  }
.LBB2_32:
0x99: {  	[hbm4b:s0+s20] =	stream.strided.scatter [tilespmem:s29], [sflag:$0x5], $0x400, s21, s20, $0x38;
	[tilespmem:$0x18000] =	vst v63  }
0x9a: {  	s0 =	smov.u32 s30;
	s29 =	smov.u32 s31;
	p0 =	sne.s32 s30, $0x7C0  }
.Ltmp15:
0x9b: {  	s30 =	sadd.s32 $0x40, s30;
	(pc) =	sbr.rel @p0 .LBB2_32-.Ltmp15, $2  }
0x9c: {  	_ =	sdelay $0x2  }
0x9d: {  	s31 =	sadd.s32 $0x400, s31;
	s0 =	sadd.s32 s0, s18  }
0x9e: {  	[hbm4b:s0+s20] =	stream.strided.scatter [tilespmem:s29], [sflag:$0x5], $0x400, s21, s20, $0x38;
	[tilespmem:$0x18000] =	vst v63  }
0x9f: {  	_ =	swait.ge [sflag:s28], $0x8000  }
0xa0: {  	[sflag:s28] =	ssyncset.done $0x0  }
0xa1: {  	s2 =	sadd.s32 $0x1, s2;
	[sflag:s28] =	ssyncadd.s32 $0xFFFF8000  }
0xa2: {  	p0 =	sne.s32 s2, s19;
	_ =	swait.ge [sflag:s23], $0x8000  }
.Ltmp16:
0xa3: {  	[sflag:s23] =	ssyncset.done $0x0;
	(pc) =	sbr.rel @p0 .LBB2_1-.Ltmp16, $4  }
0xa4: {  	[sflag:s23] =	ssyncadd.s32 $0xFFFF8000  }
0xa5: {  	_ =	swait.ge [sflag:s25], $0x8000  }
0xa6: {  	[sflag:s25] =	ssyncset.done $0x0  }
0xa7: {  	[sflag:s25] =	ssyncadd.s32 $0xFFFF8000  }
0xa8: {  	_ =	sfence.sel $0x180000  }
0xa9: {  	[bflag:$0x0] =	sbarrier.arrive $0xFFFF  }
0xaa: {  	_ =	strace $0x90000047  }
0xab: {  	[bflag:$0x2] =	sbarrier.arrive $0xFFFF  }
0xac: {  	p0 =	sne.s32 s1, $0x0;
	s0 =	rddreg [dreg:$0x2]  }
0xad: {  	s0 =	sadd.s32 @!p0 $0x100000, s0  }
0xae: {  	[sflag:s0] =	ssyncadd.tile.s32 @!p0 $0x1;
	_ =	shalt  }
.Lfunc_end2:
_tile_overlayer_lowered:
.L_overlay_start_2:
0xaf: {  	(tag) =	ssettag $0x2  }
0xb0: {  	s0 =	rddreg [dreg:$0x0];
	s2 =	stileid.u32  }
0xb1: {  	s1 =	rddreg [dreg:$0x1];
	p0 =	sne.s32 s2, $0x0  }
0xb2: {  	s3 =	rddreg [dreg:$0x2];
	[bflag:$0x3] =	sbarrier.arrive $0xFFFF;
	s2 =	simm.s32 @!p0 $0x1C07  }
0xb3: {  	[timem:s3], [sflag:s2] =	dma.local @!p0 [hbm:s0], s1  }
0xb4: {  	s0 =	simm.s32 @!p0 $0x7  }
0xb5: {  	_ =	swait.ge @!p0 [sflag:s0], s1  }
0xb6: {  	s1 =	ssub.s32 @!p0 $0x0, s1;
	[sflag:s0] =	ssyncset.done @!p0 $0x0  }
0xb7: {  	[sflag:s0] =	ssyncadd.s32 @!p0 s1  }
0xb8: {  	[bflag:$0x3] =	sbarrier.arrive $0xFFFF  }
0xb9: {  	_ =	shalt  }

// kernel: kernel.9.cloned.1.call-start
scs
__scs_entry_jumppad:
0x0: {  	(pc) =	sbr.rel $0x88, $3  }
0x1: {  	(tag) =	ssettag $0x0;
	lr =	simm.s32 $0x1  }
0x2: {  	[smem:$0x3F9C] =	sst lr;
	_ =	strace $0xD0000000  }
0x3: {  	_ = 	snop  }
0x4: {  	_ = 	snop  }
0x5: {  	_ = 	snop  }
0x6: {  	_ = 	snop  }
0x7: {  	_ = 	snop  }
__scs_overlays_trampoline_lowered:
0x8: {  	[smem:$0x3FAB] =	sst s0  }
0x9: {  	[smem:$0x3FAC] =	sst s1  }
0xa: {  	[smem:$0x3FAD] =	sst s2  }
0xb: {  	[smem:$0x3FAE] =	sst s3  }
0xc: {  	[smem:$0x3FAF] =	sst s4  }
0xd: {  	[smem:$0x3FB0] =	sst s5  }
0xe: {  	[smem:$0x3FB1] =	sst s6  }
0xf: {  	[smem:$0x3FB2] =	sst s7  }
0x10: {  	[smem:$0x3FB3] =	sst s8  }
0x11: {  	[smem:$0x3FB4] =	sst s9;
	s0 =	simm.s32 @!p0 $0x0  }
0x12: {  	s1 =	sld [smem:$0x3F9A];
	s0 =	simm.s32 @p0 $0x1  }
0x13: {  	[smem:$0x3FB5] =	sst s0;
	s0 =	simm.s32 @!p1 $0x0  }
0x14: {  	s2 =	sld [smem:$0x3F99];
	s0 =	simm.s32 @p1 $0x1  }
0x15: {  	[smem:$0x3FB6] =	sst s0;
	s0 =	simm.s32 @!p2 $0x0  }
0x16: {  	s3 =	sld [smem:$0x3FDB];
	s0 =	simm.s32 @p2 $0x1  }
0x17: {  	s4 =	simm.s32 $0x1BF5;
	[smem:$0x3FB8] =	sst s0  }
0x18: {  	s0 =	sld [smem:$0x3F9B];
	_ =	swait.ge [sflag:s4], $0x0  }
0x19: {  	s7 =	sld [smem:$0x3F9C]  }
0x1a: {  	s8 =	sadd.s32 $0xFFFFE003, lr  }
0x1b: {  	s9 =	sadd.s32 $0xFFFFFEF7, lr;
	s5 =	simm.s32 $0xFFFFFFFF;
	p2 =	slt.u32 s8, $0xFFFFF086  }
0x1c: {  	p1 =	slt.u32 s9, $0xF7A;
	s5 =	simm.s32 @!p2 $0x0  }
0x1d: {  	s5 =	simm.s32 @p1 $0x1;
	p0 =	seq.s32 s7, s2  }
0x1e: {  	s7 =	smul.u32 @!p0 $0xF7A, s2;
	p2 =	seq.s32 @!p0 s5, $0x0  }
0x1f: {  	s9 =	smul.u32 $0xF7A, s1;
	s8 =	simm.s32 @!p0 $0x1BF5;
	p2 =	por !p2, p0  }
0x20: {  	[sflag:s8] =	ssyncset.s32 @!p0 $0xFFFFF086;
	s6 =	sadd.s32 @!p0 s3, s7;
	s7 =	simm.s32 @!p0 $0x108  }
0x21: {  	s3 =	sadd.s32 s3, s9;
	s6 =	sadd.s32 @!p0 $0x88, s6;
	s7 =	simm.s32 @p2 $0x1082  }
0x22: {  	[simem:s7], [sflag:s8] =	dma.local @!p0 [hbm:s6], $0xF7A  }
0x23: {  	s9 =	sor.u32 $0xD0000000, s2;
	s6 =	simm.s32 $0x108;
	_ =	swait.ge @!p0 [sflag:s8], $0x0  }
0x24: {  	s3 =	sadd.s32 $0x88, s3;
	s6 =	simm.s32 @!p1 $0x1082;
	[sflag:s4] =	ssyncset.s32 $0xFFFFF086  }
0x25: {  	[simem:s6], [sflag:s4] =	dma.local [hbm:s3], $0xF7A  }
0x26: {  	[smem:$0x3F9C] =	sst s1;
	(tag) =	ssettag s2;
	_ =	strace s9  }
0x27: {  	s1 =	sld [smem:$0x3FAC]  }
0x28: {  	s2 =	sld [smem:$0x3FAD]  }
0x29: {  	s4 =	sld [smem:$0x3FAF]  }
0x2a: {  	p0 =	seq.s32 s5, $0x0;
	s5 =	sld [smem:$0x3FB0]  }
0x2b: {  	s6 =	sld [smem:$0x3FB1]  }
0x2c: {  	s7 =	sld [smem:$0x3FB2]  }
0x2d: {  	s3 =	simm.s32 $0x108;
	s8 =	sld [smem:$0x3FB3]  }
0x2e: {  	s3 =	simm.s32 @!p0 $0x1082;
	s9 =	sld [smem:$0x3FB4]  }
0x2f: {  	lr =	sadd.s32 s0, s3;
	s0 =	sld [smem:$0x3FAB]  }
0x30: {  	s3 =	sld [smem:$0x3FAE]  }
0x31: {  	[smem:$0x3FB7] =	sst s10  }
0x32: {  	s10 =	sld [smem:$0x3FB5];
	_ =	sdelay $0x3  }
0x33: {  	p0 =	seq.s32 s10, $0x1;
	s10 =	sld [smem:$0x3FB7];
	_ =	sdelay $0x3  }
0x34: {  	[smem:$0x3FB7] =	sst s10  }
0x35: {  	s10 =	sld [smem:$0x3FB6];
	_ =	sdelay $0x3  }
0x36: {  	p1 =	seq.s32 s10, $0x1;
	s10 =	sld [smem:$0x3FB7];
	_ =	sdelay $0x3  }
0x37: {  	[smem:$0x3FB7] =	sst s10  }
0x38: {  	s10 =	sld [smem:$0x3FB8]  }
0x39: {  	_ = 	snop;
	(pc) =	sbr.ind lr, $3  }
0x3a: {  	_ = 	snop  }
0x3b: {  	_ = 	snop  }
0x3c: {  	p2 =	seq.s32 s10, $0x1;
	s10 =	sld [smem:$0x3FB7]  }
0x3d: {  	_ =	shalt  }
0x3e: {  	_ =	shalt  }
0x3f: {  	_ =	shalt  }
0x40: {  	_ =	shalt  }
0x41: {  	_ =	shalt  }
0x42: {  	_ =	shalt  }
0x43: {  	_ =	shalt  }
0x44: {  	_ =	shalt  }
0x45: {  	_ =	shalt  }
0x46: {  	_ =	shalt  }
0x47: {  	_ =	shalt  }
0x48: {  	_ =	shalt  }
0x49: {  	_ =	shalt  }
0x4a: {  	_ =	shalt  }
0x4b: {  	_ =	shalt  }
0x4c: {  	_ =	shalt  }
0x4d: {  	_ =	shalt  }
0x4e: {  	_ =	shalt  }
0x4f: {  	_ =	shalt  }
0x50: {  	_ =	shalt  }
0x51: {  	_ =	shalt  }
0x52: {  	_ =	shalt  }
0x53: {  	_ =	shalt  }
0x54: {  	_ =	shalt  }
0x55: {  	_ =	shalt  }
0x56: {  	_ =	shalt  }
0x57: {  	_ =	shalt  }
0x58: {  	_ =	shalt  }
0x59: {  	_ =	shalt  }
0x5a: {  	_ =	shalt  }
0x5b: {  	_ =	shalt  }
0x5c: {  	_ =	shalt  }
0x5d: {  	_ =	shalt  }
0x5e: {  	_ =	shalt  }
0x5f: {  	_ =	shalt  }
0x60: {  	_ =	shalt  }
0x61: {  	_ =	shalt  }
0x62: {  	_ =	shalt  }
0x63: {  	_ =	shalt  }
0x64: {  	_ =	shalt  }
0x65: {  	_ =	shalt  }
0x66: {  	_ =	shalt  }
0x67: {  	_ =	shalt  }
0x68: {  	_ =	shalt  }
0x69: {  	_ =	shalt  }
0x6a: {  	_ =	shalt  }
0x6b: {  	_ =	shalt  }
0x6c: {  	_ =	shalt  }
0x6d: {  	_ =	shalt  }
0x6e: {  	_ =	shalt  }
0x6f: {  	_ =	shalt  }
0x70: {  	_ =	shalt  }
0x71: {  	_ =	shalt  }
0x72: {  	_ =	shalt  }
0x73: {  	_ =	shalt  }
0x74: {  	_ =	shalt  }
0x75: {  	_ =	shalt  }
0x76: {  	_ =	shalt  }
0x77: {  	_ =	shalt  }
0x78: {  	_ =	shalt  }
0x79: {  	_ =	shalt  }
0x7a: {  	_ =	shalt  }
0x7b: {  	_ =	shalt  }
0x7c: {  	_ =	shalt  }
0x7d: {  	_ =	shalt  }
0x7e: {  	_ =	shalt  }
0x7f: {  	_ =	shalt  }
0x80: {  	_ =	shalt  }
0x81: {  	_ =	shalt  }
0x82: {  	_ =	shalt  }
0x83: {  	_ =	shalt  }
0x84: {  	_ =	shalt  }
0x85: {  	_ =	shalt  }
0x86: {  	_ =	shalt  }
0x87: {  	_ =	shalt  }
.Lfunc_end0:
.L_simem_size_0:
called_computation.1_lowered:
.L_overlay_start_0:
0x88: {  	s2 =	sld [smem:$0x3FD9]  }
0x89: {  	s3 =	sld [smem:$0x3FFE];
	_ =	sdelay $0x1  }
0x8a: {  	s1 =	srdreg.scid  }
0x8b: {  	s0 =	sand.u32 $0x1, s1  }
0x8c: {  	s17 =	sshll.u32 s0, $0xA;
	s2 =	sadd.s32 s3, s2  }
0x8d: {  	s2 =	sadd.s32 s2, s17  }
0x8e: {  	[smem:$0x3FC3] =	sst s2  }
0x8f: {  	_ = 	snop  }
0x90: {  	s18 =	sld [smem:$0x3FC6]  }
0x91: {  	s4 =	sld [smem:$0x3FC5];
	(tm) =	ssettm $0x1  }
0x92: {  	s19 =	sld [smem:$0x3FFB];
	_ =	sdelay $0x3  }
0x93: {  	_ =	strace s19  }
0x94: {  	s2 =	sld [smem:$0x3FFC];
	_ =	sdelay $0x3  }
0x95: {  	_ =	strace s2  }
0x96: {  	s2 =	sld [smem:$0x3FFD];
	_ =	sdelay $0x3  }
0x97: {  	_ =	strace s2  }
0x98: {  	_ =	strace $0x8FFFFFFF  }
0x99: {  	s20 =	sld [smem:$0x3FDB];
	_ =	sdelay $0x1  }
0x9a: {  	s5 =	simm.s32 $_scs_section_size  }
0x9b: {  	s6 =	simm.s32 $_size__tile_overlayer_lowered;
	s7 =	simm.s32 $_tile_overlayer_lowered  }
0x9c: {  	s8 =	simm.s32 $0x1BFF;
	s21 =	sshll.u32 s7, $0x1;
	s5 =	sadd.s32 s5, s20  }
0x9d: {  	s22 =	simm.s32 $0x0;
	s6 =	sshll.u32 s6, $0x1;
	s7 =	sadd.s32 s21, s5  }
0x9e: {  	[timem:s22], [sflag:s8] =	dma.local [hbm:s7], s6  }
0x9f: {  	_ =	swait.ge [sflag:s8], s6  }
0xa0: {  	s6 =	ssub.s32 $0x0, s6;
	[sflag:s8] =	ssyncset.done $0x0  }
0xa1: {  	[sflag:s8] =	ssyncadd.s32 s6;
	_ =	sdelay $0x1  }
0xa2: {  	s23 =	simm.s32 $0x1B8B  }
0xa3: {  	_ =	swait.ge [sflag:s23], $0x1  }
0xa4: {  	[sflag:s23] =	ssyncset.done $0x0  }
0xa5: {  	[sflag:s23] =	ssyncadd.s32 $0xFFFFFFFF  }
0xa6: {  	s6 =	sld [smem:$0x0]  }
0xa7: {  	s7 =	sand.u32 $0xFFFFFFFE, s1  }
0xa8: {  	p0 =	sne.s32 s1, s7  }
0xa9: {  	s7 =	sshll.u32 @p0 s7, $0xE  }
0xaa: {  	s7 =	sadd.s32 @p0 $0x11B8D, s7;
	s8 =	sshll.u32 @p0 s6, $0x11  }
0xab: {  	s7 =	sor.u32 @p0 s8, s7  }
0xac: {  	[sflag:s7] =	ssyncadd.remote.s32 @p0 $0x1;
	_ =	sdelay $0x1  }
0xad: {  	s7 =	simm.s32 @p0 $0x1B8D  }
0xae: {  	_ =	swait.eq @p0 [sflag:s7], $0x1  }
0xaf: {  	[sflag:s7] =	ssyncadd.s32 @p0 $0xFFFFFFFF  }
0xb0: {  	s8 =	sshll.u32 @!p0 s1, $0xE  }
0xb1: {  	s8 =	sor.u32 @!p0 $0x4000, s8;
	s7 =	simm.s32 @!p0 $0x1B8D  }
0xb2: {  	s6 =	sshll.u32 @!p0 s6, $0x11;
	s8 =	sadd.s32 @!p0 $0x11B8D, s8;
	_ =	swait.eq @!p0 [sflag:s7], $0x1  }
0xb3: {  	s6 =	sor.u32 @!p0 s6, s8;
	[sflag:s7] =	ssyncadd.s32 @!p0 $0xFFFFFFFF  }
0xb4: {  	s25 =	simm.s32 $0x1B8E;
	s24 =	sld [smem:$0x3FFE];
	[sflag:s6] =	ssyncadd.remote.s32 @!p0 $0x1  }
0xb5: {  	s26 =	simm.s32 $execute0_lowered;
	[smem:$0x3FD2] =	sst s25  }
0xb6: {  	s7 =	sshll.u32 s26, $0x1;
	_ =	strace $0x80000049;
	[dreg:$0x1] =	wrdreg $0xFFFFFFFF  }
0xb7: {  	s28 =	simm.s32 $_size_execute0_lowered;
	s5 =	sadd.s32 s5, s7;
	[dreg:$0x0] =	wrdreg $0x0  }
0xb8: {  	s7 =	sshll.u32 s28, $0x1;
	[dreg:$0x2] =	wrdreg s5  }
0xb9: {  	[dreg:$0x3] =	wrdreg s7  }
0xba: {  	[dreg:$0x4] =	wrdreg $0xC0  }
0xbb: {  	_ =	task [dreg:s22], $0x5FFFF  }
0xbc: {  	[dreg:$0x1] =	wrdreg $0xFFFFFFFF  }
0xbd: {  	[dreg:$0x0] =	wrdreg $0x60  }
0xbe: {  	[dreg:$0x2] =	wrdreg s4  }
0xbf: {  	[dreg:$0x3] =	wrdreg s18  }
0xc0: {  	[dreg:$0x4] =	wrdreg s24  }
0xc1: {  	[dreg:$0x5] =	wrdreg $0xA  }
0xc2: {  	_ =	task.clear_ibuf [dreg:s22], $0x6FFFF;
	_ =	strace $0x90000049  }
0xc3: {  	s29 =	simm.s32 $0xA;
	_ =	strace $0x8000004B  }
0xc4: {  	_ =	swait.ge [sflag:s29], $0x1  }
0xc5: {  	[sflag:s29] =	ssyncadd.s32 $0xFFFFFFFF  }
0xc6: {  	_ =	strace $0x9000004B  }
0xc7: {  	_ =	sfence  }
0xc8: {  	s30 =	sld [smem:$0x0];
	_ =	sdelay $0x2  }
0xc9: {  	s31 =	sshll.u32 s1, $0xD;
	s1 =	sshrl.u32 s1, $0x2  }
0xca: {  	s4 =	sand.u32 $0x4000, s31;
	s1 =	sadd.s32 s1, s30  }
0xcb: {  	s0 =	sor.u32 s4, s0;
	s1 =	sshll.u32 s1, $0x11  }
0xcc: {  	s0 =	sor.u32 s1, s0  }
0xcd: {  	s0 =	sadd.s32 $0x8F2B, s0  }
0xce: {  	[sflag:s0] =	ssyncadd.remote.s32 $0x1  }
0xcf: {  	_ =	sfence.sel $0xFFFF  }
0xd0: {  	[dreg:$0x0] =	wrdreg $0xFFFFFFFF;
	(pc) =	sbr.abs _section_cstart, $3  }
0xd1: {  	[dreg:$0x1] =	wrdreg $0xFFFFFFFF  }
0xd2: {  	_ =	task.clear_ibuf [dreg:s22], $0x2FFFF;
	_ =	strace $0x9FFFFFFF  }
0xd3: {  	(tm) =	ssettm $0x7FFFFFFF  }
tec
execute0_lowered:
.L_overlay_start_1:
0x0: {  	(tag) =	ssettag $0x1  }
0x1: {  	s14 =	rddreg [dreg:$0x0]  }
0x2: {  	s1 =	rddreg [dreg:$0x2];
	s0 =	simm.s32 $0x0  }
0x3: {  	s3 =	simm.s32 $0x0;
	s2 =	srdreg.scid;
	[dreg:$0x4] =	wrdreg s0  }
0x4: {  	s17 =	stileid.u32;
	[smem:$0x7FF] =	sst s3  }
0x5: {  	s2 =	sand.u32 $0x1, s2;
	s26 =	sadd.s32 $0x101000, s1;
	s6 =	sshll.u32 s17, $0xF  }
0x6: {  	s7 =	sadd.s32 $0x201000, s1;
	s4 =	ssub.s32 $0x2, s2;
	s2 =	sshll.u32 s2, $0x13  }
0x7: {  	s3 =	simm.s32 $0x200;
	s5 =	sshrl.u32 s4, $0x1;
	s1 =	sor.u32 s6, s2  }
0x8: {  	s4 =	ssub.s32 s4, s5;
	s18 =	sadd.s32 s14, s1;
	s21 =	sor.u32 $0x1000, s1  }
0x9: {  	s23 =	sor.u32 $0x2000, s1;
	s6 =	sor.u32 $0x3000, s1;
	s10 =	sadd.s32 s26, s1  }
0xa: {  	s8 =	sor.u32 $0x4000, s1;
	s0 =	sor.u32 $0x5000, s1;
	s5 =	sor.u32 $0x6000, s1  }
0xb: {  	s2 =	sor.u32 $0x7000, s1;
	[dreg:$0x5] =	wrdreg s18;
	s9 =	sadd.s32 s14, s21  }
0xc: {  	s19 =	sadd.s32 s14, s23;
	s20 =	sadd.s32 s14, s6;
	s11 =	sadd.s32 s26, s21  }
0xd: {  	s22 =	sadd.s32 s14, s8;
	s12 =	sadd.s32 s26, s23;
	[dreg:$0x7] =	wrdreg s19  }
0xe: {  	s24 =	sadd.s32 s14, s0;
	s13 =	sadd.s32 s26, s6;
	[dreg:$0x9] =	wrdreg s20  }
0xf: {  	s25 =	sadd.s32 s14, s5;
	s15 =	sadd.s32 s26, s8;
	[dreg:$0xb] =	wrdreg s22  }
0x10: {  	s14 =	sadd.s32 s14, s2;
	s16 =	sadd.s32 s26, s5;
	[dreg:$0xd] =	wrdreg s24  }
0x11: {  	s17 =	sadd.s32 s26, s2;
	s29 =	sadd.s32 s7, s8;
	[dreg:$0xf] =	wrdreg s25  }
0x12: {  	[dreg:$0x11] =	wrdreg s14;
	s14 =	smov.u32 s15;
	s15 =	sadd.s32 s26, s0  }
0x13: {  	s26 =	rddreg [dreg:$0x1];
	s19 =	sadd.s32 s7, s1;
	s25 =	sadd.s32 s7, s6  }
0x14: {  	s18 =	sadd.s32 s26, s1;
	_ =	strace $0x8000004A;
	[dreg:$0x6] =	wrdreg s9  }
0x15: {  	s20 =	sadd.s32 s26, s21;
	s21 =	sadd.s32 s7, s21;
	[dreg:$0x8] =	wrdreg s10  }
0x16: {  	s22 =	sadd.s32 s26, s23;
	s23 =	sadd.s32 s7, s23;
	[dreg:$0xa] =	wrdreg s11  }
0x17: {  	s24 =	sadd.s32 s26, s6;
	s28 =	sadd.s32 s26, s8;
	[dreg:$0xc] =	wrdreg s12  }
0x18: {  	s30 =	sadd.s32 s26, s0;
	s31 =	sadd.s32 s26, s5;
	[dreg:$0xe] =	wrdreg s13  }
0x19: {  	s26 =	sadd.s32 s26, s2;
	s1 =	sadd.s32 s7, s0;
	[dreg:$0x10] =	wrdreg s14  }
0x1a: {  	s0 =	sadd.s32 s7, s5;
	s8 =	smax.u32 s4, $0x1;
	[dreg:$0x12] =	wrdreg s15  }
0x1b: {  	s2 =	sadd.s32 s7, s2;
	s4 =	simm.s32 $0x4000;
	[dreg:$0x13] =	wrdreg s8  }
.LBB2_1:
0x1c: {  	s5 =	simm.s32 $0x40;
	s9 =	rddreg [dreg:$0x5]  }
0x1d: {  	s6 =	simm.s32 $0x400;
	s7 =	simm.s32 $0x0;
	s8 =	sadd.s32 $0x0, s9  }
.LBB2_2:
0x1e: {  	[tilespmem:s7], [sflag:$0x1] =	stream.strided.gather [hbm4b:s8+s3], $0x400, s4, s3, $0x38;
	[tilespmem:$0x18000] =	vst v63  }
0x1f: {  	s8 =	smov.u32 s5;
	s7 =	smov.u32 s6;
	p0 =	sne.s32 s5, $0x7C0  }
.Ltmp0:
0x20: {  	s5 =	sadd.s32 $0x40, s5;
	(pc) =	sbr.rel @p0 .LBB2_2-.Ltmp0, $2  }
0x21: {  	_ =	sdelay $0x2  }
0x22: {  	s6 =	sadd.s32 $0x400, s6;
	s8 =	sadd.s32 s8, s9  }
0x23: {  	[tilespmem:s7], [sflag:$0x1] =	stream.strided.gather [hbm4b:s8+s3], $0x400, s4, s3, $0x38;
	[tilespmem:$0x18000] =	vst v63  }
0x24: {  	s5 =	simm.s32 $0x8000;
	s9 =	rddreg [dreg:$0x6]  }
0x25: {  	s6 =	simm.s32 $0x40;
	s7 =	simm.s32 $0x8400;
	s8 =	sadd.s32 $0x0, s9  }
.LBB2_4:
0x26: {  	[tilespmem:s5], [sflag:$0x2] =	stream.strided.gather [hbm4b:s8+s3], $0x400, s4, s3, $0x38;
	[tilespmem:$0x18000] =	vst v63  }
0x27: {  	s8 =	smov.u32 s6;
	s5 =	smov.u32 s7;
	p0 =	sne.s32 s6, $0x7C0  }
.Ltmp1:
0x28: {  	s6 =	sadd.s32 $0x40, s6;
	(pc) =	sbr.rel @p0 .LBB2_4-.Ltmp1, $2  }
0x29: {  	_ =	sdelay $0x2  }
0x2a: {  	s7 =	sadd.s32 $0x400, s7;
	s8 =	sadd.s32 s8, s9  }
0x2b: {  	[tilespmem:s5], [sflag:$0x2] =	stream.strided.gather [hbm4b:s8+s3], $0x400, s4, s3, $0x38;
	[tilespmem:$0x18000] =	vst v63  }
0x2c: {  	s5 =	simm.s32 $0x10000;
	s10 =	rddreg [dreg:$0x7]  }
0x2d: {  	s6 =	simm.s32 $0x40;
	s7 =	simm.s32 $0x10400;
	s8 =	sadd.s32 $0x0, s10  }
.LBB2_6:
0x2e: {  	[tilespmem:s5], [sflag:$0x3] =	stream.strided.gather [hbm4b:s8+s3], $0x400, s4, s3, $0x38;
	[tilespmem:$0x18000] =	vst v63  }
0x2f: {  	s8 =	smov.u32 s6;
	s5 =	smov.u32 s7;
	p0 =	sne.s32 s6, $0x7C0  }
.Ltmp2:
0x30: {  	s6 =	sadd.s32 $0x40, s6;
	(pc) =	sbr.rel @p0 .LBB2_6-.Ltmp2, $2  }
0x31: {  	_ =	sdelay $0x2  }
0x32: {  	s7 =	sadd.s32 $0x400, s7;
	s8 =	sadd.s32 s8, s10  }
0x33: {  	[tilespmem:s5], [sflag:$0x3] =	stream.strided.gather [hbm4b:s8+s3], $0x400, s4, s3, $0x38;
	[tilespmem:$0x18000] =	vst v63  }
0x34: {  	s15 =	simm.s32 $0x1  }
0x35: {  	s5 =	simm.s32 $0x0;
	_ =	swait.ge [sflag:s15], $0x8000  }
0x36: {  	s6 =	simm.s32 $0x40;
	[sflag:s15] =	ssyncset.done $0x0;
	s10 =	rddreg [dreg:$0x8]  }
0x37: {  	s7 =	simm.s32 $0x400;
	[sflag:s15] =	ssyncadd.s32 $0xFFFF8000;
	s8 =	sadd.s32 $0x0, s10  }
.LBB2_8:
0x38: {  	[hbm4b:s8+s3] =	stream.strided.scatter [tilespmem:s5], [sflag:$0x4], $0x400, s4, s3, $0x38;
	[tilespmem:$0x18000] =	vst v63  }
0x39: {  	s8 =	smov.u32 s6;
	s5 =	smov.u32 s7;
	p0 =	sne.s32 s6, $0x7C0  }
.Ltmp3:
0x3a: {  	s6 =	sadd.s32 $0x40, s6;
	(pc) =	sbr.rel @p0 .LBB2_8-.Ltmp3, $2  }
0x3b: {  	_ =	sdelay $0x2  }
0x3c: {  	s7 =	sadd.s32 $0x400, s7;
	s8 =	sadd.s32 s8, s10  }
0x3d: {  	[hbm4b:s8+s3] =	stream.strided.scatter [tilespmem:s5], [sflag:$0x4], $0x400, s4, s3, $0x38;
	[tilespmem:$0x18000] =	vst v63  }
0x3e: {  	s15 =	simm.s32 $0x4  }
0x3f: {  	s5 =	simm.s32 $0x0;
	_ =	swait.ge [sflag:s15], $0x8000  }
0x40: {  	s6 =	simm.s32 $0x40;
	[sflag:s15] =	ssyncset.done $0x0;
	s11 =	rddreg [dreg:$0x9]  }
0x41: {  	s7 =	simm.s32 $0x400;
	[sflag:s15] =	ssyncadd.s32 $0xFFFF8000;
	s8 =	sadd.s32 $0x0, s11  }
.LBB2_10:
0x42: {  	[tilespmem:s5], [sflag:$0x1] =	stream.strided.gather [hbm4b:s8+s3], $0x400, s4, s3, $0x38;
	[tilespmem:$0x18000] =	vst v63  }
0x43: {  	s8 =	smov.u32 s6;
	s5 =	smov.u32 s7;
	p0 =	sne.s32 s6, $0x7C0  }
.Ltmp4:
0x44: {  	s6 =	sadd.s32 $0x40, s6;
	(pc) =	sbr.rel @p0 .LBB2_10-.Ltmp4, $2  }
0x45: {  	_ =	sdelay $0x2  }
0x46: {  	s7 =	sadd.s32 $0x400, s7;
	s8 =	sadd.s32 s8, s11  }
0x47: {  	[tilespmem:s5], [sflag:$0x1] =	stream.strided.gather [hbm4b:s8+s3], $0x400, s4, s3, $0x38;
	[tilespmem:$0x18000] =	vst v63  }
0x48: {  	s15 =	simm.s32 $0x2  }
0x49: {  	s5 =	simm.s32 $0x8000;
	_ =	swait.ge [sflag:s15], $0x8000  }
0x4a: {  	s6 =	simm.s32 $0x40;
	[sflag:s15] =	ssyncset.done $0x0;
	s11 =	rddreg [dreg:$0xa]  }
0x4b: {  	s7 =	simm.s32 $0x8400;
	[sflag:s15] =	ssyncadd.s32 $0xFFFF8000;
	s8 =	sadd.s32 $0x0, s11  }
.LBB2_12:
0x4c: {  	[hbm4b:s8+s3] =	stream.strided.scatter [tilespmem:s5], [sflag:$0x5], $0x400, s4, s3, $0x38;
	[tilespmem:$0x18000] =	vst v63  }
0x4d: {  	s8 =	smov.u32 s6;
	s5 =	smov.u32 s7;
	p0 =	sne.s32 s6, $0x7C0  }
.Ltmp5:
0x4e: {  	s6 =	sadd.s32 $0x40, s6;
	(pc) =	sbr.rel @p0 .LBB2_12-.Ltmp5, $2  }
0x4f: {  	_ =	sdelay $0x2  }
0x50: {  	s7 =	sadd.s32 $0x400, s7;
	s8 =	sadd.s32 s8, s11  }
0x51: {  	[hbm4b:s8+s3] =	stream.strided.scatter [tilespmem:s5], [sflag:$0x5], $0x400, s4, s3, $0x38;
	[tilespmem:$0x18000] =	vst v63  }
0x52: {  	s15 =	simm.s32 $0x5  }
0x53: {  	s5 =	simm.s32 $0x8000;
	_ =	swait.ge [sflag:s15], $0x8000  }
0x54: {  	s6 =	simm.s32 $0x40;
	[sflag:s15] =	ssyncset.done $0x0;
	s12 =	rddreg [dreg:$0xb]  }
0x55: {  	s7 =	simm.s32 $0x8400;
	[sflag:s15] =	ssyncadd.s32 $0xFFFF8000;
	s8 =	sadd.s32 $0x0, s12  }
.LBB2_14:
0x56: {  	[tilespmem:s5], [sflag:$0x2] =	stream.strided.gather [hbm4b:s8+s3], $0x400, s4, s3, $0x38;
	[tilespmem:$0x18000] =	vst v63  }
0x57: {  	s8 =	smov.u32 s6;
	s5 =	smov.u32 s7;
	p0 =	sne.s32 s6, $0x7C0  }
.Ltmp6:
0x58: {  	s6 =	sadd.s32 $0x40, s6;
	(pc) =	sbr.rel @p0 .LBB2_14-.Ltmp6, $2  }
0x59: {  	_ =	sdelay $0x2  }
0x5a: {  	s7 =	sadd.s32 $0x400, s7;
	s8 =	sadd.s32 s8, s12  }
0x5b: {  	[tilespmem:s5], [sflag:$0x2] =	stream.strided.gather [hbm4b:s8+s3], $0x400, s4, s3, $0x38;
	[tilespmem:$0x18000] =	vst v63  }
0x5c: {  	s15 =	simm.s32 $0x3  }
0x5d: {  	s5 =	simm.s32 $0x10000;
	_ =	swait.ge [sflag:s15], $0x8000  }
0x5e: {  	s6 =	simm.s32 $0x40;
	[sflag:s15] =	ssyncset.done $0x0;
	s12 =	rddreg [dreg:$0xc]  }
0x5f: {  	s7 =	simm.s32 $0x10400;
	[sflag:s15] =	ssyncadd.s32 $0xFFFF8000;
	s8 =	sadd.s32 $0x0, s12  }
.LBB2_16:
0x60: {  	[hbm4b:s8+s3] =	stream.strided.scatter [tilespmem:s5], [sflag:$0x6], $0x400, s4, s3, $0x38;
	[tilespmem:$0x18000] =	vst v63  }
0x61: {  	s8 =	smov.u32 s6;
	s5 =	smov.u32 s7;
	p0 =	sne.s32 s6, $0x7C0  }
.Ltmp7:
0x62: {  	s6 =	sadd.s32 $0x40, s6;
	(pc) =	sbr.rel @p0 .LBB2_16-.Ltmp7, $2  }
0x63: {  	_ =	sdelay $0x2  }
0x64: {  	s7 =	sadd.s32 $0x400, s7;
	s8 =	sadd.s32 s8, s12  }
0x65: {  	[hbm4b:s8+s3] =	stream.strided.scatter [tilespmem:s5], [sflag:$0x6], $0x400, s4, s3, $0x38;
	[tilespmem:$0x18000] =	vst v63  }
0x66: {  	s15 =	simm.s32 $0x6  }
0x67: {  	s5 =	simm.s32 $0x10000;
	_ =	swait.ge [sflag:s15], $0x8000  }
0x68: {  	s6 =	simm.s32 $0x40;
	[sflag:s15] =	ssyncset.done $0x0;
	s13 =	rddreg [dreg:$0xd]  }
0x69: {  	s7 =	simm.s32 $0x10400;
	[sflag:s15] =	ssyncadd.s32 $0xFFFF8000;
	s8 =	sadd.s32 $0x0, s13  }
.LBB2_18:
0x6a: {  	[tilespmem:s5], [sflag:$0x3] =	stream.strided.gather [hbm4b:s8+s3], $0x400, s4, s3, $0x38;
	[tilespmem:$0x18000] =	vst v63  }
0x6b: {  	s8 =	smov.u32 s6;
	s5 =	smov.u32 s7;
	p0 =	sne.s32 s6, $0x7C0  }
.Ltmp8:
0x6c: {  	s6 =	sadd.s32 $0x40, s6;
	(pc) =	sbr.rel @p0 .LBB2_18-.Ltmp8, $2  }
0x6d: {  	_ =	sdelay $0x2  }
0x6e: {  	s7 =	sadd.s32 $0x400, s7;
	s8 =	sadd.s32 s8, s13  }
0x6f: {  	[tilespmem:s5], [sflag:$0x3] =	stream.strided.gather [hbm4b:s8+s3], $0x400, s4, s3, $0x38;
	[tilespmem:$0x18000] =	vst v63  }
0x70: {  	s15 =	simm.s32 $0x1  }
0x71: {  	s5 =	simm.s32 $0x0;
	_ =	swait.ge [sflag:s15], $0x8000  }
0x72: {  	s6 =	simm.s32 $0x40;
	[sflag:s15] =	ssyncset.done $0x0;
	s13 =	rddreg [dreg:$0xe]  }
0x73: {  	s7 =	simm.s32 $0x400;
	[sflag:s15] =	ssyncadd.s32 $0xFFFF8000;
	s8 =	sadd.s32 $0x0, s13  }
.LBB2_20:
0x74: {  	[hbm4b:s8+s3] =	stream.strided.scatter [tilespmem:s5], [sflag:$0x4], $0x400, s4, s3, $0x38;
	[tilespmem:$0x18000] =	vst v63  }
0x75: {  	s8 =	smov.u32 s6;
	s5 =	smov.u32 s7;
	p0 =	sne.s32 s6, $0x7C0  }
.Ltmp9:
0x76: {  	s6 =	sadd.s32 $0x40, s6;
	(pc) =	sbr.rel @p0 .LBB2_20-.Ltmp9, $2  }
0x77: {  	_ =	sdelay $0x2  }
0x78: {  	s7 =	sadd.s32 $0x400, s7;
	s8 =	sadd.s32 s8, s13  }
0x79: {  	[hbm4b:s8+s3] =	stream.strided.scatter [tilespmem:s5], [sflag:$0x4], $0x400, s4, s3, $0x38;
	[tilespmem:$0x18000] =	vst v63  }
0x7a: {  	s15 =	simm.s32 $0x4  }
0x7b: {  	s5 =	simm.s32 $0x0;
	_ =	swait.ge [sflag:s15], $0x8000  }
0x7c: {  	s6 =	simm.s32 $0x40;
	[sflag:s15] =	ssyncset.done $0x0;
	s14 =	rddreg [dreg:$0xf]  }
0x7d: {  	s7 =	simm.s32 $0x400;
	[sflag:s15] =	ssyncadd.s32 $0xFFFF8000;
	s8 =	sadd.s32 $0x0, s14  }
.LBB2_22:
0x7e: {  	[tilespmem:s5], [sflag:$0x1] =	stream.strided.gather [hbm4b:s8+s3], $0x400, s4, s3, $0x38;
	[tilespmem:$0x18000] =	vst v63  }
0x7f: {  	s8 =	smov.u32 s6;
	s5 =	smov.u32 s7;
	p0 =	sne.s32 s6, $0x7C0  }
.Ltmp10:
0x80: {  	s6 =	sadd.s32 $0x40, s6;
	(pc) =	sbr.rel @p0 .LBB2_22-.Ltmp10, $2  }
0x81: {  	_ =	sdelay $0x2  }
0x82: {  	s7 =	sadd.s32 $0x400, s7;
	s8 =	sadd.s32 s8, s14  }
0x83: {  	[tilespmem:s5], [sflag:$0x1] =	stream.strided.gather [hbm4b:s8+s3], $0x400, s4, s3, $0x38;
	[tilespmem:$0x18000] =	vst v63  }
0x84: {  	s15 =	simm.s32 $0x2  }
0x85: {  	s5 =	simm.s32 $0x8000;
	_ =	swait.ge [sflag:s15], $0x8000  }
0x86: {  	s6 =	simm.s32 $0x40;
	[sflag:s15] =	ssyncset.done $0x0;
	s14 =	rddreg [dreg:$0x10]  }
0x87: {  	s7 =	simm.s32 $0x8400;
	[sflag:s15] =	ssyncadd.s32 $0xFFFF8000;
	s8 =	sadd.s32 $0x0, s14  }
.LBB2_24:
0x88: {  	[hbm4b:s8+s3] =	stream.strided.scatter [tilespmem:s5], [sflag:$0x5], $0x400, s4, s3, $0x38;
	[tilespmem:$0x18000] =	vst v63  }
0x89: {  	s8 =	smov.u32 s6;
	s5 =	smov.u32 s7;
	p0 =	sne.s32 s6, $0x7C0  }
.Ltmp11:
0x8a: {  	s6 =	sadd.s32 $0x40, s6;
	(pc) =	sbr.rel @p0 .LBB2_24-.Ltmp11, $2  }
0x8b: {  	_ =	sdelay $0x2  }
0x8c: {  	s7 =	sadd.s32 $0x400, s7;
	s8 =	sadd.s32 s8, s14  }
0x8d: {  	[hbm4b:s8+s3] =	stream.strided.scatter [tilespmem:s5], [sflag:$0x5], $0x400, s4, s3, $0x38;
	[tilespmem:$0x18000] =	vst v63  }
0x8e: {  	s15 =	simm.s32 $0x5  }
0x8f: {  	_ =	swait.ge [sflag:s15], $0x8000  }
0x90: {  	[sflag:s15] =	ssyncset.done $0x0  }
0x91: {  	s5 =	simm.s32 $0x8000;
	[sflag:s15] =	ssyncadd.s32 $0xFFFF8000;
	s15 =	rddreg [dreg:$0x11]  }
0x92: {  	s6 =	simm.s32 $0x40;
	s7 =	simm.s32 $0x8400;
	s8 =	sadd.s32 $0x0, s15  }
.LBB2_26:
0x93: {  	[tilespmem:s5], [sflag:$0x2] =	stream.strided.gather [hbm4b:s8+s3], $0x400, s4, s3, $0x38;
	[tilespmem:$0x18000] =	vst v63  }
0x94: {  	s8 =	smov.u32 s6;
	s5 =	smov.u32 s7;
	p0 =	sne.s32 s6, $0x7C0  }
.Ltmp12:
0x95: {  	s6 =	sadd.s32 $0x40, s6;
	(pc) =	sbr.rel @p0 .LBB2_26-.Ltmp12, $2  }
0x96: {  	_ =	sdelay $0x2  }
0x97: {  	s7 =	sadd.s32 $0x400, s7;
	s8 =	sadd.s32 s8, s15  }
0x98: {  	[tilespmem:s5], [sflag:$0x2] =	stream.strided.gather [hbm4b:s8+s3], $0x400, s4, s3, $0x38;
	[tilespmem:$0x18000] =	vst v63  }
0x99: {  	s15 =	simm.s32 $0x3  }
0x9a: {  	_ =	swait.ge [sflag:s15], $0x8000  }
0x9b: {  	[sflag:s15] =	ssyncset.done $0x0  }
0x9c: {  	s5 =	simm.s32 $0x10000;
	[sflag:s15] =	ssyncadd.s32 $0xFFFF8000;
	s15 =	rddreg [dreg:$0x12]  }
0x9d: {  	s6 =	simm.s32 $0x40;
	s7 =	simm.s32 $0x10400;
	s8 =	sadd.s32 $0x0, s15  }
.LBB2_28:
0x9e: {  	[hbm4b:s8+s3] =	stream.strided.scatter [tilespmem:s5], [sflag:$0x6], $0x400, s4, s3, $0x38;
	[tilespmem:$0x18000] =	vst v63  }
0x9f: {  	s8 =	smov.u32 s6;
	s5 =	smov.u32 s7;
	p0 =	sne.s32 s6, $0x7C0  }
.Ltmp13:
0xa0: {  	s6 =	sadd.s32 $0x40, s6;
	(pc) =	sbr.rel @p0 .LBB2_28-.Ltmp13, $2  }
0xa1: {  	_ =	sdelay $0x2  }
0xa2: {  	s7 =	sadd.s32 $0x400, s7;
	s8 =	sadd.s32 s8, s15  }
0xa3: {  	[hbm4b:s8+s3] =	stream.strided.scatter [tilespmem:s5], [sflag:$0x6], $0x400, s4, s3, $0x38;
	[tilespmem:$0x18000] =	vst v63  }
0xa4: {  	s15 =	simm.s32 $0x1  }
0xa5: {  	_ =	swait.ge [sflag:s15], $0x8000  }
0xa6: {  	s5 =	simm.s32 $0x0;
	s6 =	simm.s32 $0x40;
	[sflag:s15] =	ssyncset.done $0x0  }
0xa7: {  	s8 =	sadd.s32 $0x0, s16;
	s7 =	simm.s32 $0x400;
	[sflag:s15] =	ssyncadd.s32 $0xFFFF8000  }
.LBB2_30:
0xa8: {  	[hbm4b:s8+s3] =	stream.strided.scatter [tilespmem:s5], [sflag:$0x4], $0x400, s4, s3, $0x38;
	[tilespmem:$0x18000] =	vst v63  }
0xa9: {  	s8 =	smov.u32 s6;
	s5 =	smov.u32 s7;
	p0 =	sne.s32 s6, $0x7C0  }
.Ltmp14:
0xaa: {  	s6 =	sadd.s32 $0x40, s6;
	(pc) =	sbr.rel @p0 .LBB2_30-.Ltmp14, $2  }
0xab: {  	_ =	sdelay $0x2  }
0xac: {  	s7 =	sadd.s32 $0x400, s7;
	s8 =	sadd.s32 s8, s16  }
0xad: {  	[hbm4b:s8+s3] =	stream.strided.scatter [tilespmem:s5], [sflag:$0x4], $0x400, s4, s3, $0x38;
	[tilespmem:$0x18000] =	vst v63  }
0xae: {  	s15 =	simm.s32 $0x2  }
0xaf: {  	_ =	swait.ge [sflag:s15], $0x8000  }
0xb0: {  	s5 =	simm.s32 $0x8000;
	s6 =	simm.s32 $0x40;
	[sflag:s15] =	ssyncset.done $0x0  }
0xb1: {  	s8 =	sadd.s32 $0x0, s17;
	s7 =	simm.s32 $0x8400;
	[sflag:s15] =	ssyncadd.s32 $0xFFFF8000  }
.LBB2_32:
0xb2: {  	[hbm4b:s8+s3] =	stream.strided.scatter [tilespmem:s5], [sflag:$0x5], $0x400, s4, s3, $0x38;
	[tilespmem:$0x18000] =	vst v63  }
0xb3: {  	s8 =	smov.u32 s6;
	s5 =	smov.u32 s7;
	p0 =	sne.s32 s6, $0x7C0  }
.Ltmp15:
0xb4: {  	s6 =	sadd.s32 $0x40, s6;
	(pc) =	sbr.rel @p0 .LBB2_32-.Ltmp15, $2  }
0xb5: {  	_ =	sdelay $0x2  }
0xb6: {  	s7 =	sadd.s32 $0x400, s7;
	s8 =	sadd.s32 s8, s17  }
0xb7: {  	[hbm4b:s8+s3] =	stream.strided.scatter [tilespmem:s5], [sflag:$0x5], $0x400, s4, s3, $0x38;
	[tilespmem:$0x18000] =	vst v63  }
0xb8: {  	s13 =	simm.s32 $0x6  }
0xb9: {  	_ =	swait.ge [sflag:s13], $0x8000  }
0xba: {  	[sflag:s13] =	ssyncset.done $0x0  }
0xbb: {  	s14 =	simm.s32 $0x4;
	[sflag:s13] =	ssyncadd.s32 $0xFFFF8000  }
0xbc: {  	_ =	swait.ge [sflag:s14], $0x8000  }
0xbd: {  	[sflag:s14] =	ssyncset.done $0x0  }
0xbe: {  	s15 =	simm.s32 $0x5;
	[sflag:s14] =	ssyncadd.s32 $0xFFFF8000  }
0xbf: {  	_ =	swait.ge [sflag:s15], $0x8000  }
0xc0: {  	s5 =	simm.s32 $0x0;
	s6 =	simm.s32 $0x40;
	[sflag:s15] =	ssyncset.done $0x0  }
0xc1: {  	s8 =	sadd.s32 $0x0, s18;
	s7 =	simm.s32 $0x400;
	[sflag:s15] =	ssyncadd.s32 $0xFFFF8000  }
.LBB2_34:
0xc2: {  	[tilespmem:s5], [sflag:$0x1] =	stream.strided.gather [hbm4b:s8+s3], $0x400, s4, s3, $0x38;
	[tilespmem:$0x18000] =	vst v63  }
0xc3: {  	s8 =	smov.u32 s6;
	s5 =	smov.u32 s7;
	p0 =	sne.s32 s6, $0x7C0  }
.Ltmp16:
0xc4: {  	s6 =	sadd.s32 $0x40, s6;
	(pc) =	sbr.rel @p0 .LBB2_34-.Ltmp16, $2  }
0xc5: {  	_ =	sdelay $0x2  }
0xc6: {  	s7 =	sadd.s32 $0x400, s7;
	s8 =	sadd.s32 s8, s18  }
0xc7: {  	[tilespmem:s5], [sflag:$0x1] =	stream.strided.gather [hbm4b:s8+s3], $0x400, s4, s3, $0x38;
	[tilespmem:$0x18000] =	vst v63  }
0xc8: {  	s5 =	simm.s32 $0x8000  }
0xc9: {  	s6 =	simm.s32 $0x40;
	s8 =	sadd.s32 $0x0, s20;
	s7 =	simm.s32 $0x8400  }
.LBB2_36:
0xca: {  	[tilespmem:s5], [sflag:$0x2] =	stream.strided.gather [hbm4b:s8+s3], $0x400, s4, s3, $0x38;
	[tilespmem:$0x18000] =	vst v63  }
0xcb: {  	s8 =	smov.u32 s6;
	s5 =	smov.u32 s7;
	p0 =	sne.s32 s6, $0x7C0  }
.Ltmp17:
0xcc: {  	s6 =	sadd.s32 $0x40, s6;
	(pc) =	sbr.rel @p0 .LBB2_36-.Ltmp17, $2  }
0xcd: {  	_ =	sdelay $0x2  }
0xce: {  	s7 =	sadd.s32 $0x400, s7;
	s8 =	sadd.s32 s8, s20  }
0xcf: {  	[tilespmem:s5], [sflag:$0x2] =	stream.strided.gather [hbm4b:s8+s3], $0x400, s4, s3, $0x38;
	[tilespmem:$0x18000] =	vst v63  }
0xd0: {  	s5 =	simm.s32 $0x10000  }
0xd1: {  	s6 =	simm.s32 $0x40;
	s8 =	sadd.s32 $0x0, s22;
	s7 =	simm.s32 $0x10400  }
.LBB2_38:
0xd2: {  	[tilespmem:s5], [sflag:$0x3] =	stream.strided.gather [hbm4b:s8+s3], $0x400, s4, s3, $0x38;
	[tilespmem:$0x18000] =	vst v63  }
0xd3: {  	s8 =	smov.u32 s6;
	s5 =	smov.u32 s7;
	p0 =	sne.s32 s6, $0x7C0  }
.Ltmp18:
0xd4: {  	s6 =	sadd.s32 $0x40, s6;
	(pc) =	sbr.rel @p0 .LBB2_38-.Ltmp18, $2  }
0xd5: {  	_ =	sdelay $0x2  }
0xd6: {  	s7 =	sadd.s32 $0x400, s7;
	s8 =	sadd.s32 s8, s22  }
0xd7: {  	[tilespmem:s5], [sflag:$0x3] =	stream.strided.gather [hbm4b:s8+s3], $0x400, s4, s3, $0x38;
	[tilespmem:$0x18000] =	vst v63  }
0xd8: {  	s15 =	simm.s32 $0x1  }
0xd9: {  	_ =	swait.ge [sflag:s15], $0x8000  }
0xda: {  	s5 =	simm.s32 $0x0;
	s6 =	simm.s32 $0x40;
	[sflag:s15] =	ssyncset.done $0x0  }
0xdb: {  	s8 =	sadd.s32 $0x0, s19;
	s7 =	simm.s32 $0x400;
	[sflag:s15] =	ssyncadd.s32 $0xFFFF8000  }
.LBB2_40:
0xdc: {  	[hbm4b:s8+s3] =	stream.strided.scatter [tilespmem:s5], [sflag:$0x4], $0x400, s4, s3, $0x38;
	[tilespmem:$0x18000] =	vst v63  }
0xdd: {  	s8 =	smov.u32 s6;
	s5 =	smov.u32 s7;
	p0 =	sne.s32 s6, $0x7C0  }
.Ltmp19:
0xde: {  	s6 =	sadd.s32 $0x40, s6;
	(pc) =	sbr.rel @p0 .LBB2_40-.Ltmp19, $2  }
0xdf: {  	_ =	sdelay $0x2  }
0xe0: {  	s7 =	sadd.s32 $0x400, s7;
	s8 =	sadd.s32 s8, s19  }
0xe1: {  	[hbm4b:s8+s3] =	stream.strided.scatter [tilespmem:s5], [sflag:$0x4], $0x400, s4, s3, $0x38;
	[tilespmem:$0x18000] =	vst v63  }
0xe2: {  	s15 =	simm.s32 $0x4  }
0xe3: {  	_ =	swait.ge [sflag:s15], $0x8000  }
0xe4: {  	s5 =	simm.s32 $0x0;
	s6 =	simm.s32 $0x40;
	[sflag:s15] =	ssyncset.done $0x0  }
0xe5: {  	s8 =	sadd.s32 $0x0, s24;
	s7 =	simm.s32 $0x400;
	[sflag:s15] =	ssyncadd.s32 $0xFFFF8000  }
.LBB2_42:
0xe6: {  	[tilespmem:s5], [sflag:$0x1] =	stream.strided.gather [hbm4b:s8+s3], $0x400, s4, s3, $0x38;
	[tilespmem:$0x18000] =	vst v63  }
0xe7: {  	s8 =	smov.u32 s6;
	s5 =	smov.u32 s7;
	p0 =	sne.s32 s6, $0x7C0  }
.Ltmp20:
0xe8: {  	s6 =	sadd.s32 $0x40, s6;
	(pc) =	sbr.rel @p0 .LBB2_42-.Ltmp20, $2  }
0xe9: {  	_ =	sdelay $0x2  }
0xea: {  	s7 =	sadd.s32 $0x400, s7;
	s8 =	sadd.s32 s8, s24  }
0xeb: {  	[tilespmem:s5], [sflag:$0x1] =	stream.strided.gather [hbm4b:s8+s3], $0x400, s4, s3, $0x38;
	[tilespmem:$0x18000] =	vst v63  }
0xec: {  	s15 =	simm.s32 $0x2  }
0xed: {  	_ =	swait.ge [sflag:s15], $0x8000  }
0xee: {  	s5 =	simm.s32 $0x8000;
	s6 =	simm.s32 $0x40;
	[sflag:s15] =	ssyncset.done $0x0  }
0xef: {  	s8 =	sadd.s32 $0x0, s21;
	s7 =	simm.s32 $0x8400;
	[sflag:s15] =	ssyncadd.s32 $0xFFFF8000  }
.LBB2_44:
0xf0: {  	[hbm4b:s8+s3] =	stream.strided.scatter [tilespmem:s5], [sflag:$0x5], $0x400, s4, s3, $0x38;
	[tilespmem:$0x18000] =	vst v63  }
0xf1: {  	s8 =	smov.u32 s6;
	s5 =	smov.u32 s7;
	p0 =	sne.s32 s6, $0x7C0  }
.Ltmp21:
0xf2: {  	s6 =	sadd.s32 $0x40, s6;
	(pc) =	sbr.rel @p0 .LBB2_44-.Ltmp21, $2  }
0xf3: {  	_ =	sdelay $0x2  }
0xf4: {  	s7 =	sadd.s32 $0x400, s7;
	s8 =	sadd.s32 s8, s21  }
0xf5: {  	[hbm4b:s8+s3] =	stream.strided.scatter [tilespmem:s5], [sflag:$0x5], $0x400, s4, s3, $0x38;
	[tilespmem:$0x18000] =	vst v63  }
0xf6: {  	s15 =	simm.s32 $0x5  }
0xf7: {  	_ =	swait.ge [sflag:s15], $0x8000  }
0xf8: {  	s5 =	simm.s32 $0x8000;
	s6 =	simm.s32 $0x40;
	[sflag:s15] =	ssyncset.done $0x0  }
0xf9: {  	s8 =	sadd.s32 $0x0, s28;
	s7 =	simm.s32 $0x8400;
	[sflag:s15] =	ssyncadd.s32 $0xFFFF8000  }
.LBB2_46:
0xfa: {  	[tilespmem:s5], [sflag:$0x2] =	stream.strided.gather [hbm4b:s8+s3], $0x400, s4, s3, $0x38;
	[tilespmem:$0x18000] =	vst v63  }
0xfb: {  	s8 =	smov.u32 s6;
	s5 =	smov.u32 s7;
	p0 =	sne.s32 s6, $0x7C0  }
.Ltmp22:
0xfc: {  	s6 =	sadd.s32 $0x40, s6;
	(pc) =	sbr.rel @p0 .LBB2_46-.Ltmp22, $2  }
0xfd: {  	_ =	sdelay $0x2  }
0xfe: {  	s7 =	sadd.s32 $0x400, s7;
	s8 =	sadd.s32 s8, s28  }
0xff: {  	[tilespmem:s5], [sflag:$0x2] =	stream.strided.gather [hbm4b:s8+s3], $0x400, s4, s3, $0x38;
	[tilespmem:$0x18000] =	vst v63  }
0x100: {  	s15 =	simm.s32 $0x3  }
0x101: {  	_ =	swait.ge [sflag:s15], $0x8000  }
0x102: {  	s5 =	simm.s32 $0x10000;
	s6 =	simm.s32 $0x40;
	[sflag:s15] =	ssyncset.done $0x0  }
0x103: {  	s8 =	sadd.s32 $0x0, s23;
	s7 =	simm.s32 $0x10400;
	[sflag:s15] =	ssyncadd.s32 $0xFFFF8000  }
.LBB2_48:
0x104: {  	[hbm4b:s8+s3] =	stream.strided.scatter [tilespmem:s5], [sflag:$0x6], $0x400, s4, s3, $0x38;
	[tilespmem:$0x18000] =	vst v63  }
0x105: {  	s8 =	smov.u32 s6;
	s5 =	smov.u32 s7;
	p0 =	sne.s32 s6, $0x7C0  }
.Ltmp23:
0x106: {  	s6 =	sadd.s32 $0x40, s6;
	(pc) =	sbr.rel @p0 .LBB2_48-.Ltmp23, $2  }
0x107: {  	_ =	sdelay $0x2  }
0x108: {  	s7 =	sadd.s32 $0x400, s7;
	s8 =	sadd.s32 s8, s23  }
0x109: {  	[hbm4b:s8+s3] =	stream.strided.scatter [tilespmem:s5], [sflag:$0x6], $0x400, s4, s3, $0x38;
	[tilespmem:$0x18000] =	vst v63  }
0x10a: {  	s15 =	simm.s32 $0x6  }
0x10b: {  	_ =	swait.ge [sflag:s15], $0x8000  }
0x10c: {  	s5 =	simm.s32 $0x10000;
	s6 =	simm.s32 $0x40;
	[sflag:s15] =	ssyncset.done $0x0  }
0x10d: {  	s8 =	sadd.s32 $0x0, s30;
	s7 =	simm.s32 $0x10400;
	[sflag:s15] =	ssyncadd.s32 $0xFFFF8000  }
.LBB2_50:
0x10e: {  	[tilespmem:s5], [sflag:$0x3] =	stream.strided.gather [hbm4b:s8+s3], $0x400, s4, s3, $0x38;
	[tilespmem:$0x18000] =	vst v63  }
0x10f: {  	s8 =	smov.u32 s6;
	s5 =	smov.u32 s7;
	p0 =	sne.s32 s6, $0x7C0  }
.Ltmp24:
0x110: {  	s6 =	sadd.s32 $0x40, s6;
	(pc) =	sbr.rel @p0 .LBB2_50-.Ltmp24, $2  }
0x111: {  	_ =	sdelay $0x2  }
0x112: {  	s7 =	sadd.s32 $0x400, s7;
	s8 =	sadd.s32 s8, s30  }
0x113: {  	[tilespmem:s5], [sflag:$0x3] =	stream.strided.gather [hbm4b:s8+s3], $0x400, s4, s3, $0x38;
	[tilespmem:$0x18000] =	vst v63  }
0x114: {  	s15 =	simm.s32 $0x1  }
0x115: {  	_ =	swait.ge [sflag:s15], $0x8000  }
0x116: {  	s5 =	simm.s32 $0x0;
	s6 =	simm.s32 $0x40;
	[sflag:s15] =	ssyncset.done $0x0  }
0x117: {  	s8 =	sadd.s32 $0x0, s25;
	s7 =	simm.s32 $0x400;
	[sflag:s15] =	ssyncadd.s32 $0xFFFF8000  }
.LBB2_52:
0x118: {  	[hbm4b:s8+s3] =	stream.strided.scatter [tilespmem:s5], [sflag:$0x4], $0x400, s4, s3, $0x38;
	[tilespmem:$0x18000] =	vst v63  }
0x119: {  	s8 =	smov.u32 s6;
	s5 =	smov.u32 s7;
	p0 =	sne.s32 s6, $0x7C0  }
.Ltmp25:
0x11a: {  	s6 =	sadd.s32 $0x40, s6;
	(pc) =	sbr.rel @p0 .LBB2_52-.Ltmp25, $2  }
0x11b: {  	_ =	sdelay $0x2  }
0x11c: {  	s7 =	sadd.s32 $0x400, s7;
	s8 =	sadd.s32 s8, s25  }
0x11d: {  	[hbm4b:s8+s3] =	stream.strided.scatter [tilespmem:s5], [sflag:$0x4], $0x400, s4, s3, $0x38;
	[tilespmem:$0x18000] =	vst v63  }
0x11e: {  	s15 =	simm.s32 $0x4  }
0x11f: {  	_ =	swait.ge [sflag:s15], $0x8000  }
0x120: {  	s5 =	simm.s32 $0x0;
	s6 =	simm.s32 $0x40;
	[sflag:s15] =	ssyncset.done $0x0  }
0x121: {  	s8 =	sadd.s32 $0x0, s31;
	s7 =	simm.s32 $0x400;
	[sflag:s15] =	ssyncadd.s32 $0xFFFF8000  }
.LBB2_54:
0x122: {  	[tilespmem:s5], [sflag:$0x1] =	stream.strided.gather [hbm4b:s8+s3], $0x400, s4, s3, $0x38;
	[tilespmem:$0x18000] =	vst v63  }
0x123: {  	s8 =	smov.u32 s6;
	s5 =	smov.u32 s7;
	p0 =	sne.s32 s6, $0x7C0  }
.Ltmp26:
0x124: {  	s6 =	sadd.s32 $0x40, s6;
	(pc) =	sbr.rel @p0 .LBB2_54-.Ltmp26, $2  }
0x125: {  	_ =	sdelay $0x2  }
0x126: {  	s7 =	sadd.s32 $0x400, s7;
	s8 =	sadd.s32 s8, s31  }
0x127: {  	[tilespmem:s5], [sflag:$0x1] =	stream.strided.gather [hbm4b:s8+s3], $0x400, s4, s3, $0x38;
	[tilespmem:$0x18000] =	vst v63  }
0x128: {  	s15 =	simm.s32 $0x2  }
0x129: {  	_ =	swait.ge [sflag:s15], $0x8000  }
0x12a: {  	s5 =	simm.s32 $0x8000;
	s6 =	simm.s32 $0x40;
	[sflag:s15] =	ssyncset.done $0x0  }
0x12b: {  	s8 =	sadd.s32 $0x0, s29;
	s7 =	simm.s32 $0x8400;
	[sflag:s15] =	ssyncadd.s32 $0xFFFF8000  }
.LBB2_56:
0x12c: {  	[hbm4b:s8+s3] =	stream.strided.scatter [tilespmem:s5], [sflag:$0x5], $0x400, s4, s3, $0x38;
	[tilespmem:$0x18000] =	vst v63  }
0x12d: {  	s8 =	smov.u32 s6;
	s5 =	smov.u32 s7;
	p0 =	sne.s32 s6, $0x7C0  }
.Ltmp27:
0x12e: {  	s6 =	sadd.s32 $0x40, s6;
	(pc) =	sbr.rel @p0 .LBB2_56-.Ltmp27, $2  }
0x12f: {  	_ =	sdelay $0x2  }
0x130: {  	s7 =	sadd.s32 $0x400, s7;
	s8 =	sadd.s32 s8, s29  }
0x131: {  	[hbm4b:s8+s3] =	stream.strided.scatter [tilespmem:s5], [sflag:$0x5], $0x400, s4, s3, $0x38;
	[tilespmem:$0x18000] =	vst v63  }
0x132: {  	s15 =	simm.s32 $0x5  }
0x133: {  	_ =	swait.ge [sflag:s15], $0x8000  }
0x134: {  	s5 =	simm.s32 $0x8000;
	s6 =	simm.s32 $0x40;
	[sflag:s15] =	ssyncset.done $0x0  }
0x135: {  	s8 =	sadd.s32 $0x0, s26;
	s7 =	simm.s32 $0x8400;
	[sflag:s15] =	ssyncadd.s32 $0xFFFF8000  }
.LBB2_58:
0x136: {  	[tilespmem:s5], [sflag:$0x2] =	stream.strided.gather [hbm4b:s8+s3], $0x400, s4, s3, $0x38;
	[tilespmem:$0x18000] =	vst v63  }
0x137: {  	s8 =	smov.u32 s6;
	s5 =	smov.u32 s7;
	p0 =	sne.s32 s6, $0x7C0  }
.Ltmp28:
0x138: {  	s6 =	sadd.s32 $0x40, s6;
	(pc) =	sbr.rel @p0 .LBB2_58-.Ltmp28, $2  }
0x139: {  	_ =	sdelay $0x2  }
0x13a: {  	s7 =	sadd.s32 $0x400, s7;
	s8 =	sadd.s32 s8, s26  }
0x13b: {  	[tilespmem:s5], [sflag:$0x2] =	stream.strided.gather [hbm4b:s8+s3], $0x400, s4, s3, $0x38;
	[tilespmem:$0x18000] =	vst v63  }
0x13c: {  	s15 =	simm.s32 $0x3  }
0x13d: {  	_ =	swait.ge [sflag:s15], $0x8000  }
0x13e: {  	s5 =	simm.s32 $0x10000;
	s6 =	simm.s32 $0x40;
	[sflag:s15] =	ssyncset.done $0x0  }
0x13f: {  	s8 =	sadd.s32 $0x0, s1;
	s7 =	simm.s32 $0x10400;
	[sflag:s15] =	ssyncadd.s32 $0xFFFF8000  }
.LBB2_60:
0x140: {  	[hbm4b:s8+s3] =	stream.strided.scatter [tilespmem:s5], [sflag:$0x6], $0x400, s4, s3, $0x38;
	[tilespmem:$0x18000] =	vst v63  }
0x141: {  	s8 =	smov.u32 s6;
	s5 =	smov.u32 s7;
	p0 =	sne.s32 s6, $0x7C0  }
.Ltmp29:
0x142: {  	s6 =	sadd.s32 $0x40, s6;
	(pc) =	sbr.rel @p0 .LBB2_60-.Ltmp29, $2  }
0x143: {  	_ =	sdelay $0x2  }
0x144: {  	s7 =	sadd.s32 $0x400, s7;
	s8 =	sadd.s32 s8, s1  }
0x145: {  	[hbm4b:s8+s3] =	stream.strided.scatter [tilespmem:s5], [sflag:$0x6], $0x400, s4, s3, $0x38;
	[tilespmem:$0x18000] =	vst v63  }
0x146: {  	s15 =	simm.s32 $0x1  }
0x147: {  	_ =	swait.ge [sflag:s15], $0x8000  }
0x148: {  	s5 =	simm.s32 $0x0;
	s6 =	simm.s32 $0x40;
	[sflag:s15] =	ssyncset.done $0x0  }
0x149: {  	s8 =	sadd.s32 $0x0, s0;
	s7 =	simm.s32 $0x400;
	[sflag:s15] =	ssyncadd.s32 $0xFFFF8000  }
.LBB2_62:
0x14a: {  	[hbm4b:s8+s3] =	stream.strided.scatter [tilespmem:s5], [sflag:$0x4], $0x400, s4, s3, $0x38;
	[tilespmem:$0x18000] =	vst v63  }
0x14b: {  	s8 =	smov.u32 s6;
	s5 =	smov.u32 s7;
	p0 =	sne.s32 s6, $0x7C0  }
.Ltmp30:
0x14c: {  	s6 =	sadd.s32 $0x40, s6;
	(pc) =	sbr.rel @p0 .LBB2_62-.Ltmp30, $2  }
0x14d: {  	_ =	sdelay $0x2  }
0x14e: {  	s7 =	sadd.s32 $0x400, s7;
	s8 =	sadd.s32 s8, s0  }
0x14f: {  	[hbm4b:s8+s3] =	stream.strided.scatter [tilespmem:s5], [sflag:$0x4], $0x400, s4, s3, $0x38;
	[tilespmem:$0x18000] =	vst v63  }
0x150: {  	s15 =	simm.s32 $0x2  }
0x151: {  	_ =	swait.ge [sflag:s15], $0x8000  }
0x152: {  	s5 =	simm.s32 $0x8000;
	s6 =	simm.s32 $0x40;
	[sflag:s15] =	ssyncset.done $0x0  }
0x153: {  	s8 =	sadd.s32 $0x0, s2;
	s7 =	simm.s32 $0x8400;
	[sflag:s15] =	ssyncadd.s32 $0xFFFF8000  }
.LBB2_64:
0x154: {  	[hbm4b:s8+s3] =	stream.strided.scatter [tilespmem:s5], [sflag:$0x5], $0x400, s4, s3, $0x38;
	[tilespmem:$0x18000] =	vst v63  }
0x155: {  	s8 =	smov.u32 s6;
	s5 =	smov.u32 s7;
	p0 =	sne.s32 s6, $0x7C0  }
.Ltmp31:
0x156: {  	s6 =	sadd.s32 $0x40, s6;
	(pc) =	sbr.rel @p0 .LBB2_64-.Ltmp31, $2  }
0x157: {  	_ =	sdelay $0x2  }
0x158: {  	s7 =	sadd.s32 $0x400, s7;
	s8 =	sadd.s32 s8, s2  }
0x159: {  	[hbm4b:s8+s3] =	stream.strided.scatter [tilespmem:s5], [sflag:$0x5], $0x400, s4, s3, $0x38;
	[tilespmem:$0x18000] =	vst v63  }
0x15a: {  	s13 =	simm.s32 $0x6  }
0x15b: {  	_ =	swait.ge [sflag:s13], $0x8000  }
0x15c: {  	[sflag:s13] =	ssyncset.done $0x0  }
0x15d: {  	s14 =	simm.s32 $0x4;
	[sflag:s13] =	ssyncadd.s32 $0xFFFF8000  }
0x15e: {  	_ =	swait.ge [sflag:s14], $0x8000  }
0x15f: {  	[sflag:s14] =	ssyncset.done $0x0  }
0x160: {  	s7 =	simm.s32 $0x5;
	[sflag:s14] =	ssyncadd.s32 $0xFFFF8000  }
0x161: {  	_ =	swait.ge [sflag:s7], $0x8000  }
0x162: {  	s15 =	rddreg [dreg:$0x4]  }
0x163: {  	s6 =	rddreg [dreg:$0x13];
	s5 =	sadd.s32 $0x1, s15  }
0x164: {  	p0 =	sne.s32 s5, s6  }
.Ltmp32:
0x165: {  	_ = 	snop;
	(pc) =	sbr.rel @p0 .LBB2_1-.Ltmp32, $3  }
0x166: {  	_ =	sdelay $0x1  }
0x167: {  	[sflag:s7] =	ssyncset.done $0x0  }
0x168: {  	[sflag:s7] =	ssyncadd.s32 $0xFFFF8000;
	[dreg:$0x4] =	wrdreg s5  }
0x169: {  	_ =	sfence.sel $0x180000  }
0x16a: {  	[bflag:$0x0] =	sbarrier.arrive $0xFFFF  }
0x16b: {  	_ =	strace $0x9000004A  }
0x16c: {  	s0 =	stileid.u32;
	[bflag:$0x2] =	sbarrier.arrive $0xFFFF  }
0x16d: {  	p0 =	sne.s32 s0, $0x0;
	s0 =	rddreg [dreg:$0x3]  }
0x16e: {  	s0 =	sadd.s32 @!p0 $0x100000, s0  }
0x16f: {  	[sflag:s0] =	ssyncadd.tile.s32 @!p0 $0x1;
	_ =	shalt  }
.Lfunc_end2:
_tile_overlayer_lowered:
.L_overlay_start_2:
0x170: {  	(tag) =	ssettag $0x2  }
0x171: {  	s0 =	rddreg [dreg:$0x0];
	s2 =	stileid.u32  }
0x172: {  	s1 =	rddreg [dreg:$0x1];
	p0 =	sne.s32 s2, $0x0  }
0x173: {  	s3 =	rddreg [dreg:$0x2];
	[bflag:$0x3] =	sbarrier.arrive $0xFFFF;
	s2 =	simm.s32 @!p0 $0x1C07  }
0x174: {  	[timem:s3], [sflag:s2] =	dma.local @!p0 [hbm:s0], s1  }
0x175: {  	s0 =	simm.s32 @!p0 $0x7  }
0x176: {  	_ =	swait.ge @!p0 [sflag:s0], s1  }
0x177: {  	s1 =	ssub.s32 @!p0 $0x0, s1;
	[sflag:s0] =	ssyncset.done @!p0 $0x0  }
0x178: {  	[sflag:s0] =	ssyncadd.s32 @!p0 s1  }
0x179: {  	[bflag:$0x3] =	sbarrier.arrive $0xFFFF  }
0x17a: {  	_ =	shalt  }

</sc_bundles>
